<compile_context>
chip_gen: v7x
topology: tpu7x:2x2x1
jax: 0.10.2.dev20260603
libtpu: 0.0.44.dev20260713+nightly
codegen_flags: <defaults>
</compile_context>

<pallas_src>
import functools

import jax
import jax.numpy as jnp
from jax import lax
from jax.experimental import pallas as pl
from jax.experimental.pallas import tpu as pltpu
from jax.experimental.pallas import tpu_sc as plsc

N = 10000
NPAD = 10240
HID = 128
EMB = 256
E = 320000
NC = 2
NS = 16
EW = 128
ROWS_TOTAL = 2560
ROWS_PER_TILE = ROWS_TOTAL // (NC * NS)
ROWS_PER_SUB = ROWS_TOTAL // NS
E_PAD = ROWS_TOTAL * EW
NPT = NPAD // NS
NB = 5

_MESH = plsc.VectorSubcoreMesh(
    core_axis_name="c", subcore_axis_name="s", num_cores=NC, num_subcores=NS)


@functools.partial(
    pl.kernel,
    out_type=jax.ShapeDtypeStruct((4, NPAD), jnp.float32),
    mesh=_MESH,
    compiler_params=pltpu.CompilerParams(use_tc_tiling_on_sc=False),
    scratch_types=[
        pltpu.VMEM_SHARED((NPAD,), jnp.float32),
        pltpu.VMEM_SHARED((NPAD,), jnp.float32),
        pltpu.VMEM_SHARED((NPAD,), jnp.float32),
        pltpu.VMEM_SHARED((NPAD,), jnp.float32),
        pltpu.VMEM((ROWS_PER_SUB, EW), jnp.int32),
        pltpu.VMEM((ROWS_PER_SUB, EW), jnp.int32),
        pltpu.VMEM((ROWS_PER_TILE, EW), jnp.int32),
        pltpu.VMEM((ROWS_PER_TILE, EW), jnp.int32),
        pltpu.VMEM((EW,), jnp.float32),
        [pltpu.VMEM((EW,), jnp.float32)] * NB,
        [pltpu.VMEM((EW,), jnp.float32)] * NB,
        pltpu.VMEM((NPT,), jnp.float32),
        [pltpu.SemaphoreType.DMA] * NB,
        [pltpu.SemaphoreType.DMA] * NB,
        [pltpu.SemaphoreType.DMA] * NB,
        [pltpu.SemaphoreType.DMA] * NB,
        pltpu.SemaphoreType.DMA,
    ],
)
def _sc_deg_agg1(src_hbm, dst_hbm, ones_hbm, zeros_hbm, p_hbm,
                 indeg_sp, outdeg_sp, a_sp, b_sp,
                 src1_v, dst1_v, src2_v, dst2_v, ones_v, vas, vbs, zbuf,
                 gsems, ssems, gsems2, ssems2, psem):
    c = lax.axis_index("c")
    s = lax.axis_index("s")
    wid = s * NC + c

    pltpu.sync_copy(ones_hbm, ones_v)
    pltpu.sync_copy(zeros_hbm, zbuf)
    pltpu.sync_copy(src_hbm.at[pl.ds(s * ROWS_PER_SUB, ROWS_PER_SUB)], src1_v)
    pltpu.sync_copy(dst_hbm.at[pl.ds(s * ROWS_PER_SUB, ROWS_PER_SUB)], dst1_v)
    pltpu.sync_copy(src_hbm.at[pl.ds(wid * ROWS_PER_TILE, ROWS_PER_TILE)], src2_v)
    pltpu.sync_copy(dst_hbm.at[pl.ds(wid * ROWS_PER_TILE, ROWS_PER_TILE)], dst2_v)
    zsl = pl.ds(s * NPT, NPT)
    pltpu.sync_copy(zbuf, indeg_sp.at[zsl])
    pltpu.sync_copy(zbuf, outdeg_sp.at[zsl])
    pltpu.sync_copy(zbuf, a_sp.at[zsl])
    pltpu.sync_copy(zbuf, b_sp.at[zsl])
    plsc.subcore_barrier()

    @pl.loop(0, ROWS_PER_SUB, step=8)
    def _p1(r0):
        descs = []
        for i in range(8):
            descs.append(pltpu.async_copy(
                ones_v, outdeg_sp.at[src1_v.at[r0 + i]], psem, add=True))
            descs.append(pltpu.async_copy(
                ones_v, indeg_sp.at[dst1_v.at[r0 + i]], psem, add=True))
        for d in descs:
            d.wait()

    plsc.subcore_barrier()

    for b in range(NB):
        pltpu.async_copy(indeg_sp.at[src2_v.at[b]], vas[b], gsems[b])
        pltpu.async_copy(outdeg_sp.at[src2_v.at[b]], vbs[b], gsems2[b])

    @pl.loop(0, ROWS_PER_TILE - NB, step=NB)
    def _p2(j0):
        scs = []
        for b in range(NB):
            pltpu.make_async_copy(indeg_sp.at[src2_v.at[j0 + b]], vas[b],
                                  gsems[b]).wait()
            pltpu.make_async_copy(outdeg_sp.at[src2_v.at[j0 + b]], vbs[b],
                                  gsems2[b]).wait()
            scs.append(pltpu.async_copy(vas[b], a_sp.at[dst2_v.at[j0 + b]],
                                        ssems[b], add=True))
            scs.append(pltpu.async_copy(vbs[b], b_sp.at[dst2_v.at[j0 + b]],
                                        ssems2[b], add=True))
        for b in range(NB):
            scs[2 * b].wait()
            scs[2 * b + 1].wait()
            pltpu.async_copy(indeg_sp.at[src2_v.at[j0 + NB + b]], vas[b],
                             gsems[b])
            pltpu.async_copy(outdeg_sp.at[src2_v.at[j0 + NB + b]], vbs[b],
                             gsems2[b])

    last = []
    for b in range(NB):
        j = ROWS_PER_TILE - NB + b
        pltpu.make_async_copy(indeg_sp.at[src2_v.at[j]], vas[b], gsems[b]).wait()
        pltpu.make_async_copy(outdeg_sp.at[src2_v.at[j]], vbs[b], gsems2[b]).wait()
        last.append(pltpu.async_copy(vas[b], a_sp.at[dst2_v.at[j]],
                                     ssems[b], add=True))
        last.append(pltpu.async_copy(vbs[b], b_sp.at[dst2_v.at[j]],
                                     ssems2[b], add=True))
    for d in last:
        d.wait()
    plsc.subcore_barrier()

    @pl.when(c == 0)
    def _():
        pltpu.sync_copy(a_sp.at[zsl], zbuf)
        pltpu.sync_copy(zbuf, p_hbm.at[0, zsl])
        pltpu.sync_copy(b_sp.at[zsl], zbuf)
        pltpu.sync_copy(zbuf, p_hbm.at[2, zsl])

    @pl.when(c == 1)
    def _():
        pltpu.sync_copy(a_sp.at[zsl], zbuf)
        pltpu.sync_copy(zbuf, p_hbm.at[1, zsl])
        pltpu.sync_copy(b_sp.at[zsl], zbuf)
        pltpu.sync_copy(zbuf, p_hbm.at[3, zsl])


@functools.partial(
    pl.kernel,
    out_type=jax.ShapeDtypeStruct((4, NPAD, HID // 2), jnp.float32),
    mesh=_MESH,
    compiler_params=pltpu.CompilerParams(use_tc_tiling_on_sc=False),
    scratch_types=[
        pltpu.VMEM_SHARED((NPAD, HID // 2), jnp.float32),
        [pltpu.SemaphoreType.DMA] * NB,
        [pltpu.SemaphoreType.DMA] * NB,
    ],
)
def _sc_agg2(h1a_hbm, h1b_hbm, src_hbm, dst_hbm, zeros_hbm, o_hbm,
             acc_sp, gsems, ssems):
    pl.run_scoped(
        functools.partial(_sc_agg2_body, h1a_hbm, h1b_hbm, src_hbm, dst_hbm,
                          zeros_hbm, o_hbm, acc_sp, gsems, ssems),
        pltpu.VMEM((ROWS_PER_TILE, EW), jnp.int32),
        pltpu.VMEM((ROWS_PER_TILE, EW), jnp.int32),
        *([pltpu.VMEM((EW, HID // 2), jnp.float32)] * NB),
    )


def _sc_agg2_body(h1a_hbm, h1b_hbm, src_hbm, dst_hbm, zeros_hbm, o_hbm,
                  acc_sp, gsems, ssems, src_v, dst_v, *rows):
    c = lax.axis_index("c")
    s = lax.axis_index("s")
    wid = s * NC + c

    pltpu.sync_copy(src_hbm.at[pl.ds(wid * ROWS_PER_TILE, ROWS_PER_TILE)], src_v)
    pltpu.sync_copy(dst_hbm.at[pl.ds(wid * ROWS_PER_TILE, ROWS_PER_TILE)], dst_v)

    for hi, h_hbm in enumerate((h1a_hbm, h1b_hbm)):
        pltpu.sync_copy(zeros_hbm, rows[0])
        zds = []
        for k in range(NPT // EW):
            zds.append(pltpu.async_copy(
                rows[0], acc_sp.at[pl.ds(s * NPT + k * EW, EW)], ssems[0]))
        for d in zds:
            d.wait()
        plsc.subcore_barrier()

        for b in range(NB):
            pltpu.async_copy(h_hbm.at[src_v.at[b]], rows[b], gsems[b])

        @pl.loop(0, ROWS_PER_TILE - NB, step=NB)
        def _body(j0):
            scs = []
            for b in range(NB):
                pltpu.make_async_copy(h_hbm.at[src_v.at[j0 + b]], rows[b],
                                      gsems[b]).wait()
                scs.append(pltpu.async_copy(rows[b], acc_sp.at[dst_v.at[j0 + b]],
                                            ssems[b], add=True))
            for b in range(NB):
                scs[b].wait()
                pltpu.async_copy(h_hbm.at[src_v.at[j0 + NB + b]], rows[b],
                                 gsems[b])

        last = []
        for b in range(NB):
            j = ROWS_PER_TILE - NB + b
            pltpu.make_async_copy(h_hbm.at[src_v.at[j]], rows[b], gsems[b]).wait()
            last.append(pltpu.async_copy(rows[b], acc_sp.at[dst_v.at[j]],
                                         ssems[b], add=True))
        for d in last:
            d.wait()
        plsc.subcore_barrier()

        rds = []
        for k in range(min(NB, NPT // EW)):
            sl = pl.ds(s * NPT + k * EW, EW)
            rds.append(pltpu.async_copy(acc_sp.at[sl], rows[k], gsems[k]))
        for k in range(NPT // EW):
            sl = pl.ds(s * NPT + k * EW, EW)
            if k >= NB:
                rds.append(pltpu.async_copy(acc_sp.at[sl], rows[k % NB],
                                            gsems[k % NB]))
            rds[k].wait()

            @pl.when(c == 0)
            def _():
                pltpu.sync_copy(rows[k % NB], o_hbm.at[2 * hi, sl])

            @pl.when(c == 1)
            def _():
                pltpu.sync_copy(rows[k % NB], o_hbm.at[2 * hi + 1, sl])
        plsc.subcore_barrier()


def _tc_h1_body(x, wcat, bias, outa, outb):
    h = lax.dot_general(x[...], wcat[...], (((0,), (0,)), ((), ())),
                        preferred_element_type=jnp.float32,
                        precision=lax.Precision.HIGHEST)
    h = jnp.maximum(h + bias[...], 0.0)
    rows = lax.broadcasted_iota(jnp.int32, (NPAD, 1), 0)
    h = jnp.where(rows < N, h, 0.0)
    outa[...] = h[:, :HID // 2]
    outb[...] = h[:, HID // 2:]


def _tc_h1(x, wcat, bias):
    full = lambda shape: pl.BlockSpec(shape, lambda: (0,) * len(shape))
    return pl.pallas_call(
        _tc_h1_body,
        in_specs=[full((4, NPAD)), full((4, HID)), full((1, HID))],
        out_specs=[full((NPAD, HID // 2))] * 2,
        out_shape=[jax.ShapeDtypeStruct((NPAD, HID // 2), jnp.float32)] * 2,
    )(x, wcat, bias)


def _tc_head_body(o, W2, b2, Wf1, bf1, Wf2, bf2, ge, metric):
    aggA = o[0] + o[1]
    aggB = o[2] + o[3]
    h2 = (jnp.dot(aggA, W2[...][:HID // 2, :],
                  preferred_element_type=jnp.float32)
          + jnp.dot(aggB, W2[...][HID // 2:, :],
                    preferred_element_type=jnp.float32) + b2[...])
    rows = lax.broadcasted_iota(jnp.int32, (NPAD, 1), 0)
    h2 = jnp.where(rows < N, jnp.maximum(h2, 0.0), 0.0)
    g = jnp.sum(h2, axis=0, keepdims=True)
    ge[...] = g
    hm = jnp.maximum(
        jnp.dot(g, Wf1[...], preferred_element_type=jnp.float32) + bf1[...], 0.0)
    metric[...] = jnp.dot(hm, Wf2[...],
                          preferred_element_type=jnp.float32) + bf2[...]


def _tc_head(o, W2, b2, Wf1, bf1, Wf2, bf2):
    full = lambda shape: pl.BlockSpec(shape, lambda: (0,) * len(shape))
    return pl.pallas_call(
        _tc_head_body,
        in_specs=[full((4, NPAD, HID // 2)), full((HID, EMB)), full((1, EMB)),
                  full((EMB, HID)), full((1, HID)), full((HID, 1)), full((1, 1))],
        out_specs=[full((1, EMB)), full((1, 1))],
        out_shape=[jax.ShapeDtypeStruct((1, EMB), jnp.float32),
                   jax.ShapeDtypeStruct((1, 1), jnp.float32)],
    )(o, W2, b2, Wf1, bf1, Wf2, bf2)


def kernel(edge_index, W1, b1, W2, b2, Wf1, bf1, Wf2, bf2):
    src = edge_index[0].astype(jnp.int32)
    dst = edge_index[1].astype(jnp.int32)
    pad = N + (jnp.arange(E_PAD - E, dtype=jnp.int32) % (NPAD - N))
    src_p = jnp.concatenate([src, pad]).reshape(ROWS_TOTAL, EW)
    dst_p = jnp.concatenate([dst, pad]).reshape(ROWS_TOTAL, EW)
    ones1 = jnp.ones((EW,), jnp.float32)
    zeros1 = jnp.zeros((NPT,), jnp.float32)
    zeros2 = jnp.zeros((EW, HID // 2), jnp.float32)

    p = _sc_deg_agg1(src_p, dst_p, ones1, zeros1)
    wcat = jnp.repeat(W1, 2, axis=0)
    h1a, h1b = _tc_h1(p, wcat, b1.reshape(1, HID))
    o = _sc_agg2(h1a, h1b, src_p, dst_p, zeros2)
    ge, metric = _tc_head(o, W2, b2.reshape(1, EMB),
                          Wf1, bf1.reshape(1, HID), Wf2, bf2.reshape(1, 1))
    return (ge, metric)

# --- scband reference (transcript-rebuilt; emitter-appended) ---
"""Pipeline reference for scband-metric-predictor-7224134992320 (READ-ONLY COPY).

The authoritative reference and input builder live on the scoring server;
editing this copy changes nothing except your own understanding.
"""

import jax, jax.numpy as jnp
import numpy as np

N_NODES = 10000
N_EDGES = 320000
IN_DIM = 2
HID = 128
EMB = 256
PRED_HID = 128


def setup_inputs(seed: int = 0) -> dict:
    key = jax.random.key(seed)
    ks = jax.random.split(key, 10)
    edge_index = jax.random.randint(ks[0], (2, N_EDGES), 0, N_NODES)
    # Linear weights stored as [in, out] (torch nn.Linear uses [out, in], applied as x @ W.T)
    W1 = jax.random.normal(ks[1], (IN_DIM, HID), dtype=jnp.float32) / np.sqrt(IN_DIM)
    b1 = jnp.zeros((HID,), dtype=jnp.float32)
    W2 = jax.random.normal(ks[2], (HID, EMB), dtype=jnp.float32) / np.sqrt(HID)
    b2 = jnp.zeros((EMB,), dtype=jnp.float32)
    Wf1 = jax.random.normal(ks[3], (EMB, PRED_HID), dtype=jnp.float32) / np.sqrt(EMB)
    bf1 = jnp.zeros((PRED_HID,), dtype=jnp.float32)
    Wf2 = jax.random.normal(ks[4], (PRED_HID, 1), dtype=jnp.float32) / np.sqrt(PRED_HID)
    bf2 = jnp.zeros((1,), dtype=jnp.float32)
    return {"edge_index": edge_index, "W1": W1, "b1": b1, "W2": W2, "b2": b2,
            "Wf1": Wf1, "bf1": bf1, "Wf2": Wf2, "bf2": bf2}


def reference(edge_index, W1, b1, W2, b2, Wf1, bf1, Wf2, bf2):
    src = edge_index[0]
    dst = edge_index[1]
    # node features: concat(in_degrees, out_degrees)
    in_deg = jnp.bincount(dst, length=N_NODES).astype(jnp.float32)
    out_deg = jnp.bincount(src, length=N_NODES).astype(jnp.float32)
    h = jnp.stack([in_deg, out_deg], axis=1)  # [N, 2]
    # GCN layer 1: message = src h, reduce = sum over incoming edges, then linear
    agg1 = jax.ops.segment_sum(jnp.take(h, src, axis=0), dst, num_segments=N_NODES)
    h1 = jax.nn.relu(agg1 @ W1 + b1)  # [N, HID]
    # GCN layer 2
    agg2 = jax.ops.segment_sum(jnp.take(h1, src, axis=0), dst, num_segments=N_NODES)
    h2 = agg2 @ W2 + b2  # [N, EMB]
    # dgl.sum_nodes over single graph -> [1, EMB]
    graph_embedding = jnp.sum(jax.nn.relu(h2), axis=0, keepdims=True)
    metric = jax.nn.relu(graph_embedding @ Wf1 + bf1) @ Wf2 + bf2  # [1, 1]
    return (graph_embedding, metric)

if __name__ == "__main__":
    import jax
    _d = setup_inputs()
    print(jax.jit(kernel)(*tuple(_d.values())))

</pallas_src>

<mosaic_0001>
#map = affine_map<(d0, d1) -> (0, 0)>
#map1 = affine_map<(d0, d1) -> (0, 0, 0)>
module attributes {stable_mosaic.version = 14 : i64} {
  func.func @_sc_agg2(%arg0: i32, %arg1: i32, %arg2: memref<10240x64xf32, #tpu.memory_space<hbm>>, %arg3: memref<10240x64xf32, #tpu.memory_space<hbm>>, %arg4: memref<2560x128xi32, #tpu.memory_space<hbm>>, %arg5: memref<2560x128xi32, #tpu.memory_space<hbm>>, %arg6: memref<128x64xf32, #tpu.memory_space<hbm>>, %arg7: memref<4x10240x64xf32, #tpu.memory_space<hbm>>, %arg8: memref<10240x64xf32, #tpu.memory_space<vmem_shared>>, %arg9: memref<!tpu.dma_semaphore, #tpu.memory_space<semaphore_mem>>, %arg10: memref<!tpu.dma_semaphore, #tpu.memory_space<semaphore_mem>>, %arg11: memref<!tpu.dma_semaphore, #tpu.memory_space<semaphore_mem>>, %arg12: memref<!tpu.dma_semaphore, #tpu.memory_space<semaphore_mem>>, %arg13: memref<!tpu.dma_semaphore, #tpu.memory_space<semaphore_mem>>, %arg14: memref<!tpu.dma_semaphore, #tpu.memory_space<semaphore_mem>>, %arg15: memref<!tpu.dma_semaphore, #tpu.memory_space<semaphore_mem>>, %arg16: memref<!tpu.dma_semaphore, #tpu.memory_space<semaphore_mem>>, %arg17: memref<!tpu.dma_semaphore, #tpu.memory_space<semaphore_mem>>, %arg18: memref<!tpu.dma_semaphore, #tpu.memory_space<semaphore_mem>>) attributes {dimension_semantics = [#tpu.dimension_semantics<core_parallel>, #tpu.dimension_semantics<subcore_parallel>], iteration_bounds = array<i64: 2, 16>, scalar_prefetch = 0 : i64, scratch_operands = 11 : i64, tpu.core_type = #tpu.core_type<sc_vector_subcore>, window_params = [{transform_indices = #map}, {transform_indices = #map}, {transform_indices = #map}, {transform_indices = #map}, {transform_indices = #map}, {transform_indices = #map1}]} {
    "tpu.region"() ({
      %run_scoped3A = memref.alloca() : memref<80x128xi32, #tpu.memory_space<vmem>>
      %run_scoped3A_0 = memref.alloca() : memref<80x128xi32, #tpu.memory_space<vmem>>
      %run_scoped3A_1 = memref.alloca() : memref<128x64xf32, #tpu.memory_space<vmem>>
      %run_scoped3A_2 = memref.alloca() : memref<128x64xf32, #tpu.memory_space<vmem>>
      %run_scoped3A_3 = memref.alloca() : memref<128x64xf32, #tpu.memory_space<vmem>>
      %run_scoped3A_4 = memref.alloca() : memref<128x64xf32, #tpu.memory_space<vmem>>
      %run_scoped3A_5 = memref.alloca() : memref<128x64xf32, #tpu.memory_space<vmem>>
      %mul3A = arith.constant 2 : i32
      %mul3A_6 = arith.muli %arg1, %mul3A : i32
      %add3A = arith.addi %mul3A_6, %arg0 : i32
      %mul3A_7 = arith.constant 80 : i32
      %mul3A_8 = arith.muli %add3A, %mul3A_7 : i32
      "tpu.region"() ({
        %run_scoped3A_680 = tpu.sem_alloc : memref<!tpu.dma_semaphore, #tpu.memory_space<semaphore_mem>>
        %dma_start3A_681 = arith.constant 0 : i32
        %dma_start3A_682 = tpu.memref_slice %arg4[%mul3A_8, %dma_start3A_681] : memref<2560x128xi32, #tpu.memory_space<hbm>> -> memref<80x128xi32, #tpu.memory_space<hbm>>
        %dma_start3A_683 = arith.constant 0 : i32
        %dma_start3A_684 = tpu.memref_slice %arg4[%mul3A_8, %dma_start3A_683] : memref<2560x128xi32, #tpu.memory_space<hbm>> -> memref<80x128xi32, #tpu.memory_space<hbm>>
        tpu.enqueue_dma source(%dma_start3A_684 : memref<80x128xi32, #tpu.memory_space<hbm>>) target(%run_scoped3A : memref<80x128xi32, #tpu.memory_space<vmem>>) target_semaphore(%run_scoped3A_680 : memref<!tpu.dma_semaphore, #tpu.memory_space<semaphore_mem>>)
        %dma_wait3A_685 = arith.constant 0 : i32
        %dma_wait3A_686 = tpu.memref_slice %arg4[%mul3A_8, %dma_wait3A_685] : memref<2560x128xi32, #tpu.memory_space<hbm>> -> memref<80x128xi32, #tpu.memory_space<hbm>>
        %dma_wait3A_687 = arith.constant 0 : i32
        %dma_wait3A_688 = tpu.memref_slice %arg4[%mul3A_8, %dma_wait3A_687] : memref<2560x128xi32, #tpu.memory_space<hbm>> -> memref<80x128xi32, #tpu.memory_space<hbm>>
        tpu.wait_dma2 semaphore(%run_scoped3A_680 : memref<!tpu.dma_semaphore, #tpu.memory_space<semaphore_mem>>) src(%dma_wait3A_688 : memref<80x128xi32, #tpu.memory_space<hbm>>) dst(%run_scoped3A : memref<80x128xi32, #tpu.memory_space<vmem>>)
        tpu.yield
      }) : () -> ()
      %mul3A_9 = arith.constant 80 : i32
      %mul3A_10 = arith.muli %add3A, %mul3A_9 : i32
      "tpu.region"() ({
        %run_scoped3A_680 = tpu.sem_alloc : memref<!tpu.dma_semaphore, #tpu.memory_space<semaphore_mem>>
        %dma_start3A_681 = arith.constant 0 : i32
        %dma_start3A_682 = tpu.memref_slice %arg5[%mul3A_10, %dma_start3A_681] : memref<2560x128xi32, #tpu.memory_space<hbm>> -> memref<80x128xi32, #tpu.memory_space<hbm>>
        %dma_start3A_683 = arith.constant 0 : i32
        %dma_start3A_684 = tpu.memref_slice %arg5[%mul3A_10, %dma_start3A_683] : memref<2560x128xi32, #tpu.memory_space<hbm>> -> memref<80x128xi32, #tpu.memory_space<hbm>>
        tpu.enqueue_dma source(%dma_start3A_684 : memref<80x128xi32, #tpu.memory_space<hbm>>) target(%run_scoped3A_0 : memref<80x128xi32, #tpu.memory_space<vmem>>) target_semaphore(%run_scoped3A_680 : memref<!tpu.dma_semaphore, #tpu.memory_space<semaphore_mem>>)
        %dma_wait3A_685 = arith.constant 0 : i32
        %dma_wait3A_686 = tpu.memref_slice %arg5[%mul3A_10, %dma_wait3A_685] : memref<2560x128xi32, #tpu.memory_space<hbm>> -> memref<80x128xi32, #tpu.memory_space<hbm>>
        %dma_wait3A_687 = arith.constant 0 : i32
        %dma_wait3A_688 = tpu.memref_slice %arg5[%mul3A_10, %dma_wait3A_687] : memref<2560x128xi32, #tpu.memory_space<hbm>> -> memref<80x128xi32, #tpu.memory_space<hbm>>
        tpu.wait_dma2 semaphore(%run_scoped3A_680 : memref<!tpu.dma_semaphore, #tpu.memory_space<semaphore_mem>>) src(%dma_wait3A_688 : memref<80x128xi32, #tpu.memory_space<hbm>>) dst(%run_scoped3A_0 : memref<80x128xi32, #tpu.memory_space<vmem>>)
        tpu.yield
      }) : () -> ()
      "tpu.region"() ({
        %run_scoped3A_680 = tpu.sem_alloc : memref<!tpu.dma_semaphore, #tpu.memory_space<semaphore_mem>>
        tpu.enqueue_dma source(%arg6 : memref<128x64xf32, #tpu.memory_space<hbm>>) target(%run_scoped3A_1 : memref<128x64xf32, #tpu.memory_space<vmem>>) target_semaphore(%run_scoped3A_680 : memref<!tpu.dma_semaphore, #tpu.memory_space<semaphore_mem>>)
        tpu.wait_dma2 semaphore(%run_scoped3A_680 : memref<!tpu.dma_semaphore, #tpu.memory_space<semaphore_mem>>) src(%arg6 : memref<128x64xf32, #tpu.memory_space<hbm>>) dst(%run_scoped3A_1 : memref<128x64xf32, #tpu.memory_space<vmem>>)
        tpu.yield
      }) : () -> ()
      %mul3A_11 = arith.constant 640 : i32
      %mul3A_12 = arith.muli %arg1, %mul3A_11 : i32
      %add3A_13 = arith.constant 0 : i32
      %add3A_14 = arith.addi %mul3A_12, %add3A_13 : i32
      %dma_start3A = arith.constant 0 : i32
      %dma_start3A_15 = tpu.memref_slice %arg8[%add3A_14, %dma_start3A] : memref<10240x64xf32, #tpu.memory_space<vmem_shared>> -> memref<128x64xf32, #tpu.memory_space<vmem_shared>>
      %dma_start3A_16 = arith.constant 0 : i32
      %dma_start3A_17 = tpu.memref_slice %arg8[%add3A_14, %dma_start3A_16] : memref<10240x64xf32, #tpu.memory_space<vmem_shared>> -> memref<128x64xf32, #tpu.memory_space<vmem_shared>>
      tpu.enqueue_dma source(%run_scoped3A_1 : memref<128x64xf32, #tpu.memory_space<vmem>>) target(%dma_start3A_17 : memref<128x64xf32, #tpu.memory_space<vmem_shared>>) target_semaphore(%arg14 : memref<!tpu.dma_semaphore, #tpu.memory_space<semaphore_mem>>)
      %mul3A_18 = arith.constant 640 : i32
      %mul3A_19 = arith.muli %arg1, %mul3A_18 : i32
      %add3A_20 = arith.constant 128 : i32
      %add3A_21 = arith.addi %mul3A_19, %add3A_20 : i32
      %dma_start3A_22 = arith.constant 0 : i32
      %dma_start3A_23 = tpu.memref_slice %arg8[%add3A_21, %dma_start3A_22] : memref<10240x64xf32, #tpu.memory_space<vmem_shared>> -> memref<128x64xf32, #tpu.memory_space<vmem_shared>>
      %dma_start3A_24 = arith.constant 0 : i32
      %dma_start3A_25 = tpu.memref_slice %arg8[%add3A_21, %dma_start3A_24] : memref<10240x64xf32, #tpu.memory_space<vmem_shared>> -> memref<128x64xf32, #tpu.memory_space<vmem_shared>>
      tpu.enqueue_dma source(%run_scoped3A_1 : memref<128x64xf32, #tpu.memory_space<vmem>>) target(%dma_start3A_25 : memref<128x64xf32, #tpu.memory_space<vmem_shared>>) target_semaphore(%arg14 : memref<!tpu.dma_semaphore, #tpu.memory_space<semaphore_mem>>)
      %mul3A_26 = arith.constant 640 : i32
      %mul3A_27 = arith.muli %arg1, %mul3A_26 : i32
      %add3A_28 = arith.constant 256 : i32
      %add3A_29 = arith.addi %mul3A_27, %add3A_28 : i32
      %dma_start3A_30 = arith.constant 0 : i32
      %dma_start3A_31 = tpu.memref_slice %arg8[%add3A_29, %dma_start3A_30] : memref<10240x64xf32, #tpu.memory_space<vmem_shared>> -> memref<128x64xf32, #tpu.memory_space<vmem_shared>>
      %dma_start3A_32 = arith.constant 0 : i32
      %dma_start3A_33 = tpu.memref_slice %arg8[%add3A_29, %dma_start3A_32] : memref<10240x64xf32, #tpu.memory_space<vmem_shared>> -> memref<128x64xf32, #tpu.memory_space<vmem_shared>>
      tpu.enqueue_dma source(%run_scoped3A_1 : memref<128x64xf32, #tpu.memory_space<vmem>>) target(%dma_start3A_33 : memref<128x64xf32, #tpu.memory_space<vmem_shared>>) target_semaphore(%arg14 : memref<!tpu.dma_semaphore, #tpu.memory_space<semaphore_mem>>)
      %mul3A_34 = arith.constant 640 : i32
      %mul3A_35 = arith.muli %arg1, %mul3A_34 : i32
      %add3A_36 = arith.constant 384 : i32
      %add3A_37 = arith.addi %mul3A_35, %add3A_36 : i32
      %dma_start3A_38 = arith.constant 0 : i32
      %dma_start3A_39 = tpu.memref_slice %arg8[%add3A_37, %dma_start3A_38] : memref<10240x64xf32, #tpu.memory_space<vmem_shared>> -> memref<128x64xf32, #tpu.memory_space<vmem_shared>>
      %dma_start3A_40 = arith.constant 0 : i32
      %dma_start3A_41 = tpu.memref_slice %arg8[%add3A_37, %dma_start3A_40] : memref<10240x64xf32, #tpu.memory_space<vmem_shared>> -> memref<128x64xf32, #tpu.memory_space<vmem_shared>>
      tpu.enqueue_dma source(%run_scoped3A_1 : memref<128x64xf32, #tpu.memory_space<vmem>>) target(%dma_start3A_41 : memref<128x64xf32, #tpu.memory_space<vmem_shared>>) target_semaphore(%arg14 : memref<!tpu.dma_semaphore, #tpu.memory_space<semaphore_mem>>)
      %mul3A_42 = arith.constant 640 : i32
      %mul3A_43 = arith.muli %arg1, %mul3A_42 : i32
      %add3A_44 = arith.constant 512 : i32
      %add3A_45 = arith.addi %mul3A_43, %add3A_44 : i32
      %dma_start3A_46 = arith.constant 0 : i32
      %dma_start3A_47 = tpu.memref_slice %arg8[%add3A_45, %dma_start3A_46] : memref<10240x64xf32, #tpu.memory_space<vmem_shared>> -> memref<128x64xf32, #tpu.memory_space<vmem_shared>>
      %dma_start3A_48 = arith.constant 0 : i32
      %dma_start3A_49 = tpu.memref_slice %arg8[%add3A_45, %dma_start3A_48] : memref<10240x64xf32, #tpu.memory_space<vmem_shared>> -> memref<128x64xf32, #tpu.memory_space<vmem_shared>>
      tpu.enqueue_dma source(%run_scoped3A_1 : memref<128x64xf32, #tpu.memory_space<vmem>>) target(%dma_start3A_49 : memref<128x64xf32, #tpu.memory_space<vmem_shared>>) target_semaphore(%arg14 : memref<!tpu.dma_semaphore, #tpu.memory_space<semaphore_mem>>)
      %dma_wait3A = arith.constant 0 : i32
      %dma_wait3A_50 = tpu.memref_slice %arg8[%add3A_14, %dma_wait3A] : memref<10240x64xf32, #tpu.memory_space<vmem_shared>> -> memref<128x64xf32, #tpu.memory_space<vmem_shared>>
      %dma_wait3A_51 = arith.constant 0 : i32
      %dma_wait3A_52 = tpu.memref_slice %arg8[%add3A_14, %dma_wait3A_51] : memref<10240x64xf32, #tpu.memory_space<vmem_shared>> -> memref<128x64xf32, #tpu.memory_space<vmem_shared>>
      tpu.wait_dma2 semaphore(%arg14 : memref<!tpu.dma_semaphore, #tpu.memory_space<semaphore_mem>>) src(%run_scoped3A_1 : memref<128x64xf32, #tpu.memory_space<vmem>>) dst(%dma_wait3A_52 : memref<128x64xf32, #tpu.memory_space<vmem_shared>>)
      %dma_wait3A_53 = arith.constant 0 : i32
      %dma_wait3A_54 = tpu.memref_slice %arg8[%add3A_21, %dma_wait3A_53] : memref<10240x64xf32, #tpu.memory_space<vmem_shared>> -> memref<128x64xf32, #tpu.memory_space<vmem_shared>>
      %dma_wait3A_55 = arith.constant 0 : i32
      %dma_wait3A_56 = tpu.memref_slice %arg8[%add3A_21, %dma_wait3A_55] : memref<10240x64xf32, #tpu.memory_space<vmem_shared>> -> memref<128x64xf32, #tpu.memory_space<vmem_shared>>
      tpu.wait_dma2 semaphore(%arg14 : memref<!tpu.dma_semaphore, #tpu.memory_space<semaphore_mem>>) src(%run_scoped3A_1 : memref<128x64xf32, #tpu.memory_space<vmem>>) dst(%dma_wait3A_56 : memref<128x64xf32, #tpu.memory_space<vmem_shared>>)
      %dma_wait3A_57 = arith.constant 0 : i32
      %dma_wait3A_58 = tpu.memref_slice %arg8[%add3A_29, %dma_wait3A_57] : memref<10240x64xf32, #tpu.memory_space<vmem_shared>> -> memref<128x64xf32, #tpu.memory_space<vmem_shared>>
      %dma_wait3A_59 = arith.constant 0 : i32
      %dma_wait3A_60 = tpu.memref_slice %arg8[%add3A_29, %dma_wait3A_59] : memref<10240x64xf32, #tpu.memory_space<vmem_shared>> -> memref<128x64xf32, #tpu.memory_space<vmem_shared>>
      tpu.wait_dma2 semaphore(%arg14 : memref<!tpu.dma_semaphore, #tpu.memory_space<semaphore_mem>>) src(%run_scoped3A_1 : memref<128x64xf32, #tpu.memory_space<vmem>>) dst(%dma_wait3A_60 : memref<128x64xf32, #tpu.memory_space<vmem_shared>>)
      %dma_wait3A_61 = arith.constant 0 : i32
      %dma_wait3A_62 = tpu.memref_slice %arg8[%add3A_37, %dma_wait3A_61] : memref<10240x64xf32, #tpu.memory_space<vmem_shared>> -> memref<128x64xf32, #tpu.memory_space<vmem_shared>>
      %dma_wait3A_63 = arith.constant 0 : i32
      %dma_wait3A_64 = tpu.memref_slice %arg8[%add3A_37, %dma_wait3A_63] : memref<10240x64xf32, #tpu.memory_space<vmem_shared>> -> memref<128x64xf32, #tpu.memory_space<vmem_shared>>
      tpu.wait_dma2 semaphore(%arg14 : memref<!tpu.dma_semaphore, #tpu.memory_space<semaphore_mem>>) src(%run_scoped3A_1 : memref<128x64xf32, #tpu.memory_space<vmem>>) dst(%dma_wait3A_64 : memref<128x64xf32, #tpu.memory_space<vmem_shared>>)
      %dma_wait3A_65 = arith.constant 0 : i32
      %dma_wait3A_66 = tpu.memref_slice %arg8[%add3A_45, %dma_wait3A_65] : memref<10240x64xf32, #tpu.memory_space<vmem_shared>> -> memref<128x64xf32, #tpu.memory_space<vmem_shared>>
      %dma_wait3A_67 = arith.constant 0 : i32
      %dma_wait3A_68 = tpu.memref_slice %arg8[%add3A_45, %dma_wait3A_67] : memref<10240x64xf32, #tpu.memory_space<vmem_shared>> -> memref<128x64xf32, #tpu.memory_space<vmem_shared>>
      tpu.wait_dma2 semaphore(%arg14 : memref<!tpu.dma_semaphore, #tpu.memory_space<semaphore_mem>>) src(%run_scoped3A_1 : memref<128x64xf32, #tpu.memory_space<vmem>>) dst(%dma_wait3A_68 : memref<128x64xf32, #tpu.memory_space<vmem_shared>>)
      %barrier3A = arith.constant 0 : index
      tpu.barrier barrier_id(%barrier3A)
      %dma_start3A_69 = arith.constant 0 : i32
      %dma_start3A_70 = arith.constant 0 : i32
      %dma_start3A_71 = tpu.memref_slice %run_scoped3A[%dma_start3A_69, %dma_start3A_70] : memref<80x128xi32, #tpu.memory_space<vmem>> -> memref<1x128xi32, #tpu.memory_space<vmem>>
      %dma_start3A_72 = tpu.memref_squeeze %dma_start3A_71 : memref<1x128xi32, #tpu.memory_space<vmem>> -> memref<128xi32, #tpu.memory_space<vmem>>
      %dma_start3A_73 = arith.constant 0 : i32
      %dma_start3A_74 = arith.constant 0 : i32
      %dma_start3A_75 = tpu.memref_slice %arg2[%dma_start3A_73, %dma_start3A_74] : memref<10240x64xf32, #tpu.memory_space<hbm>> -> memref<10240x64xf32, #tpu.memory_space<hbm>>
      tpu.enqueue_indirect_dma source(%dma_start3A_75 : memref<10240x64xf32, #tpu.memory_space<hbm>>) target(%run_scoped3A_1 : memref<128x64xf32, #tpu.memory_space<vmem>>) offsets(%dma_start3A_72 : memref<128xi32, #tpu.memory_space<vmem>>) semaphore(%arg9 : memref<!tpu.dma_semaphore, #tpu.memory_space<semaphore_mem>>)
      %dma_start3A_76 = arith.constant 1 : i32
      %dma_start3A_77 = arith.constant 0 : i32
      %dma_start3A_78 = tpu.memref_slice %run_scoped3A[%dma_start3A_76, %dma_start3A_77] : memref<80x128xi32, #tpu.memory_space<vmem>> -> memref<1x128xi32, #tpu.memory_space<vmem>>
      %dma_start3A_79 = tpu.memref_squeeze %dma_start3A_78 : memref<1x128xi32, #tpu.memory_space<vmem>> -> memref<128xi32, #tpu.memory_space<vmem>>
      %dma_start3A_80 = arith.constant 0 : i32
      %dma_start3A_81 = arith.constant 0 : i32
      %dma_start3A_82 = tpu.memref_slice %arg2[%dma_start3A_80, %dma_start3A_81] : memref<10240x64xf32, #tpu.memory_space<hbm>> -> memref<10240x64xf32, #tpu.memory_space<hbm>>
      tpu.enqueue_indirect_dma source(%dma_start3A_82 : memref<10240x64xf32, #tpu.memory_space<hbm>>) target(%run_scoped3A_2 : memref<128x64xf32, #tpu.memory_space<vmem>>) offsets(%dma_start3A_79 : memref<128xi32, #tpu.memory_space<vmem>>) semaphore(%arg10 : memref<!tpu.dma_semaphore, #tpu.memory_space<semaphore_mem>>)
      %dma_start3A_83 = arith.constant 2 : i32
      %dma_start3A_84 = arith.constant 0 : i32
      %dma_start3A_85 = tpu.memref_slice %run_scoped3A[%dma_start3A_83, %dma_start3A_84] : memref<80x128xi32, #tpu.memory_space<vmem>> -> memref<1x128xi32, #tpu.memory_space<vmem>>
      %dma_start3A_86 = tpu.memref_squeeze %dma_start3A_85 : memref<1x128xi32, #tpu.memory_space<vmem>> -> memref<128xi32, #tpu.memory_space<vmem>>
      %dma_start3A_87 = arith.constant 0 : i32
      %dma_start3A_88 = arith.constant 0 : i32
      %dma_start3A_89 = tpu.memref_slice %arg2[%dma_start3A_87, %dma_start3A_88] : memref<10240x64xf32, #tpu.memory_space<hbm>> -> memref<10240x64xf32, #tpu.memory_space<hbm>>
      tpu.enqueue_indirect_dma source(%dma_start3A_89 : memref<10240x64xf32, #tpu.memory_space<hbm>>) target(%run_scoped3A_3 : memref<128x64xf32, #tpu.memory_space<vmem>>) offsets(%dma_start3A_86 : memref<128xi32, #tpu.memory_space<vmem>>) semaphore(%arg11 : memref<!tpu.dma_semaphore, #tpu.memory_space<semaphore_mem>>)
      %dma_start3A_90 = arith.constant 3 : i32
      %dma_start3A_91 = arith.constant 0 : i32
      %dma_start3A_92 = tpu.memref_slice %run_scoped3A[%dma_start3A_90, %dma_start3A_91] : memref<80x128xi32, #tpu.memory_space<vmem>> -> memref<1x128xi32, #tpu.memory_space<vmem>>
      %dma_start3A_93 = tpu.memref_squeeze %dma_start3A_92 : memref<1x128xi32, #tpu.memory_space<vmem>> -> memref<128xi32, #tpu.memory_space<vmem>>
      %dma_start3A_94 = arith.constant 0 : i32
      %dma_start3A_95 = arith.constant 0 : i32
      %dma_start3A_96 = tpu.memref_slice %arg2[%dma_start3A_94, %dma_start3A_95] : memref<10240x64xf32, #tpu.memory_space<hbm>> -> memref<10240x64xf32, #tpu.memory_space<hbm>>
      tpu.enqueue_indirect_dma source(%dma_start3A_96 : memref<10240x64xf32, #tpu.memory_space<hbm>>) target(%run_scoped3A_4 : memref<128x64xf32, #tpu.memory_space<vmem>>) offsets(%dma_start3A_93 : memref<128xi32, #tpu.memory_space<vmem>>) semaphore(%arg12 : memref<!tpu.dma_semaphore, #tpu.memory_space<semaphore_mem>>)
      %dma_start3A_97 = arith.constant 4 : i32
      %dma_start3A_98 = arith.constant 0 : i32
      %dma_start3A_99 = tpu.memref_slice %run_scoped3A[%dma_start3A_97, %dma_start3A_98] : memref<80x128xi32, #tpu.memory_space<vmem>> -> memref<1x128xi32, #tpu.memory_space<vmem>>
      %dma_start3A_100 = tpu.memref_squeeze %dma_start3A_99 : memref<1x128xi32, #tpu.memory_space<vmem>> -> memref<128xi32, #tpu.memory_space<vmem>>
      %dma_start3A_101 = arith.constant 0 : i32
      %dma_start3A_102 = arith.constant 0 : i32
      %dma_start3A_103 = tpu.memref_slice %arg2[%dma_start3A_101, %dma_start3A_102] : memref<10240x64xf32, #tpu.memory_space<hbm>> -> memref<10240x64xf32, #tpu.memory_space<hbm>>
      tpu.enqueue_indirect_dma source(%dma_start3A_103 : memref<10240x64xf32, #tpu.memory_space<hbm>>) target(%run_scoped3A_5 : memref<128x64xf32, #tpu.memory_space<vmem>>) offsets(%dma_start3A_100 : memref<128xi32, #tpu.memory_space<vmem>>) semaphore(%arg13 : memref<!tpu.dma_semaphore, #tpu.memory_space<semaphore_mem>>)
      %scan3A = arith.constant 0 : i32
      %scan3A_104 = arith.constant 15 : i32
      %scan3A_105 = arith.addi %scan3A, %scan3A_104 : i32
      %scan3A_106 = arith.constant 1 : i32
      scf.for %scan3A_680 = %scan3A to %scan3A_105 step %scan3A_106  : i32 {
        %mul3A_681 = arith.constant 5 : i32
        %mul3A_682 = arith.muli %scan3A_680, %mul3A_681 : i32
        %add3A_683 = arith.constant 0 : i32
        %add3A_684 = arith.addi %add3A_683, %mul3A_682 : i32
        %add3A_685 = arith.constant 0 : i32
        %add3A_686 = arith.addi %add3A_684, %add3A_685 : i32
        %dma_wait3A_687 = arith.constant 0 : i32
        %dma_wait3A_688 = tpu.memref_slice %run_scoped3A[%add3A_686, %dma_wait3A_687] : memref<80x128xi32, #tpu.memory_space<vmem>> -> memref<1x128xi32, #tpu.memory_space<vmem>>
        %dma_wait3A_689 = tpu.memref_squeeze %dma_wait3A_688 : memref<1x128xi32, #tpu.memory_space<vmem>> -> memref<128xi32, #tpu.memory_space<vmem>>
        %dma_wait3A_690 = arith.constant 0 : i32
        %dma_wait3A_691 = arith.constant 0 : i32
        %dma_wait3A_692 = tpu.memref_slice %arg2[%dma_wait3A_690, %dma_wait3A_691] : memref<10240x64xf32, #tpu.memory_space<hbm>> -> memref<10240x64xf32, #tpu.memory_space<hbm>>
        tpu.wait_indirect_dma semaphore(%arg9 : memref<!tpu.dma_semaphore, #tpu.memory_space<semaphore_mem>>) src(%dma_wait3A_692 : memref<10240x64xf32, #tpu.memory_space<hbm>>) dst(%run_scoped3A_1 : memref<128x64xf32, #tpu.memory_space<vmem>>)
        %add3A_693 = arith.constant 0 : i32
        %add3A_694 = arith.addi %add3A_684, %add3A_693 : i32
        %dma_start3A_695 = arith.constant 0 : i32
        %dma_start3A_696 = tpu.memref_slice %run_scoped3A_0[%add3A_694, %dma_start3A_695] : memref<80x128xi32, #tpu.memory_space<vmem>> -> memref<1x128xi32, #tpu.memory_space<vmem>>
        %dma_start3A_697 = tpu.memref_squeeze %dma_start3A_696 : memref<1x128xi32, #tpu.memory_space<vmem>> -> memref<128xi32, #tpu.memory_space<vmem>>
        %dma_start3A_698 = arith.constant 0 : i32
        %dma_start3A_699 = arith.constant 0 : i32
        %dma_start3A_700 = tpu.memref_slice %arg8[%dma_start3A_698, %dma_start3A_699] : memref<10240x64xf32, #tpu.memory_space<vmem_shared>> -> memref<10240x64xf32, #tpu.memory_space<vmem_shared>>
        tpu.enqueue_indirect_dma source(%run_scoped3A_1 : memref<128x64xf32, #tpu.memory_space<vmem>>) target(%dma_start3A_700 : memref<10240x64xf32, #tpu.memory_space<vmem_shared>>) offsets(%dma_start3A_697 : memref<128xi32, #tpu.memory_space<vmem>>) semaphore(%arg14 : memref<!tpu.dma_semaphore, #tpu.memory_space<semaphore_mem>>) {add = true}
        %add3A_701 = arith.constant 1 : i32
        %add3A_702 = arith.addi %add3A_684, %add3A_701 : i32
        %dma_wait3A_703 = arith.constant 0 : i32
        %dma_wait3A_704 = tpu.memref_slice %run_scoped3A[%add3A_702, %dma_wait3A_703] : memref<80x128xi32, #tpu.memory_space<vmem>> -> memref<1x128xi32, #tpu.memory_space<vmem>>
        %dma_wait3A_705 = tpu.memref_squeeze %dma_wait3A_704 : memref<1x128xi32, #tpu.memory_space<vmem>> -> memref<128xi32, #tpu.memory_space<vmem>>
        %dma_wait3A_706 = arith.constant 0 : i32
        %dma_wait3A_707 = arith.constant 0 : i32
        %dma_wait3A_708 = tpu.memref_slice %arg2[%dma_wait3A_706, %dma_wait3A_707] : memref<10240x64xf32, #tpu.memory_space<hbm>> -> memref<10240x64xf32, #tpu.memory_space<hbm>>
        tpu.wait_indirect_dma semaphore(%arg10 : memref<!tpu.dma_semaphore, #tpu.memory_space<semaphore_mem>>) src(%dma_wait3A_708 : memref<10240x64xf32, #tpu.memory_space<hbm>>) dst(%run_scoped3A_2 : memref<128x64xf32, #tpu.memory_space<vmem>>)
        %add3A_709 = arith.constant 1 : i32
        %add3A_710 = arith.addi %add3A_684, %add3A_709 : i32
        %dma_start3A_711 = arith.constant 0 : i32
        %dma_start3A_712 = tpu.memref_slice %run_scoped3A_0[%add3A_710, %dma_start3A_711] : memref<80x128xi32, #tpu.memory_space<vmem>> -> memref<1x128xi32, #tpu.memory_space<vmem>>
        %dma_start3A_713 = tpu.memref_squeeze %dma_start3A_712 : memref<1x128xi32, #tpu.memory_space<vmem>> -> memref<128xi32, #tpu.memory_space<vmem>>
        %dma_start3A_714 = arith.constant 0 : i32
        %dma_start3A_715 = arith.constant 0 : i32
        %dma_start3A_716 = tpu.memref_slice %arg8[%dma_start3A_714, %dma_start3A_715] : memref<10240x64xf32, #tpu.memory_space<vmem_shared>> -> memref<10240x64xf32, #tpu.memory_space<vmem_shared>>
        tpu.enqueue_indirect_dma source(%run_scoped3A_2 : memref<128x64xf32, #tpu.memory_space<vmem>>) target(%dma_start3A_716 : memref<10240x64xf32, #tpu.memory_space<vmem_shared>>) offsets(%dma_start3A_713 : memref<128xi32, #tpu.memory_space<vmem>>) semaphore(%arg15 : memref<!tpu.dma_semaphore, #tpu.memory_space<semaphore_mem>>) {add = true}
        %add3A_717 = arith.constant 2 : i32
        %add3A_718 = arith.addi %add3A_684, %add3A_717 : i32
        %dma_wait3A_719 = arith.constant 0 : i32
        %dma_wait3A_720 = tpu.memref_slice %run_scoped3A[%add3A_718, %dma_wait3A_719] : memref<80x128xi32, #tpu.memory_space<vmem>> -> memref<1x128xi32, #tpu.memory_space<vmem>>
        %dma_wait3A_721 = tpu.memref_squeeze %dma_wait3A_720 : memref<1x128xi32, #tpu.memory_space<vmem>> -> memref<128xi32, #tpu.memory_space<vmem>>
        %dma_wait3A_722 = arith.constant 0 : i32
        %dma_wait3A_723 = arith.constant 0 : i32
        %dma_wait3A_724 = tpu.memref_slice %arg2[%dma_wait3A_722, %dma_wait3A_723] : memref<10240x64xf32, #tpu.memory_space<hbm>> -> memref<10240x64xf32, #tpu.memory_space<hbm>>
        tpu.wait_indirect_dma semaphore(%arg11 : memref<!tpu.dma_semaphore, #tpu.memory_space<semaphore_mem>>) src(%dma_wait3A_724 : memref<10240x64xf32, #tpu.memory_space<hbm>>) dst(%run_scoped3A_3 : memref<128x64xf32, #tpu.memory_space<vmem>>)
        %add3A_725 = arith.constant 2 : i32
        %add3A_726 = arith.addi %add3A_684, %add3A_725 : i32
        %dma_start3A_727 = arith.constant 0 : i32
        %dma_start3A_728 = tpu.memref_slice %run_scoped3A_0[%add3A_726, %dma_start3A_727] : memref<80x128xi32, #tpu.memory_space<vmem>> -> memref<1x128xi32, #tpu.memory_space<vmem>>
        %dma_start3A_729 = tpu.memref_squeeze %dma_start3A_728 : memref<1x128xi32, #tpu.memory_space<vmem>> -> memref<128xi32, #tpu.memory_space<vmem>>
        %dma_start3A_730 = arith.constant 0 : i32
        %dma_start3A_731 = arith.constant 0 : i32
        %dma_start3A_732 = tpu.memref_slice %arg8[%dma_start3A_730, %dma_start3A_731] : memref<10240x64xf32, #tpu.memory_space<vmem_shared>> -> memref<10240x64xf32, #tpu.memory_space<vmem_shared>>
        tpu.enqueue_indirect_dma source(%run_scoped3A_3 : memref<128x64xf32, #tpu.memory_space<vmem>>) target(%dma_start3A_732 : memref<10240x64xf32, #tpu.memory_space<vmem_shared>>) offsets(%dma_start3A_729 : memref<128xi32, #tpu.memory_space<vmem>>) semaphore(%arg16 : memref<!tpu.dma_semaphore, #tpu.memory_space<semaphore_mem>>) {add = true}
        %add3A_733 = arith.constant 3 : i32
        %add3A_734 = arith.addi %add3A_684, %add3A_733 : i32
        %dma_wait3A_735 = arith.constant 0 : i32
        %dma_wait3A_736 = tpu.memref_slice %run_scoped3A[%add3A_734, %dma_wait3A_735] : memref<80x128xi32, #tpu.memory_space<vmem>> -> memref<1x128xi32, #tpu.memory_space<vmem>>
        %dma_wait3A_737 = tpu.memref_squeeze %dma_wait3A_736 : memref<1x128xi32, #tpu.memory_space<vmem>> -> memref<128xi32, #tpu.memory_space<vmem>>
        %dma_wait3A_738 = arith.constant 0 : i32
        %dma_wait3A_739 = arith.constant 0 : i32
        %dma_wait3A_740 = tpu.memref_slice %arg2[%dma_wait3A_738, %dma_wait3A_739] : memref<10240x64xf32, #tpu.memory_space<hbm>> -> memref<10240x64xf32, #tpu.memory_space<hbm>>
        tpu.wait_indirect_dma semaphore(%arg12 : memref<!tpu.dma_semaphore, #tpu.memory_space<semaphore_mem>>) src(%dma_wait3A_740 : memref<10240x64xf32, #tpu.memory_space<hbm>>) dst(%run_scoped3A_4 : memref<128x64xf32, #tpu.memory_space<vmem>>)
        %add3A_741 = arith.constant 3 : i32
        %add3A_742 = arith.addi %add3A_684, %add3A_741 : i32
        %dma_start3A_743 = arith.constant 0 : i32
        %dma_start3A_744 = tpu.memref_slice %run_scoped3A_0[%add3A_742, %dma_start3A_743] : memref<80x128xi32, #tpu.memory_space<vmem>> -> memref<1x128xi32, #tpu.memory_space<vmem>>
        %dma_start3A_745 = tpu.memref_squeeze %dma_start3A_744 : memref<1x128xi32, #tpu.memory_space<vmem>> -> memref<128xi32, #tpu.memory_space<vmem>>
        %dma_start3A_746 = arith.constant 0 : i32
        %dma_start3A_747 = arith.constant 0 : i32
        %dma_start3A_748 = tpu.memref_slice %arg8[%dma_start3A_746, %dma_start3A_747] : memref<10240x64xf32, #tpu.memory_space<vmem_shared>> -> memref<10240x64xf32, #tpu.memory_space<vmem_shared>>
        tpu.enqueue_indirect_dma source(%run_scoped3A_4 : memref<128x64xf32, #tpu.memory_space<vmem>>) target(%dma_start3A_748 : memref<10240x64xf32, #tpu.memory_space<vmem_shared>>) offsets(%dma_start3A_745 : memref<128xi32, #tpu.memory_space<vmem>>) semaphore(%arg17 : memref<!tpu.dma_semaphore, #tpu.memory_space<semaphore_mem>>) {add = true}
        %add3A_749 = arith.constant 4 : i32
        %add3A_750 = arith.addi %add3A_684, %add3A_749 : i32
        %dma_wait3A_751 = arith.constant 0 : i32
        %dma_wait3A_752 = tpu.memref_slice %run_scoped3A[%add3A_750, %dma_wait3A_751] : memref<80x128xi32, #tpu.memory_space<vmem>> -> memref<1x128xi32, #tpu.memory_space<vmem>>
        %dma_wait3A_753 = tpu.memref_squeeze %dma_wait3A_752 : memref<1x128xi32, #tpu.memory_space<vmem>> -> memref<128xi32, #tpu.memory_space<vmem>>
        %dma_wait3A_754 = arith.constant 0 : i32
        %dma_wait3A_755 = arith.constant 0 : i32
        %dma_wait3A_756 = tpu.memref_slice %arg2[%dma_wait3A_754, %dma_wait3A_755] : memref<10240x64xf32, #tpu.memory_space<hbm>> -> memref<10240x64xf32, #tpu.memory_space<hbm>>
        tpu.wait_indirect_dma semaphore(%arg13 : memref<!tpu.dma_semaphore, #tpu.memory_space<semaphore_mem>>) src(%dma_wait3A_756 : memref<10240x64xf32, #tpu.memory_space<hbm>>) dst(%run_scoped3A_5 : memref<128x64xf32, #tpu.memory_space<vmem>>)
        %add3A_757 = arith.constant 4 : i32
        %add3A_758 = arith.addi %add3A_684, %add3A_757 : i32
        %dma_start3A_759 = arith.constant 0 : i32
        %dma_start3A_760 = tpu.memref_slice %run_scoped3A_0[%add3A_758, %dma_start3A_759] : memref<80x128xi32, #tpu.memory_space<vmem>> -> memref<1x128xi32, #tpu.memory_space<vmem>>
        %dma_start3A_761 = tpu.memref_squeeze %dma_start3A_760 : memref<1x128xi32, #tpu.memory_space<vmem>> -> memref<128xi32, #tpu.memory_space<vmem>>
        %dma_start3A_762 = arith.constant 0 : i32
        %dma_start3A_763 = arith.constant 0 : i32
        %dma_start3A_764 = tpu.memref_slice %arg8[%dma_start3A_762, %dma_start3A_763] : memref<10240x64xf32, #tpu.memory_space<vmem_shared>> -> memref<10240x64xf32, #tpu.memory_space<vmem_shared>>
        tpu.enqueue_indirect_dma source(%run_scoped3A_5 : memref<128x64xf32, #tpu.memory_space<vmem>>) target(%dma_start3A_764 : memref<10240x64xf32, #tpu.memory_space<vmem_shared>>) offsets(%dma_start3A_761 : memref<128xi32, #tpu.memory_space<vmem>>) semaphore(%arg18 : memref<!tpu.dma_semaphore, #tpu.memory_space<semaphore_mem>>) {add = true}
        %dma_wait3A_765 = arith.constant 0 : i32
        %dma_wait3A_766 = tpu.memref_slice %run_scoped3A_0[%add3A_694, %dma_wait3A_765] : memref<80x128xi32, #tpu.memory_space<vmem>> -> memref<1x128xi32, #tpu.memory_space<vmem>>
        %dma_wait3A_767 = tpu.memref_squeeze %dma_wait3A_766 : memref<1x128xi32, #tpu.memory_space<vmem>> -> memref<128xi32, #tpu.memory_space<vmem>>
        %dma_wait3A_768 = arith.constant 0 : i32
        %dma_wait3A_769 = arith.constant 0 : i32
        %dma_wait3A_770 = tpu.memref_slice %arg8[%dma_wait3A_768, %dma_wait3A_769] : memref<10240x64xf32, #tpu.memory_space<vmem_shared>> -> memref<10240x64xf32, #tpu.memory_space<vmem_shared>>
        tpu.wait_indirect_dma semaphore(%arg14 : memref<!tpu.dma_semaphore, #tpu.memory_space<semaphore_mem>>) src(%run_scoped3A_1 : memref<128x64xf32, #tpu.memory_space<vmem>>) dst(%dma_wait3A_770 : memref<10240x64xf32, #tpu.memory_space<vmem_shared>>)
        %add3A_771 = arith.constant 5 : i32
        %add3A_772 = arith.addi %add3A_684, %add3A_771 : i32
        %add3A_773 = arith.constant 0 : i32
        %add3A_774 = arith.addi %add3A_772, %add3A_773 : i32
        %dma_start3A_775 = arith.constant 0 : i32
        %dma_start3A_776 = tpu.memref_slice %run_scoped3A[%add3A_774, %dma_start3A_775] : memref<80x128xi32, #tpu.memory_space<vmem>> -> memref<1x128xi32, #tpu.memory_space<vmem>>
        %dma_start3A_777 = tpu.memref_squeeze %dma_start3A_776 : memref<1x128xi32, #tpu.memory_space<vmem>> -> memref<128xi32, #tpu.memory_space<vmem>>
        %dma_start3A_778 = arith.constant 0 : i32
        %dma_start3A_779 = arith.constant 0 : i32
        %dma_start3A_780 = tpu.memref_slice %arg2[%dma_start3A_778, %dma_start3A_779] : memref<10240x64xf32, #tpu.memory_space<hbm>> -> memref<10240x64xf32, #tpu.memory_space<hbm>>
        tpu.enqueue_indirect_dma source(%dma_start3A_780 : memref<10240x64xf32, #tpu.memory_space<hbm>>) target(%run_scoped3A_1 : memref<128x64xf32, #tpu.memory_space<vmem>>) offsets(%dma_start3A_777 : memref<128xi32, #tpu.memory_space<vmem>>) semaphore(%arg9 : memref<!tpu.dma_semaphore, #tpu.memory_space<semaphore_mem>>)
        %dma_wait3A_781 = arith.constant 0 : i32
        %dma_wait3A_782 = tpu.memref_slice %run_scoped3A_0[%add3A_710, %dma_wait3A_781] : memref<80x128xi32, #tpu.memory_space<vmem>> -> memref<1x128xi32, #tpu.memory_space<vmem>>
        %dma_wait3A_783 = tpu.memref_squeeze %dma_wait3A_782 : memref<1x128xi32, #tpu.memory_space<vmem>> -> memref<128xi32, #tpu.memory_space<vmem>>
        %dma_wait3A_784 = arith.constant 0 : i32
        %dma_wait3A_785 = arith.constant 0 : i32
        %dma_wait3A_786 = tpu.memref_slice %arg8[%dma_wait3A_784, %dma_wait3A_785] : memref<10240x64xf32, #tpu.memory_space<vmem_shared>> -> memref<10240x64xf32, #tpu.memory_space<vmem_shared>>
        tpu.wait_indirect_dma semaphore(%arg15 : memref<!tpu.dma_semaphore, #tpu.memory_space<semaphore_mem>>) src(%run_scoped3A_2 : memref<128x64xf32, #tpu.memory_space<vmem>>) dst(%dma_wait3A_786 : memref<10240x64xf32, #tpu.memory_space<vmem_shared>>)
        %add3A_787 = arith.constant 5 : i32
        %add3A_788 = arith.addi %add3A_684, %add3A_787 : i32
        %add3A_789 = arith.constant 1 : i32
        %add3A_790 = arith.addi %add3A_788, %add3A_789 : i32
        %dma_start3A_791 = arith.constant 0 : i32
        %dma_start3A_792 = tpu.memref_slice %run_scoped3A[%add3A_790, %dma_start3A_791] : memref<80x128xi32, #tpu.memory_space<vmem>> -> memref<1x128xi32, #tpu.memory_space<vmem>>
        %dma_start3A_793 = tpu.memref_squeeze %dma_start3A_792 : memref<1x128xi32, #tpu.memory_space<vmem>> -> memref<128xi32, #tpu.memory_space<vmem>>
        %dma_start3A_794 = arith.constant 0 : i32
        %dma_start3A_795 = arith.constant 0 : i32
        %dma_start3A_796 = tpu.memref_slice %arg2[%dma_start3A_794, %dma_start3A_795] : memref<10240x64xf32, #tpu.memory_space<hbm>> -> memref<10240x64xf32, #tpu.memory_space<hbm>>
        tpu.enqueue_indirect_dma source(%dma_start3A_796 : memref<10240x64xf32, #tpu.memory_space<hbm>>) target(%run_scoped3A_2 : memref<128x64xf32, #tpu.memory_space<vmem>>) offsets(%dma_start3A_793 : memref<128xi32, #tpu.memory_space<vmem>>) semaphore(%arg10 : memref<!tpu.dma_semaphore, #tpu.memory_space<semaphore_mem>>)
        %dma_wait3A_797 = arith.constant 0 : i32
        %dma_wait3A_798 = tpu.memref_slice %run_scoped3A_0[%add3A_726, %dma_wait3A_797] : memref<80x128xi32, #tpu.memory_space<vmem>> -> memref<1x128xi32, #tpu.memory_space<vmem>>
        %dma_wait3A_799 = tpu.memref_squeeze %dma_wait3A_798 : memref<1x128xi32, #tpu.memory_space<vmem>> -> memref<128xi32, #tpu.memory_space<vmem>>
        %dma_wait3A_800 = arith.constant 0 : i32
        %dma_wait3A_801 = arith.constant 0 : i32
        %dma_wait3A_802 = tpu.memref_slice %arg8[%dma_wait3A_800, %dma_wait3A_801] : memref<10240x64xf32, #tpu.memory_space<vmem_shared>> -> memref<10240x64xf32, #tpu.memory_space<vmem_shared>>
        tpu.wait_indirect_dma semaphore(%arg16 : memref<!tpu.dma_semaphore, #tpu.memory_space<semaphore_mem>>) src(%run_scoped3A_3 : memref<128x64xf32, #tpu.memory_space<vmem>>) dst(%dma_wait3A_802 : memref<10240x64xf32, #tpu.memory_space<vmem_shared>>)
        %add3A_803 = arith.constant 5 : i32
        %add3A_804 = arith.addi %add3A_684, %add3A_803 : i32
        %add3A_805 = arith.constant 2 : i32
        %add3A_806 = arith.addi %add3A_804, %add3A_805 : i32
        %dma_start3A_807 = arith.constant 0 : i32
        %dma_start3A_808 = tpu.memref_slice %run_scoped3A[%add3A_806, %dma_start3A_807] : memref<80x128xi32, #tpu.memory_space<vmem>> -> memref<1x128xi32, #tpu.memory_space<vmem>>
        %dma_start3A_809 = tpu.memref_squeeze %dma_start3A_808 : memref<1x128xi32, #tpu.memory_space<vmem>> -> memref<128xi32, #tpu.memory_space<vmem>>
        %dma_start3A_810 = arith.constant 0 : i32
        %dma_start3A_811 = arith.constant 0 : i32
        %dma_start3A_812 = tpu.memref_slice %arg2[%dma_start3A_810, %dma_start3A_811] : memref<10240x64xf32, #tpu.memory_space<hbm>> -> memref<10240x64xf32, #tpu.memory_space<hbm>>
        tpu.enqueue_indirect_dma source(%dma_start3A_812 : memref<10240x64xf32, #tpu.memory_space<hbm>>) target(%run_scoped3A_3 : memref<128x64xf32, #tpu.memory_space<vmem>>) offsets(%dma_start3A_809 : memref<128xi32, #tpu.memory_space<vmem>>) semaphore(%arg11 : memref<!tpu.dma_semaphore, #tpu.memory_space<semaphore_mem>>)
        %dma_wait3A_813 = arith.constant 0 : i32
        %dma_wait3A_814 = tpu.memref_slice %run_scoped3A_0[%add3A_742, %dma_wait3A_813] : memref<80x128xi32, #tpu.memory_space<vmem>> -> memref<1x128xi32, #tpu.memory_space<vmem>>
        %dma_wait3A_815 = tpu.memref_squeeze %dma_wait3A_814 : memref<1x128xi32, #tpu.memory_space<vmem>> -> memref<128xi32, #tpu.memory_space<vmem>>
        %dma_wait3A_816 = arith.constant 0 : i32
        %dma_wait3A_817 = arith.constant 0 : i32
        %dma_wait3A_818 = tpu.memref_slice %arg8[%dma_wait3A_816, %dma_wait3A_817] : memref<10240x64xf32, #tpu.memory_space<vmem_shared>> -> memref<10240x64xf32, #tpu.memory_space<vmem_shared>>
        tpu.wait_indirect_dma semaphore(%arg17 : memref<!tpu.dma_semaphore, #tpu.memory_space<semaphore_mem>>) src(%run_scoped3A_4 : memref<128x64xf32, #tpu.memory_space<vmem>>) dst(%dma_wait3A_818 : memref<10240x64xf32, #tpu.memory_space<vmem_shared>>)
        %add3A_819 = arith.constant 5 : i32
        %add3A_820 = arith.addi %add3A_684, %add3A_819 : i32
        %add3A_821 = arith.constant 3 : i32
        %add3A_822 = arith.addi %add3A_820, %add3A_821 : i32
        %dma_start3A_823 = arith.constant 0 : i32
        %dma_start3A_824 = tpu.memref_slice %run_scoped3A[%add3A_822, %dma_start3A_823] : memref<80x128xi32, #tpu.memory_space<vmem>> -> memref<1x128xi32, #tpu.memory_space<vmem>>
        %dma_start3A_825 = tpu.memref_squeeze %dma_start3A_824 : memref<1x128xi32, #tpu.memory_space<vmem>> -> memref<128xi32, #tpu.memory_space<vmem>>
        %dma_start3A_826 = arith.constant 0 : i32
        %dma_start3A_827 = arith.constant 0 : i32
        %dma_start3A_828 = tpu.memref_slice %arg2[%dma_start3A_826, %dma_start3A_827] : memref<10240x64xf32, #tpu.memory_space<hbm>> -> memref<10240x64xf32, #tpu.memory_space<hbm>>
        tpu.enqueue_indirect_dma source(%dma_start3A_828 : memref<10240x64xf32, #tpu.memory_space<hbm>>) target(%run_scoped3A_4 : memref<128x64xf32, #tpu.memory_space<vmem>>) offsets(%dma_start3A_825 : memref<128xi32, #tpu.memory_space<vmem>>) semaphore(%arg12 : memref<!tpu.dma_semaphore, #tpu.memory_space<semaphore_mem>>)
        %dma_wait3A_829 = arith.constant 0 : i32
        %dma_wait3A_830 = tpu.memref_slice %run_scoped3A_0[%add3A_758, %dma_wait3A_829] : memref<80x128xi32, #tpu.memory_space<vmem>> -> memref<1x128xi32, #tpu.memory_space<vmem>>
        %dma_wait3A_831 = tpu.memref_squeeze %dma_wait3A_830 : memref<1x128xi32, #tpu.memory_space<vmem>> -> memref<128xi32, #tpu.memory_space<vmem>>
        %dma_wait3A_832 = arith.constant 0 : i32
        %dma_wait3A_833 = arith.constant 0 : i32
        %dma_wait3A_834 = tpu.memref_slice %arg8[%dma_wait3A_832, %dma_wait3A_833] : memref<10240x64xf32, #tpu.memory_space<vmem_shared>> -> memref<10240x64xf32, #tpu.memory_space<vmem_shared>>
        tpu.wait_indirect_dma semaphore(%arg18 : memref<!tpu.dma_semaphore, #tpu.memory_space<semaphore_mem>>) src(%run_scoped3A_5 : memref<128x64xf32, #tpu.memory_space<vmem>>) dst(%dma_wait3A_834 : memref<10240x64xf32, #tpu.memory_space<vmem_shared>>)
        %add3A_835 = arith.constant 5 : i32
        %add3A_836 = arith.addi %add3A_684, %add3A_835 : i32
        %add3A_837 = arith.constant 4 : i32
        %add3A_838 = arith.addi %add3A_836, %add3A_837 : i32
        %dma_start3A_839 = arith.constant 0 : i32
        %dma_start3A_840 = tpu.memref_slice %run_scoped3A[%add3A_838, %dma_start3A_839] : memref<80x128xi32, #tpu.memory_space<vmem>> -> memref<1x128xi32, #tpu.memory_space<vmem>>
        %dma_start3A_841 = tpu.memref_squeeze %dma_start3A_840 : memref<1x128xi32, #tpu.memory_space<vmem>> -> memref<128xi32, #tpu.memory_space<vmem>>
        %dma_start3A_842 = arith.constant 0 : i32
        %dma_start3A_843 = arith.constant 0 : i32
        %dma_start3A_844 = tpu.memref_slice %arg2[%dma_start3A_842, %dma_start3A_843] : memref<10240x64xf32, #tpu.memory_space<hbm>> -> memref<10240x64xf32, #tpu.memory_space<hbm>>
        tpu.enqueue_indirect_dma source(%dma_start3A_844 : memref<10240x64xf32, #tpu.memory_space<hbm>>) target(%run_scoped3A_5 : memref<128x64xf32, #tpu.memory_space<vmem>>) offsets(%dma_start3A_841 : memref<128xi32, #tpu.memory_space<vmem>>) semaphore(%arg13 : memref<!tpu.dma_semaphore, #tpu.memory_space<semaphore_mem>>)
      }
      %scan3A_107 = arith.constant 15 : i32
      %dma_wait3A_108 = arith.constant 75 : i32
      %dma_wait3A_109 = arith.constant 0 : i32
      %dma_wait3A_110 = tpu.memref_slice %run_scoped3A[%dma_wait3A_108, %dma_wait3A_109] : memref<80x128xi32, #tpu.memory_space<vmem>> -> memref<1x128xi32, #tpu.memory_space<vmem>>
      %dma_wait3A_111 = tpu.memref_squeeze %dma_wait3A_110 : memref<1x128xi32, #tpu.memory_space<vmem>> -> memref<128xi32, #tpu.memory_space<vmem>>
      %dma_wait3A_112 = arith.constant 0 : i32
      %dma_wait3A_113 = arith.constant 0 : i32
      %dma_wait3A_114 = tpu.memref_slice %arg2[%dma_wait3A_112, %dma_wait3A_113] : memref<10240x64xf32, #tpu.memory_space<hbm>> -> memref<10240x64xf32, #tpu.memory_space<hbm>>
      tpu.wait_indirect_dma semaphore(%arg9 : memref<!tpu.dma_semaphore, #tpu.memory_space<semaphore_mem>>) src(%dma_wait3A_114 : memref<10240x64xf32, #tpu.memory_space<hbm>>) dst(%run_scoped3A_1 : memref<128x64xf32, #tpu.memory_space<vmem>>)
      %dma_start3A_115 = arith.constant 75 : i32
      %dma_start3A_116 = arith.constant 0 : i32
      %dma_start3A_117 = tpu.memref_slice %run_scoped3A_0[%dma_start3A_115, %dma_start3A_116] : memref<80x128xi32, #tpu.memory_space<vmem>> -> memref<1x128xi32, #tpu.memory_space<vmem>>
      %dma_start3A_118 = tpu.memref_squeeze %dma_start3A_117 : memref<1x128xi32, #tpu.memory_space<vmem>> -> memref<128xi32, #tpu.memory_space<vmem>>
      %dma_start3A_119 = arith.constant 0 : i32
      %dma_start3A_120 = arith.constant 0 : i32
      %dma_start3A_121 = tpu.memref_slice %arg8[%dma_start3A_119, %dma_start3A_120] : memref<10240x64xf32, #tpu.memory_space<vmem_shared>> -> memref<10240x64xf32, #tpu.memory_space<vmem_shared>>
      tpu.enqueue_indirect_dma source(%run_scoped3A_1 : memref<128x64xf32, #tpu.memory_space<vmem>>) target(%dma_start3A_121 : memref<10240x64xf32, #tpu.memory_space<vmem_shared>>) offsets(%dma_start3A_118 : memref<128xi32, #tpu.memory_space<vmem>>) semaphore(%arg14 : memref<!tpu.dma_semaphore, #tpu.memory_space<semaphore_mem>>) {add = true}
      %dma_wait3A_122 = arith.constant 76 : i32
      %dma_wait3A_123 = arith.constant 0 : i32
      %dma_wait3A_124 = tpu.memref_slice %run_scoped3A[%dma_wait3A_122, %dma_wait3A_123] : memref<80x128xi32, #tpu.memory_space<vmem>> -> memref<1x128xi32, #tpu.memory_space<vmem>>
      %dma_wait3A_125 = tpu.memref_squeeze %dma_wait3A_124 : memref<1x128xi32, #tpu.memory_space<vmem>> -> memref<128xi32, #tpu.memory_space<vmem>>
      %dma_wait3A_126 = arith.constant 0 : i32
      %dma_wait3A_127 = arith.constant 0 : i32
      %dma_wait3A_128 = tpu.memref_slice %arg2[%dma_wait3A_126, %dma_wait3A_127] : memref<10240x64xf32, #tpu.memory_space<hbm>> -> memref<10240x64xf32, #tpu.memory_space<hbm>>
      tpu.wait_indirect_dma semaphore(%arg10 : memref<!tpu.dma_semaphore, #tpu.memory_space<semaphore_mem>>) src(%dma_wait3A_128 : memref<10240x64xf32, #tpu.memory_space<hbm>>) dst(%run_scoped3A_2 : memref<128x64xf32, #tpu.memory_space<vmem>>)
      %dma_start3A_129 = arith.constant 76 : i32
      %dma_start3A_130 = arith.constant 0 : i32
      %dma_start3A_131 = tpu.memref_slice %run_scoped3A_0[%dma_start3A_129, %dma_start3A_130] : memref<80x128xi32, #tpu.memory_space<vmem>> -> memref<1x128xi32, #tpu.memory_space<vmem>>
      %dma_start3A_132 = tpu.memref_squeeze %dma_start3A_131 : memref<1x128xi32, #tpu.memory_space<vmem>> -> memref<128xi32, #tpu.memory_space<vmem>>
      %dma_start3A_133 = arith.constant 0 : i32
      %dma_start3A_134 = arith.constant 0 : i32
      %dma_start3A_135 = tpu.memref_slice %arg8[%dma_start3A_133, %dma_start3A_134] : memref<10240x64xf32, #tpu.memory_space<vmem_shared>> -> memref<10240x64xf32, #tpu.memory_space<vmem_shared>>
      tpu.enqueue_indirect_dma source(%run_scoped3A_2 : memref<128x64xf32, #tpu.memory_space<vmem>>) target(%dma_start3A_135 : memref<10240x64xf32, #tpu.memory_space<vmem_shared>>) offsets(%dma_start3A_132 : memref<128xi32, #tpu.memory_space<vmem>>) semaphore(%arg15 : memref<!tpu.dma_semaphore, #tpu.memory_space<semaphore_mem>>) {add = true}
      %dma_wait3A_136 = arith.constant 77 : i32
      %dma_wait3A_137 = arith.constant 0 : i32
      %dma_wait3A_138 = tpu.memref_slice %run_scoped3A[%dma_wait3A_136, %dma_wait3A_137] : memref<80x128xi32, #tpu.memory_space<vmem>> -> memref<1x128xi32, #tpu.memory_space<vmem>>
      %dma_wait3A_139 = tpu.memref_squeeze %dma_wait3A_138 : memref<1x128xi32, #tpu.memory_space<vmem>> -> memref<128xi32, #tpu.memory_space<vmem>>
      %dma_wait3A_140 = arith.constant 0 : i32
      %dma_wait3A_141 = arith.constant 0 : i32
      %dma_wait3A_142 = tpu.memref_slice %arg2[%dma_wait3A_140, %dma_wait3A_141] : memref<10240x64xf32, #tpu.memory_space<hbm>> -> memref<10240x64xf32, #tpu.memory_space<hbm>>
      tpu.wait_indirect_dma semaphore(%arg11 : memref<!tpu.dma_semaphore, #tpu.memory_space<semaphore_mem>>) src(%dma_wait3A_142 : memref<10240x64xf32, #tpu.memory_space<hbm>>) dst(%run_scoped3A_3 : memref<128x64xf32, #tpu.memory_space<vmem>>)
      %dma_start3A_143 = arith.constant 77 : i32
      %dma_start3A_144 = arith.constant 0 : i32
      %dma_start3A_145 = tpu.memref_slice %run_scoped3A_0[%dma_start3A_143, %dma_start3A_144] : memref<80x128xi32, #tpu.memory_space<vmem>> -> memref<1x128xi32, #tpu.memory_space<vmem>>
      %dma_start3A_146 = tpu.memref_squeeze %dma_start3A_145 : memref<1x128xi32, #tpu.memory_space<vmem>> -> memref<128xi32, #tpu.memory_space<vmem>>
      %dma_start3A_147 = arith.constant 0 : i32
      %dma_start3A_148 = arith.constant 0 : i32
      %dma_start3A_149 = tpu.memref_slice %arg8[%dma_start3A_147, %dma_start3A_148] : memref<10240x64xf32, #tpu.memory_space<vmem_shared>> -> memref<10240x64xf32, #tpu.memory_space<vmem_shared>>
      tpu.enqueue_indirect_dma source(%run_scoped3A_3 : memref<128x64xf32, #tpu.memory_space<vmem>>) target(%dma_start3A_149 : memref<10240x64xf32, #tpu.memory_space<vmem_shared>>) offsets(%dma_start3A_146 : memref<128xi32, #tpu.memory_space<vmem>>) semaphore(%arg16 : memref<!tpu.dma_semaphore, #tpu.memory_space<semaphore_mem>>) {add = true}
      %dma_wait3A_150 = arith.constant 78 : i32
      %dma_wait3A_151 = arith.constant 0 : i32
      %dma_wait3A_152 = tpu.memref_slice %run_scoped3A[%dma_wait3A_150, %dma_wait3A_151] : memref<80x128xi32, #tpu.memory_space<vmem>> -> memref<1x128xi32, #tpu.memory_space<vmem>>
      %dma_wait3A_153 = tpu.memref_squeeze %dma_wait3A_152 : memref<1x128xi32, #tpu.memory_space<vmem>> -> memref<128xi32, #tpu.memory_space<vmem>>
      %dma_wait3A_154 = arith.constant 0 : i32
      %dma_wait3A_155 = arith.constant 0 : i32
      %dma_wait3A_156 = tpu.memref_slice %arg2[%dma_wait3A_154, %dma_wait3A_155] : memref<10240x64xf32, #tpu.memory_space<hbm>> -> memref<10240x64xf32, #tpu.memory_space<hbm>>
      tpu.wait_indirect_dma semaphore(%arg12 : memref<!tpu.dma_semaphore, #tpu.memory_space<semaphore_mem>>) src(%dma_wait3A_156 : memref<10240x64xf32, #tpu.memory_space<hbm>>) dst(%run_scoped3A_4 : memref<128x64xf32, #tpu.memory_space<vmem>>)
      %dma_start3A_157 = arith.constant 78 : i32
      %dma_start3A_158 = arith.constant 0 : i32
      %dma_start3A_159 = tpu.memref_slice %run_scoped3A_0[%dma_start3A_157, %dma_start3A_158] : memref<80x128xi32, #tpu.memory_space<vmem>> -> memref<1x128xi32, #tpu.memory_space<vmem>>
      %dma_start3A_160 = tpu.memref_squeeze %dma_start3A_159 : memref<1x128xi32, #tpu.memory_space<vmem>> -> memref<128xi32, #tpu.memory_space<vmem>>
      %dma_start3A_161 = arith.constant 0 : i32
      %dma_start3A_162 = arith.constant 0 : i32
      %dma_start3A_163 = tpu.memref_slice %arg8[%dma_start3A_161, %dma_start3A_162] : memref<10240x64xf32, #tpu.memory_space<vmem_shared>> -> memref<10240x64xf32, #tpu.memory_space<vmem_shared>>
      tpu.enqueue_indirect_dma source(%run_scoped3A_4 : memref<128x64xf32, #tpu.memory_space<vmem>>) target(%dma_start3A_163 : memref<10240x64xf32, #tpu.memory_space<vmem_shared>>) offsets(%dma_start3A_160 : memref<128xi32, #tpu.memory_space<vmem>>) semaphore(%arg17 : memref<!tpu.dma_semaphore, #tpu.memory_space<semaphore_mem>>) {add = true}
      %dma_wait3A_164 = arith.constant 79 : i32
      %dma_wait3A_165 = arith.constant 0 : i32
      %dma_wait3A_166 = tpu.memref_slice %run_scoped3A[%dma_wait3A_164, %dma_wait3A_165] : memref<80x128xi32, #tpu.memory_space<vmem>> -> memref<1x128xi32, #tpu.memory_space<vmem>>
      %dma_wait3A_167 = tpu.memref_squeeze %dma_wait3A_166 : memref<1x128xi32, #tpu.memory_space<vmem>> -> memref<128xi32, #tpu.memory_space<vmem>>
      %dma_wait3A_168 = arith.constant 0 : i32
      %dma_wait3A_169 = arith.constant 0 : i32
      %dma_wait3A_170 = tpu.memref_slice %arg2[%dma_wait3A_168, %dma_wait3A_169] : memref<10240x64xf32, #tpu.memory_space<hbm>> -> memref<10240x64xf32, #tpu.memory_space<hbm>>
      tpu.wait_indirect_dma semaphore(%arg13 : memref<!tpu.dma_semaphore, #tpu.memory_space<semaphore_mem>>) src(%dma_wait3A_170 : memref<10240x64xf32, #tpu.memory_space<hbm>>) dst(%run_scoped3A_5 : memref<128x64xf32, #tpu.memory_space<vmem>>)
      %dma_start3A_171 = arith.constant 79 : i32
      %dma_start3A_172 = arith.constant 0 : i32
      %dma_start3A_173 = tpu.memref_slice %run_scoped3A_0[%dma_start3A_171, %dma_start3A_172] : memref<80x128xi32, #tpu.memory_space<vmem>> -> memref<1x128xi32, #tpu.memory_space<vmem>>
      %dma_start3A_174 = tpu.memref_squeeze %dma_start3A_173 : memref<1x128xi32, #tpu.memory_space<vmem>> -> memref<128xi32, #tpu.memory_space<vmem>>
      %dma_start3A_175 = arith.constant 0 : i32
      %dma_start3A_176 = arith.constant 0 : i32
      %dma_start3A_177 = tpu.memref_slice %arg8[%dma_start3A_175, %dma_start3A_176] : memref<10240x64xf32, #tpu.memory_space<vmem_shared>> -> memref<10240x64xf32, #tpu.memory_space<vmem_shared>>
      tpu.enqueue_indirect_dma source(%run_scoped3A_5 : memref<128x64xf32, #tpu.memory_space<vmem>>) target(%dma_start3A_177 : memref<10240x64xf32, #tpu.memory_space<vmem_shared>>) offsets(%dma_start3A_174 : memref<128xi32, #tpu.memory_space<vmem>>) semaphore(%arg18 : memref<!tpu.dma_semaphore, #tpu.memory_space<semaphore_mem>>) {add = true}
      %dma_wait3A_178 = arith.constant 75 : i32
      %dma_wait3A_179 = arith.constant 0 : i32
      %dma_wait3A_180 = tpu.memref_slice %run_scoped3A_0[%dma_wait3A_178, %dma_wait3A_179] : memref<80x128xi32, #tpu.memory_space<vmem>> -> memref<1x128xi32, #tpu.memory_space<vmem>>
      %dma_wait3A_181 = tpu.memref_squeeze %dma_wait3A_180 : memref<1x128xi32, #tpu.memory_space<vmem>> -> memref<128xi32, #tpu.memory_space<vmem>>
      %dma_wait3A_182 = arith.constant 0 : i32
      %dma_wait3A_183 = arith.constant 0 : i32
      %dma_wait3A_184 = tpu.memref_slice %arg8[%dma_wait3A_182, %dma_wait3A_183] : memref<10240x64xf32, #tpu.memory_space<vmem_shared>> -> memref<10240x64xf32, #tpu.memory_space<vmem_shared>>
      tpu.wait_indirect_dma semaphore(%arg14 : memref<!tpu.dma_semaphore, #tpu.memory_space<semaphore_mem>>) src(%run_scoped3A_1 : memref<128x64xf32, #tpu.memory_space<vmem>>) dst(%dma_wait3A_184 : memref<10240x64xf32, #tpu.memory_space<vmem_shared>>)
      %dma_wait3A_185 = arith.constant 76 : i32
      %dma_wait3A_186 = arith.constant 0 : i32
      %dma_wait3A_187 = tpu.memref_slice %run_scoped3A_0[%dma_wait3A_185, %dma_wait3A_186] : memref<80x128xi32, #tpu.memory_space<vmem>> -> memref<1x128xi32, #tpu.memory_space<vmem>>
      %dma_wait3A_188 = tpu.memref_squeeze %dma_wait3A_187 : memref<1x128xi32, #tpu.memory_space<vmem>> -> memref<128xi32, #tpu.memory_space<vmem>>
      %dma_wait3A_189 = arith.constant 0 : i32
      %dma_wait3A_190 = arith.constant 0 : i32
      %dma_wait3A_191 = tpu.memref_slice %arg8[%dma_wait3A_189, %dma_wait3A_190] : memref<10240x64xf32, #tpu.memory_space<vmem_shared>> -> memref<10240x64xf32, #tpu.memory_space<vmem_shared>>
      tpu.wait_indirect_dma semaphore(%arg15 : memref<!tpu.dma_semaphore, #tpu.memory_space<semaphore_mem>>) src(%run_scoped3A_2 : memref<128x64xf32, #tpu.memory_space<vmem>>) dst(%dma_wait3A_191 : memref<10240x64xf32, #tpu.memory_space<vmem_shared>>)
      %dma_wait3A_192 = arith.constant 77 : i32
      %dma_wait3A_193 = arith.constant 0 : i32
      %dma_wait3A_194 = tpu.memref_slice %run_scoped3A_0[%dma_wait3A_192, %dma_wait3A_193] : memref<80x128xi32, #tpu.memory_space<vmem>> -> memref<1x128xi32, #tpu.memory_space<vmem>>
      %dma_wait3A_195 = tpu.memref_squeeze %dma_wait3A_194 : memref<1x128xi32, #tpu.memory_space<vmem>> -> memref<128xi32, #tpu.memory_space<vmem>>
      %dma_wait3A_196 = arith.constant 0 : i32
      %dma_wait3A_197 = arith.constant 0 : i32
      %dma_wait3A_198 = tpu.memref_slice %arg8[%dma_wait3A_196, %dma_wait3A_197] : memref<10240x64xf32, #tpu.memory_space<vmem_shared>> -> memref<10240x64xf32, #tpu.memory_space<vmem_shared>>
      tpu.wait_indirect_dma semaphore(%arg16 : memref<!tpu.dma_semaphore, #tpu.memory_space<semaphore_mem>>) src(%run_scoped3A_3 : memref<128x64xf32, #tpu.memory_space<vmem>>) dst(%dma_wait3A_198 : memref<10240x64xf32, #tpu.memory_space<vmem_shared>>)
      %dma_wait3A_199 = arith.constant 78 : i32
      %dma_wait3A_200 = arith.constant 0 : i32
      %dma_wait3A_201 = tpu.memref_slice %run_scoped3A_0[%dma_wait3A_199, %dma_wait3A_200] : memref<80x128xi32, #tpu.memory_space<vmem>> -> memref<1x128xi32, #tpu.memory_space<vmem>>
      %dma_wait3A_202 = tpu.memref_squeeze %dma_wait3A_201 : memref<1x128xi32, #tpu.memory_space<vmem>> -> memref<128xi32, #tpu.memory_space<vmem>>
      %dma_wait3A_203 = arith.constant 0 : i32
      %dma_wait3A_204 = arith.constant 0 : i32
      %dma_wait3A_205 = tpu.memref_slice %arg8[%dma_wait3A_203, %dma_wait3A_204] : memref<10240x64xf32, #tpu.memory_space<vmem_shared>> -> memref<10240x64xf32, #tpu.memory_space<vmem_shared>>
      tpu.wait_indirect_dma semaphore(%arg17 : memref<!tpu.dma_semaphore, #tpu.memory_space<semaphore_mem>>) src(%run_scoped3A_4 : memref<128x64xf32, #tpu.memory_space<vmem>>) dst(%dma_wait3A_205 : memref<10240x64xf32, #tpu.memory_space<vmem_shared>>)
      %dma_wait3A_206 = arith.constant 79 : i32
      %dma_wait3A_207 = arith.constant 0 : i32
      %dma_wait3A_208 = tpu.memref_slice %run_scoped3A_0[%dma_wait3A_206, %dma_wait3A_207] : memref<80x128xi32, #tpu.memory_space<vmem>> -> memref<1x128xi32, #tpu.memory_space<vmem>>
      %dma_wait3A_209 = tpu.memref_squeeze %dma_wait3A_208 : memref<1x128xi32, #tpu.memory_space<vmem>> -> memref<128xi32, #tpu.memory_space<vmem>>
      %dma_wait3A_210 = arith.constant 0 : i32
      %dma_wait3A_211 = arith.constant 0 : i32
      %dma_wait3A_212 = tpu.memref_slice %arg8[%dma_wait3A_210, %dma_wait3A_211] : memref<10240x64xf32, #tpu.memory_space<vmem_shared>> -> memref<10240x64xf32, #tpu.memory_space<vmem_shared>>
      tpu.wait_indirect_dma semaphore(%arg18 : memref<!tpu.dma_semaphore, #tpu.memory_space<semaphore_mem>>) src(%run_scoped3A_5 : memref<128x64xf32, #tpu.memory_space<vmem>>) dst(%dma_wait3A_212 : memref<10240x64xf32, #tpu.memory_space<vmem_shared>>)
      %barrier3A_213 = arith.constant 0 : index
      tpu.barrier barrier_id(%barrier3A_213)
      %mul3A_214 = arith.constant 640 : i32
      %mul3A_215 = arith.muli %arg1, %mul3A_214 : i32
      %add3A_216 = arith.constant 0 : i32
      %add3A_217 = arith.addi %mul3A_215, %add3A_216 : i32
      %dma_start3A_218 = arith.constant 0 : i32
      %dma_start3A_219 = tpu.memref_slice %arg8[%add3A_217, %dma_start3A_218] : memref<10240x64xf32, #tpu.memory_space<vmem_shared>> -> memref<128x64xf32, #tpu.memory_space<vmem_shared>>
      %dma_start3A_220 = arith.constant 0 : i32
      %dma_start3A_221 = tpu.memref_slice %arg8[%add3A_217, %dma_start3A_220] : memref<10240x64xf32, #tpu.memory_space<vmem_shared>> -> memref<128x64xf32, #tpu.memory_space<vmem_shared>>
      tpu.enqueue_dma source(%dma_start3A_221 : memref<128x64xf32, #tpu.memory_space<vmem_shared>>) target(%run_scoped3A_1 : memref<128x64xf32, #tpu.memory_space<vmem>>) target_semaphore(%arg9 : memref<!tpu.dma_semaphore, #tpu.memory_space<semaphore_mem>>)
      %mul3A_222 = arith.constant 640 : i32
      %mul3A_223 = arith.muli %arg1, %mul3A_222 : i32
      %add3A_224 = arith.constant 128 : i32
      %add3A_225 = arith.addi %mul3A_223, %add3A_224 : i32
      %dma_start3A_226 = arith.constant 0 : i32
      %dma_start3A_227 = tpu.memref_slice %arg8[%add3A_225, %dma_start3A_226] : memref<10240x64xf32, #tpu.memory_space<vmem_shared>> -> memref<128x64xf32, #tpu.memory_space<vmem_shared>>
      %dma_start3A_228 = arith.constant 0 : i32
      %dma_start3A_229 = tpu.memref_slice %arg8[%add3A_225, %dma_start3A_228] : memref<10240x64xf32, #tpu.memory_space<vmem_shared>> -> memref<128x64xf32, #tpu.memory_space<vmem_shared>>
      tpu.enqueue_dma source(%dma_start3A_229 : memref<128x64xf32, #tpu.memory_space<vmem_shared>>) target(%run_scoped3A_2 : memref<128x64xf32, #tpu.memory_space<vmem>>) target_semaphore(%arg10 : memref<!tpu.dma_semaphore, #tpu.memory_space<semaphore_mem>>)
      %mul3A_230 = arith.constant 640 : i32
      %mul3A_231 = arith.muli %arg1, %mul3A_230 : i32
      %add3A_232 = arith.constant 256 : i32
      %add3A_233 = arith.addi %mul3A_231, %add3A_232 : i32
      %dma_start3A_234 = arith.constant 0 : i32
      %dma_start3A_235 = tpu.memref_slice %arg8[%add3A_233, %dma_start3A_234] : memref<10240x64xf32, #tpu.memory_space<vmem_shared>> -> memref<128x64xf32, #tpu.memory_space<vmem_shared>>
      %dma_start3A_236 = arith.constant 0 : i32
      %dma_start3A_237 = tpu.memref_slice %arg8[%add3A_233, %dma_start3A_236] : memref<10240x64xf32, #tpu.memory_space<vmem_shared>> -> memref<128x64xf32, #tpu.memory_space<vmem_shared>>
      tpu.enqueue_dma source(%dma_start3A_237 : memref<128x64xf32, #tpu.memory_space<vmem_shared>>) target(%run_scoped3A_3 : memref<128x64xf32, #tpu.memory_space<vmem>>) target_semaphore(%arg11 : memref<!tpu.dma_semaphore, #tpu.memory_space<semaphore_mem>>)
      %mul3A_238 = arith.constant 640 : i32
      %mul3A_239 = arith.muli %arg1, %mul3A_238 : i32
      %add3A_240 = arith.constant 384 : i32
      %add3A_241 = arith.addi %mul3A_239, %add3A_240 : i32
      %dma_start3A_242 = arith.constant 0 : i32
      %dma_start3A_243 = tpu.memref_slice %arg8[%add3A_241, %dma_start3A_242] : memref<10240x64xf32, #tpu.memory_space<vmem_shared>> -> memref<128x64xf32, #tpu.memory_space<vmem_shared>>
      %dma_start3A_244 = arith.constant 0 : i32
      %dma_start3A_245 = tpu.memref_slice %arg8[%add3A_241, %dma_start3A_244] : memref<10240x64xf32, #tpu.memory_space<vmem_shared>> -> memref<128x64xf32, #tpu.memory_space<vmem_shared>>
      tpu.enqueue_dma source(%dma_start3A_245 : memref<128x64xf32, #tpu.memory_space<vmem_shared>>) target(%run_scoped3A_4 : memref<128x64xf32, #tpu.memory_space<vmem>>) target_semaphore(%arg12 : memref<!tpu.dma_semaphore, #tpu.memory_space<semaphore_mem>>)
      %mul3A_246 = arith.constant 640 : i32
      %mul3A_247 = arith.muli %arg1, %mul3A_246 : i32
      %add3A_248 = arith.constant 512 : i32
      %add3A_249 = arith.addi %mul3A_247, %add3A_248 : i32
      %dma_start3A_250 = arith.constant 0 : i32
      %dma_start3A_251 = tpu.memref_slice %arg8[%add3A_249, %dma_start3A_250] : memref<10240x64xf32, #tpu.memory_space<vmem_shared>> -> memref<128x64xf32, #tpu.memory_space<vmem_shared>>
      %dma_start3A_252 = arith.constant 0 : i32
      %dma_start3A_253 = tpu.memref_slice %arg8[%add3A_249, %dma_start3A_252] : memref<10240x64xf32, #tpu.memory_space<vmem_shared>> -> memref<128x64xf32, #tpu.memory_space<vmem_shared>>
      tpu.enqueue_dma source(%dma_start3A_253 : memref<128x64xf32, #tpu.memory_space<vmem_shared>>) target(%run_scoped3A_5 : memref<128x64xf32, #tpu.memory_space<vmem>>) target_semaphore(%arg13 : memref<!tpu.dma_semaphore, #tpu.memory_space<semaphore_mem>>)
      %mul3A_254 = arith.constant 640 : i32
      %mul3A_255 = arith.muli %arg1, %mul3A_254 : i32
      %add3A_256 = arith.constant 0 : i32
      %add3A_257 = arith.addi %mul3A_255, %add3A_256 : i32
      %dma_wait3A_258 = arith.constant 0 : i32
      %dma_wait3A_259 = tpu.memref_slice %arg8[%add3A_217, %dma_wait3A_258] : memref<10240x64xf32, #tpu.memory_space<vmem_shared>> -> memref<128x64xf32, #tpu.memory_space<vmem_shared>>
      %dma_wait3A_260 = arith.constant 0 : i32
      %dma_wait3A_261 = tpu.memref_slice %arg8[%add3A_217, %dma_wait3A_260] : memref<10240x64xf32, #tpu.memory_space<vmem_shared>> -> memref<128x64xf32, #tpu.memory_space<vmem_shared>>
      tpu.wait_dma2 semaphore(%arg9 : memref<!tpu.dma_semaphore, #tpu.memory_space<semaphore_mem>>) src(%dma_wait3A_261 : memref<128x64xf32, #tpu.memory_space<vmem_shared>>) dst(%run_scoped3A_1 : memref<128x64xf32, #tpu.memory_space<vmem>>)
      %eq3A = arith.constant 0 : i32
      %eq3A_262 = arith.cmpi eq, %arg0, %eq3A : i32
      %convert_element_type3A = arith.extui %eq3A_262 : i1 to i32
      %cond3A = arith.constant 0 : i32
      %cond3A_263 = arith.cmpi ne, %convert_element_type3A, %cond3A : i32
      scf.if %cond3A_263 {
        %run_scoped3A_680 = arith.constant 0 : i32
        "tpu.region"() ({
          %run_scoped3A_681 = tpu.sem_alloc : memref<!tpu.dma_semaphore, #tpu.memory_space<semaphore_mem>>
          %dma_start3A_682 = arith.constant 0 : i32
          %dma_start3A_683 = tpu.memref_slice %arg7[%run_scoped3A_680, %add3A_257, %dma_start3A_682] : memref<4x10240x64xf32, #tpu.memory_space<hbm>> -> memref<1x128x64xf32, #tpu.memory_space<hbm>>
          %dma_start3A_684 = tpu.memref_squeeze %dma_start3A_683 : memref<1x128x64xf32, #tpu.memory_space<hbm>> -> memref<128x64xf32, #tpu.memory_space<hbm>>
          %dma_start3A_685 = arith.constant 0 : i32
          %dma_start3A_686 = tpu.memref_slice %arg7[%run_scoped3A_680, %add3A_257, %dma_start3A_685] : memref<4x10240x64xf32, #tpu.memory_space<hbm>> -> memref<1x128x64xf32, #tpu.memory_space<hbm>>
          %dma_start3A_687 = tpu.memref_squeeze %dma_start3A_686 : memref<1x128x64xf32, #tpu.memory_space<hbm>> -> memref<128x64xf32, #tpu.memory_space<hbm>>
          tpu.enqueue_dma source(%run_scoped3A_1 : memref<128x64xf32, #tpu.memory_space<vmem>>) target(%dma_start3A_687 : memref<128x64xf32, #tpu.memory_space<hbm>>) target_semaphore(%run_scoped3A_681 : memref<!tpu.dma_semaphore, #tpu.memory_space<semaphore_mem>>)
          %dma_wait3A_688 = arith.constant 0 : i32
          %dma_wait3A_689 = tpu.memref_slice %arg7[%run_scoped3A_680, %add3A_257, %dma_wait3A_688] : memref<4x10240x64xf32, #tpu.memory_space<hbm>> -> memref<1x128x64xf32, #tpu.memory_space<hbm>>
          %dma_wait3A_690 = tpu.memref_squeeze %dma_wait3A_689 : memref<1x128x64xf32, #tpu.memory_space<hbm>> -> memref<128x64xf32, #tpu.memory_space<hbm>>
          %dma_wait3A_691 = arith.constant 0 : i32
          %dma_wait3A_692 = tpu.memref_slice %arg7[%run_scoped3A_680, %add3A_257, %dma_wait3A_691] : memref<4x10240x64xf32, #tpu.memory_space<hbm>> -> memref<1x128x64xf32, #tpu.memory_space<hbm>>
          %dma_wait3A_693 = tpu.memref_squeeze %dma_wait3A_692 : memref<1x128x64xf32, #tpu.memory_space<hbm>> -> memref<128x64xf32, #tpu.memory_space<hbm>>
          tpu.wait_dma2 semaphore(%run_scoped3A_681 : memref<!tpu.dma_semaphore, #tpu.memory_space<semaphore_mem>>) src(%run_scoped3A_1 : memref<128x64xf32, #tpu.memory_space<vmem>>) dst(%dma_wait3A_693 : memref<128x64xf32, #tpu.memory_space<hbm>>)
          tpu.yield
        }) : () -> ()
      } else {
      }
      %eq3A_264 = arith.constant 1 : i32
      %eq3A_265 = arith.cmpi eq, %arg0, %eq3A_264 : i32
      %convert_element_type3A_266 = arith.extui %eq3A_265 : i1 to i32
      %cond3A_267 = arith.constant 0 : i32
      %cond3A_268 = arith.cmpi ne, %convert_element_type3A_266, %cond3A_267 : i32
      scf.if %cond3A_268 {
        %run_scoped3A_680 = arith.constant 1 : i32
        "tpu.region"() ({
          %run_scoped3A_681 = tpu.sem_alloc : memref<!tpu.dma_semaphore, #tpu.memory_space<semaphore_mem>>
          %dma_start3A_682 = arith.constant 0 : i32
          %dma_start3A_683 = tpu.memref_slice %arg7[%run_scoped3A_680, %add3A_257, %dma_start3A_682] : memref<4x10240x64xf32, #tpu.memory_space<hbm>> -> memref<1x128x64xf32, #tpu.memory_space<hbm>>
          %dma_start3A_684 = tpu.memref_squeeze %dma_start3A_683 : memref<1x128x64xf32, #tpu.memory_space<hbm>> -> memref<128x64xf32, #tpu.memory_space<hbm>>
          %dma_start3A_685 = arith.constant 0 : i32
          %dma_start3A_686 = tpu.memref_slice %arg7[%run_scoped3A_680, %add3A_257, %dma_start3A_685] : memref<4x10240x64xf32, #tpu.memory_space<hbm>> -> memref<1x128x64xf32, #tpu.memory_space<hbm>>
          %dma_start3A_687 = tpu.memref_squeeze %dma_start3A_686 : memref<1x128x64xf32, #tpu.memory_space<hbm>> -> memref<128x64xf32, #tpu.memory_space<hbm>>
          tpu.enqueue_dma source(%run_scoped3A_1 : memref<128x64xf32, #tpu.memory_space<vmem>>) target(%dma_start3A_687 : memref<128x64xf32, #tpu.memory_space<hbm>>) target_semaphore(%run_scoped3A_681 : memref<!tpu.dma_semaphore, #tpu.memory_space<semaphore_mem>>)
          %dma_wait3A_688 = arith.constant 0 : i32
          %dma_wait3A_689 = tpu.memref_slice %arg7[%run_scoped3A_680, %add3A_257, %dma_wait3A_688] : memref<4x10240x64xf32, #tpu.memory_space<hbm>> -> memref<1x128x64xf32, #tpu.memory_space<hbm>>
          %dma_wait3A_690 = tpu.memref_squeeze %dma_wait3A_689 : memref<1x128x64xf32, #tpu.memory_space<hbm>> -> memref<128x64xf32, #tpu.memory_space<hbm>>
          %dma_wait3A_691 = arith.constant 0 : i32
          %dma_wait3A_692 = tpu.memref_slice %arg7[%run_scoped3A_680, %add3A_257, %dma_wait3A_691] : memref<4x10240x64xf32, #tpu.memory_space<hbm>> -> memref<1x128x64xf32, #tpu.memory_space<hbm>>
          %dma_wait3A_693 = tpu.memref_squeeze %dma_wait3A_692 : memref<1x128x64xf32, #tpu.memory_space<hbm>> -> memref<128x64xf32, #tpu.memory_space<hbm>>
          tpu.wait_dma2 semaphore(%run_scoped3A_681 : memref<!tpu.dma_semaphore, #tpu.memory_space<semaphore_mem>>) src(%run_scoped3A_1 : memref<128x64xf32, #tpu.memory_space<vmem>>) dst(%dma_wait3A_693 : memref<128x64xf32, #tpu.memory_space<hbm>>)
          tpu.yield
        }) : () -> ()
      } else {
      }
      %mul3A_269 = arith.constant 640 : i32
      %mul3A_270 = arith.muli %arg1, %mul3A_269 : i32
      %add3A_271 = arith.constant 128 : i32
      %add3A_272 = arith.addi %mul3A_270, %add3A_271 : i32
      %dma_wait3A_273 = arith.constant 0 : i32
      %dma_wait3A_274 = tpu.memref_slice %arg8[%add3A_225, %dma_wait3A_273] : memref<10240x64xf32, #tpu.memory_space<vmem_shared>> -> memref<128x64xf32, #tpu.memory_space<vmem_shared>>
      %dma_wait3A_275 = arith.constant 0 : i32
      %dma_wait3A_276 = tpu.memref_slice %arg8[%add3A_225, %dma_wait3A_275] : memref<10240x64xf32, #tpu.memory_space<vmem_shared>> -> memref<128x64xf32, #tpu.memory_space<vmem_shared>>
      tpu.wait_dma2 semaphore(%arg10 : memref<!tpu.dma_semaphore, #tpu.memory_space<semaphore_mem>>) src(%dma_wait3A_276 : memref<128x64xf32, #tpu.memory_space<vmem_shared>>) dst(%run_scoped3A_2 : memref<128x64xf32, #tpu.memory_space<vmem>>)
      %eq3A_277 = arith.constant 0 : i32
      %eq3A_278 = arith.cmpi eq, %arg0, %eq3A_277 : i32
      %convert_element_type3A_279 = arith.extui %eq3A_278 : i1 to i32
      %cond3A_280 = arith.constant 0 : i32
      %cond3A_281 = arith.cmpi ne, %convert_element_type3A_279, %cond3A_280 : i32
      scf.if %cond3A_281 {
        %run_scoped3A_680 = arith.constant 0 : i32
        "tpu.region"() ({
          %run_scoped3A_681 = tpu.sem_alloc : memref<!tpu.dma_semaphore, #tpu.memory_space<semaphore_mem>>
          %dma_start3A_682 = arith.constant 0 : i32
          %dma_start3A_683 = tpu.memref_slice %arg7[%run_scoped3A_680, %add3A_272, %dma_start3A_682] : memref<4x10240x64xf32, #tpu.memory_space<hbm>> -> memref<1x128x64xf32, #tpu.memory_space<hbm>>
          %dma_start3A_684 = tpu.memref_squeeze %dma_start3A_683 : memref<1x128x64xf32, #tpu.memory_space<hbm>> -> memref<128x64xf32, #tpu.memory_space<hbm>>
          %dma_start3A_685 = arith.constant 0 : i32
          %dma_start3A_686 = tpu.memref_slice %arg7[%run_scoped3A_680, %add3A_272, %dma_start3A_685] : memref<4x10240x64xf32, #tpu.memory_space<hbm>> -> memref<1x128x64xf32, #tpu.memory_space<hbm>>
          %dma_start3A_687 = tpu.memref_squeeze %dma_start3A_686 : memref<1x128x64xf32, #tpu.memory_space<hbm>> -> memref<128x64xf32, #tpu.memory_space<hbm>>
          tpu.enqueue_dma source(%run_scoped3A_2 : memref<128x64xf32, #tpu.memory_space<vmem>>) target(%dma_start3A_687 : memref<128x64xf32, #tpu.memory_space<hbm>>) target_semaphore(%run_scoped3A_681 : memref<!tpu.dma_semaphore, #tpu.memory_space<semaphore_mem>>)
          %dma_wait3A_688 = arith.constant 0 : i32
          %dma_wait3A_689 = tpu.memref_slice %arg7[%run_scoped3A_680, %add3A_272, %dma_wait3A_688] : memref<4x10240x64xf32, #tpu.memory_space<hbm>> -> memref<1x128x64xf32, #tpu.memory_space<hbm>>
          %dma_wait3A_690 = tpu.memref_squeeze %dma_wait3A_689 : memref<1x128x64xf32, #tpu.memory_space<hbm>> -> memref<128x64xf32, #tpu.memory_space<hbm>>
          %dma_wait3A_691 = arith.constant 0 : i32
          %dma_wait3A_692 = tpu.memref_slice %arg7[%run_scoped3A_680, %add3A_272, %dma_wait3A_691] : memref<4x10240x64xf32, #tpu.memory_space<hbm>> -> memref<1x128x64xf32, #tpu.memory_space<hbm>>
          %dma_wait3A_693 = tpu.memref_squeeze %dma_wait3A_692 : memref<1x128x64xf32, #tpu.memory_space<hbm>> -> memref<128x64xf32, #tpu.memory_space<hbm>>
          tpu.wait_dma2 semaphore(%run_scoped3A_681 : memref<!tpu.dma_semaphore, #tpu.memory_space<semaphore_mem>>) src(%run_scoped3A_2 : memref<128x64xf32, #tpu.memory_space<vmem>>) dst(%dma_wait3A_693 : memref<128x64xf32, #tpu.memory_space<hbm>>)
          tpu.yield
        }) : () -> ()
      } else {
      }
      %eq3A_282 = arith.constant 1 : i32
      %eq3A_283 = arith.cmpi eq, %arg0, %eq3A_282 : i32
      %convert_element_type3A_284 = arith.extui %eq3A_283 : i1 to i32
      %cond3A_285 = arith.constant 0 : i32
      %cond3A_286 = arith.cmpi ne, %convert_element_type3A_284, %cond3A_285 : i32
      scf.if %cond3A_286 {
        %run_scoped3A_680 = arith.constant 1 : i32
        "tpu.region"() ({
          %run_scoped3A_681 = tpu.sem_alloc : memref<!tpu.dma_semaphore, #tpu.memory_space<semaphore_mem>>
          %dma_start3A_682 = arith.constant 0 : i32
          %dma_start3A_683 = tpu.memref_slice %arg7[%run_scoped3A_680, %add3A_272, %dma_start3A_682] : memref<4x10240x64xf32, #tpu.memory_space<hbm>> -> memref<1x128x64xf32, #tpu.memory_space<hbm>>
          %dma_start3A_684 = tpu.memref_squeeze %dma_start3A_683 : memref<1x128x64xf32, #tpu.memory_space<hbm>> -> memref<128x64xf32, #tpu.memory_space<hbm>>
          %dma_start3A_685 = arith.constant 0 : i32
          %dma_start3A_686 = tpu.memref_slice %arg7[%run_scoped3A_680, %add3A_272, %dma_start3A_685] : memref<4x10240x64xf32, #tpu.memory_space<hbm>> -> memref<1x128x64xf32, #tpu.memory_space<hbm>>
          %dma_start3A_687 = tpu.memref_squeeze %dma_start3A_686 : memref<1x128x64xf32, #tpu.memory_space<hbm>> -> memref<128x64xf32, #tpu.memory_space<hbm>>
          tpu.enqueue_dma source(%run_scoped3A_2 : memref<128x64xf32, #tpu.memory_space<vmem>>) target(%dma_start3A_687 : memref<128x64xf32, #tpu.memory_space<hbm>>) target_semaphore(%run_scoped3A_681 : memref<!tpu.dma_semaphore, #tpu.memory_space<semaphore_mem>>)
          %dma_wait3A_688 = arith.constant 0 : i32
          %dma_wait3A_689 = tpu.memref_slice %arg7[%run_scoped3A_680, %add3A_272, %dma_wait3A_688] : memref<4x10240x64xf32, #tpu.memory_space<hbm>> -> memref<1x128x64xf32, #tpu.memory_space<hbm>>
          %dma_wait3A_690 = tpu.memref_squeeze %dma_wait3A_689 : memref<1x128x64xf32, #tpu.memory_space<hbm>> -> memref<128x64xf32, #tpu.memory_space<hbm>>
          %dma_wait3A_691 = arith.constant 0 : i32
          %dma_wait3A_692 = tpu.memref_slice %arg7[%run_scoped3A_680, %add3A_272, %dma_wait3A_691] : memref<4x10240x64xf32, #tpu.memory_space<hbm>> -> memref<1x128x64xf32, #tpu.memory_space<hbm>>
          %dma_wait3A_693 = tpu.memref_squeeze %dma_wait3A_692 : memref<1x128x64xf32, #tpu.memory_space<hbm>> -> memref<128x64xf32, #tpu.memory_space<hbm>>
          tpu.wait_dma2 semaphore(%run_scoped3A_681 : memref<!tpu.dma_semaphore, #tpu.memory_space<semaphore_mem>>) src(%run_scoped3A_2 : memref<128x64xf32, #tpu.memory_space<vmem>>) dst(%dma_wait3A_693 : memref<128x64xf32, #tpu.memory_space<hbm>>)
          tpu.yield
        }) : () -> ()
      } else {
      }
      %mul3A_287 = arith.constant 640 : i32
      %mul3A_288 = arith.muli %arg1, %mul3A_287 : i32
      %add3A_289 = arith.constant 256 : i32
      %add3A_290 = arith.addi %mul3A_288, %add3A_289 : i32
      %dma_wait3A_291 = arith.constant 0 : i32
      %dma_wait3A_292 = tpu.memref_slice %arg8[%add3A_233, %dma_wait3A_291] : memref<10240x64xf32, #tpu.memory_space<vmem_shared>> -> memref<128x64xf32, #tpu.memory_space<vmem_shared>>
      %dma_wait3A_293 = arith.constant 0 : i32
      %dma_wait3A_294 = tpu.memref_slice %arg8[%add3A_233, %dma_wait3A_293] : memref<10240x64xf32, #tpu.memory_space<vmem_shared>> -> memref<128x64xf32, #tpu.memory_space<vmem_shared>>
      tpu.wait_dma2 semaphore(%arg11 : memref<!tpu.dma_semaphore, #tpu.memory_space<semaphore_mem>>) src(%dma_wait3A_294 : memref<128x64xf32, #tpu.memory_space<vmem_shared>>) dst(%run_scoped3A_3 : memref<128x64xf32, #tpu.memory_space<vmem>>)
      %eq3A_295 = arith.constant 0 : i32
      %eq3A_296 = arith.cmpi eq, %arg0, %eq3A_295 : i32
      %convert_element_type3A_297 = arith.extui %eq3A_296 : i1 to i32
      %cond3A_298 = arith.constant 0 : i32
      %cond3A_299 = arith.cmpi ne, %convert_element_type3A_297, %cond3A_298 : i32
      scf.if %cond3A_299 {
        %run_scoped3A_680 = arith.constant 0 : i32
        "tpu.region"() ({
          %run_scoped3A_681 = tpu.sem_alloc : memref<!tpu.dma_semaphore, #tpu.memory_space<semaphore_mem>>
          %dma_start3A_682 = arith.constant 0 : i32
          %dma_start3A_683 = tpu.memref_slice %arg7[%run_scoped3A_680, %add3A_290, %dma_start3A_682] : memref<4x10240x64xf32, #tpu.memory_space<hbm>> -> memref<1x128x64xf32, #tpu.memory_space<hbm>>
          %dma_start3A_684 = tpu.memref_squeeze %dma_start3A_683 : memref<1x128x64xf32, #tpu.memory_space<hbm>> -> memref<128x64xf32, #tpu.memory_space<hbm>>
          %dma_start3A_685 = arith.constant 0 : i32
          %dma_start3A_686 = tpu.memref_slice %arg7[%run_scoped3A_680, %add3A_290, %dma_start3A_685] : memref<4x10240x64xf32, #tpu.memory_space<hbm>> -> memref<1x128x64xf32, #tpu.memory_space<hbm>>
          %dma_start3A_687 = tpu.memref_squeeze %dma_start3A_686 : memref<1x128x64xf32, #tpu.memory_space<hbm>> -> memref<128x64xf32, #tpu.memory_space<hbm>>
          tpu.enqueue_dma source(%run_scoped3A_3 : memref<128x64xf32, #tpu.memory_space<vmem>>) target(%dma_start3A_687 : memref<128x64xf32, #tpu.memory_space<hbm>>) target_semaphore(%run_scoped3A_681 : memref<!tpu.dma_semaphore, #tpu.memory_space<semaphore_mem>>)
          %dma_wait3A_688 = arith.constant 0 : i32
          %dma_wait3A_689 = tpu.memref_slice %arg7[%run_scoped3A_680, %add3A_290, %dma_wait3A_688] : memref<4x10240x64xf32, #tpu.memory_space<hbm>> -> memref<1x128x64xf32, #tpu.memory_space<hbm>>
          %dma_wait3A_690 = tpu.memref_squeeze %dma_wait3A_689 : memref<1x128x64xf32, #tpu.memory_space<hbm>> -> memref<128x64xf32, #tpu.memory_space<hbm>>
          %dma_wait3A_691 = arith.constant 0 : i32
          %dma_wait3A_692 = tpu.memref_slice %arg7[%run_scoped3A_680, %add3A_290, %dma_wait3A_691] : memref<4x10240x64xf32, #tpu.memory_space<hbm>> -> memref<1x128x64xf32, #tpu.memory_space<hbm>>
          %dma_wait3A_693 = tpu.memref_squeeze %dma_wait3A_692 : memref<1x128x64xf32, #tpu.memory_space<hbm>> -> memref<128x64xf32, #tpu.memory_space<hbm>>
          tpu.wait_dma2 semaphore(%run_scoped3A_681 : memref<!tpu.dma_semaphore, #tpu.memory_space<semaphore_mem>>) src(%run_scoped3A_3 : memref<128x64xf32, #tpu.memory_space<vmem>>) dst(%dma_wait3A_693 : memref<128x64xf32, #tpu.memory_space<hbm>>)
          tpu.yield
        }) : () -> ()
      } else {
      }
      %eq3A_300 = arith.constant 1 : i32
      %eq3A_301 = arith.cmpi eq, %arg0, %eq3A_300 : i32
      %convert_element_type3A_302 = arith.extui %eq3A_301 : i1 to i32
      %cond3A_303 = arith.constant 0 : i32
      %cond3A_304 = arith.cmpi ne, %convert_element_type3A_302, %cond3A_303 : i32
      scf.if %cond3A_304 {
        %run_scoped3A_680 = arith.constant 1 : i32
        "tpu.region"() ({
          %run_scoped3A_681 = tpu.sem_alloc : memref<!tpu.dma_semaphore, #tpu.memory_space<semaphore_mem>>
          %dma_start3A_682 = arith.constant 0 : i32
          %dma_start3A_683 = tpu.memref_slice %arg7[%run_scoped3A_680, %add3A_290, %dma_start3A_682] : memref<4x10240x64xf32, #tpu.memory_space<hbm>> -> memref<1x128x64xf32, #tpu.memory_space<hbm>>
          %dma_start3A_684 = tpu.memref_squeeze %dma_start3A_683 : memref<1x128x64xf32, #tpu.memory_space<hbm>> -> memref<128x64xf32, #tpu.memory_space<hbm>>
          %dma_start3A_685 = arith.constant 0 : i32
          %dma_start3A_686 = tpu.memref_slice %arg7[%run_scoped3A_680, %add3A_290, %dma_start3A_685] : memref<4x10240x64xf32, #tpu.memory_space<hbm>> -> memref<1x128x64xf32, #tpu.memory_space<hbm>>
          %dma_start3A_687 = tpu.memref_squeeze %dma_start3A_686 : memref<1x128x64xf32, #tpu.memory_space<hbm>> -> memref<128x64xf32, #tpu.memory_space<hbm>>
          tpu.enqueue_dma source(%run_scoped3A_3 : memref<128x64xf32, #tpu.memory_space<vmem>>) target(%dma_start3A_687 : memref<128x64xf32, #tpu.memory_space<hbm>>) target_semaphore(%run_scoped3A_681 : memref<!tpu.dma_semaphore, #tpu.memory_space<semaphore_mem>>)
          %dma_wait3A_688 = arith.constant 0 : i32
          %dma_wait3A_689 = tpu.memref_slice %arg7[%run_scoped3A_680, %add3A_290, %dma_wait3A_688] : memref<4x10240x64xf32, #tpu.memory_space<hbm>> -> memref<1x128x64xf32, #tpu.memory_space<hbm>>
          %dma_wait3A_690 = tpu.memref_squeeze %dma_wait3A_689 : memref<1x128x64xf32, #tpu.memory_space<hbm>> -> memref<128x64xf32, #tpu.memory_space<hbm>>
          %dma_wait3A_691 = arith.constant 0 : i32
          %dma_wait3A_692 = tpu.memref_slice %arg7[%run_scoped3A_680, %add3A_290, %dma_wait3A_691] : memref<4x10240x64xf32, #tpu.memory_space<hbm>> -> memref<1x128x64xf32, #tpu.memory_space<hbm>>
          %dma_wait3A_693 = tpu.memref_squeeze %dma_wait3A_692 : memref<1x128x64xf32, #tpu.memory_space<hbm>> -> memref<128x64xf32, #tpu.memory_space<hbm>>
          tpu.wait_dma2 semaphore(%run_scoped3A_681 : memref<!tpu.dma_semaphore, #tpu.memory_space<semaphore_mem>>) src(%run_scoped3A_3 : memref<128x64xf32, #tpu.memory_space<vmem>>) dst(%dma_wait3A_693 : memref<128x64xf32, #tpu.memory_space<hbm>>)
          tpu.yield
        }) : () -> ()
      } else {
      }
      %mul3A_305 = arith.constant 640 : i32
      %mul3A_306 = arith.muli %arg1, %mul3A_305 : i32
      %add3A_307 = arith.constant 384 : i32
      %add3A_308 = arith.addi %mul3A_306, %add3A_307 : i32
      %dma_wait3A_309 = arith.constant 0 : i32
      %dma_wait3A_310 = tpu.memref_slice %arg8[%add3A_241, %dma_wait3A_309] : memref<10240x64xf32, #tpu.memory_space<vmem_shared>> -> memref<128x64xf32, #tpu.memory_space<vmem_shared>>
      %dma_wait3A_311 = arith.constant 0 : i32
      %dma_wait3A_312 = tpu.memref_slice %arg8[%add3A_241, %dma_wait3A_311] : memref<10240x64xf32, #tpu.memory_space<vmem_shared>> -> memref<128x64xf32, #tpu.memory_space<vmem_shared>>
      tpu.wait_dma2 semaphore(%arg12 : memref<!tpu.dma_semaphore, #tpu.memory_space<semaphore_mem>>) src(%dma_wait3A_312 : memref<128x64xf32, #tpu.memory_space<vmem_shared>>) dst(%run_scoped3A_4 : memref<128x64xf32, #tpu.memory_space<vmem>>)
      %eq3A_313 = arith.constant 0 : i32
      %eq3A_314 = arith.cmpi eq, %arg0, %eq3A_313 : i32
      %convert_element_type3A_315 = arith.extui %eq3A_314 : i1 to i32
      %cond3A_316 = arith.constant 0 : i32
      %cond3A_317 = arith.cmpi ne, %convert_element_type3A_315, %cond3A_316 : i32
      scf.if %cond3A_317 {
        %run_scoped3A_680 = arith.constant 0 : i32
        "tpu.region"() ({
          %run_scoped3A_681 = tpu.sem_alloc : memref<!tpu.dma_semaphore, #tpu.memory_space<semaphore_mem>>
          %dma_start3A_682 = arith.constant 0 : i32
          %dma_start3A_683 = tpu.memref_slice %arg7[%run_scoped3A_680, %add3A_308, %dma_start3A_682] : memref<4x10240x64xf32, #tpu.memory_space<hbm>> -> memref<1x128x64xf32, #tpu.memory_space<hbm>>
          %dma_start3A_684 = tpu.memref_squeeze %dma_start3A_683 : memref<1x128x64xf32, #tpu.memory_space<hbm>> -> memref<128x64xf32, #tpu.memory_space<hbm>>
          %dma_start3A_685 = arith.constant 0 : i32
          %dma_start3A_686 = tpu.memref_slice %arg7[%run_scoped3A_680, %add3A_308, %dma_start3A_685] : memref<4x10240x64xf32, #tpu.memory_space<hbm>> -> memref<1x128x64xf32, #tpu.memory_space<hbm>>
          %dma_start3A_687 = tpu.memref_squeeze %dma_start3A_686 : memref<1x128x64xf32, #tpu.memory_space<hbm>> -> memref<128x64xf32, #tpu.memory_space<hbm>>
          tpu.enqueue_dma source(%run_scoped3A_4 : memref<128x64xf32, #tpu.memory_space<vmem>>) target(%dma_start3A_687 : memref<128x64xf32, #tpu.memory_space<hbm>>) target_semaphore(%run_scoped3A_681 : memref<!tpu.dma_semaphore, #tpu.memory_space<semaphore_mem>>)
          %dma_wait3A_688 = arith.constant 0 : i32
          %dma_wait3A_689 = tpu.memref_slice %arg7[%run_scoped3A_680, %add3A_308, %dma_wait3A_688] : memref<4x10240x64xf32, #tpu.memory_space<hbm>> -> memref<1x128x64xf32, #tpu.memory_space<hbm>>
          %dma_wait3A_690 = tpu.memref_squeeze %dma_wait3A_689 : memref<1x128x64xf32, #tpu.memory_space<hbm>> -> memref<128x64xf32, #tpu.memory_space<hbm>>
          %dma_wait3A_691 = arith.constant 0 : i32
          %dma_wait3A_692 = tpu.memref_slice %arg7[%run_scoped3A_680, %add3A_308, %dma_wait3A_691] : memref<4x10240x64xf32, #tpu.memory_space<hbm>> -> memref<1x128x64xf32, #tpu.memory_space<hbm>>
          %dma_wait3A_693 = tpu.memref_squeeze %dma_wait3A_692 : memref<1x128x64xf32, #tpu.memory_space<hbm>> -> memref<128x64xf32, #tpu.memory_space<hbm>>
          tpu.wait_dma2 semaphore(%run_scoped3A_681 : memref<!tpu.dma_semaphore, #tpu.memory_space<semaphore_mem>>) src(%run_scoped3A_4 : memref<128x64xf32, #tpu.memory_space<vmem>>) dst(%dma_wait3A_693 : memref<128x64xf32, #tpu.memory_space<hbm>>)
          tpu.yield
        }) : () -> ()
      } else {
      }
      %eq3A_318 = arith.constant 1 : i32
      %eq3A_319 = arith.cmpi eq, %arg0, %eq3A_318 : i32
      %convert_element_type3A_320 = arith.extui %eq3A_319 : i1 to i32
      %cond3A_321 = arith.constant 0 : i32
      %cond3A_322 = arith.cmpi ne, %convert_element_type3A_320, %cond3A_321 : i32
      scf.if %cond3A_322 {
        %run_scoped3A_680 = arith.constant 1 : i32
        "tpu.region"() ({
          %run_scoped3A_681 = tpu.sem_alloc : memref<!tpu.dma_semaphore, #tpu.memory_space<semaphore_mem>>
          %dma_start3A_682 = arith.constant 0 : i32
          %dma_start3A_683 = tpu.memref_slice %arg7[%run_scoped3A_680, %add3A_308, %dma_start3A_682] : memref<4x10240x64xf32, #tpu.memory_space<hbm>> -> memref<1x128x64xf32, #tpu.memory_space<hbm>>
          %dma_start3A_684 = tpu.memref_squeeze %dma_start3A_683 : memref<1x128x64xf32, #tpu.memory_space<hbm>> -> memref<128x64xf32, #tpu.memory_space<hbm>>
          %dma_start3A_685 = arith.constant 0 : i32
          %dma_start3A_686 = tpu.memref_slice %arg7[%run_scoped3A_680, %add3A_308, %dma_start3A_685] : memref<4x10240x64xf32, #tpu.memory_space<hbm>> -> memref<1x128x64xf32, #tpu.memory_space<hbm>>
          %dma_start3A_687 = tpu.memref_squeeze %dma_start3A_686 : memref<1x128x64xf32, #tpu.memory_space<hbm>> -> memref<128x64xf32, #tpu.memory_space<hbm>>
          tpu.enqueue_dma source(%run_scoped3A_4 : memref<128x64xf32, #tpu.memory_space<vmem>>) target(%dma_start3A_687 : memref<128x64xf32, #tpu.memory_space<hbm>>) target_semaphore(%run_scoped3A_681 : memref<!tpu.dma_semaphore, #tpu.memory_space<semaphore_mem>>)
          %dma_wait3A_688 = arith.constant 0 : i32
          %dma_wait3A_689 = tpu.memref_slice %arg7[%run_scoped3A_680, %add3A_308, %dma_wait3A_688] : memref<4x10240x64xf32, #tpu.memory_space<hbm>> -> memref<1x128x64xf32, #tpu.memory_space<hbm>>
          %dma_wait3A_690 = tpu.memref_squeeze %dma_wait3A_689 : memref<1x128x64xf32, #tpu.memory_space<hbm>> -> memref<128x64xf32, #tpu.memory_space<hbm>>
          %dma_wait3A_691 = arith.constant 0 : i32
          %dma_wait3A_692 = tpu.memref_slice %arg7[%run_scoped3A_680, %add3A_308, %dma_wait3A_691] : memref<4x10240x64xf32, #tpu.memory_space<hbm>> -> memref<1x128x64xf32, #tpu.memory_space<hbm>>
          %dma_wait3A_693 = tpu.memref_squeeze %dma_wait3A_692 : memref<1x128x64xf32, #tpu.memory_space<hbm>> -> memref<128x64xf32, #tpu.memory_space<hbm>>
          tpu.wait_dma2 semaphore(%run_scoped3A_681 : memref<!tpu.dma_semaphore, #tpu.memory_space<semaphore_mem>>) src(%run_scoped3A_4 : memref<128x64xf32, #tpu.memory_space<vmem>>) dst(%dma_wait3A_693 : memref<128x64xf32, #tpu.memory_space<hbm>>)
          tpu.yield
        }) : () -> ()
      } else {
      }
      %mul3A_323 = arith.constant 640 : i32
      %mul3A_324 = arith.muli %arg1, %mul3A_323 : i32
      %add3A_325 = arith.constant 512 : i32
      %add3A_326 = arith.addi %mul3A_324, %add3A_325 : i32
      %dma_wait3A_327 = arith.constant 0 : i32
      %dma_wait3A_328 = tpu.memref_slice %arg8[%add3A_249, %dma_wait3A_327] : memref<10240x64xf32, #tpu.memory_space<vmem_shared>> -> memref<128x64xf32, #tpu.memory_space<vmem_shared>>
      %dma_wait3A_329 = arith.constant 0 : i32
      %dma_wait3A_330 = tpu.memref_slice %arg8[%add3A_249, %dma_wait3A_329] : memref<10240x64xf32, #tpu.memory_space<vmem_shared>> -> memref<128x64xf32, #tpu.memory_space<vmem_shared>>
      tpu.wait_dma2 semaphore(%arg13 : memref<!tpu.dma_semaphore, #tpu.memory_space<semaphore_mem>>) src(%dma_wait3A_330 : memref<128x64xf32, #tpu.memory_space<vmem_shared>>) dst(%run_scoped3A_5 : memref<128x64xf32, #tpu.memory_space<vmem>>)
      %eq3A_331 = arith.constant 0 : i32
      %eq3A_332 = arith.cmpi eq, %arg0, %eq3A_331 : i32
      %convert_element_type3A_333 = arith.extui %eq3A_332 : i1 to i32
      %cond3A_334 = arith.constant 0 : i32
      %cond3A_335 = arith.cmpi ne, %convert_element_type3A_333, %cond3A_334 : i32
      scf.if %cond3A_335 {
        %run_scoped3A_680 = arith.constant 0 : i32
        "tpu.region"() ({
          %run_scoped3A_681 = tpu.sem_alloc : memref<!tpu.dma_semaphore, #tpu.memory_space<semaphore_mem>>
          %dma_start3A_682 = arith.constant 0 : i32
          %dma_start3A_683 = tpu.memref_slice %arg7[%run_scoped3A_680, %add3A_326, %dma_start3A_682] : memref<4x10240x64xf32, #tpu.memory_space<hbm>> -> memref<1x128x64xf32, #tpu.memory_space<hbm>>
          %dma_start3A_684 = tpu.memref_squeeze %dma_start3A_683 : memref<1x128x64xf32, #tpu.memory_space<hbm>> -> memref<128x64xf32, #tpu.memory_space<hbm>>
          %dma_start3A_685 = arith.constant 0 : i32
          %dma_start3A_686 = tpu.memref_slice %arg7[%run_scoped3A_680, %add3A_326, %dma_start3A_685] : memref<4x10240x64xf32, #tpu.memory_space<hbm>> -> memref<1x128x64xf32, #tpu.memory_space<hbm>>
          %dma_start3A_687 = tpu.memref_squeeze %dma_start3A_686 : memref<1x128x64xf32, #tpu.memory_space<hbm>> -> memref<128x64xf32, #tpu.memory_space<hbm>>
          tpu.enqueue_dma source(%run_scoped3A_5 : memref<128x64xf32, #tpu.memory_space<vmem>>) target(%dma_start3A_687 : memref<128x64xf32, #tpu.memory_space<hbm>>) target_semaphore(%run_scoped3A_681 : memref<!tpu.dma_semaphore, #tpu.memory_space<semaphore_mem>>)
          %dma_wait3A_688 = arith.constant 0 : i32
          %dma_wait3A_689 = tpu.memref_slice %arg7[%run_scoped3A_680, %add3A_326, %dma_wait3A_688] : memref<4x10240x64xf32, #tpu.memory_space<hbm>> -> memref<1x128x64xf32, #tpu.memory_space<hbm>>
          %dma_wait3A_690 = tpu.memref_squeeze %dma_wait3A_689 : memref<1x128x64xf32, #tpu.memory_space<hbm>> -> memref<128x64xf32, #tpu.memory_space<hbm>>
          %dma_wait3A_691 = arith.constant 0 : i32
          %dma_wait3A_692 = tpu.memref_slice %arg7[%run_scoped3A_680, %add3A_326, %dma_wait3A_691] : memref<4x10240x64xf32, #tpu.memory_space<hbm>> -> memref<1x128x64xf32, #tpu.memory_space<hbm>>
          %dma_wait3A_693 = tpu.memref_squeeze %dma_wait3A_692 : memref<1x128x64xf32, #tpu.memory_space<hbm>> -> memref<128x64xf32, #tpu.memory_space<hbm>>
          tpu.wait_dma2 semaphore(%run_scoped3A_681 : memref<!tpu.dma_semaphore, #tpu.memory_space<semaphore_mem>>) src(%run_scoped3A_5 : memref<128x64xf32, #tpu.memory_space<vmem>>) dst(%dma_wait3A_693 : memref<128x64xf32, #tpu.memory_space<hbm>>)
          tpu.yield
        }) : () -> ()
      } else {
      }
      %eq3A_336 = arith.constant 1 : i32
      %eq3A_337 = arith.cmpi eq, %arg0, %eq3A_336 : i32
      %convert_element_type3A_338 = arith.extui %eq3A_337 : i1 to i32
      %cond3A_339 = arith.constant 0 : i32
      %cond3A_340 = arith.cmpi ne, %convert_element_type3A_338, %cond3A_339 : i32
      scf.if %cond3A_340 {
        %run_scoped3A_680 = arith.constant 1 : i32
        "tpu.region"() ({
          %run_scoped3A_681 = tpu.sem_alloc : memref<!tpu.dma_semaphore, #tpu.memory_space<semaphore_mem>>
          %dma_start3A_682 = arith.constant 0 : i32
          %dma_start3A_683 = tpu.memref_slice %arg7[%run_scoped3A_680, %add3A_326, %dma_start3A_682] : memref<4x10240x64xf32, #tpu.memory_space<hbm>> -> memref<1x128x64xf32, #tpu.memory_space<hbm>>
          %dma_start3A_684 = tpu.memref_squeeze %dma_start3A_683 : memref<1x128x64xf32, #tpu.memory_space<hbm>> -> memref<128x64xf32, #tpu.memory_space<hbm>>
          %dma_start3A_685 = arith.constant 0 : i32
          %dma_start3A_686 = tpu.memref_slice %arg7[%run_scoped3A_680, %add3A_326, %dma_start3A_685] : memref<4x10240x64xf32, #tpu.memory_space<hbm>> -> memref<1x128x64xf32, #tpu.memory_space<hbm>>
          %dma_start3A_687 = tpu.memref_squeeze %dma_start3A_686 : memref<1x128x64xf32, #tpu.memory_space<hbm>> -> memref<128x64xf32, #tpu.memory_space<hbm>>
          tpu.enqueue_dma source(%run_scoped3A_5 : memref<128x64xf32, #tpu.memory_space<vmem>>) target(%dma_start3A_687 : memref<128x64xf32, #tpu.memory_space<hbm>>) target_semaphore(%run_scoped3A_681 : memref<!tpu.dma_semaphore, #tpu.memory_space<semaphore_mem>>)
          %dma_wait3A_688 = arith.constant 0 : i32
          %dma_wait3A_689 = tpu.memref_slice %arg7[%run_scoped3A_680, %add3A_326, %dma_wait3A_688] : memref<4x10240x64xf32, #tpu.memory_space<hbm>> -> memref<1x128x64xf32, #tpu.memory_space<hbm>>
          %dma_wait3A_690 = tpu.memref_squeeze %dma_wait3A_689 : memref<1x128x64xf32, #tpu.memory_space<hbm>> -> memref<128x64xf32, #tpu.memory_space<hbm>>
          %dma_wait3A_691 = arith.constant 0 : i32
          %dma_wait3A_692 = tpu.memref_slice %arg7[%run_scoped3A_680, %add3A_326, %dma_wait3A_691] : memref<4x10240x64xf32, #tpu.memory_space<hbm>> -> memref<1x128x64xf32, #tpu.memory_space<hbm>>
          %dma_wait3A_693 = tpu.memref_squeeze %dma_wait3A_692 : memref<1x128x64xf32, #tpu.memory_space<hbm>> -> memref<128x64xf32, #tpu.memory_space<hbm>>
          tpu.wait_dma2 semaphore(%run_scoped3A_681 : memref<!tpu.dma_semaphore, #tpu.memory_space<semaphore_mem>>) src(%run_scoped3A_5 : memref<128x64xf32, #tpu.memory_space<vmem>>) dst(%dma_wait3A_693 : memref<128x64xf32, #tpu.memory_space<hbm>>)
          tpu.yield
        }) : () -> ()
      } else {
      }
      %barrier3A_341 = arith.constant 0 : index
      tpu.barrier barrier_id(%barrier3A_341)
      "tpu.region"() ({
        %run_scoped3A_680 = tpu.sem_alloc : memref<!tpu.dma_semaphore, #tpu.memory_space<semaphore_mem>>
        tpu.enqueue_dma source(%arg6 : memref<128x64xf32, #tpu.memory_space<hbm>>) target(%run_scoped3A_1 : memref<128x64xf32, #tpu.memory_space<vmem>>) target_semaphore(%run_scoped3A_680 : memref<!tpu.dma_semaphore, #tpu.memory_space<semaphore_mem>>)
        tpu.wait_dma2 semaphore(%run_scoped3A_680 : memref<!tpu.dma_semaphore, #tpu.memory_space<semaphore_mem>>) src(%arg6 : memref<128x64xf32, #tpu.memory_space<hbm>>) dst(%run_scoped3A_1 : memref<128x64xf32, #tpu.memory_space<vmem>>)
        tpu.yield
      }) : () -> ()
      %mul3A_342 = arith.constant 640 : i32
      %mul3A_343 = arith.muli %arg1, %mul3A_342 : i32
      %add3A_344 = arith.constant 0 : i32
      %add3A_345 = arith.addi %mul3A_343, %add3A_344 : i32
      %dma_start3A_346 = arith.constant 0 : i32
      %dma_start3A_347 = tpu.memref_slice %arg8[%add3A_345, %dma_start3A_346] : memref<10240x64xf32, #tpu.memory_space<vmem_shared>> -> memref<128x64xf32, #tpu.memory_space<vmem_shared>>
      %dma_start3A_348 = arith.constant 0 : i32
      %dma_start3A_349 = tpu.memref_slice %arg8[%add3A_345, %dma_start3A_348] : memref<10240x64xf32, #tpu.memory_space<vmem_shared>> -> memref<128x64xf32, #tpu.memory_space<vmem_shared>>
      tpu.enqueue_dma source(%run_scoped3A_1 : memref<128x64xf32, #tpu.memory_space<vmem>>) target(%dma_start3A_349 : memref<128x64xf32, #tpu.memory_space<vmem_shared>>) target_semaphore(%arg14 : memref<!tpu.dma_semaphore, #tpu.memory_space<semaphore_mem>>)
      %mul3A_350 = arith.constant 640 : i32
      %mul3A_351 = arith.muli %arg1, %mul3A_350 : i32
      %add3A_352 = arith.constant 128 : i32
      %add3A_353 = arith.addi %mul3A_351, %add3A_352 : i32
      %dma_start3A_354 = arith.constant 0 : i32
      %dma_start3A_355 = tpu.memref_slice %arg8[%add3A_353, %dma_start3A_354] : memref<10240x64xf32, #tpu.memory_space<vmem_shared>> -> memref<128x64xf32, #tpu.memory_space<vmem_shared>>
      %dma_start3A_356 = arith.constant 0 : i32
      %dma_start3A_357 = tpu.memref_slice %arg8[%add3A_353, %dma_start3A_356] : memref<10240x64xf32, #tpu.memory_space<vmem_shared>> -> memref<128x64xf32, #tpu.memory_space<vmem_shared>>
      tpu.enqueue_dma source(%run_scoped3A_1 : memref<128x64xf32, #tpu.memory_space<vmem>>) target(%dma_start3A_357 : memref<128x64xf32, #tpu.memory_space<vmem_shared>>) target_semaphore(%arg14 : memref<!tpu.dma_semaphore, #tpu.memory_space<semaphore_mem>>)
      %mul3A_358 = arith.constant 640 : i32
      %mul3A_359 = arith.muli %arg1, %mul3A_358 : i32
      %add3A_360 = arith.constant 256 : i32
      %add3A_361 = arith.addi %mul3A_359, %add3A_360 : i32
      %dma_start3A_362 = arith.constant 0 : i32
      %dma_start3A_363 = tpu.memref_slice %arg8[%add3A_361, %dma_start3A_362] : memref<10240x64xf32, #tpu.memory_space<vmem_shared>> -> memref<128x64xf32, #tpu.memory_space<vmem_shared>>
      %dma_start3A_364 = arith.constant 0 : i32
      %dma_start3A_365 = tpu.memref_slice %arg8[%add3A_361, %dma_start3A_364] : memref<10240x64xf32, #tpu.memory_space<vmem_shared>> -> memref<128x64xf32, #tpu.memory_space<vmem_shared>>
      tpu.enqueue_dma source(%run_scoped3A_1 : memref<128x64xf32, #tpu.memory_space<vmem>>) target(%dma_start3A_365 : memref<128x64xf32, #tpu.memory_space<vmem_shared>>) target_semaphore(%arg14 : memref<!tpu.dma_semaphore, #tpu.memory_space<semaphore_mem>>)
      %mul3A_366 = arith.constant 640 : i32
      %mul3A_367 = arith.muli %arg1, %mul3A_366 : i32
      %add3A_368 = arith.constant 384 : i32
      %add3A_369 = arith.addi %mul3A_367, %add3A_368 : i32
      %dma_start3A_370 = arith.constant 0 : i32
      %dma_start3A_371 = tpu.memref_slice %arg8[%add3A_369, %dma_start3A_370] : memref<10240x64xf32, #tpu.memory_space<vmem_shared>> -> memref<128x64xf32, #tpu.memory_space<vmem_shared>>
      %dma_start3A_372 = arith.constant 0 : i32
      %dma_start3A_373 = tpu.memref_slice %arg8[%add3A_369, %dma_start3A_372] : memref<10240x64xf32, #tpu.memory_space<vmem_shared>> -> memref<128x64xf32, #tpu.memory_space<vmem_shared>>
      tpu.enqueue_dma source(%run_scoped3A_1 : memref<128x64xf32, #tpu.memory_space<vmem>>) target(%dma_start3A_373 : memref<128x64xf32, #tpu.memory_space<vmem_shared>>) target_semaphore(%arg14 : memref<!tpu.dma_semaphore, #tpu.memory_space<semaphore_mem>>)
      %mul3A_374 = arith.constant 640 : i32
      %mul3A_375 = arith.muli %arg1, %mul3A_374 : i32
      %add3A_376 = arith.constant 512 : i32
      %add3A_377 = arith.addi %mul3A_375, %add3A_376 : i32
      %dma_start3A_378 = arith.constant 0 : i32
      %dma_start3A_379 = tpu.memref_slice %arg8[%add3A_377, %dma_start3A_378] : memref<10240x64xf32, #tpu.memory_space<vmem_shared>> -> memref<128x64xf32, #tpu.memory_space<vmem_shared>>
      %dma_start3A_380 = arith.constant 0 : i32
      %dma_start3A_381 = tpu.memref_slice %arg8[%add3A_377, %dma_start3A_380] : memref<10240x64xf32, #tpu.memory_space<vmem_shared>> -> memref<128x64xf32, #tpu.memory_space<vmem_shared>>
      tpu.enqueue_dma source(%run_scoped3A_1 : memref<128x64xf32, #tpu.memory_space<vmem>>) target(%dma_start3A_381 : memref<128x64xf32, #tpu.memory_space<vmem_shared>>) target_semaphore(%arg14 : memref<!tpu.dma_semaphore, #tpu.memory_space<semaphore_mem>>)
      %dma_wait3A_382 = arith.constant 0 : i32
      %dma_wait3A_383 = tpu.memref_slice %arg8[%add3A_345, %dma_wait3A_382] : memref<10240x64xf32, #tpu.memory_space<vmem_shared>> -> memref<128x64xf32, #tpu.memory_space<vmem_shared>>
      %dma_wait3A_384 = arith.constant 0 : i32
      %dma_wait3A_385 = tpu.memref_slice %arg8[%add3A_345, %dma_wait3A_384] : memref<10240x64xf32, #tpu.memory_space<vmem_shared>> -> memref<128x64xf32, #tpu.memory_space<vmem_shared>>
      tpu.wait_dma2 semaphore(%arg14 : memref<!tpu.dma_semaphore, #tpu.memory_space<semaphore_mem>>) src(%run_scoped3A_1 : memref<128x64xf32, #tpu.memory_space<vmem>>) dst(%dma_wait3A_385 : memref<128x64xf32, #tpu.memory_space<vmem_shared>>)
      %dma_wait3A_386 = arith.constant 0 : i32
      %dma_wait3A_387 = tpu.memref_slice %arg8[%add3A_353, %dma_wait3A_386] : memref<10240x64xf32, #tpu.memory_space<vmem_shared>> -> memref<128x64xf32, #tpu.memory_space<vmem_shared>>
      %dma_wait3A_388 = arith.constant 0 : i32
      %dma_wait3A_389 = tpu.memref_slice %arg8[%add3A_353, %dma_wait3A_388] : memref<10240x64xf32, #tpu.memory_space<vmem_shared>> -> memref<128x64xf32, #tpu.memory_space<vmem_shared>>
      tpu.wait_dma2 semaphore(%arg14 : memref<!tpu.dma_semaphore, #tpu.memory_space<semaphore_mem>>) src(%run_scoped3A_1 : memref<128x64xf32, #tpu.memory_space<vmem>>) dst(%dma_wait3A_389 : memref<128x64xf32, #tpu.memory_space<vmem_shared>>)
      %dma_wait3A_390 = arith.constant 0 : i32
      %dma_wait3A_391 = tpu.memref_slice %arg8[%add3A_361, %dma_wait3A_390] : memref<10240x64xf32, #tpu.memory_space<vmem_shared>> -> memref<128x64xf32, #tpu.memory_space<vmem_shared>>
      %dma_wait3A_392 = arith.constant 0 : i32
      %dma_wait3A_393 = tpu.memref_slice %arg8[%add3A_361, %dma_wait3A_392] : memref<10240x64xf32, #tpu.memory_space<vmem_shared>> -> memref<128x64xf32, #tpu.memory_space<vmem_shared>>
      tpu.wait_dma2 semaphore(%arg14 : memref<!tpu.dma_semaphore, #tpu.memory_space<semaphore_mem>>) src(%run_scoped3A_1 : memref<128x64xf32, #tpu.memory_space<vmem>>) dst(%dma_wait3A_393 : memref<128x64xf32, #tpu.memory_space<vmem_shared>>)
      %dma_wait3A_394 = arith.constant 0 : i32
      %dma_wait3A_395 = tpu.memref_slice %arg8[%add3A_369, %dma_wait3A_394] : memref<10240x64xf32, #tpu.memory_space<vmem_shared>> -> memref<128x64xf32, #tpu.memory_space<vmem_shared>>
      %dma_wait3A_396 = arith.constant 0 : i32
      %dma_wait3A_397 = tpu.memref_slice %arg8[%add3A_369, %dma_wait3A_396] : memref<10240x64xf32, #tpu.memory_space<vmem_shared>> -> memref<128x64xf32, #tpu.memory_space<vmem_shared>>
      tpu.wait_dma2 semaphore(%arg14 : memref<!tpu.dma_semaphore, #tpu.memory_space<semaphore_mem>>) src(%run_scoped3A_1 : memref<128x64xf32, #tpu.memory_space<vmem>>) dst(%dma_wait3A_397 : memref<128x64xf32, #tpu.memory_space<vmem_shared>>)
      %dma_wait3A_398 = arith.constant 0 : i32
      %dma_wait3A_399 = tpu.memref_slice %arg8[%add3A_377, %dma_wait3A_398] : memref<10240x64xf32, #tpu.memory_space<vmem_shared>> -> memref<128x64xf32, #tpu.memory_space<vmem_shared>>
      %dma_wait3A_400 = arith.constant 0 : i32
      %dma_wait3A_401 = tpu.memref_slice %arg8[%add3A_377, %dma_wait3A_400] : memref<10240x64xf32, #tpu.memory_space<vmem_shared>> -> memref<128x64xf32, #tpu.memory_space<vmem_shared>>
      tpu.wait_dma2 semaphore(%arg14 : memref<!tpu.dma_semaphore, #tpu.memory_space<semaphore_mem>>) src(%run_scoped3A_1 : memref<128x64xf32, #tpu.memory_space<vmem>>) dst(%dma_wait3A_401 : memref<128x64xf32, #tpu.memory_space<vmem_shared>>)
      %barrier3A_402 = arith.constant 0 : index
      tpu.barrier barrier_id(%barrier3A_402)
      %dma_start3A_403 = arith.constant 0 : i32
      %dma_start3A_404 = arith.constant 0 : i32
      %dma_start3A_405 = tpu.memref_slice %run_scoped3A[%dma_start3A_403, %dma_start3A_404] : memref<80x128xi32, #tpu.memory_space<vmem>> -> memref<1x128xi32, #tpu.memory_space<vmem>>
      %dma_start3A_406 = tpu.memref_squeeze %dma_start3A_405 : memref<1x128xi32, #tpu.memory_space<vmem>> -> memref<128xi32, #tpu.memory_space<vmem>>
      %dma_start3A_407 = arith.constant 0 : i32
      %dma_start3A_408 = arith.constant 0 : i32
      %dma_start3A_409 = tpu.memref_slice %arg3[%dma_start3A_407, %dma_start3A_408] : memref<10240x64xf32, #tpu.memory_space<hbm>> -> memref<10240x64xf32, #tpu.memory_space<hbm>>
      tpu.enqueue_indirect_dma source(%dma_start3A_409 : memref<10240x64xf32, #tpu.memory_space<hbm>>) target(%run_scoped3A_1 : memref<128x64xf32, #tpu.memory_space<vmem>>) offsets(%dma_start3A_406 : memref<128xi32, #tpu.memory_space<vmem>>) semaphore(%arg9 : memref<!tpu.dma_semaphore, #tpu.memory_space<semaphore_mem>>)
      %dma_start3A_410 = arith.constant 1 : i32
      %dma_start3A_411 = arith.constant 0 : i32
      %dma_start3A_412 = tpu.memref_slice %run_scoped3A[%dma_start3A_410, %dma_start3A_411] : memref<80x128xi32, #tpu.memory_space<vmem>> -> memref<1x128xi32, #tpu.memory_space<vmem>>
      %dma_start3A_413 = tpu.memref_squeeze %dma_start3A_412 : memref<1x128xi32, #tpu.memory_space<vmem>> -> memref<128xi32, #tpu.memory_space<vmem>>
      %dma_start3A_414 = arith.constant 0 : i32
      %dma_start3A_415 = arith.constant 0 : i32
      %dma_start3A_416 = tpu.memref_slice %arg3[%dma_start3A_414, %dma_start3A_415] : memref<10240x64xf32, #tpu.memory_space<hbm>> -> memref<10240x64xf32, #tpu.memory_space<hbm>>
      tpu.enqueue_indirect_dma source(%dma_start3A_416 : memref<10240x64xf32, #tpu.memory_space<hbm>>) target(%run_scoped3A_2 : memref<128x64xf32, #tpu.memory_space<vmem>>) offsets(%dma_start3A_413 : memref<128xi32, #tpu.memory_space<vmem>>) semaphore(%arg10 : memref<!tpu.dma_semaphore, #tpu.memory_space<semaphore_mem>>)
      %dma_start3A_417 = arith.constant 2 : i32
      %dma_start3A_418 = arith.constant 0 : i32
      %dma_start3A_419 = tpu.memref_slice %run_scoped3A[%dma_start3A_417, %dma_start3A_418] : memref<80x128xi32, #tpu.memory_space<vmem>> -> memref<1x128xi32, #tpu.memory_space<vmem>>
      %dma_start3A_420 = tpu.memref_squeeze %dma_start3A_419 : memref<1x128xi32, #tpu.memory_space<vmem>> -> memref<128xi32, #tpu.memory_space<vmem>>
      %dma_start3A_421 = arith.constant 0 : i32
      %dma_start3A_422 = arith.constant 0 : i32
      %dma_start3A_423 = tpu.memref_slice %arg3[%dma_start3A_421, %dma_start3A_422] : memref<10240x64xf32, #tpu.memory_space<hbm>> -> memref<10240x64xf32, #tpu.memory_space<hbm>>
      tpu.enqueue_indirect_dma source(%dma_start3A_423 : memref<10240x64xf32, #tpu.memory_space<hbm>>) target(%run_scoped3A_3 : memref<128x64xf32, #tpu.memory_space<vmem>>) offsets(%dma_start3A_420 : memref<128xi32, #tpu.memory_space<vmem>>) semaphore(%arg11 : memref<!tpu.dma_semaphore, #tpu.memory_space<semaphore_mem>>)
      %dma_start3A_424 = arith.constant 3 : i32
      %dma_start3A_425 = arith.constant 0 : i32
      %dma_start3A_426 = tpu.memref_slice %run_scoped3A[%dma_start3A_424, %dma_start3A_425] : memref<80x128xi32, #tpu.memory_space<vmem>> -> memref<1x128xi32, #tpu.memory_space<vmem>>
      %dma_start3A_427 = tpu.memref_squeeze %dma_start3A_426 : memref<1x128xi32, #tpu.memory_space<vmem>> -> memref<128xi32, #tpu.memory_space<vmem>>
      %dma_start3A_428 = arith.constant 0 : i32
      %dma_start3A_429 = arith.constant 0 : i32
      %dma_start3A_430 = tpu.memref_slice %arg3[%dma_start3A_428, %dma_start3A_429] : memref<10240x64xf32, #tpu.memory_space<hbm>> -> memref<10240x64xf32, #tpu.memory_space<hbm>>
      tpu.enqueue_indirect_dma source(%dma_start3A_430 : memref<10240x64xf32, #tpu.memory_space<hbm>>) target(%run_scoped3A_4 : memref<128x64xf32, #tpu.memory_space<vmem>>) offsets(%dma_start3A_427 : memref<128xi32, #tpu.memory_space<vmem>>) semaphore(%arg12 : memref<!tpu.dma_semaphore, #tpu.memory_space<semaphore_mem>>)
      %dma_start3A_431 = arith.constant 4 : i32
      %dma_start3A_432 = arith.constant 0 : i32
      %dma_start3A_433 = tpu.memref_slice %run_scoped3A[%dma_start3A_431, %dma_start3A_432] : memref<80x128xi32, #tpu.memory_space<vmem>> -> memref<1x128xi32, #tpu.memory_space<vmem>>
      %dma_start3A_434 = tpu.memref_squeeze %dma_start3A_433 : memref<1x128xi32, #tpu.memory_space<vmem>> -> memref<128xi32, #tpu.memory_space<vmem>>
      %dma_start3A_435 = arith.constant 0 : i32
      %dma_start3A_436 = arith.constant 0 : i32
      %dma_start3A_437 = tpu.memref_slice %arg3[%dma_start3A_435, %dma_start3A_436] : memref<10240x64xf32, #tpu.memory_space<hbm>> -> memref<10240x64xf32, #tpu.memory_space<hbm>>
      tpu.enqueue_indirect_dma source(%dma_start3A_437 : memref<10240x64xf32, #tpu.memory_space<hbm>>) target(%run_scoped3A_5 : memref<128x64xf32, #tpu.memory_space<vmem>>) offsets(%dma_start3A_434 : memref<128xi32, #tpu.memory_space<vmem>>) semaphore(%arg13 : memref<!tpu.dma_semaphore, #tpu.memory_space<semaphore_mem>>)
      %scan3A_438 = arith.constant 0 : i32
      %scan3A_439 = arith.constant 15 : i32
      %scan3A_440 = arith.addi %scan3A_438, %scan3A_439 : i32
      %scan3A_441 = arith.constant 1 : i32
      scf.for %scan3A_680 = %scan3A_438 to %scan3A_440 step %scan3A_441  : i32 {
        %mul3A_681 = arith.constant 5 : i32
        %mul3A_682 = arith.muli %scan3A_680, %mul3A_681 : i32
        %add3A_683 = arith.constant 0 : i32
        %add3A_684 = arith.addi %add3A_683, %mul3A_682 : i32
        %add3A_685 = arith.constant 0 : i32
        %add3A_686 = arith.addi %add3A_684, %add3A_685 : i32
        %dma_wait3A_687 = arith.constant 0 : i32
        %dma_wait3A_688 = tpu.memref_slice %run_scoped3A[%add3A_686, %dma_wait3A_687] : memref<80x128xi32, #tpu.memory_space<vmem>> -> memref<1x128xi32, #tpu.memory_space<vmem>>
        %dma_wait3A_689 = tpu.memref_squeeze %dma_wait3A_688 : memref<1x128xi32, #tpu.memory_space<vmem>> -> memref<128xi32, #tpu.memory_space<vmem>>
        %dma_wait3A_690 = arith.constant 0 : i32
        %dma_wait3A_691 = arith.constant 0 : i32
        %dma_wait3A_692 = tpu.memref_slice %arg3[%dma_wait3A_690, %dma_wait3A_691] : memref<10240x64xf32, #tpu.memory_space<hbm>> -> memref<10240x64xf32, #tpu.memory_space<hbm>>
        tpu.wait_indirect_dma semaphore(%arg9 : memref<!tpu.dma_semaphore, #tpu.memory_space<semaphore_mem>>) src(%dma_wait3A_692 : memref<10240x64xf32, #tpu.memory_space<hbm>>) dst(%run_scoped3A_1 : memref<128x64xf32, #tpu.memory_space<vmem>>)
        %add3A_693 = arith.constant 0 : i32
        %add3A_694 = arith.addi %add3A_684, %add3A_693 : i32
        %dma_start3A_695 = arith.constant 0 : i32
        %dma_start3A_696 = tpu.memref_slice %run_scoped3A_0[%add3A_694, %dma_start3A_695] : memref<80x128xi32, #tpu.memory_space<vmem>> -> memref<1x128xi32, #tpu.memory_space<vmem>>
        %dma_start3A_697 = tpu.memref_squeeze %dma_start3A_696 : memref<1x128xi32, #tpu.memory_space<vmem>> -> memref<128xi32, #tpu.memory_space<vmem>>
        %dma_start3A_698 = arith.constant 0 : i32
        %dma_start3A_699 = arith.constant 0 : i32
        %dma_start3A_700 = tpu.memref_slice %arg8[%dma_start3A_698, %dma_start3A_699] : memref<10240x64xf32, #tpu.memory_space<vmem_shared>> -> memref<10240x64xf32, #tpu.memory_space<vmem_shared>>
        tpu.enqueue_indirect_dma source(%run_scoped3A_1 : memref<128x64xf32, #tpu.memory_space<vmem>>) target(%dma_start3A_700 : memref<10240x64xf32, #tpu.memory_space<vmem_shared>>) offsets(%dma_start3A_697 : memref<128xi32, #tpu.memory_space<vmem>>) semaphore(%arg14 : memref<!tpu.dma_semaphore, #tpu.memory_space<semaphore_mem>>) {add = true}
        %add3A_701 = arith.constant 1 : i32
        %add3A_702 = arith.addi %add3A_684, %add3A_701 : i32
        %dma_wait3A_703 = arith.constant 0 : i32
        %dma_wait3A_704 = tpu.memref_slice %run_scoped3A[%add3A_702, %dma_wait3A_703] : memref<80x128xi32, #tpu.memory_space<vmem>> -> memref<1x128xi32, #tpu.memory_space<vmem>>
        %dma_wait3A_705 = tpu.memref_squeeze %dma_wait3A_704 : memref<1x128xi32, #tpu.memory_space<vmem>> -> memref<128xi32, #tpu.memory_space<vmem>>
        %dma_wait3A_706 = arith.constant 0 : i32
        %dma_wait3A_707 = arith.constant 0 : i32
        %dma_wait3A_708 = tpu.memref_slice %arg3[%dma_wait3A_706, %dma_wait3A_707] : memref<10240x64xf32, #tpu.memory_space<hbm>> -> memref<10240x64xf32, #tpu.memory_space<hbm>>
        tpu.wait_indirect_dma semaphore(%arg10 : memref<!tpu.dma_semaphore, #tpu.memory_space<semaphore_mem>>) src(%dma_wait3A_708 : memref<10240x64xf32, #tpu.memory_space<hbm>>) dst(%run_scoped3A_2 : memref<128x64xf32, #tpu.memory_space<vmem>>)
        %add3A_709 = arith.constant 1 : i32
        %add3A_710 = arith.addi %add3A_684, %add3A_709 : i32
        %dma_start3A_711 = arith.constant 0 : i32
        %dma_start3A_712 = tpu.memref_slice %run_scoped3A_0[%add3A_710, %dma_start3A_711] : memref<80x128xi32, #tpu.memory_space<vmem>> -> memref<1x128xi32, #tpu.memory_space<vmem>>
        %dma_start3A_713 = tpu.memref_squeeze %dma_start3A_712 : memref<1x128xi32, #tpu.memory_space<vmem>> -> memref<128xi32, #tpu.memory_space<vmem>>
        %dma_start3A_714 = arith.constant 0 : i32
        %dma_start3A_715 = arith.constant 0 : i32
        %dma_start3A_716 = tpu.memref_slice %arg8[%dma_start3A_714, %dma_start3A_715] : memref<10240x64xf32, #tpu.memory_space<vmem_shared>> -> memref<10240x64xf32, #tpu.memory_space<vmem_shared>>
        tpu.enqueue_indirect_dma source(%run_scoped3A_2 : memref<128x64xf32, #tpu.memory_space<vmem>>) target(%dma_start3A_716 : memref<10240x64xf32, #tpu.memory_space<vmem_shared>>) offsets(%dma_start3A_713 : memref<128xi32, #tpu.memory_space<vmem>>) semaphore(%arg15 : memref<!tpu.dma_semaphore, #tpu.memory_space<semaphore_mem>>) {add = true}
        %add3A_717 = arith.constant 2 : i32
        %add3A_718 = arith.addi %add3A_684, %add3A_717 : i32
        %dma_wait3A_719 = arith.constant 0 : i32
        %dma_wait3A_720 = tpu.memref_slice %run_scoped3A[%add3A_718, %dma_wait3A_719] : memref<80x128xi32, #tpu.memory_space<vmem>> -> memref<1x128xi32, #tpu.memory_space<vmem>>
        %dma_wait3A_721 = tpu.memref_squeeze %dma_wait3A_720 : memref<1x128xi32, #tpu.memory_space<vmem>> -> memref<128xi32, #tpu.memory_space<vmem>>
        %dma_wait3A_722 = arith.constant 0 : i32
        %dma_wait3A_723 = arith.constant 0 : i32
        %dma_wait3A_724 = tpu.memref_slice %arg3[%dma_wait3A_722, %dma_wait3A_723] : memref<10240x64xf32, #tpu.memory_space<hbm>> -> memref<10240x64xf32, #tpu.memory_space<hbm>>
        tpu.wait_indirect_dma semaphore(%arg11 : memref<!tpu.dma_semaphore, #tpu.memory_space<semaphore_mem>>) src(%dma_wait3A_724 : memref<10240x64xf32, #tpu.memory_space<hbm>>) dst(%run_scoped3A_3 : memref<128x64xf32, #tpu.memory_space<vmem>>)
        %add3A_725 = arith.constant 2 : i32
        %add3A_726 = arith.addi %add3A_684, %add3A_725 : i32
        %dma_start3A_727 = arith.constant 0 : i32
        %dma_start3A_728 = tpu.memref_slice %run_scoped3A_0[%add3A_726, %dma_start3A_727] : memref<80x128xi32, #tpu.memory_space<vmem>> -> memref<1x128xi32, #tpu.memory_space<vmem>>
        %dma_start3A_729 = tpu.memref_squeeze %dma_start3A_728 : memref<1x128xi32, #tpu.memory_space<vmem>> -> memref<128xi32, #tpu.memory_space<vmem>>
        %dma_start3A_730 = arith.constant 0 : i32
        %dma_start3A_731 = arith.constant 0 : i32
        %dma_start3A_732 = tpu.memref_slice %arg8[%dma_start3A_730, %dma_start3A_731] : memref<10240x64xf32, #tpu.memory_space<vmem_shared>> -> memref<10240x64xf32, #tpu.memory_space<vmem_shared>>
        tpu.enqueue_indirect_dma source(%run_scoped3A_3 : memref<128x64xf32, #tpu.memory_space<vmem>>) target(%dma_start3A_732 : memref<10240x64xf32, #tpu.memory_space<vmem_shared>>) offsets(%dma_start3A_729 : memref<128xi32, #tpu.memory_space<vmem>>) semaphore(%arg16 : memref<!tpu.dma_semaphore, #tpu.memory_space<semaphore_mem>>) {add = true}
        %add3A_733 = arith.constant 3 : i32
        %add3A_734 = arith.addi %add3A_684, %add3A_733 : i32
        %dma_wait3A_735 = arith.constant 0 : i32
        %dma_wait3A_736 = tpu.memref_slice %run_scoped3A[%add3A_734, %dma_wait3A_735] : memref<80x128xi32, #tpu.memory_space<vmem>> -> memref<1x128xi32, #tpu.memory_space<vmem>>
        %dma_wait3A_737 = tpu.memref_squeeze %dma_wait3A_736 : memref<1x128xi32, #tpu.memory_space<vmem>> -> memref<128xi32, #tpu.memory_space<vmem>>
        %dma_wait3A_738 = arith.constant 0 : i32
        %dma_wait3A_739 = arith.constant 0 : i32
        %dma_wait3A_740 = tpu.memref_slice %arg3[%dma_wait3A_738, %dma_wait3A_739] : memref<10240x64xf32, #tpu.memory_space<hbm>> -> memref<10240x64xf32, #tpu.memory_space<hbm>>
        tpu.wait_indirect_dma semaphore(%arg12 : memref<!tpu.dma_semaphore, #tpu.memory_space<semaphore_mem>>) src(%dma_wait3A_740 : memref<10240x64xf32, #tpu.memory_space<hbm>>) dst(%run_scoped3A_4 : memref<128x64xf32, #tpu.memory_space<vmem>>)
        %add3A_741 = arith.constant 3 : i32
        %add3A_742 = arith.addi %add3A_684, %add3A_741 : i32
        %dma_start3A_743 = arith.constant 0 : i32
        %dma_start3A_744 = tpu.memref_slice %run_scoped3A_0[%add3A_742, %dma_start3A_743] : memref<80x128xi32, #tpu.memory_space<vmem>> -> memref<1x128xi32, #tpu.memory_space<vmem>>
        %dma_start3A_745 = tpu.memref_squeeze %dma_start3A_744 : memref<1x128xi32, #tpu.memory_space<vmem>> -> memref<128xi32, #tpu.memory_space<vmem>>
        %dma_start3A_746 = arith.constant 0 : i32
        %dma_start3A_747 = arith.constant 0 : i32
        %dma_start3A_748 = tpu.memref_slice %arg8[%dma_start3A_746, %dma_start3A_747] : memref<10240x64xf32, #tpu.memory_space<vmem_shared>> -> memref<10240x64xf32, #tpu.memory_space<vmem_shared>>
        tpu.enqueue_indirect_dma source(%run_scoped3A_4 : memref<128x64xf32, #tpu.memory_space<vmem>>) target(%dma_start3A_748 : memref<10240x64xf32, #tpu.memory_space<vmem_shared>>) offsets(%dma_start3A_745 : memref<128xi32, #tpu.memory_space<vmem>>) semaphore(%arg17 : memref<!tpu.dma_semaphore, #tpu.memory_space<semaphore_mem>>) {add = true}
        %add3A_749 = arith.constant 4 : i32
        %add3A_750 = arith.addi %add3A_684, %add3A_749 : i32
        %dma_wait3A_751 = arith.constant 0 : i32
        %dma_wait3A_752 = tpu.memref_slice %run_scoped3A[%add3A_750, %dma_wait3A_751] : memref<80x128xi32, #tpu.memory_space<vmem>> -> memref<1x128xi32, #tpu.memory_space<vmem>>
        %dma_wait3A_753 = tpu.memref_squeeze %dma_wait3A_752 : memref<1x128xi32, #tpu.memory_space<vmem>> -> memref<128xi32, #tpu.memory_space<vmem>>
        %dma_wait3A_754 = arith.constant 0 : i32
        %dma_wait3A_755 = arith.constant 0 : i32
        %dma_wait3A_756 = tpu.memref_slice %arg3[%dma_wait3A_754, %dma_wait3A_755] : memref<10240x64xf32, #tpu.memory_space<hbm>> -> memref<10240x64xf32, #tpu.memory_space<hbm>>
        tpu.wait_indirect_dma semaphore(%arg13 : memref<!tpu.dma_semaphore, #tpu.memory_space<semaphore_mem>>) src(%dma_wait3A_756 : memref<10240x64xf32, #tpu.memory_space<hbm>>) dst(%run_scoped3A_5 : memref<128x64xf32, #tpu.memory_space<vmem>>)
        %add3A_757 = arith.constant 4 : i32
        %add3A_758 = arith.addi %add3A_684, %add3A_757 : i32
        %dma_start3A_759 = arith.constant 0 : i32
        %dma_start3A_760 = tpu.memref_slice %run_scoped3A_0[%add3A_758, %dma_start3A_759] : memref<80x128xi32, #tpu.memory_space<vmem>> -> memref<1x128xi32, #tpu.memory_space<vmem>>
        %dma_start3A_761 = tpu.memref_squeeze %dma_start3A_760 : memref<1x128xi32, #tpu.memory_space<vmem>> -> memref<128xi32, #tpu.memory_space<vmem>>
        %dma_start3A_762 = arith.constant 0 : i32
        %dma_start3A_763 = arith.constant 0 : i32
        %dma_start3A_764 = tpu.memref_slice %arg8[%dma_start3A_762, %dma_start3A_763] : memref<10240x64xf32, #tpu.memory_space<vmem_shared>> -> memref<10240x64xf32, #tpu.memory_space<vmem_shared>>
        tpu.enqueue_indirect_dma source(%run_scoped3A_5 : memref<128x64xf32, #tpu.memory_space<vmem>>) target(%dma_start3A_764 : memref<10240x64xf32, #tpu.memory_space<vmem_shared>>) offsets(%dma_start3A_761 : memref<128xi32, #tpu.memory_space<vmem>>) semaphore(%arg18 : memref<!tpu.dma_semaphore, #tpu.memory_space<semaphore_mem>>) {add = true}
        %dma_wait3A_765 = arith.constant 0 : i32
        %dma_wait3A_766 = tpu.memref_slice %run_scoped3A_0[%add3A_694, %dma_wait3A_765] : memref<80x128xi32, #tpu.memory_space<vmem>> -> memref<1x128xi32, #tpu.memory_space<vmem>>
        %dma_wait3A_767 = tpu.memref_squeeze %dma_wait3A_766 : memref<1x128xi32, #tpu.memory_space<vmem>> -> memref<128xi32, #tpu.memory_space<vmem>>
        %dma_wait3A_768 = arith.constant 0 : i32
        %dma_wait3A_769 = arith.constant 0 : i32
        %dma_wait3A_770 = tpu.memref_slice %arg8[%dma_wait3A_768, %dma_wait3A_769] : memref<10240x64xf32, #tpu.memory_space<vmem_shared>> -> memref<10240x64xf32, #tpu.memory_space<vmem_shared>>
        tpu.wait_indirect_dma semaphore(%arg14 : memref<!tpu.dma_semaphore, #tpu.memory_space<semaphore_mem>>) src(%run_scoped3A_1 : memref<128x64xf32, #tpu.memory_space<vmem>>) dst(%dma_wait3A_770 : memref<10240x64xf32, #tpu.memory_space<vmem_shared>>)
        %add3A_771 = arith.constant 5 : i32
        %add3A_772 = arith.addi %add3A_684, %add3A_771 : i32
        %add3A_773 = arith.constant 0 : i32
        %add3A_774 = arith.addi %add3A_772, %add3A_773 : i32
        %dma_start3A_775 = arith.constant 0 : i32
        %dma_start3A_776 = tpu.memref_slice %run_scoped3A[%add3A_774, %dma_start3A_775] : memref<80x128xi32, #tpu.memory_space<vmem>> -> memref<1x128xi32, #tpu.memory_space<vmem>>
        %dma_start3A_777 = tpu.memref_squeeze %dma_start3A_776 : memref<1x128xi32, #tpu.memory_space<vmem>> -> memref<128xi32, #tpu.memory_space<vmem>>
        %dma_start3A_778 = arith.constant 0 : i32
        %dma_start3A_779 = arith.constant 0 : i32
        %dma_start3A_780 = tpu.memref_slice %arg3[%dma_start3A_778, %dma_start3A_779] : memref<10240x64xf32, #tpu.memory_space<hbm>> -> memref<10240x64xf32, #tpu.memory_space<hbm>>
        tpu.enqueue_indirect_dma source(%dma_start3A_780 : memref<10240x64xf32, #tpu.memory_space<hbm>>) target(%run_scoped3A_1 : memref<128x64xf32, #tpu.memory_space<vmem>>) offsets(%dma_start3A_777 : memref<128xi32, #tpu.memory_space<vmem>>) semaphore(%arg9 : memref<!tpu.dma_semaphore, #tpu.memory_space<semaphore_mem>>)
        %dma_wait3A_781 = arith.constant 0 : i32
        %dma_wait3A_782 = tpu.memref_slice %run_scoped3A_0[%add3A_710, %dma_wait3A_781] : memref<80x128xi32, #tpu.memory_space<vmem>> -> memref<1x128xi32, #tpu.memory_space<vmem>>
        %dma_wait3A_783 = tpu.memref_squeeze %dma_wait3A_782 : memref<1x128xi32, #tpu.memory_space<vmem>> -> memref<128xi32, #tpu.memory_space<vmem>>
        %dma_wait3A_784 = arith.constant 0 : i32
        %dma_wait3A_785 = arith.constant 0 : i32
        %dma_wait3A_786 = tpu.memref_slice %arg8[%dma_wait3A_784, %dma_wait3A_785] : memref<10240x64xf32, #tpu.memory_space<vmem_shared>> -> memref<10240x64xf32, #tpu.memory_space<vmem_shared>>
        tpu.wait_indirect_dma semaphore(%arg15 : memref<!tpu.dma_semaphore, #tpu.memory_space<semaphore_mem>>) src(%run_scoped3A_2 : memref<128x64xf32, #tpu.memory_space<vmem>>) dst(%dma_wait3A_786 : memref<10240x64xf32, #tpu.memory_space<vmem_shared>>)
        %add3A_787 = arith.constant 5 : i32
        %add3A_788 = arith.addi %add3A_684, %add3A_787 : i32
        %add3A_789 = arith.constant 1 : i32
        %add3A_790 = arith.addi %add3A_788, %add3A_789 : i32
        %dma_start3A_791 = arith.constant 0 : i32
        %dma_start3A_792 = tpu.memref_slice %run_scoped3A[%add3A_790, %dma_start3A_791] : memref<80x128xi32, #tpu.memory_space<vmem>> -> memref<1x128xi32, #tpu.memory_space<vmem>>
        %dma_start3A_793 = tpu.memref_squeeze %dma_start3A_792 : memref<1x128xi32, #tpu.memory_space<vmem>> -> memref<128xi32, #tpu.memory_space<vmem>>
        %dma_start3A_794 = arith.constant 0 : i32
        %dma_start3A_795 = arith.constant 0 : i32
        %dma_start3A_796 = tpu.memref_slice %arg3[%dma_start3A_794, %dma_start3A_795] : memref<10240x64xf32, #tpu.memory_space<hbm>> -> memref<10240x64xf32, #tpu.memory_space<hbm>>
        tpu.enqueue_indirect_dma source(%dma_start3A_796 : memref<10240x64xf32, #tpu.memory_space<hbm>>) target(%run_scoped3A_2 : memref<128x64xf32, #tpu.memory_space<vmem>>) offsets(%dma_start3A_793 : memref<128xi32, #tpu.memory_space<vmem>>) semaphore(%arg10 : memref<!tpu.dma_semaphore, #tpu.memory_space<semaphore_mem>>)
        %dma_wait3A_797 = arith.constant 0 : i32
        %dma_wait3A_798 = tpu.memref_slice %run_scoped3A_0[%add3A_726, %dma_wait3A_797] : memref<80x128xi32, #tpu.memory_space<vmem>> -> memref<1x128xi32, #tpu.memory_space<vmem>>
        %dma_wait3A_799 = tpu.memref_squeeze %dma_wait3A_798 : memref<1x128xi32, #tpu.memory_space<vmem>> -> memref<128xi32, #tpu.memory_space<vmem>>
        %dma_wait3A_800 = arith.constant 0 : i32
        %dma_wait3A_801 = arith.constant 0 : i32
        %dma_wait3A_802 = tpu.memref_slice %arg8[%dma_wait3A_800, %dma_wait3A_801] : memref<10240x64xf32, #tpu.memory_space<vmem_shared>> -> memref<10240x64xf32, #tpu.memory_space<vmem_shared>>
        tpu.wait_indirect_dma semaphore(%arg16 : memref<!tpu.dma_semaphore, #tpu.memory_space<semaphore_mem>>) src(%run_scoped3A_3 : memref<128x64xf32, #tpu.memory_space<vmem>>) dst(%dma_wait3A_802 : memref<10240x64xf32, #tpu.memory_space<vmem_shared>>)
        %add3A_803 = arith.constant 5 : i32
        %add3A_804 = arith.addi %add3A_684, %add3A_803 : i32
        %add3A_805 = arith.constant 2 : i32
        %add3A_806 = arith.addi %add3A_804, %add3A_805 : i32
        %dma_start3A_807 = arith.constant 0 : i32
        %dma_start3A_808 = tpu.memref_slice %run_scoped3A[%add3A_806, %dma_start3A_807] : memref<80x128xi32, #tpu.memory_space<vmem>> -> memref<1x128xi32, #tpu.memory_space<vmem>>
        %dma_start3A_809 = tpu.memref_squeeze %dma_start3A_808 : memref<1x128xi32, #tpu.memory_space<vmem>> -> memref<128xi32, #tpu.memory_space<vmem>>
        %dma_start3A_810 = arith.constant 0 : i32
        %dma_start3A_811 = arith.constant 0 : i32
        %dma_start3A_812 = tpu.memref_slice %arg3[%dma_start3A_810, %dma_start3A_811] : memref<10240x64xf32, #tpu.memory_space<hbm>> -> memref<10240x64xf32, #tpu.memory_space<hbm>>
        tpu.enqueue_indirect_dma source(%dma_start3A_812 : memref<10240x64xf32, #tpu.memory_space<hbm>>) target(%run_scoped3A_3 : memref<128x64xf32, #tpu.memory_space<vmem>>) offsets(%dma_start3A_809 : memref<128xi32, #tpu.memory_space<vmem>>) semaphore(%arg11 : memref<!tpu.dma_semaphore, #tpu.memory_space<semaphore_mem>>)
        %dma_wait3A_813 = arith.constant 0 : i32
        %dma_wait3A_814 = tpu.memref_slice %run_scoped3A_0[%add3A_742, %dma_wait3A_813] : memref<80x128xi32, #tpu.memory_space<vmem>> -> memref<1x128xi32, #tpu.memory_space<vmem>>
        %dma_wait3A_815 = tpu.memref_squeeze %dma_wait3A_814 : memref<1x128xi32, #tpu.memory_space<vmem>> -> memref<128xi32, #tpu.memory_space<vmem>>
        %dma_wait3A_816 = arith.constant 0 : i32
        %dma_wait3A_817 = arith.constant 0 : i32
        %dma_wait3A_818 = tpu.memref_slice %arg8[%dma_wait3A_816, %dma_wait3A_817] : memref<10240x64xf32, #tpu.memory_space<vmem_shared>> -> memref<10240x64xf32, #tpu.memory_space<vmem_shared>>
        tpu.wait_indirect_dma semaphore(%arg17 : memref<!tpu.dma_semaphore, #tpu.memory_space<semaphore_mem>>) src(%run_scoped3A_4 : memref<128x64xf32, #tpu.memory_space<vmem>>) dst(%dma_wait3A_818 : memref<10240x64xf32, #tpu.memory_space<vmem_shared>>)
        %add3A_819 = arith.constant 5 : i32
        %add3A_820 = arith.addi %add3A_684, %add3A_819 : i32
        %add3A_821 = arith.constant 3 : i32
        %add3A_822 = arith.addi %add3A_820, %add3A_821 : i32
        %dma_start3A_823 = arith.constant 0 : i32
        %dma_start3A_824 = tpu.memref_slice %run_scoped3A[%add3A_822, %dma_start3A_823] : memref<80x128xi32, #tpu.memory_space<vmem>> -> memref<1x128xi32, #tpu.memory_space<vmem>>
        %dma_start3A_825 = tpu.memref_squeeze %dma_start3A_824 : memref<1x128xi32, #tpu.memory_space<vmem>> -> memref<128xi32, #tpu.memory_space<vmem>>
        %dma_start3A_826 = arith.constant 0 : i32
        %dma_start3A_827 = arith.constant 0 : i32
        %dma_start3A_828 = tpu.memref_slice %arg3[%dma_start3A_826, %dma_start3A_827] : memref<10240x64xf32, #tpu.memory_space<hbm>> -> memref<10240x64xf32, #tpu.memory_space<hbm>>
        tpu.enqueue_indirect_dma source(%dma_start3A_828 : memref<10240x64xf32, #tpu.memory_space<hbm>>) target(%run_scoped3A_4 : memref<128x64xf32, #tpu.memory_space<vmem>>) offsets(%dma_start3A_825 : memref<128xi32, #tpu.memory_space<vmem>>) semaphore(%arg12 : memref<!tpu.dma_semaphore, #tpu.memory_space<semaphore_mem>>)
        %dma_wait3A_829 = arith.constant 0 : i32
        %dma_wait3A_830 = tpu.memref_slice %run_scoped3A_0[%add3A_758, %dma_wait3A_829] : memref<80x128xi32, #tpu.memory_space<vmem>> -> memref<1x128xi32, #tpu.memory_space<vmem>>
        %dma_wait3A_831 = tpu.memref_squeeze %dma_wait3A_830 : memref<1x128xi32, #tpu.memory_space<vmem>> -> memref<128xi32, #tpu.memory_space<vmem>>
        %dma_wait3A_832 = arith.constant 0 : i32
        %dma_wait3A_833 = arith.constant 0 : i32
        %dma_wait3A_834 = tpu.memref_slice %arg8[%dma_wait3A_832, %dma_wait3A_833] : memref<10240x64xf32, #tpu.memory_space<vmem_shared>> -> memref<10240x64xf32, #tpu.memory_space<vmem_shared>>
        tpu.wait_indirect_dma semaphore(%arg18 : memref<!tpu.dma_semaphore, #tpu.memory_space<semaphore_mem>>) src(%run_scoped3A_5 : memref<128x64xf32, #tpu.memory_space<vmem>>) dst(%dma_wait3A_834 : memref<10240x64xf32, #tpu.memory_space<vmem_shared>>)
        %add3A_835 = arith.constant 5 : i32
        %add3A_836 = arith.addi %add3A_684, %add3A_835 : i32
        %add3A_837 = arith.constant 4 : i32
        %add3A_838 = arith.addi %add3A_836, %add3A_837 : i32
        %dma_start3A_839 = arith.constant 0 : i32
        %dma_start3A_840 = tpu.memref_slice %run_scoped3A[%add3A_838, %dma_start3A_839] : memref<80x128xi32, #tpu.memory_space<vmem>> -> memref<1x128xi32, #tpu.memory_space<vmem>>
        %dma_start3A_841 = tpu.memref_squeeze %dma_start3A_840 : memref<1x128xi32, #tpu.memory_space<vmem>> -> memref<128xi32, #tpu.memory_space<vmem>>
        %dma_start3A_842 = arith.constant 0 : i32
        %dma_start3A_843 = arith.constant 0 : i32
        %dma_start3A_844 = tpu.memref_slice %arg3[%dma_start3A_842, %dma_start3A_843] : memref<10240x64xf32, #tpu.memory_space<hbm>> -> memref<10240x64xf32, #tpu.memory_space<hbm>>
        tpu.enqueue_indirect_dma source(%dma_start3A_844 : memref<10240x64xf32, #tpu.memory_space<hbm>>) target(%run_scoped3A_5 : memref<128x64xf32, #tpu.memory_space<vmem>>) offsets(%dma_start3A_841 : memref<128xi32, #tpu.memory_space<vmem>>) semaphore(%arg13 : memref<!tpu.dma_semaphore, #tpu.memory_space<semaphore_mem>>)
      }
      %scan3A_442 = arith.constant 15 : i32
      %dma_wait3A_443 = arith.constant 75 : i32
      %dma_wait3A_444 = arith.constant 0 : i32
      %dma_wait3A_445 = tpu.memref_slice %run_scoped3A[%dma_wait3A_443, %dma_wait3A_444] : memref<80x128xi32, #tpu.memory_space<vmem>> -> memref<1x128xi32, #tpu.memory_space<vmem>>
      %dma_wait3A_446 = tpu.memref_squeeze %dma_wait3A_445 : memref<1x128xi32, #tpu.memory_space<vmem>> -> memref<128xi32, #tpu.memory_space<vmem>>
      %dma_wait3A_447 = arith.constant 0 : i32
      %dma_wait3A_448 = arith.constant 0 : i32
      %dma_wait3A_449 = tpu.memref_slice %arg3[%dma_wait3A_447, %dma_wait3A_448] : memref<10240x64xf32, #tpu.memory_space<hbm>> -> memref<10240x64xf32, #tpu.memory_space<hbm>>
      tpu.wait_indirect_dma semaphore(%arg9 : memref<!tpu.dma_semaphore, #tpu.memory_space<semaphore_mem>>) src(%dma_wait3A_449 : memref<10240x64xf32, #tpu.memory_space<hbm>>) dst(%run_scoped3A_1 : memref<128x64xf32, #tpu.memory_space<vmem>>)
      %dma_start3A_450 = arith.constant 75 : i32
      %dma_start3A_451 = arith.constant 0 : i32
      %dma_start3A_452 = tpu.memref_slice %run_scoped3A_0[%dma_start3A_450, %dma_start3A_451] : memref<80x128xi32, #tpu.memory_space<vmem>> -> memref<1x128xi32, #tpu.memory_space<vmem>>
      %dma_start3A_453 = tpu.memref_squeeze %dma_start3A_452 : memref<1x128xi32, #tpu.memory_space<vmem>> -> memref<128xi32, #tpu.memory_space<vmem>>
      %dma_start3A_454 = arith.constant 0 : i32
      %dma_start3A_455 = arith.constant 0 : i32
      %dma_start3A_456 = tpu.memref_slice %arg8[%dma_start3A_454, %dma_start3A_455] : memref<10240x64xf32, #tpu.memory_space<vmem_shared>> -> memref<10240x64xf32, #tpu.memory_space<vmem_shared>>
      tpu.enqueue_indirect_dma source(%run_scoped3A_1 : memref<128x64xf32, #tpu.memory_space<vmem>>) target(%dma_start3A_456 : memref<10240x64xf32, #tpu.memory_space<vmem_shared>>) offsets(%dma_start3A_453 : memref<128xi32, #tpu.memory_space<vmem>>) semaphore(%arg14 : memref<!tpu.dma_semaphore, #tpu.memory_space<semaphore_mem>>) {add = true}
      %dma_wait3A_457 = arith.constant 76 : i32
      %dma_wait3A_458 = arith.constant 0 : i32
      %dma_wait3A_459 = tpu.memref_slice %run_scoped3A[%dma_wait3A_457, %dma_wait3A_458] : memref<80x128xi32, #tpu.memory_space<vmem>> -> memref<1x128xi32, #tpu.memory_space<vmem>>
      %dma_wait3A_460 = tpu.memref_squeeze %dma_wait3A_459 : memref<1x128xi32, #tpu.memory_space<vmem>> -> memref<128xi32, #tpu.memory_space<vmem>>
      %dma_wait3A_461 = arith.constant 0 : i32
      %dma_wait3A_462 = arith.constant 0 : i32
      %dma_wait3A_463 = tpu.memref_slice %arg3[%dma_wait3A_461, %dma_wait3A_462] : memref<10240x64xf32, #tpu.memory_space<hbm>> -> memref<10240x64xf32, #tpu.memory_space<hbm>>
      tpu.wait_indirect_dma semaphore(%arg10 : memref<!tpu.dma_semaphore, #tpu.memory_space<semaphore_mem>>) src(%dma_wait3A_463 : memref<10240x64xf32, #tpu.memory_space<hbm>>) dst(%run_scoped3A_2 : memref<128x64xf32, #tpu.memory_space<vmem>>)
      %dma_start3A_464 = arith.constant 76 : i32
      %dma_start3A_465 = arith.constant 0 : i32
      %dma_start3A_466 = tpu.memref_slice %run_scoped3A_0[%dma_start3A_464, %dma_start3A_465] : memref<80x128xi32, #tpu.memory_space<vmem>> -> memref<1x128xi32, #tpu.memory_space<vmem>>
      %dma_start3A_467 = tpu.memref_squeeze %dma_start3A_466 : memref<1x128xi32, #tpu.memory_space<vmem>> -> memref<128xi32, #tpu.memory_space<vmem>>
      %dma_start3A_468 = arith.constant 0 : i32
      %dma_start3A_469 = arith.constant 0 : i32
      %dma_start3A_470 = tpu.memref_slice %arg8[%dma_start3A_468, %dma_start3A_469] : memref<10240x64xf32, #tpu.memory_space<vmem_shared>> -> memref<10240x64xf32, #tpu.memory_space<vmem_shared>>
      tpu.enqueue_indirect_dma source(%run_scoped3A_2 : memref<128x64xf32, #tpu.memory_space<vmem>>) target(%dma_start3A_470 : memref<10240x64xf32, #tpu.memory_space<vmem_shared>>) offsets(%dma_start3A_467 : memref<128xi32, #tpu.memory_space<vmem>>) semaphore(%arg15 : memref<!tpu.dma_semaphore, #tpu.memory_space<semaphore_mem>>) {add = true}
      %dma_wait3A_471 = arith.constant 77 : i32
      %dma_wait3A_472 = arith.constant 0 : i32
      %dma_wait3A_473 = tpu.memref_slice %run_scoped3A[%dma_wait3A_471, %dma_wait3A_472] : memref<80x128xi32, #tpu.memory_space<vmem>> -> memref<1x128xi32, #tpu.memory_space<vmem>>
      %dma_wait3A_474 = tpu.memref_squeeze %dma_wait3A_473 : memref<1x128xi32, #tpu.memory_space<vmem>> -> memref<128xi32, #tpu.memory_space<vmem>>
      %dma_wait3A_475 = arith.constant 0 : i32
      %dma_wait3A_476 = arith.constant 0 : i32
      %dma_wait3A_477 = tpu.memref_slice %arg3[%dma_wait3A_475, %dma_wait3A_476] : memref<10240x64xf32, #tpu.memory_space<hbm>> -> memref<10240x64xf32, #tpu.memory_space<hbm>>
      tpu.wait_indirect_dma semaphore(%arg11 : memref<!tpu.dma_semaphore, #tpu.memory_space<semaphore_mem>>) src(%dma_wait3A_477 : memref<10240x64xf32, #tpu.memory_space<hbm>>) dst(%run_scoped3A_3 : memref<128x64xf32, #tpu.memory_space<vmem>>)
      %dma_start3A_478 = arith.constant 77 : i32
      %dma_start3A_479 = arith.constant 0 : i32
      %dma_start3A_480 = tpu.memref_slice %run_scoped3A_0[%dma_start3A_478, %dma_start3A_479] : memref<80x128xi32, #tpu.memory_space<vmem>> -> memref<1x128xi32, #tpu.memory_space<vmem>>
      %dma_start3A_481 = tpu.memref_squeeze %dma_start3A_480 : memref<1x128xi32, #tpu.memory_space<vmem>> -> memref<128xi32, #tpu.memory_space<vmem>>
      %dma_start3A_482 = arith.constant 0 : i32
      %dma_start3A_483 = arith.constant 0 : i32
      %dma_start3A_484 = tpu.memref_slice %arg8[%dma_start3A_482, %dma_start3A_483] : memref<10240x64xf32, #tpu.memory_space<vmem_shared>> -> memref<10240x64xf32, #tpu.memory_space<vmem_shared>>
      tpu.enqueue_indirect_dma source(%run_scoped3A_3 : memref<128x64xf32, #tpu.memory_space<vmem>>) target(%dma_start3A_484 : memref<10240x64xf32, #tpu.memory_space<vmem_shared>>) offsets(%dma_start3A_481 : memref<128xi32, #tpu.memory_space<vmem>>) semaphore(%arg16 : memref<!tpu.dma_semaphore, #tpu.memory_space<semaphore_mem>>) {add = true}
      %dma_wait3A_485 = arith.constant 78 : i32
      %dma_wait3A_486 = arith.constant 0 : i32
      %dma_wait3A_487 = tpu.memref_slice %run_scoped3A[%dma_wait3A_485, %dma_wait3A_486] : memref<80x128xi32, #tpu.memory_space<vmem>> -> memref<1x128xi32, #tpu.memory_space<vmem>>
      %dma_wait3A_488 = tpu.memref_squeeze %dma_wait3A_487 : memref<1x128xi32, #tpu.memory_space<vmem>> -> memref<128xi32, #tpu.memory_space<vmem>>
      %dma_wait3A_489 = arith.constant 0 : i32
      %dma_wait3A_490 = arith.constant 0 : i32
      %dma_wait3A_491 = tpu.memref_slice %arg3[%dma_wait3A_489, %dma_wait3A_490] : memref<10240x64xf32, #tpu.memory_space<hbm>> -> memref<10240x64xf32, #tpu.memory_space<hbm>>
      tpu.wait_indirect_dma semaphore(%arg12 : memref<!tpu.dma_semaphore, #tpu.memory_space<semaphore_mem>>) src(%dma_wait3A_491 : memref<10240x64xf32, #tpu.memory_space<hbm>>) dst(%run_scoped3A_4 : memref<128x64xf32, #tpu.memory_space<vmem>>)
      %dma_start3A_492 = arith.constant 78 : i32
      %dma_start3A_493 = arith.constant 0 : i32
      %dma_start3A_494 = tpu.memref_slice %run_scoped3A_0[%dma_start3A_492, %dma_start3A_493] : memref<80x128xi32, #tpu.memory_space<vmem>> -> memref<1x128xi32, #tpu.memory_space<vmem>>
      %dma_start3A_495 = tpu.memref_squeeze %dma_start3A_494 : memref<1x128xi32, #tpu.memory_space<vmem>> -> memref<128xi32, #tpu.memory_space<vmem>>
      %dma_start3A_496 = arith.constant 0 : i32
      %dma_start3A_497 = arith.constant 0 : i32
      %dma_start3A_498 = tpu.memref_slice %arg8[%dma_start3A_496, %dma_start3A_497] : memref<10240x64xf32, #tpu.memory_space<vmem_shared>> -> memref<10240x64xf32, #tpu.memory_space<vmem_shared>>
      tpu.enqueue_indirect_dma source(%run_scoped3A_4 : memref<128x64xf32, #tpu.memory_space<vmem>>) target(%dma_start3A_498 : memref<10240x64xf32, #tpu.memory_space<vmem_shared>>) offsets(%dma_start3A_495 : memref<128xi32, #tpu.memory_space<vmem>>) semaphore(%arg17 : memref<!tpu.dma_semaphore, #tpu.memory_space<semaphore_mem>>) {add = true}
      %dma_wait3A_499 = arith.constant 79 : i32
      %dma_wait3A_500 = arith.constant 0 : i32
      %dma_wait3A_501 = tpu.memref_slice %run_scoped3A[%dma_wait3A_499, %dma_wait3A_500] : memref<80x128xi32, #tpu.memory_space<vmem>> -> memref<1x128xi32, #tpu.memory_space<vmem>>
      %dma_wait3A_502 = tpu.memref_squeeze %dma_wait3A_501 : memref<1x128xi32, #tpu.memory_space<vmem>> -> memref<128xi32, #tpu.memory_space<vmem>>
      %dma_wait3A_503 = arith.constant 0 : i32
      %dma_wait3A_504 = arith.constant 0 : i32
      %dma_wait3A_505 = tpu.memref_slice %arg3[%dma_wait3A_503, %dma_wait3A_504] : memref<10240x64xf32, #tpu.memory_space<hbm>> -> memref<10240x64xf32, #tpu.memory_space<hbm>>
      tpu.wait_indirect_dma semaphore(%arg13 : memref<!tpu.dma_semaphore, #tpu.memory_space<semaphore_mem>>) src(%dma_wait3A_505 : memref<10240x64xf32, #tpu.memory_space<hbm>>) dst(%run_scoped3A_5 : memref<128x64xf32, #tpu.memory_space<vmem>>)
      %dma_start3A_506 = arith.constant 79 : i32
      %dma_start3A_507 = arith.constant 0 : i32
      %dma_start3A_508 = tpu.memref_slice %run_scoped3A_0[%dma_start3A_506, %dma_start3A_507] : memref<80x128xi32, #tpu.memory_space<vmem>> -> memref<1x128xi32, #tpu.memory_space<vmem>>
      %dma_start3A_509 = tpu.memref_squeeze %dma_start3A_508 : memref<1x128xi32, #tpu.memory_space<vmem>> -> memref<128xi32, #tpu.memory_space<vmem>>
      %dma_start3A_510 = arith.constant 0 : i32
      %dma_start3A_511 = arith.constant 0 : i32
      %dma_start3A_512 = tpu.memref_slice %arg8[%dma_start3A_510, %dma_start3A_511] : memref<10240x64xf32, #tpu.memory_space<vmem_shared>> -> memref<10240x64xf32, #tpu.memory_space<vmem_shared>>
      tpu.enqueue_indirect_dma source(%run_scoped3A_5 : memref<128x64xf32, #tpu.memory_space<vmem>>) target(%dma_start3A_512 : memref<10240x64xf32, #tpu.memory_space<vmem_shared>>) offsets(%dma_start3A_509 : memref<128xi32, #tpu.memory_space<vmem>>) semaphore(%arg18 : memref<!tpu.dma_semaphore, #tpu.memory_space<semaphore_mem>>) {add = true}
      %dma_wait3A_513 = arith.constant 75 : i32
      %dma_wait3A_514 = arith.constant 0 : i32
      %dma_wait3A_515 = tpu.memref_slice %run_scoped3A_0[%dma_wait3A_513, %dma_wait3A_514] : memref<80x128xi32, #tpu.memory_space<vmem>> -> memref<1x128xi32, #tpu.memory_space<vmem>>
      %dma_wait3A_516 = tpu.memref_squeeze %dma_wait3A_515 : memref<1x128xi32, #tpu.memory_space<vmem>> -> memref<128xi32, #tpu.memory_space<vmem>>
      %dma_wait3A_517 = arith.constant 0 : i32
      %dma_wait3A_518 = arith.constant 0 : i32
      %dma_wait3A_519 = tpu.memref_slice %arg8[%dma_wait3A_517, %dma_wait3A_518] : memref<10240x64xf32, #tpu.memory_space<vmem_shared>> -> memref<10240x64xf32, #tpu.memory_space<vmem_shared>>
      tpu.wait_indirect_dma semaphore(%arg14 : memref<!tpu.dma_semaphore, #tpu.memory_space<semaphore_mem>>) src(%run_scoped3A_1 : memref<128x64xf32, #tpu.memory_space<vmem>>) dst(%dma_wait3A_519 : memref<10240x64xf32, #tpu.memory_space<vmem_shared>>)
      %dma_wait3A_520 = arith.constant 76 : i32
      %dma_wait3A_521 = arith.constant 0 : i32
      %dma_wait3A_522 = tpu.memref_slice %run_scoped3A_0[%dma_wait3A_520, %dma_wait3A_521] : memref<80x128xi32, #tpu.memory_space<vmem>> -> memref<1x128xi32, #tpu.memory_space<vmem>>
      %dma_wait3A_523 = tpu.memref_squeeze %dma_wait3A_522 : memref<1x128xi32, #tpu.memory_space<vmem>> -> memref<128xi32, #tpu.memory_space<vmem>>
      %dma_wait3A_524 = arith.constant 0 : i32
      %dma_wait3A_525 = arith.constant 0 : i32
      %dma_wait3A_526 = tpu.memref_slice %arg8[%dma_wait3A_524, %dma_wait3A_525] : memref<10240x64xf32, #tpu.memory_space<vmem_shared>> -> memref<10240x64xf32, #tpu.memory_space<vmem_shared>>
      tpu.wait_indirect_dma semaphore(%arg15 : memref<!tpu.dma_semaphore, #tpu.memory_space<semaphore_mem>>) src(%run_scoped3A_2 : memref<128x64xf32, #tpu.memory_space<vmem>>) dst(%dma_wait3A_526 : memref<10240x64xf32, #tpu.memory_space<vmem_shared>>)
      %dma_wait3A_527 = arith.constant 77 : i32
      %dma_wait3A_528 = arith.constant 0 : i32
      %dma_wait3A_529 = tpu.memref_slice %run_scoped3A_0[%dma_wait3A_527, %dma_wait3A_528] : memref<80x128xi32, #tpu.memory_space<vmem>> -> memref<1x128xi32, #tpu.memory_space<vmem>>
      %dma_wait3A_530 = tpu.memref_squeeze %dma_wait3A_529 : memref<1x128xi32, #tpu.memory_space<vmem>> -> memref<128xi32, #tpu.memory_space<vmem>>
      %dma_wait3A_531 = arith.constant 0 : i32
      %dma_wait3A_532 = arith.constant 0 : i32
      %dma_wait3A_533 = tpu.memref_slice %arg8[%dma_wait3A_531, %dma_wait3A_532] : memref<10240x64xf32, #tpu.memory_space<vmem_shared>> -> memref<10240x64xf32, #tpu.memory_space<vmem_shared>>
      tpu.wait_indirect_dma semaphore(%arg16 : memref<!tpu.dma_semaphore, #tpu.memory_space<semaphore_mem>>) src(%run_scoped3A_3 : memref<128x64xf32, #tpu.memory_space<vmem>>) dst(%dma_wait3A_533 : memref<10240x64xf32, #tpu.memory_space<vmem_shared>>)
      %dma_wait3A_534 = arith.constant 78 : i32
      %dma_wait3A_535 = arith.constant 0 : i32
      %dma_wait3A_536 = tpu.memref_slice %run_scoped3A_0[%dma_wait3A_534, %dma_wait3A_535] : memref<80x128xi32, #tpu.memory_space<vmem>> -> memref<1x128xi32, #tpu.memory_space<vmem>>
      %dma_wait3A_537 = tpu.memref_squeeze %dma_wait3A_536 : memref<1x128xi32, #tpu.memory_space<vmem>> -> memref<128xi32, #tpu.memory_space<vmem>>
      %dma_wait3A_538 = arith.constant 0 : i32
      %dma_wait3A_539 = arith.constant 0 : i32
      %dma_wait3A_540 = tpu.memref_slice %arg8[%dma_wait3A_538, %dma_wait3A_539] : memref<10240x64xf32, #tpu.memory_space<vmem_shared>> -> memref<10240x64xf32, #tpu.memory_space<vmem_shared>>
      tpu.wait_indirect_dma semaphore(%arg17 : memref<!tpu.dma_semaphore, #tpu.memory_space<semaphore_mem>>) src(%run_scoped3A_4 : memref<128x64xf32, #tpu.memory_space<vmem>>) dst(%dma_wait3A_540 : memref<10240x64xf32, #tpu.memory_space<vmem_shared>>)
      %dma_wait3A_541 = arith.constant 79 : i32
      %dma_wait3A_542 = arith.constant 0 : i32
      %dma_wait3A_543 = tpu.memref_slice %run_scoped3A_0[%dma_wait3A_541, %dma_wait3A_542] : memref<80x128xi32, #tpu.memory_space<vmem>> -> memref<1x128xi32, #tpu.memory_space<vmem>>
      %dma_wait3A_544 = tpu.memref_squeeze %dma_wait3A_543 : memref<1x128xi32, #tpu.memory_space<vmem>> -> memref<128xi32, #tpu.memory_space<vmem>>
      %dma_wait3A_545 = arith.constant 0 : i32
      %dma_wait3A_546 = arith.constant 0 : i32
      %dma_wait3A_547 = tpu.memref_slice %arg8[%dma_wait3A_545, %dma_wait3A_546] : memref<10240x64xf32, #tpu.memory_space<vmem_shared>> -> memref<10240x64xf32, #tpu.memory_space<vmem_shared>>
      tpu.wait_indirect_dma semaphore(%arg18 : memref<!tpu.dma_semaphore, #tpu.memory_space<semaphore_mem>>) src(%run_scoped3A_5 : memref<128x64xf32, #tpu.memory_space<vmem>>) dst(%dma_wait3A_547 : memref<10240x64xf32, #tpu.memory_space<vmem_shared>>)
      %barrier3A_548 = arith.constant 0 : index
      tpu.barrier barrier_id(%barrier3A_548)
      %mul3A_549 = arith.constant 640 : i32
      %mul3A_550 = arith.muli %arg1, %mul3A_549 : i32
      %add3A_551 = arith.constant 0 : i32
      %add3A_552 = arith.addi %mul3A_550, %add3A_551 : i32
      %dma_start3A_553 = arith.constant 0 : i32
      %dma_start3A_554 = tpu.memref_slice %arg8[%add3A_552, %dma_start3A_553] : memref<10240x64xf32, #tpu.memory_space<vmem_shared>> -> memref<128x64xf32, #tpu.memory_space<vmem_shared>>
      %dma_start3A_555 = arith.constant 0 : i32
      %dma_start3A_556 = tpu.memref_slice %arg8[%add3A_552, %dma_start3A_555] : memref<10240x64xf32, #tpu.memory_space<vmem_shared>> -> memref<128x64xf32, #tpu.memory_space<vmem_shared>>
      tpu.enqueue_dma source(%dma_start3A_556 : memref<128x64xf32, #tpu.memory_space<vmem_shared>>) target(%run_scoped3A_1 : memref<128x64xf32, #tpu.memory_space<vmem>>) target_semaphore(%arg9 : memref<!tpu.dma_semaphore, #tpu.memory_space<semaphore_mem>>)
      %mul3A_557 = arith.constant 640 : i32
      %mul3A_558 = arith.muli %arg1, %mul3A_557 : i32
      %add3A_559 = arith.constant 128 : i32
      %add3A_560 = arith.addi %mul3A_558, %add3A_559 : i32
      %dma_start3A_561 = arith.constant 0 : i32
      %dma_start3A_562 = tpu.memref_slice %arg8[%add3A_560, %dma_start3A_561] : memref<10240x64xf32, #tpu.memory_space<vmem_shared>> -> memref<128x64xf32, #tpu.memory_space<vmem_shared>>
      %dma_start3A_563 = arith.constant 0 : i32
      %dma_start3A_564 = tpu.memref_slice %arg8[%add3A_560, %dma_start3A_563] : memref<10240x64xf32, #tpu.memory_space<vmem_shared>> -> memref<128x64xf32, #tpu.memory_space<vmem_shared>>
      tpu.enqueue_dma source(%dma_start3A_564 : memref<128x64xf32, #tpu.memory_space<vmem_shared>>) target(%run_scoped3A_2 : memref<128x64xf32, #tpu.memory_space<vmem>>) target_semaphore(%arg10 : memref<!tpu.dma_semaphore, #tpu.memory_space<semaphore_mem>>)
      %mul3A_565 = arith.constant 640 : i32
      %mul3A_566 = arith.muli %arg1, %mul3A_565 : i32
      %add3A_567 = arith.constant 256 : i32
      %add3A_568 = arith.addi %mul3A_566, %add3A_567 : i32
      %dma_start3A_569 = arith.constant 0 : i32
      %dma_start3A_570 = tpu.memref_slice %arg8[%add3A_568, %dma_start3A_569] : memref<10240x64xf32, #tpu.memory_space<vmem_shared>> -> memref<128x64xf32, #tpu.memory_space<vmem_shared>>
      %dma_start3A_571 = arith.constant 0 : i32
      %dma_start3A_572 = tpu.memref_slice %arg8[%add3A_568, %dma_start3A_571] : memref<10240x64xf32, #tpu.memory_space<vmem_shared>> -> memref<128x64xf32, #tpu.memory_space<vmem_shared>>
      tpu.enqueue_dma source(%dma_start3A_572 : memref<128x64xf32, #tpu.memory_space<vmem_shared>>) target(%run_scoped3A_3 : memref<128x64xf32, #tpu.memory_space<vmem>>) target_semaphore(%arg11 : memref<!tpu.dma_semaphore, #tpu.memory_space<semaphore_mem>>)
      %mul3A_573 = arith.constant 640 : i32
      %mul3A_574 = arith.muli %arg1, %mul3A_573 : i32
      %add3A_575 = arith.constant 384 : i32
      %add3A_576 = arith.addi %mul3A_574, %add3A_575 : i32
      %dma_start3A_577 = arith.constant 0 : i32
      %dma_start3A_578 = tpu.memref_slice %arg8[%add3A_576, %dma_start3A_577] : memref<10240x64xf32, #tpu.memory_space<vmem_shared>> -> memref<128x64xf32, #tpu.memory_space<vmem_shared>>
      %dma_start3A_579 = arith.constant 0 : i32
      %dma_start3A_580 = tpu.memref_slice %arg8[%add3A_576, %dma_start3A_579] : memref<10240x64xf32, #tpu.memory_space<vmem_shared>> -> memref<128x64xf32, #tpu.memory_space<vmem_shared>>
      tpu.enqueue_dma source(%dma_start3A_580 : memref<128x64xf32, #tpu.memory_space<vmem_shared>>) target(%run_scoped3A_4 : memref<128x64xf32, #tpu.memory_space<vmem>>) target_semaphore(%arg12 : memref<!tpu.dma_semaphore, #tpu.memory_space<semaphore_mem>>)
      %mul3A_581 = arith.constant 640 : i32
      %mul3A_582 = arith.muli %arg1, %mul3A_581 : i32
      %add3A_583 = arith.constant 512 : i32
      %add3A_584 = arith.addi %mul3A_582, %add3A_583 : i32
      %dma_start3A_585 = arith.constant 0 : i32
      %dma_start3A_586 = tpu.memref_slice %arg8[%add3A_584, %dma_start3A_585] : memref<10240x64xf32, #tpu.memory_space<vmem_shared>> -> memref<128x64xf32, #tpu.memory_space<vmem_shared>>
      %dma_start3A_587 = arith.constant 0 : i32
      %dma_start3A_588 = tpu.memref_slice %arg8[%add3A_584, %dma_start3A_587] : memref<10240x64xf32, #tpu.memory_space<vmem_shared>> -> memref<128x64xf32, #tpu.memory_space<vmem_shared>>
      tpu.enqueue_dma source(%dma_start3A_588 : memref<128x64xf32, #tpu.memory_space<vmem_shared>>) target(%run_scoped3A_5 : memref<128x64xf32, #tpu.memory_space<vmem>>) target_semaphore(%arg13 : memref<!tpu.dma_semaphore, #tpu.memory_space<semaphore_mem>>)
      %mul3A_589 = arith.constant 640 : i32
      %mul3A_590 = arith.muli %arg1, %mul3A_589 : i32
      %add3A_591 = arith.constant 0 : i32
      %add3A_592 = arith.addi %mul3A_590, %add3A_591 : i32
      %dma_wait3A_593 = arith.constant 0 : i32
      %dma_wait3A_594 = tpu.memref_slice %arg8[%add3A_552, %dma_wait3A_593] : memref<10240x64xf32, #tpu.memory_space<vmem_shared>> -> memref<128x64xf32, #tpu.memory_space<vmem_shared>>
      %dma_wait3A_595 = arith.constant 0 : i32
      %dma_wait3A_596 = tpu.memref_slice %arg8[%add3A_552, %dma_wait3A_595] : memref<10240x64xf32, #tpu.memory_space<vmem_shared>> -> memref<128x64xf32, #tpu.memory_space<vmem_shared>>
      tpu.wait_dma2 semaphore(%arg9 : memref<!tpu.dma_semaphore, #tpu.memory_space<semaphore_mem>>) src(%dma_wait3A_596 : memref<128x64xf32, #tpu.memory_space<vmem_shared>>) dst(%run_scoped3A_1 : memref<128x64xf32, #tpu.memory_space<vmem>>)
      %eq3A_597 = arith.constant 0 : i32
      %eq3A_598 = arith.cmpi eq, %arg0, %eq3A_597 : i32
      %convert_element_type3A_599 = arith.extui %eq3A_598 : i1 to i32
      %cond3A_600 = arith.constant 0 : i32
      %cond3A_601 = arith.cmpi ne, %convert_element_type3A_599, %cond3A_600 : i32
      scf.if %cond3A_601 {
        %run_scoped3A_680 = arith.constant 2 : i32
        "tpu.region"() ({
          %run_scoped3A_681 = tpu.sem_alloc : memref<!tpu.dma_semaphore, #tpu.memory_space<semaphore_mem>>
          %dma_start3A_682 = arith.constant 0 : i32
          %dma_start3A_683 = tpu.memref_slice %arg7[%run_scoped3A_680, %add3A_592, %dma_start3A_682] : memref<4x10240x64xf32, #tpu.memory_space<hbm>> -> memref<1x128x64xf32, #tpu.memory_space<hbm>>
          %dma_start3A_684 = tpu.memref_squeeze %dma_start3A_683 : memref<1x128x64xf32, #tpu.memory_space<hbm>> -> memref<128x64xf32, #tpu.memory_space<hbm>>
          %dma_start3A_685 = arith.constant 0 : i32
          %dma_start3A_686 = tpu.memref_slice %arg7[%run_scoped3A_680, %add3A_592, %dma_start3A_685] : memref<4x10240x64xf32, #tpu.memory_space<hbm>> -> memref<1x128x64xf32, #tpu.memory_space<hbm>>
          %dma_start3A_687 = tpu.memref_squeeze %dma_start3A_686 : memref<1x128x64xf32, #tpu.memory_space<hbm>> -> memref<128x64xf32, #tpu.memory_space<hbm>>
          tpu.enqueue_dma source(%run_scoped3A_1 : memref<128x64xf32, #tpu.memory_space<vmem>>) target(%dma_start3A_687 : memref<128x64xf32, #tpu.memory_space<hbm>>) target_semaphore(%run_scoped3A_681 : memref<!tpu.dma_semaphore, #tpu.memory_space<semaphore_mem>>)
          %dma_wait3A_688 = arith.constant 0 : i32
          %dma_wait3A_689 = tpu.memref_slice %arg7[%run_scoped3A_680, %add3A_592, %dma_wait3A_688] : memref<4x10240x64xf32, #tpu.memory_space<hbm>> -> memref<1x128x64xf32, #tpu.memory_space<hbm>>
          %dma_wait3A_690 = tpu.memref_squeeze %dma_wait3A_689 : memref<1x128x64xf32, #tpu.memory_space<hbm>> -> memref<128x64xf32, #tpu.memory_space<hbm>>
          %dma_wait3A_691 = arith.constant 0 : i32
          %dma_wait3A_692 = tpu.memref_slice %arg7[%run_scoped3A_680, %add3A_592, %dma_wait3A_691] : memref<4x10240x64xf32, #tpu.memory_space<hbm>> -> memref<1x128x64xf32, #tpu.memory_space<hbm>>
          %dma_wait3A_693 = tpu.memref_squeeze %dma_wait3A_692 : memref<1x128x64xf32, #tpu.memory_space<hbm>> -> memref<128x64xf32, #tpu.memory_space<hbm>>
          tpu.wait_dma2 semaphore(%run_scoped3A_681 : memref<!tpu.dma_semaphore, #tpu.memory_space<semaphore_mem>>) src(%run_scoped3A_1 : memref<128x64xf32, #tpu.memory_space<vmem>>) dst(%dma_wait3A_693 : memref<128x64xf32, #tpu.memory_space<hbm>>)
          tpu.yield
        }) : () -> ()
      } else {
      }
      %eq3A_602 = arith.constant 1 : i32
      %eq3A_603 = arith.cmpi eq, %arg0, %eq3A_602 : i32
      %convert_element_type3A_604 = arith.extui %eq3A_603 : i1 to i32
      %cond3A_605 = arith.constant 0 : i32
      %cond3A_606 = arith.cmpi ne, %convert_element_type3A_604, %cond3A_605 : i32
      scf.if %cond3A_606 {
        %run_scoped3A_680 = arith.constant 3 : i32
        "tpu.region"() ({
          %run_scoped3A_681 = tpu.sem_alloc : memref<!tpu.dma_semaphore, #tpu.memory_space<semaphore_mem>>
          %dma_start3A_682 = arith.constant 0 : i32
          %dma_start3A_683 = tpu.memref_slice %arg7[%run_scoped3A_680, %add3A_592, %dma_start3A_682] : memref<4x10240x64xf32, #tpu.memory_space<hbm>> -> memref<1x128x64xf32, #tpu.memory_space<hbm>>
          %dma_start3A_684 = tpu.memref_squeeze %dma_start3A_683 : memref<1x128x64xf32, #tpu.memory_space<hbm>> -> memref<128x64xf32, #tpu.memory_space<hbm>>
          %dma_start3A_685 = arith.constant 0 : i32
          %dma_start3A_686 = tpu.memref_slice %arg7[%run_scoped3A_680, %add3A_592, %dma_start3A_685] : memref<4x10240x64xf32, #tpu.memory_space<hbm>> -> memref<1x128x64xf32, #tpu.memory_space<hbm>>
          %dma_start3A_687 = tpu.memref_squeeze %dma_start3A_686 : memref<1x128x64xf32, #tpu.memory_space<hbm>> -> memref<128x64xf32, #tpu.memory_space<hbm>>
          tpu.enqueue_dma source(%run_scoped3A_1 : memref<128x64xf32, #tpu.memory_space<vmem>>) target(%dma_start3A_687 : memref<128x64xf32, #tpu.memory_space<hbm>>) target_semaphore(%run_scoped3A_681 : memref<!tpu.dma_semaphore, #tpu.memory_space<semaphore_mem>>)
          %dma_wait3A_688 = arith.constant 0 : i32
          %dma_wait3A_689 = tpu.memref_slice %arg7[%run_scoped3A_680, %add3A_592, %dma_wait3A_688] : memref<4x10240x64xf32, #tpu.memory_space<hbm>> -> memref<1x128x64xf32, #tpu.memory_space<hbm>>
          %dma_wait3A_690 = tpu.memref_squeeze %dma_wait3A_689 : memref<1x128x64xf32, #tpu.memory_space<hbm>> -> memref<128x64xf32, #tpu.memory_space<hbm>>
          %dma_wait3A_691 = arith.constant 0 : i32
          %dma_wait3A_692 = tpu.memref_slice %arg7[%run_scoped3A_680, %add3A_592, %dma_wait3A_691] : memref<4x10240x64xf32, #tpu.memory_space<hbm>> -> memref<1x128x64xf32, #tpu.memory_space<hbm>>
          %dma_wait3A_693 = tpu.memref_squeeze %dma_wait3A_692 : memref<1x128x64xf32, #tpu.memory_space<hbm>> -> memref<128x64xf32, #tpu.memory_space<hbm>>
          tpu.wait_dma2 semaphore(%run_scoped3A_681 : memref<!tpu.dma_semaphore, #tpu.memory_space<semaphore_mem>>) src(%run_scoped3A_1 : memref<128x64xf32, #tpu.memory_space<vmem>>) dst(%dma_wait3A_693 : memref<128x64xf32, #tpu.memory_space<hbm>>)
          tpu.yield
        }) : () -> ()
      } else {
      }
      %mul3A_607 = arith.constant 640 : i32
      %mul3A_608 = arith.muli %arg1, %mul3A_607 : i32
      %add3A_609 = arith.constant 128 : i32
      %add3A_610 = arith.addi %mul3A_608, %add3A_609 : i32
      %dma_wait3A_611 = arith.constant 0 : i32
      %dma_wait3A_612 = tpu.memref_slice %arg8[%add3A_560, %dma_wait3A_611] : memref<10240x64xf32, #tpu.memory_space<vmem_shared>> -> memref<128x64xf32, #tpu.memory_space<vmem_shared>>
      %dma_wait3A_613 = arith.constant 0 : i32
      %dma_wait3A_614 = tpu.memref_slice %arg8[%add3A_560, %dma_wait3A_613] : memref<10240x64xf32, #tpu.memory_space<vmem_shared>> -> memref<128x64xf32, #tpu.memory_space<vmem_shared>>
      tpu.wait_dma2 semaphore(%arg10 : memref<!tpu.dma_semaphore, #tpu.memory_space<semaphore_mem>>) src(%dma_wait3A_614 : memref<128x64xf32, #tpu.memory_space<vmem_shared>>) dst(%run_scoped3A_2 : memref<128x64xf32, #tpu.memory_space<vmem>>)
      %eq3A_615 = arith.constant 0 : i32
      %eq3A_616 = arith.cmpi eq, %arg0, %eq3A_615 : i32
      %convert_element_type3A_617 = arith.extui %eq3A_616 : i1 to i32
      %cond3A_618 = arith.constant 0 : i32
      %cond3A_619 = arith.cmpi ne, %convert_element_type3A_617, %cond3A_618 : i32
      scf.if %cond3A_619 {
        %run_scoped3A_680 = arith.constant 2 : i32
        "tpu.region"() ({
          %run_scoped3A_681 = tpu.sem_alloc : memref<!tpu.dma_semaphore, #tpu.memory_space<semaphore_mem>>
          %dma_start3A_682 = arith.constant 0 : i32
          %dma_start3A_683 = tpu.memref_slice %arg7[%run_scoped3A_680, %add3A_610, %dma_start3A_682] : memref<4x10240x64xf32, #tpu.memory_space<hbm>> -> memref<1x128x64xf32, #tpu.memory_space<hbm>>
          %dma_start3A_684 = tpu.memref_squeeze %dma_start3A_683 : memref<1x128x64xf32, #tpu.memory_space<hbm>> -> memref<128x64xf32, #tpu.memory_space<hbm>>
          %dma_start3A_685 = arith.constant 0 : i32
          %dma_start3A_686 = tpu.memref_slice %arg7[%run_scoped3A_680, %add3A_610, %dma_start3A_685] : memref<4x10240x64xf32, #tpu.memory_space<hbm>> -> memref<1x128x64xf32, #tpu.memory_space<hbm>>
          %dma_start3A_687 = tpu.memref_squeeze %dma_start3A_686 : memref<1x128x64xf32, #tpu.memory_space<hbm>> -> memref<128x64xf32, #tpu.memory_space<hbm>>
          tpu.enqueue_dma source(%run_scoped3A_2 : memref<128x64xf32, #tpu.memory_space<vmem>>) target(%dma_start3A_687 : memref<128x64xf32, #tpu.memory_space<hbm>>) target_semaphore(%run_scoped3A_681 : memref<!tpu.dma_semaphore, #tpu.memory_space<semaphore_mem>>)
          %dma_wait3A_688 = arith.constant 0 : i32
          %dma_wait3A_689 = tpu.memref_slice %arg7[%run_scoped3A_680, %add3A_610, %dma_wait3A_688] : memref<4x10240x64xf32, #tpu.memory_space<hbm>> -> memref<1x128x64xf32, #tpu.memory_space<hbm>>
          %dma_wait3A_690 = tpu.memref_squeeze %dma_wait3A_689 : memref<1x128x64xf32, #tpu.memory_space<hbm>> -> memref<128x64xf32, #tpu.memory_space<hbm>>
          %dma_wait3A_691 = arith.constant 0 : i32
          %dma_wait3A_692 = tpu.memref_slice %arg7[%run_scoped3A_680, %add3A_610, %dma_wait3A_691] : memref<4x10240x64xf32, #tpu.memory_space<hbm>> -> memref<1x128x64xf32, #tpu.memory_space<hbm>>
          %dma_wait3A_693 = tpu.memref_squeeze %dma_wait3A_692 : memref<1x128x64xf32, #tpu.memory_space<hbm>> -> memref<128x64xf32, #tpu.memory_space<hbm>>
          tpu.wait_dma2 semaphore(%run_scoped3A_681 : memref<!tpu.dma_semaphore, #tpu.memory_space<semaphore_mem>>) src(%run_scoped3A_2 : memref<128x64xf32, #tpu.memory_space<vmem>>) dst(%dma_wait3A_693 : memref<128x64xf32, #tpu.memory_space<hbm>>)
          tpu.yield
        }) : () -> ()
      } else {
      }
      %eq3A_620 = arith.constant 1 : i32
      %eq3A_621 = arith.cmpi eq, %arg0, %eq3A_620 : i32
      %convert_element_type3A_622 = arith.extui %eq3A_621 : i1 to i32
      %cond3A_623 = arith.constant 0 : i32
      %cond3A_624 = arith.cmpi ne, %convert_element_type3A_622, %cond3A_623 : i32
      scf.if %cond3A_624 {
        %run_scoped3A_680 = arith.constant 3 : i32
        "tpu.region"() ({
          %run_scoped3A_681 = tpu.sem_alloc : memref<!tpu.dma_semaphore, #tpu.memory_space<semaphore_mem>>
          %dma_start3A_682 = arith.constant 0 : i32
          %dma_start3A_683 = tpu.memref_slice %arg7[%run_scoped3A_680, %add3A_610, %dma_start3A_682] : memref<4x10240x64xf32, #tpu.memory_space<hbm>> -> memref<1x128x64xf32, #tpu.memory_space<hbm>>
          %dma_start3A_684 = tpu.memref_squeeze %dma_start3A_683 : memref<1x128x64xf32, #tpu.memory_space<hbm>> -> memref<128x64xf32, #tpu.memory_space<hbm>>
          %dma_start3A_685 = arith.constant 0 : i32
          %dma_start3A_686 = tpu.memref_slice %arg7[%run_scoped3A_680, %add3A_610, %dma_start3A_685] : memref<4x10240x64xf32, #tpu.memory_space<hbm>> -> memref<1x128x64xf32, #tpu.memory_space<hbm>>
          %dma_start3A_687 = tpu.memref_squeeze %dma_start3A_686 : memref<1x128x64xf32, #tpu.memory_space<hbm>> -> memref<128x64xf32, #tpu.memory_space<hbm>>
          tpu.enqueue_dma source(%run_scoped3A_2 : memref<128x64xf32, #tpu.memory_space<vmem>>) target(%dma_start3A_687 : memref<128x64xf32, #tpu.memory_space<hbm>>) target_semaphore(%run_scoped3A_681 : memref<!tpu.dma_semaphore, #tpu.memory_space<semaphore_mem>>)
          %dma_wait3A_688 = arith.constant 0 : i32
          %dma_wait3A_689 = tpu.memref_slice %arg7[%run_scoped3A_680, %add3A_610, %dma_wait3A_688] : memref<4x10240x64xf32, #tpu.memory_space<hbm>> -> memref<1x128x64xf32, #tpu.memory_space<hbm>>
          %dma_wait3A_690 = tpu.memref_squeeze %dma_wait3A_689 : memref<1x128x64xf32, #tpu.memory_space<hbm>> -> memref<128x64xf32, #tpu.memory_space<hbm>>
          %dma_wait3A_691 = arith.constant 0 : i32
          %dma_wait3A_692 = tpu.memref_slice %arg7[%run_scoped3A_680, %add3A_610, %dma_wait3A_691] : memref<4x10240x64xf32, #tpu.memory_space<hbm>> -> memref<1x128x64xf32, #tpu.memory_space<hbm>>
          %dma_wait3A_693 = tpu.memref_squeeze %dma_wait3A_692 : memref<1x128x64xf32, #tpu.memory_space<hbm>> -> memref<128x64xf32, #tpu.memory_space<hbm>>
          tpu.wait_dma2 semaphore(%run_scoped3A_681 : memref<!tpu.dma_semaphore, #tpu.memory_space<semaphore_mem>>) src(%run_scoped3A_2 : memref<128x64xf32, #tpu.memory_space<vmem>>) dst(%dma_wait3A_693 : memref<128x64xf32, #tpu.memory_space<hbm>>)
          tpu.yield
        }) : () -> ()
      } else {
      }
      %mul3A_625 = arith.constant 640 : i32
      %mul3A_626 = arith.muli %arg1, %mul3A_625 : i32
      %add3A_627 = arith.constant 256 : i32
      %add3A_628 = arith.addi %mul3A_626, %add3A_627 : i32
      %dma_wait3A_629 = arith.constant 0 : i32
      %dma_wait3A_630 = tpu.memref_slice %arg8[%add3A_568, %dma_wait3A_629] : memref<10240x64xf32, #tpu.memory_space<vmem_shared>> -> memref<128x64xf32, #tpu.memory_space<vmem_shared>>
      %dma_wait3A_631 = arith.constant 0 : i32
      %dma_wait3A_632 = tpu.memref_slice %arg8[%add3A_568, %dma_wait3A_631] : memref<10240x64xf32, #tpu.memory_space<vmem_shared>> -> memref<128x64xf32, #tpu.memory_space<vmem_shared>>
      tpu.wait_dma2 semaphore(%arg11 : memref<!tpu.dma_semaphore, #tpu.memory_space<semaphore_mem>>) src(%dma_wait3A_632 : memref<128x64xf32, #tpu.memory_space<vmem_shared>>) dst(%run_scoped3A_3 : memref<128x64xf32, #tpu.memory_space<vmem>>)
      %eq3A_633 = arith.constant 0 : i32
      %eq3A_634 = arith.cmpi eq, %arg0, %eq3A_633 : i32
      %convert_element_type3A_635 = arith.extui %eq3A_634 : i1 to i32
      %cond3A_636 = arith.constant 0 : i32
      %cond3A_637 = arith.cmpi ne, %convert_element_type3A_635, %cond3A_636 : i32
      scf.if %cond3A_637 {
        %run_scoped3A_680 = arith.constant 2 : i32
        "tpu.region"() ({
          %run_scoped3A_681 = tpu.sem_alloc : memref<!tpu.dma_semaphore, #tpu.memory_space<semaphore_mem>>
          %dma_start3A_682 = arith.constant 0 : i32
          %dma_start3A_683 = tpu.memref_slice %arg7[%run_scoped3A_680, %add3A_628, %dma_start3A_682] : memref<4x10240x64xf32, #tpu.memory_space<hbm>> -> memref<1x128x64xf32, #tpu.memory_space<hbm>>
          %dma_start3A_684 = tpu.memref_squeeze %dma_start3A_683 : memref<1x128x64xf32, #tpu.memory_space<hbm>> -> memref<128x64xf32, #tpu.memory_space<hbm>>
          %dma_start3A_685 = arith.constant 0 : i32
          %dma_start3A_686 = tpu.memref_slice %arg7[%run_scoped3A_680, %add3A_628, %dma_start3A_685] : memref<4x10240x64xf32, #tpu.memory_space<hbm>> -> memref<1x128x64xf32, #tpu.memory_space<hbm>>
          %dma_start3A_687 = tpu.memref_squeeze %dma_start3A_686 : memref<1x128x64xf32, #tpu.memory_space<hbm>> -> memref<128x64xf32, #tpu.memory_space<hbm>>
          tpu.enqueue_dma source(%run_scoped3A_3 : memref<128x64xf32, #tpu.memory_space<vmem>>) target(%dma_start3A_687 : memref<128x64xf32, #tpu.memory_space<hbm>>) target_semaphore(%run_scoped3A_681 : memref<!tpu.dma_semaphore, #tpu.memory_space<semaphore_mem>>)
          %dma_wait3A_688 = arith.constant 0 : i32
          %dma_wait3A_689 = tpu.memref_slice %arg7[%run_scoped3A_680, %add3A_628, %dma_wait3A_688] : memref<4x10240x64xf32, #tpu.memory_space<hbm>> -> memref<1x128x64xf32, #tpu.memory_space<hbm>>
          %dma_wait3A_690 = tpu.memref_squeeze %dma_wait3A_689 : memref<1x128x64xf32, #tpu.memory_space<hbm>> -> memref<128x64xf32, #tpu.memory_space<hbm>>
          %dma_wait3A_691 = arith.constant 0 : i32
          %dma_wait3A_692 = tpu.memref_slice %arg7[%run_scoped3A_680, %add3A_628, %dma_wait3A_691] : memref<4x10240x64xf32, #tpu.memory_space<hbm>> -> memref<1x128x64xf32, #tpu.memory_space<hbm>>
          %dma_wait3A_693 = tpu.memref_squeeze %dma_wait3A_692 : memref<1x128x64xf32, #tpu.memory_space<hbm>> -> memref<128x64xf32, #tpu.memory_space<hbm>>
          tpu.wait_dma2 semaphore(%run_scoped3A_681 : memref<!tpu.dma_semaphore, #tpu.memory_space<semaphore_mem>>) src(%run_scoped3A_3 : memref<128x64xf32, #tpu.memory_space<vmem>>) dst(%dma_wait3A_693 : memref<128x64xf32, #tpu.memory_space<hbm>>)
          tpu.yield
        }) : () -> ()
      } else {
      }
      %eq3A_638 = arith.constant 1 : i32
      %eq3A_639 = arith.cmpi eq, %arg0, %eq3A_638 : i32
      %convert_element_type3A_640 = arith.extui %eq3A_639 : i1 to i32
      %cond3A_641 = arith.constant 0 : i32
      %cond3A_642 = arith.cmpi ne, %convert_element_type3A_640, %cond3A_641 : i32
      scf.if %cond3A_642 {
        %run_scoped3A_680 = arith.constant 3 : i32
        "tpu.region"() ({
          %run_scoped3A_681 = tpu.sem_alloc : memref<!tpu.dma_semaphore, #tpu.memory_space<semaphore_mem>>
          %dma_start3A_682 = arith.constant 0 : i32
          %dma_start3A_683 = tpu.memref_slice %arg7[%run_scoped3A_680, %add3A_628, %dma_start3A_682] : memref<4x10240x64xf32, #tpu.memory_space<hbm>> -> memref<1x128x64xf32, #tpu.memory_space<hbm>>
          %dma_start3A_684 = tpu.memref_squeeze %dma_start3A_683 : memref<1x128x64xf32, #tpu.memory_space<hbm>> -> memref<128x64xf32, #tpu.memory_space<hbm>>
          %dma_start3A_685 = arith.constant 0 : i32
          %dma_start3A_686 = tpu.memref_slice %arg7[%run_scoped3A_680, %add3A_628, %dma_start3A_685] : memref<4x10240x64xf32, #tpu.memory_space<hbm>> -> memref<1x128x64xf32, #tpu.memory_space<hbm>>
          %dma_start3A_687 = tpu.memref_squeeze %dma_start3A_686 : memref<1x128x64xf32, #tpu.memory_space<hbm>> -> memref<128x64xf32, #tpu.memory_space<hbm>>
          tpu.enqueue_dma source(%run_scoped3A_3 : memref<128x64xf32, #tpu.memory_space<vmem>>) target(%dma_start3A_687 : memref<128x64xf32, #tpu.memory_space<hbm>>) target_semaphore(%run_scoped3A_681 : memref<!tpu.dma_semaphore, #tpu.memory_space<semaphore_mem>>)
          %dma_wait3A_688 = arith.constant 0 : i32
          %dma_wait3A_689 = tpu.memref_slice %arg7[%run_scoped3A_680, %add3A_628, %dma_wait3A_688] : memref<4x10240x64xf32, #tpu.memory_space<hbm>> -> memref<1x128x64xf32, #tpu.memory_space<hbm>>
          %dma_wait3A_690 = tpu.memref_squeeze %dma_wait3A_689 : memref<1x128x64xf32, #tpu.memory_space<hbm>> -> memref<128x64xf32, #tpu.memory_space<hbm>>
          %dma_wait3A_691 = arith.constant 0 : i32
          %dma_wait3A_692 = tpu.memref_slice %arg7[%run_scoped3A_680, %add3A_628, %dma_wait3A_691] : memref<4x10240x64xf32, #tpu.memory_space<hbm>> -> memref<1x128x64xf32, #tpu.memory_space<hbm>>
          %dma_wait3A_693 = tpu.memref_squeeze %dma_wait3A_692 : memref<1x128x64xf32, #tpu.memory_space<hbm>> -> memref<128x64xf32, #tpu.memory_space<hbm>>
          tpu.wait_dma2 semaphore(%run_scoped3A_681 : memref<!tpu.dma_semaphore, #tpu.memory_space<semaphore_mem>>) src(%run_scoped3A_3 : memref<128x64xf32, #tpu.memory_space<vmem>>) dst(%dma_wait3A_693 : memref<128x64xf32, #tpu.memory_space<hbm>>)
          tpu.yield
        }) : () -> ()
      } else {
      }
      %mul3A_643 = arith.constant 640 : i32
      %mul3A_644 = arith.muli %arg1, %mul3A_643 : i32
      %add3A_645 = arith.constant 384 : i32
      %add3A_646 = arith.addi %mul3A_644, %add3A_645 : i32
      %dma_wait3A_647 = arith.constant 0 : i32
      %dma_wait3A_648 = tpu.memref_slice %arg8[%add3A_576, %dma_wait3A_647] : memref<10240x64xf32, #tpu.memory_space<vmem_shared>> -> memref<128x64xf32, #tpu.memory_space<vmem_shared>>
      %dma_wait3A_649 = arith.constant 0 : i32
      %dma_wait3A_650 = tpu.memref_slice %arg8[%add3A_576, %dma_wait3A_649] : memref<10240x64xf32, #tpu.memory_space<vmem_shared>> -> memref<128x64xf32, #tpu.memory_space<vmem_shared>>
      tpu.wait_dma2 semaphore(%arg12 : memref<!tpu.dma_semaphore, #tpu.memory_space<semaphore_mem>>) src(%dma_wait3A_650 : memref<128x64xf32, #tpu.memory_space<vmem_shared>>) dst(%run_scoped3A_4 : memref<128x64xf32, #tpu.memory_space<vmem>>)
      %eq3A_651 = arith.constant 0 : i32
      %eq3A_652 = arith.cmpi eq, %arg0, %eq3A_651 : i32
      %convert_element_type3A_653 = arith.extui %eq3A_652 : i1 to i32
      %cond3A_654 = arith.constant 0 : i32
      %cond3A_655 = arith.cmpi ne, %convert_element_type3A_653, %cond3A_654 : i32
      scf.if %cond3A_655 {
        %run_scoped3A_680 = arith.constant 2 : i32
        "tpu.region"() ({
          %run_scoped3A_681 = tpu.sem_alloc : memref<!tpu.dma_semaphore, #tpu.memory_space<semaphore_mem>>
          %dma_start3A_682 = arith.constant 0 : i32
          %dma_start3A_683 = tpu.memref_slice %arg7[%run_scoped3A_680, %add3A_646, %dma_start3A_682] : memref<4x10240x64xf32, #tpu.memory_space<hbm>> -> memref<1x128x64xf32, #tpu.memory_space<hbm>>
          %dma_start3A_684 = tpu.memref_squeeze %dma_start3A_683 : memref<1x128x64xf32, #tpu.memory_space<hbm>> -> memref<128x64xf32, #tpu.memory_space<hbm>>
          %dma_start3A_685 = arith.constant 0 : i32
          %dma_start3A_686 = tpu.memref_slice %arg7[%run_scoped3A_680, %add3A_646, %dma_start3A_685] : memref<4x10240x64xf32, #tpu.memory_space<hbm>> -> memref<1x128x64xf32, #tpu.memory_space<hbm>>
          %dma_start3A_687 = tpu.memref_squeeze %dma_start3A_686 : memref<1x128x64xf32, #tpu.memory_space<hbm>> -> memref<128x64xf32, #tpu.memory_space<hbm>>
          tpu.enqueue_dma source(%run_scoped3A_4 : memref<128x64xf32, #tpu.memory_space<vmem>>) target(%dma_start3A_687 : memref<128x64xf32, #tpu.memory_space<hbm>>) target_semaphore(%run_scoped3A_681 : memref<!tpu.dma_semaphore, #tpu.memory_space<semaphore_mem>>)
          %dma_wait3A_688 = arith.constant 0 : i32
          %dma_wait3A_689 = tpu.memref_slice %arg7[%run_scoped3A_680, %add3A_646, %dma_wait3A_688] : memref<4x10240x64xf32, #tpu.memory_space<hbm>> -> memref<1x128x64xf32, #tpu.memory_space<hbm>>
          %dma_wait3A_690 = tpu.memref_squeeze %dma_wait3A_689 : memref<1x128x64xf32, #tpu.memory_space<hbm>> -> memref<128x64xf32, #tpu.memory_space<hbm>>
          %dma_wait3A_691 = arith.constant 0 : i32
          %dma_wait3A_692 = tpu.memref_slice %arg7[%run_scoped3A_680, %add3A_646, %dma_wait3A_691] : memref<4x10240x64xf32, #tpu.memory_space<hbm>> -> memref<1x128x64xf32, #tpu.memory_space<hbm>>
          %dma_wait3A_693 = tpu.memref_squeeze %dma_wait3A_692 : memref<1x128x64xf32, #tpu.memory_space<hbm>> -> memref<128x64xf32, #tpu.memory_space<hbm>>
          tpu.wait_dma2 semaphore(%run_scoped3A_681 : memref<!tpu.dma_semaphore, #tpu.memory_space<semaphore_mem>>) src(%run_scoped3A_4 : memref<128x64xf32, #tpu.memory_space<vmem>>) dst(%dma_wait3A_693 : memref<128x64xf32, #tpu.memory_space<hbm>>)
          tpu.yield
        }) : () -> ()
      } else {
      }
      %eq3A_656 = arith.constant 1 : i32
      %eq3A_657 = arith.cmpi eq, %arg0, %eq3A_656 : i32
      %convert_element_type3A_658 = arith.extui %eq3A_657 : i1 to i32
      %cond3A_659 = arith.constant 0 : i32
      %cond3A_660 = arith.cmpi ne, %convert_element_type3A_658, %cond3A_659 : i32
      scf.if %cond3A_660 {
        %run_scoped3A_680 = arith.constant 3 : i32
        "tpu.region"() ({
          %run_scoped3A_681 = tpu.sem_alloc : memref<!tpu.dma_semaphore, #tpu.memory_space<semaphore_mem>>
          %dma_start3A_682 = arith.constant 0 : i32
          %dma_start3A_683 = tpu.memref_slice %arg7[%run_scoped3A_680, %add3A_646, %dma_start3A_682] : memref<4x10240x64xf32, #tpu.memory_space<hbm>> -> memref<1x128x64xf32, #tpu.memory_space<hbm>>
          %dma_start3A_684 = tpu.memref_squeeze %dma_start3A_683 : memref<1x128x64xf32, #tpu.memory_space<hbm>> -> memref<128x64xf32, #tpu.memory_space<hbm>>
          %dma_start3A_685 = arith.constant 0 : i32
          %dma_start3A_686 = tpu.memref_slice %arg7[%run_scoped3A_680, %add3A_646, %dma_start3A_685] : memref<4x10240x64xf32, #tpu.memory_space<hbm>> -> memref<1x128x64xf32, #tpu.memory_space<hbm>>
          %dma_start3A_687 = tpu.memref_squeeze %dma_start3A_686 : memref<1x128x64xf32, #tpu.memory_space<hbm>> -> memref<128x64xf32, #tpu.memory_space<hbm>>
          tpu.enqueue_dma source(%run_scoped3A_4 : memref<128x64xf32, #tpu.memory_space<vmem>>) target(%dma_start3A_687 : memref<128x64xf32, #tpu.memory_space<hbm>>) target_semaphore(%run_scoped3A_681 : memref<!tpu.dma_semaphore, #tpu.memory_space<semaphore_mem>>)
          %dma_wait3A_688 = arith.constant 0 : i32
          %dma_wait3A_689 = tpu.memref_slice %arg7[%run_scoped3A_680, %add3A_646, %dma_wait3A_688] : memref<4x10240x64xf32, #tpu.memory_space<hbm>> -> memref<1x128x64xf32, #tpu.memory_space<hbm>>
          %dma_wait3A_690 = tpu.memref_squeeze %dma_wait3A_689 : memref<1x128x64xf32, #tpu.memory_space<hbm>> -> memref<128x64xf32, #tpu.memory_space<hbm>>
          %dma_wait3A_691 = arith.constant 0 : i32
          %dma_wait3A_692 = tpu.memref_slice %arg7[%run_scoped3A_680, %add3A_646, %dma_wait3A_691] : memref<4x10240x64xf32, #tpu.memory_space<hbm>> -> memref<1x128x64xf32, #tpu.memory_space<hbm>>
          %dma_wait3A_693 = tpu.memref_squeeze %dma_wait3A_692 : memref<1x128x64xf32, #tpu.memory_space<hbm>> -> memref<128x64xf32, #tpu.memory_space<hbm>>
          tpu.wait_dma2 semaphore(%run_scoped3A_681 : memref<!tpu.dma_semaphore, #tpu.memory_space<semaphore_mem>>) src(%run_scoped3A_4 : memref<128x64xf32, #tpu.memory_space<vmem>>) dst(%dma_wait3A_693 : memref<128x64xf32, #tpu.memory_space<hbm>>)
          tpu.yield
        }) : () -> ()
      } else {
      }
      %mul3A_661 = arith.constant 640 : i32
      %mul3A_662 = arith.muli %arg1, %mul3A_661 : i32
      %add3A_663 = arith.constant 512 : i32
      %add3A_664 = arith.addi %mul3A_662, %add3A_663 : i32
      %dma_wait3A_665 = arith.constant 0 : i32
      %dma_wait3A_666 = tpu.memref_slice %arg8[%add3A_584, %dma_wait3A_665] : memref<10240x64xf32, #tpu.memory_space<vmem_shared>> -> memref<128x64xf32, #tpu.memory_space<vmem_shared>>
      %dma_wait3A_667 = arith.constant 0 : i32
      %dma_wait3A_668 = tpu.memref_slice %arg8[%add3A_584, %dma_wait3A_667] : memref<10240x64xf32, #tpu.memory_space<vmem_shared>> -> memref<128x64xf32, #tpu.memory_space<vmem_shared>>
      tpu.wait_dma2 semaphore(%arg13 : memref<!tpu.dma_semaphore, #tpu.memory_space<semaphore_mem>>) src(%dma_wait3A_668 : memref<128x64xf32, #tpu.memory_space<vmem_shared>>) dst(%run_scoped3A_5 : memref<128x64xf32, #tpu.memory_space<vmem>>)
      %eq3A_669 = arith.constant 0 : i32
      %eq3A_670 = arith.cmpi eq, %arg0, %eq3A_669 : i32
      %convert_element_type3A_671 = arith.extui %eq3A_670 : i1 to i32
      %cond3A_672 = arith.constant 0 : i32
      %cond3A_673 = arith.cmpi ne, %convert_element_type3A_671, %cond3A_672 : i32
      scf.if %cond3A_673 {
        %run_scoped3A_680 = arith.constant 2 : i32
        "tpu.region"() ({
          %run_scoped3A_681 = tpu.sem_alloc : memref<!tpu.dma_semaphore, #tpu.memory_space<semaphore_mem>>
          %dma_start3A_682 = arith.constant 0 : i32
          %dma_start3A_683 = tpu.memref_slice %arg7[%run_scoped3A_680, %add3A_664, %dma_start3A_682] : memref<4x10240x64xf32, #tpu.memory_space<hbm>> -> memref<1x128x64xf32, #tpu.memory_space<hbm>>
          %dma_start3A_684 = tpu.memref_squeeze %dma_start3A_683 : memref<1x128x64xf32, #tpu.memory_space<hbm>> -> memref<128x64xf32, #tpu.memory_space<hbm>>
          %dma_start3A_685 = arith.constant 0 : i32
          %dma_start3A_686 = tpu.memref_slice %arg7[%run_scoped3A_680, %add3A_664, %dma_start3A_685] : memref<4x10240x64xf32, #tpu.memory_space<hbm>> -> memref<1x128x64xf32, #tpu.memory_space<hbm>>
          %dma_start3A_687 = tpu.memref_squeeze %dma_start3A_686 : memref<1x128x64xf32, #tpu.memory_space<hbm>> -> memref<128x64xf32, #tpu.memory_space<hbm>>
          tpu.enqueue_dma source(%run_scoped3A_5 : memref<128x64xf32, #tpu.memory_space<vmem>>) target(%dma_start3A_687 : memref<128x64xf32, #tpu.memory_space<hbm>>) target_semaphore(%run_scoped3A_681 : memref<!tpu.dma_semaphore, #tpu.memory_space<semaphore_mem>>)
          %dma_wait3A_688 = arith.constant 0 : i32
          %dma_wait3A_689 = tpu.memref_slice %arg7[%run_scoped3A_680, %add3A_664, %dma_wait3A_688] : memref<4x10240x64xf32, #tpu.memory_space<hbm>> -> memref<1x128x64xf32, #tpu.memory_space<hbm>>
          %dma_wait3A_690 = tpu.memref_squeeze %dma_wait3A_689 : memref<1x128x64xf32, #tpu.memory_space<hbm>> -> memref<128x64xf32, #tpu.memory_space<hbm>>
          %dma_wait3A_691 = arith.constant 0 : i32
          %dma_wait3A_692 = tpu.memref_slice %arg7[%run_scoped3A_680, %add3A_664, %dma_wait3A_691] : memref<4x10240x64xf32, #tpu.memory_space<hbm>> -> memref<1x128x64xf32, #tpu.memory_space<hbm>>
          %dma_wait3A_693 = tpu.memref_squeeze %dma_wait3A_692 : memref<1x128x64xf32, #tpu.memory_space<hbm>> -> memref<128x64xf32, #tpu.memory_space<hbm>>
          tpu.wait_dma2 semaphore(%run_scoped3A_681 : memref<!tpu.dma_semaphore, #tpu.memory_space<semaphore_mem>>) src(%run_scoped3A_5 : memref<128x64xf32, #tpu.memory_space<vmem>>) dst(%dma_wait3A_693 : memref<128x64xf32, #tpu.memory_space<hbm>>)
          tpu.yield
        }) : () -> ()
      } else {
      }
      %eq3A_674 = arith.constant 1 : i32
      %eq3A_675 = arith.cmpi eq, %arg0, %eq3A_674 : i32
      %convert_element_type3A_676 = arith.extui %eq3A_675 : i1 to i32
      %cond3A_677 = arith.constant 0 : i32
      %cond3A_678 = arith.cmpi ne, %convert_element_type3A_676, %cond3A_677 : i32
      scf.if %cond3A_678 {
        %run_scoped3A_680 = arith.constant 3 : i32
        "tpu.region"() ({
          %run_scoped3A_681 = tpu.sem_alloc : memref<!tpu.dma_semaphore, #tpu.memory_space<semaphore_mem>>
          %dma_start3A_682 = arith.constant 0 : i32
          %dma_start3A_683 = tpu.memref_slice %arg7[%run_scoped3A_680, %add3A_664, %dma_start3A_682] : memref<4x10240x64xf32, #tpu.memory_space<hbm>> -> memref<1x128x64xf32, #tpu.memory_space<hbm>>
          %dma_start3A_684 = tpu.memref_squeeze %dma_start3A_683 : memref<1x128x64xf32, #tpu.memory_space<hbm>> -> memref<128x64xf32, #tpu.memory_space<hbm>>
          %dma_start3A_685 = arith.constant 0 : i32
          %dma_start3A_686 = tpu.memref_slice %arg7[%run_scoped3A_680, %add3A_664, %dma_start3A_685] : memref<4x10240x64xf32, #tpu.memory_space<hbm>> -> memref<1x128x64xf32, #tpu.memory_space<hbm>>
          %dma_start3A_687 = tpu.memref_squeeze %dma_start3A_686 : memref<1x128x64xf32, #tpu.memory_space<hbm>> -> memref<128x64xf32, #tpu.memory_space<hbm>>
          tpu.enqueue_dma source(%run_scoped3A_5 : memref<128x64xf32, #tpu.memory_space<vmem>>) target(%dma_start3A_687 : memref<128x64xf32, #tpu.memory_space<hbm>>) target_semaphore(%run_scoped3A_681 : memref<!tpu.dma_semaphore, #tpu.memory_space<semaphore_mem>>)
          %dma_wait3A_688 = arith.constant 0 : i32
          %dma_wait3A_689 = tpu.memref_slice %arg7[%run_scoped3A_680, %add3A_664, %dma_wait3A_688] : memref<4x10240x64xf32, #tpu.memory_space<hbm>> -> memref<1x128x64xf32, #tpu.memory_space<hbm>>
          %dma_wait3A_690 = tpu.memref_squeeze %dma_wait3A_689 : memref<1x128x64xf32, #tpu.memory_space<hbm>> -> memref<128x64xf32, #tpu.memory_space<hbm>>
          %dma_wait3A_691 = arith.constant 0 : i32
          %dma_wait3A_692 = tpu.memref_slice %arg7[%run_scoped3A_680, %add3A_664, %dma_wait3A_691] : memref<4x10240x64xf32, #tpu.memory_space<hbm>> -> memref<1x128x64xf32, #tpu.memory_space<hbm>>
          %dma_wait3A_693 = tpu.memref_squeeze %dma_wait3A_692 : memref<1x128x64xf32, #tpu.memory_space<hbm>> -> memref<128x64xf32, #tpu.memory_space<hbm>>
          tpu.wait_dma2 semaphore(%run_scoped3A_681 : memref<!tpu.dma_semaphore, #tpu.memory_space<semaphore_mem>>) src(%run_scoped3A_5 : memref<128x64xf32, #tpu.memory_space<vmem>>) dst(%dma_wait3A_693 : memref<128x64xf32, #tpu.memory_space<hbm>>)
          tpu.yield
        }) : () -> ()
      } else {
      }
      %barrier3A_679 = arith.constant 0 : index
      tpu.barrier barrier_id(%barrier3A_679)
      tpu.yield
    }) : () -> ()
    return
  }
}

#map = affine_map<(d0, d1) -> (0, 0)>
#map1 = affine_map<(d0, d1) -> (0)>
module attributes {stable_mosaic.version = 14 : i64} {
  func.func @_sc_deg_agg1(%arg0: i32, %arg1: i32, %arg2: memref<2560x128xi32, #tpu.memory_space<hbm>>, %arg3: memref<2560x128xi32, #tpu.memory_space<hbm>>, %arg4: memref<128xf32, #tpu.memory_space<hbm>>, %arg5: memref<640xf32, #tpu.memory_space<hbm>>, %arg6: memref<4x10240xf32, #tpu.memory_space<hbm>>, %arg7: memref<10240xf32, #tpu.memory_space<vmem_shared>>, %arg8: memref<10240xf32, #tpu.memory_space<vmem_shared>>, %arg9: memref<10240xf32, #tpu.memory_space<vmem_shared>>, %arg10: memref<10240xf32, #tpu.memory_space<vmem_shared>>, %arg11: memref<160x128xi32, #tpu.memory_space<vmem>>, %arg12: memref<160x128xi32, #tpu.memory_space<vmem>>, %arg13: memref<80x128xi32, #tpu.memory_space<vmem>>, %arg14: memref<80x128xi32, #tpu.memory_space<vmem>>, %arg15: memref<128xf32, #tpu.memory_space<vmem>>, %arg16: memref<128xf32, #tpu.memory_space<vmem>>, %arg17: memref<128xf32, #tpu.memory_space<vmem>>, %arg18: memref<128xf32, #tpu.memory_space<vmem>>, %arg19: memref<128xf32, #tpu.memory_space<vmem>>, %arg20: memref<128xf32, #tpu.memory_space<vmem>>, %arg21: memref<128xf32, #tpu.memory_space<vmem>>, %arg22: memref<128xf32, #tpu.memory_space<vmem>>, %arg23: memref<128xf32, #tpu.memory_space<vmem>>, %arg24: memref<128xf32, #tpu.memory_space<vmem>>, %arg25: memref<128xf32, #tpu.memory_space<vmem>>, %arg26: memref<640xf32, #tpu.memory_space<vmem>>, %arg27: memref<!tpu.dma_semaphore, #tpu.memory_space<semaphore_mem>>, %arg28: memref<!tpu.dma_semaphore, #tpu.memory_space<semaphore_mem>>, %arg29: memref<!tpu.dma_semaphore, #tpu.memory_space<semaphore_mem>>, %arg30: memref<!tpu.dma_semaphore, #tpu.memory_space<semaphore_mem>>, %arg31: memref<!tpu.dma_semaphore, #tpu.memory_space<semaphore_mem>>, %arg32: memref<!tpu.dma_semaphore, #tpu.memory_space<semaphore_mem>>, %arg33: memref<!tpu.dma_semaphore, #tpu.memory_space<semaphore_mem>>, %arg34: memref<!tpu.dma_semaphore, #tpu.memory_space<semaphore_mem>>, %arg35: memref<!tpu.dma_semaphore, #tpu.memory_space<semaphore_mem>>, %arg36: memref<!tpu.dma_semaphore, #tpu.memory_space<semaphore_mem>>, %arg37: memref<!tpu.dma_semaphore, #tpu.memory_space<semaphore_mem>>, %arg38: memref<!tpu.dma_semaphore, #tpu.memory_space<semaphore_mem>>, %arg39: memref<!tpu.dma_semaphore, #tpu.memory_space<semaphore_mem>>, %arg40: memref<!tpu.dma_semaphore, #tpu.memory_space<semaphore_mem>>, %arg41: memref<!tpu.dma_semaphore, #tpu.memory_space<semaphore_mem>>, %arg42: memref<!tpu.dma_semaphore, #tpu.memory_space<semaphore_mem>>, %arg43: memref<!tpu.dma_semaphore, #tpu.memory_space<semaphore_mem>>, %arg44: memref<!tpu.dma_semaphore, #tpu.memory_space<semaphore_mem>>, %arg45: memref<!tpu.dma_semaphore, #tpu.memory_space<semaphore_mem>>, %arg46: memref<!tpu.dma_semaphore, #tpu.memory_space<semaphore_mem>>, %arg47: memref<!tpu.dma_semaphore, #tpu.memory_space<semaphore_mem>>) attributes {dimension_semantics = [#tpu.dimension_semantics<core_parallel>, #tpu.dimension_semantics<subcore_parallel>], iteration_bounds = array<i64: 2, 16>, scalar_prefetch = 0 : i64, scratch_operands = 41 : i64, tpu.core_type = #tpu.core_type<sc_vector_subcore>, window_params = [{transform_indices = #map}, {transform_indices = #map}, {transform_indices = #map1}, {transform_indices = #map1}, {transform_indices = #map}]} {
    %mul3A = arith.constant 2 : i32
    %mul3A_0 = arith.muli %arg1, %mul3A : i32
    %add3A = arith.addi %mul3A_0, %arg0 : i32
    "tpu.region"() ({
      %run_scoped3A = tpu.sem_alloc : memref<!tpu.dma_semaphore, #tpu.memory_space<semaphore_mem>>
      tpu.enqueue_dma source(%arg4 : memref<128xf32, #tpu.memory_space<hbm>>) target(%arg15 : memref<128xf32, #tpu.memory_space<vmem>>) target_semaphore(%run_scoped3A : memref<!tpu.dma_semaphore, #tpu.memory_space<semaphore_mem>>)
      tpu.wait_dma2 semaphore(%run_scoped3A : memref<!tpu.dma_semaphore, #tpu.memory_space<semaphore_mem>>) src(%arg4 : memref<128xf32, #tpu.memory_space<hbm>>) dst(%arg15 : memref<128xf32, #tpu.memory_space<vmem>>)
      tpu.yield
    }) : () -> ()
    "tpu.region"() ({
      %run_scoped3A = tpu.sem_alloc : memref<!tpu.dma_semaphore, #tpu.memory_space<semaphore_mem>>
      tpu.enqueue_dma source(%arg5 : memref<640xf32, #tpu.memory_space<hbm>>) target(%arg26 : memref<640xf32, #tpu.memory_space<vmem>>) target_semaphore(%run_scoped3A : memref<!tpu.dma_semaphore, #tpu.memory_space<semaphore_mem>>)
      tpu.wait_dma2 semaphore(%run_scoped3A : memref<!tpu.dma_semaphore, #tpu.memory_space<semaphore_mem>>) src(%arg5 : memref<640xf32, #tpu.memory_space<hbm>>) dst(%arg26 : memref<640xf32, #tpu.memory_space<vmem>>)
      tpu.yield
    }) : () -> ()
    %mul3A_1 = arith.constant 160 : i32
    %mul3A_2 = arith.muli %arg1, %mul3A_1 : i32
    "tpu.region"() ({
      %run_scoped3A = tpu.sem_alloc : memref<!tpu.dma_semaphore, #tpu.memory_space<semaphore_mem>>
      %dma_start3A_267 = arith.constant 0 : i32
      %dma_start3A_268 = tpu.memref_slice %arg2[%mul3A_2, %dma_start3A_267] : memref<2560x128xi32, #tpu.memory_space<hbm>> -> memref<160x128xi32, #tpu.memory_space<hbm>>
      %dma_start3A_269 = arith.constant 0 : i32
      %dma_start3A_270 = tpu.memref_slice %arg2[%mul3A_2, %dma_start3A_269] : memref<2560x128xi32, #tpu.memory_space<hbm>> -> memref<160x128xi32, #tpu.memory_space<hbm>>
      tpu.enqueue_dma source(%dma_start3A_270 : memref<160x128xi32, #tpu.memory_space<hbm>>) target(%arg11 : memref<160x128xi32, #tpu.memory_space<vmem>>) target_semaphore(%run_scoped3A : memref<!tpu.dma_semaphore, #tpu.memory_space<semaphore_mem>>)
      %dma_wait3A_271 = arith.constant 0 : i32
      %dma_wait3A_272 = tpu.memref_slice %arg2[%mul3A_2, %dma_wait3A_271] : memref<2560x128xi32, #tpu.memory_space<hbm>> -> memref<160x128xi32, #tpu.memory_space<hbm>>
      %dma_wait3A_273 = arith.constant 0 : i32
      %dma_wait3A_274 = tpu.memref_slice %arg2[%mul3A_2, %dma_wait3A_273] : memref<2560x128xi32, #tpu.memory_space<hbm>> -> memref<160x128xi32, #tpu.memory_space<hbm>>
      tpu.wait_dma2 semaphore(%run_scoped3A : memref<!tpu.dma_semaphore, #tpu.memory_space<semaphore_mem>>) src(%dma_wait3A_274 : memref<160x128xi32, #tpu.memory_space<hbm>>) dst(%arg11 : memref<160x128xi32, #tpu.memory_space<vmem>>)
      tpu.yield
    }) : () -> ()
    %mul3A_3 = arith.constant 160 : i32
    %mul3A_4 = arith.muli %arg1, %mul3A_3 : i32
    "tpu.region"() ({
      %run_scoped3A = tpu.sem_alloc : memref<!tpu.dma_semaphore, #tpu.memory_space<semaphore_mem>>
      %dma_start3A_267 = arith.constant 0 : i32
      %dma_start3A_268 = tpu.memref_slice %arg3[%mul3A_4, %dma_start3A_267] : memref<2560x128xi32, #tpu.memory_space<hbm>> -> memref<160x128xi32, #tpu.memory_space<hbm>>
      %dma_start3A_269 = arith.constant 0 : i32
      %dma_start3A_270 = tpu.memref_slice %arg3[%mul3A_4, %dma_start3A_269] : memref<2560x128xi32, #tpu.memory_space<hbm>> -> memref<160x128xi32, #tpu.memory_space<hbm>>
      tpu.enqueue_dma source(%dma_start3A_270 : memref<160x128xi32, #tpu.memory_space<hbm>>) target(%arg12 : memref<160x128xi32, #tpu.memory_space<vmem>>) target_semaphore(%run_scoped3A : memref<!tpu.dma_semaphore, #tpu.memory_space<semaphore_mem>>)
      %dma_wait3A_271 = arith.constant 0 : i32
      %dma_wait3A_272 = tpu.memref_slice %arg3[%mul3A_4, %dma_wait3A_271] : memref<2560x128xi32, #tpu.memory_space<hbm>> -> memref<160x128xi32, #tpu.memory_space<hbm>>
      %dma_wait3A_273 = arith.constant 0 : i32
      %dma_wait3A_274 = tpu.memref_slice %arg3[%mul3A_4, %dma_wait3A_273] : memref<2560x128xi32, #tpu.memory_space<hbm>> -> memref<160x128xi32, #tpu.memory_space<hbm>>
      tpu.wait_dma2 semaphore(%run_scoped3A : memref<!tpu.dma_semaphore, #tpu.memory_space<semaphore_mem>>) src(%dma_wait3A_274 : memref<160x128xi32, #tpu.memory_space<hbm>>) dst(%arg12 : memref<160x128xi32, #tpu.memory_space<vmem>>)
      tpu.yield
    }) : () -> ()
    %mul3A_5 = arith.constant 80 : i32
    %mul3A_6 = arith.muli %add3A, %mul3A_5 : i32
    "tpu.region"() ({
      %run_scoped3A = tpu.sem_alloc : memref<!tpu.dma_semaphore, #tpu.memory_space<semaphore_mem>>
      %dma_start3A_267 = arith.constant 0 : i32
      %dma_start3A_268 = tpu.memref_slice %arg2[%mul3A_6, %dma_start3A_267] : memref<2560x128xi32, #tpu.memory_space<hbm>> -> memref<80x128xi32, #tpu.memory_space<hbm>>
      %dma_start3A_269 = arith.constant 0 : i32
      %dma_start3A_270 = tpu.memref_slice %arg2[%mul3A_6, %dma_start3A_269] : memref<2560x128xi32, #tpu.memory_space<hbm>> -> memref<80x128xi32, #tpu.memory_space<hbm>>
      tpu.enqueue_dma source(%dma_start3A_270 : memref<80x128xi32, #tpu.memory_space<hbm>>) target(%arg13 : memref<80x128xi32, #tpu.memory_space<vmem>>) target_semaphore(%run_scoped3A : memref<!tpu.dma_semaphore, #tpu.memory_space<semaphore_mem>>)
      %dma_wait3A_271 = arith.constant 0 : i32
      %dma_wait3A_272 = tpu.memref_slice %arg2[%mul3A_6, %dma_wait3A_271] : memref<2560x128xi32, #tpu.memory_space<hbm>> -> memref<80x128xi32, #tpu.memory_space<hbm>>
      %dma_wait3A_273 = arith.constant 0 : i32
      %dma_wait3A_274 = tpu.memref_slice %arg2[%mul3A_6, %dma_wait3A_273] : memref<2560x128xi32, #tpu.memory_space<hbm>> -> memref<80x128xi32, #tpu.memory_space<hbm>>
      tpu.wait_dma2 semaphore(%run_scoped3A : memref<!tpu.dma_semaphore, #tpu.memory_space<semaphore_mem>>) src(%dma_wait3A_274 : memref<80x128xi32, #tpu.memory_space<hbm>>) dst(%arg13 : memref<80x128xi32, #tpu.memory_space<vmem>>)
      tpu.yield
    }) : () -> ()
    %mul3A_7 = arith.constant 80 : i32
    %mul3A_8 = arith.muli %add3A, %mul3A_7 : i32
    "tpu.region"() ({
      %run_scoped3A = tpu.sem_alloc : memref<!tpu.dma_semaphore, #tpu.memory_space<semaphore_mem>>
      %dma_start3A_267 = arith.constant 0 : i32
      %dma_start3A_268 = tpu.memref_slice %arg3[%mul3A_8, %dma_start3A_267] : memref<2560x128xi32, #tpu.memory_space<hbm>> -> memref<80x128xi32, #tpu.memory_space<hbm>>
      %dma_start3A_269 = arith.constant 0 : i32
      %dma_start3A_270 = tpu.memref_slice %arg3[%mul3A_8, %dma_start3A_269] : memref<2560x128xi32, #tpu.memory_space<hbm>> -> memref<80x128xi32, #tpu.memory_space<hbm>>
      tpu.enqueue_dma source(%dma_start3A_270 : memref<80x128xi32, #tpu.memory_space<hbm>>) target(%arg14 : memref<80x128xi32, #tpu.memory_space<vmem>>) target_semaphore(%run_scoped3A : memref<!tpu.dma_semaphore, #tpu.memory_space<semaphore_mem>>)
      %dma_wait3A_271 = arith.constant 0 : i32
      %dma_wait3A_272 = tpu.memref_slice %arg3[%mul3A_8, %dma_wait3A_271] : memref<2560x128xi32, #tpu.memory_space<hbm>> -> memref<80x128xi32, #tpu.memory_space<hbm>>
      %dma_wait3A_273 = arith.constant 0 : i32
      %dma_wait3A_274 = tpu.memref_slice %arg3[%mul3A_8, %dma_wait3A_273] : memref<2560x128xi32, #tpu.memory_space<hbm>> -> memref<80x128xi32, #tpu.memory_space<hbm>>
      tpu.wait_dma2 semaphore(%run_scoped3A : memref<!tpu.dma_semaphore, #tpu.memory_space<semaphore_mem>>) src(%dma_wait3A_274 : memref<80x128xi32, #tpu.memory_space<hbm>>) dst(%arg14 : memref<80x128xi32, #tpu.memory_space<vmem>>)
      tpu.yield
    }) : () -> ()
    %mul3A_9 = arith.constant 640 : i32
    %mul3A_10 = arith.muli %arg1, %mul3A_9 : i32
    "tpu.region"() ({
      %run_scoped3A = tpu.sem_alloc : memref<!tpu.dma_semaphore, #tpu.memory_space<semaphore_mem>>
      %dma_start3A_267 = tpu.memref_slice %arg7[%mul3A_10] : memref<10240xf32, #tpu.memory_space<vmem_shared>> -> memref<640xf32, #tpu.memory_space<vmem_shared>>
      %dma_start3A_268 = tpu.memref_slice %arg7[%mul3A_10] : memref<10240xf32, #tpu.memory_space<vmem_shared>> -> memref<640xf32, #tpu.memory_space<vmem_shared>>
      tpu.enqueue_dma source(%arg26 : memref<640xf32, #tpu.memory_space<vmem>>) target(%dma_start3A_268 : memref<640xf32, #tpu.memory_space<vmem_shared>>) target_semaphore(%run_scoped3A : memref<!tpu.dma_semaphore, #tpu.memory_space<semaphore_mem>>)
      %dma_wait3A_269 = tpu.memref_slice %arg7[%mul3A_10] : memref<10240xf32, #tpu.memory_space<vmem_shared>> -> memref<640xf32, #tpu.memory_space<vmem_shared>>
      %dma_wait3A_270 = tpu.memref_slice %arg7[%mul3A_10] : memref<10240xf32, #tpu.memory_space<vmem_shared>> -> memref<640xf32, #tpu.memory_space<vmem_shared>>
      tpu.wait_dma2 semaphore(%run_scoped3A : memref<!tpu.dma_semaphore, #tpu.memory_space<semaphore_mem>>) src(%arg26 : memref<640xf32, #tpu.memory_space<vmem>>) dst(%dma_wait3A_270 : memref<640xf32, #tpu.memory_space<vmem_shared>>)
      tpu.yield
    }) : () -> ()
    "tpu.region"() ({
      %run_scoped3A = tpu.sem_alloc : memref<!tpu.dma_semaphore, #tpu.memory_space<semaphore_mem>>
      %dma_start3A_267 = tpu.memref_slice %arg8[%mul3A_10] : memref<10240xf32, #tpu.memory_space<vmem_shared>> -> memref<640xf32, #tpu.memory_space<vmem_shared>>
      %dma_start3A_268 = tpu.memref_slice %arg8[%mul3A_10] : memref<10240xf32, #tpu.memory_space<vmem_shared>> -> memref<640xf32, #tpu.memory_space<vmem_shared>>
      tpu.enqueue_dma source(%arg26 : memref<640xf32, #tpu.memory_space<vmem>>) target(%dma_start3A_268 : memref<640xf32, #tpu.memory_space<vmem_shared>>) target_semaphore(%run_scoped3A : memref<!tpu.dma_semaphore, #tpu.memory_space<semaphore_mem>>)
      %dma_wait3A_269 = tpu.memref_slice %arg8[%mul3A_10] : memref<10240xf32, #tpu.memory_space<vmem_shared>> -> memref<640xf32, #tpu.memory_space<vmem_shared>>
      %dma_wait3A_270 = tpu.memref_slice %arg8[%mul3A_10] : memref<10240xf32, #tpu.memory_space<vmem_shared>> -> memref<640xf32, #tpu.memory_space<vmem_shared>>
      tpu.wait_dma2 semaphore(%run_scoped3A : memref<!tpu.dma_semaphore, #tpu.memory_space<semaphore_mem>>) src(%arg26 : memref<640xf32, #tpu.memory_space<vmem>>) dst(%dma_wait3A_270 : memref<640xf32, #tpu.memory_space<vmem_shared>>)
      tpu.yield
    }) : () -> ()
    "tpu.region"() ({
      %run_scoped3A = tpu.sem_alloc : memref<!tpu.dma_semaphore, #tpu.memory_space<semaphore_mem>>
      %dma_start3A_267 = tpu.memref_slice %arg9[%mul3A_10] : memref<10240xf32, #tpu.memory_space<vmem_shared>> -> memref<640xf32, #tpu.memory_space<vmem_shared>>
      %dma_start3A_268 = tpu.memref_slice %arg9[%mul3A_10] : memref<10240xf32, #tpu.memory_space<vmem_shared>> -> memref<640xf32, #tpu.memory_space<vmem_shared>>
      tpu.enqueue_dma source(%arg26 : memref<640xf32, #tpu.memory_space<vmem>>) target(%dma_start3A_268 : memref<640xf32, #tpu.memory_space<vmem_shared>>) target_semaphore(%run_scoped3A : memref<!tpu.dma_semaphore, #tpu.memory_space<semaphore_mem>>)
      %dma_wait3A_269 = tpu.memref_slice %arg9[%mul3A_10] : memref<10240xf32, #tpu.memory_space<vmem_shared>> -> memref<640xf32, #tpu.memory_space<vmem_shared>>
      %dma_wait3A_270 = tpu.memref_slice %arg9[%mul3A_10] : memref<10240xf32, #tpu.memory_space<vmem_shared>> -> memref<640xf32, #tpu.memory_space<vmem_shared>>
      tpu.wait_dma2 semaphore(%run_scoped3A : memref<!tpu.dma_semaphore, #tpu.memory_space<semaphore_mem>>) src(%arg26 : memref<640xf32, #tpu.memory_space<vmem>>) dst(%dma_wait3A_270 : memref<640xf32, #tpu.memory_space<vmem_shared>>)
      tpu.yield
    }) : () -> ()
    "tpu.region"() ({
      %run_scoped3A = tpu.sem_alloc : memref<!tpu.dma_semaphore, #tpu.memory_space<semaphore_mem>>
      %dma_start3A_267 = tpu.memref_slice %arg10[%mul3A_10] : memref<10240xf32, #tpu.memory_space<vmem_shared>> -> memref<640xf32, #tpu.memory_space<vmem_shared>>
      %dma_start3A_268 = tpu.memref_slice %arg10[%mul3A_10] : memref<10240xf32, #tpu.memory_space<vmem_shared>> -> memref<640xf32, #tpu.memory_space<vmem_shared>>
      tpu.enqueue_dma source(%arg26 : memref<640xf32, #tpu.memory_space<vmem>>) target(%dma_start3A_268 : memref<640xf32, #tpu.memory_space<vmem_shared>>) target_semaphore(%run_scoped3A : memref<!tpu.dma_semaphore, #tpu.memory_space<semaphore_mem>>)
      %dma_wait3A_269 = tpu.memref_slice %arg10[%mul3A_10] : memref<10240xf32, #tpu.memory_space<vmem_shared>> -> memref<640xf32, #tpu.memory_space<vmem_shared>>
      %dma_wait3A_270 = tpu.memref_slice %arg10[%mul3A_10] : memref<10240xf32, #tpu.memory_space<vmem_shared>> -> memref<640xf32, #tpu.memory_space<vmem_shared>>
      tpu.wait_dma2 semaphore(%run_scoped3A : memref<!tpu.dma_semaphore, #tpu.memory_space<semaphore_mem>>) src(%arg26 : memref<640xf32, #tpu.memory_space<vmem>>) dst(%dma_wait3A_270 : memref<640xf32, #tpu.memory_space<vmem_shared>>)
      tpu.yield
    }) : () -> ()
    %barrier3A = arith.constant 0 : index
    tpu.barrier barrier_id(%barrier3A)
    %scan3A = arith.constant 0 : i32
    %scan3A_11 = arith.constant 20 : i32
    %scan3A_12 = arith.addi %scan3A, %scan3A_11 : i32
    %scan3A_13 = arith.constant 1 : i32
    scf.for %scan3A_267 = %scan3A to %scan3A_12 step %scan3A_13  : i32 {
      %mul3A_268 = arith.constant 8 : i32
      %mul3A_269 = arith.muli %scan3A_267, %mul3A_268 : i32
      %add3A_270 = arith.constant 0 : i32
      %add3A_271 = arith.addi %add3A_270, %mul3A_269 : i32
      %add3A_272 = arith.constant 0 : i32
      %add3A_273 = arith.addi %add3A_271, %add3A_272 : i32
      %dma_start3A_274 = arith.constant 0 : i32
      %dma_start3A_275 = tpu.memref_slice %arg11[%add3A_273, %dma_start3A_274] : memref<160x128xi32, #tpu.memory_space<vmem>> -> memref<1x128xi32, #tpu.memory_space<vmem>>
      %dma_start3A_276 = tpu.memref_squeeze %dma_start3A_275 : memref<1x128xi32, #tpu.memory_space<vmem>> -> memref<128xi32, #tpu.memory_space<vmem>>
      %dma_start3A_277 = arith.constant 0 : i32
      %dma_start3A_278 = tpu.memref_slice %arg8[%dma_start3A_277] : memref<10240xf32, #tpu.memory_space<vmem_shared>> -> memref<10240xf32, #tpu.memory_space<vmem_shared>>
      tpu.enqueue_indirect_dma source(%arg15 : memref<128xf32, #tpu.memory_space<vmem>>) target(%dma_start3A_278 : memref<10240xf32, #tpu.memory_space<vmem_shared>>) offsets(%dma_start3A_276 : memref<128xi32, #tpu.memory_space<vmem>>) semaphore(%arg47 : memref<!tpu.dma_semaphore, #tpu.memory_space<semaphore_mem>>) {add = true}
      %add3A_279 = arith.constant 0 : i32
      %add3A_280 = arith.addi %add3A_271, %add3A_279 : i32
      %dma_start3A_281 = arith.constant 0 : i32
      %dma_start3A_282 = tpu.memref_slice %arg12[%add3A_280, %dma_start3A_281] : memref<160x128xi32, #tpu.memory_space<vmem>> -> memref<1x128xi32, #tpu.memory_space<vmem>>
      %dma_start3A_283 = tpu.memref_squeeze %dma_start3A_282 : memref<1x128xi32, #tpu.memory_space<vmem>> -> memref<128xi32, #tpu.memory_space<vmem>>
      %dma_start3A_284 = arith.constant 0 : i32
      %dma_start3A_285 = tpu.memref_slice %arg7[%dma_start3A_284] : memref<10240xf32, #tpu.memory_space<vmem_shared>> -> memref<10240xf32, #tpu.memory_space<vmem_shared>>
      tpu.enqueue_indirect_dma source(%arg15 : memref<128xf32, #tpu.memory_space<vmem>>) target(%dma_start3A_285 : memref<10240xf32, #tpu.memory_space<vmem_shared>>) offsets(%dma_start3A_283 : memref<128xi32, #tpu.memory_space<vmem>>) semaphore(%arg47 : memref<!tpu.dma_semaphore, #tpu.memory_space<semaphore_mem>>) {add = true}
      %add3A_286 = arith.constant 1 : i32
      %add3A_287 = arith.addi %add3A_271, %add3A_286 : i32
      %dma_start3A_288 = arith.constant 0 : i32
      %dma_start3A_289 = tpu.memref_slice %arg11[%add3A_287, %dma_start3A_288] : memref<160x128xi32, #tpu.memory_space<vmem>> -> memref<1x128xi32, #tpu.memory_space<vmem>>
      %dma_start3A_290 = tpu.memref_squeeze %dma_start3A_289 : memref<1x128xi32, #tpu.memory_space<vmem>> -> memref<128xi32, #tpu.memory_space<vmem>>
      %dma_start3A_291 = arith.constant 0 : i32
      %dma_start3A_292 = tpu.memref_slice %arg8[%dma_start3A_291] : memref<10240xf32, #tpu.memory_space<vmem_shared>> -> memref<10240xf32, #tpu.memory_space<vmem_shared>>
      tpu.enqueue_indirect_dma source(%arg15 : memref<128xf32, #tpu.memory_space<vmem>>) target(%dma_start3A_292 : memref<10240xf32, #tpu.memory_space<vmem_shared>>) offsets(%dma_start3A_290 : memref<128xi32, #tpu.memory_space<vmem>>) semaphore(%arg47 : memref<!tpu.dma_semaphore, #tpu.memory_space<semaphore_mem>>) {add = true}
      %add3A_293 = arith.constant 1 : i32
      %add3A_294 = arith.addi %add3A_271, %add3A_293 : i32
      %dma_start3A_295 = arith.constant 0 : i32
      %dma_start3A_296 = tpu.memref_slice %arg12[%add3A_294, %dma_start3A_295] : memref<160x128xi32, #tpu.memory_space<vmem>> -> memref<1x128xi32, #tpu.memory_space<vmem>>
      %dma_start3A_297 = tpu.memref_squeeze %dma_start3A_296 : memref<1x128xi32, #tpu.memory_space<vmem>> -> memref<128xi32, #tpu.memory_space<vmem>>
      %dma_start3A_298 = arith.constant 0 : i32
      %dma_start3A_299 = tpu.memref_slice %arg7[%dma_start3A_298] : memref<10240xf32, #tpu.memory_space<vmem_shared>> -> memref<10240xf32, #tpu.memory_space<vmem_shared>>
      tpu.enqueue_indirect_dma source(%arg15 : memref<128xf32, #tpu.memory_space<vmem>>) target(%dma_start3A_299 : memref<10240xf32, #tpu.memory_space<vmem_shared>>) offsets(%dma_start3A_297 : memref<128xi32, #tpu.memory_space<vmem>>) semaphore(%arg47 : memref<!tpu.dma_semaphore, #tpu.memory_space<semaphore_mem>>) {add = true}
      %add3A_300 = arith.constant 2 : i32
      %add3A_301 = arith.addi %add3A_271, %add3A_300 : i32
      %dma_start3A_302 = arith.constant 0 : i32
      %dma_start3A_303 = tpu.memref_slice %arg11[%add3A_301, %dma_start3A_302] : memref<160x128xi32, #tpu.memory_space<vmem>> -> memref<1x128xi32, #tpu.memory_space<vmem>>
      %dma_start3A_304 = tpu.memref_squeeze %dma_start3A_303 : memref<1x128xi32, #tpu.memory_space<vmem>> -> memref<128xi32, #tpu.memory_space<vmem>>
      %dma_start3A_305 = arith.constant 0 : i32
      %dma_start3A_306 = tpu.memref_slice %arg8[%dma_start3A_305] : memref<10240xf32, #tpu.memory_space<vmem_shared>> -> memref<10240xf32, #tpu.memory_space<vmem_shared>>
      tpu.enqueue_indirect_dma source(%arg15 : memref<128xf32, #tpu.memory_space<vmem>>) target(%dma_start3A_306 : memref<10240xf32, #tpu.memory_space<vmem_shared>>) offsets(%dma_start3A_304 : memref<128xi32, #tpu.memory_space<vmem>>) semaphore(%arg47 : memref<!tpu.dma_semaphore, #tpu.memory_space<semaphore_mem>>) {add = true}
      %add3A_307 = arith.constant 2 : i32
      %add3A_308 = arith.addi %add3A_271, %add3A_307 : i32
      %dma_start3A_309 = arith.constant 0 : i32
      %dma_start3A_310 = tpu.memref_slice %arg12[%add3A_308, %dma_start3A_309] : memref<160x128xi32, #tpu.memory_space<vmem>> -> memref<1x128xi32, #tpu.memory_space<vmem>>
      %dma_start3A_311 = tpu.memref_squeeze %dma_start3A_310 : memref<1x128xi32, #tpu.memory_space<vmem>> -> memref<128xi32, #tpu.memory_space<vmem>>
      %dma_start3A_312 = arith.constant 0 : i32
      %dma_start3A_313 = tpu.memref_slice %arg7[%dma_start3A_312] : memref<10240xf32, #tpu.memory_space<vmem_shared>> -> memref<10240xf32, #tpu.memory_space<vmem_shared>>
      tpu.enqueue_indirect_dma source(%arg15 : memref<128xf32, #tpu.memory_space<vmem>>) target(%dma_start3A_313 : memref<10240xf32, #tpu.memory_space<vmem_shared>>) offsets(%dma_start3A_311 : memref<128xi32, #tpu.memory_space<vmem>>) semaphore(%arg47 : memref<!tpu.dma_semaphore, #tpu.memory_space<semaphore_mem>>) {add = true}
      %add3A_314 = arith.constant 3 : i32
      %add3A_315 = arith.addi %add3A_271, %add3A_314 : i32
      %dma_start3A_316 = arith.constant 0 : i32
      %dma_start3A_317 = tpu.memref_slice %arg11[%add3A_315, %dma_start3A_316] : memref<160x128xi32, #tpu.memory_space<vmem>> -> memref<1x128xi32, #tpu.memory_space<vmem>>
      %dma_start3A_318 = tpu.memref_squeeze %dma_start3A_317 : memref<1x128xi32, #tpu.memory_space<vmem>> -> memref<128xi32, #tpu.memory_space<vmem>>
      %dma_start3A_319 = arith.constant 0 : i32
      %dma_start3A_320 = tpu.memref_slice %arg8[%dma_start3A_319] : memref<10240xf32, #tpu.memory_space<vmem_shared>> -> memref<10240xf32, #tpu.memory_space<vmem_shared>>
      tpu.enqueue_indirect_dma source(%arg15 : memref<128xf32, #tpu.memory_space<vmem>>) target(%dma_start3A_320 : memref<10240xf32, #tpu.memory_space<vmem_shared>>) offsets(%dma_start3A_318 : memref<128xi32, #tpu.memory_space<vmem>>) semaphore(%arg47 : memref<!tpu.dma_semaphore, #tpu.memory_space<semaphore_mem>>) {add = true}
      %add3A_321 = arith.constant 3 : i32
      %add3A_322 = arith.addi %add3A_271, %add3A_321 : i32
      %dma_start3A_323 = arith.constant 0 : i32
      %dma_start3A_324 = tpu.memref_slice %arg12[%add3A_322, %dma_start3A_323] : memref<160x128xi32, #tpu.memory_space<vmem>> -> memref<1x128xi32, #tpu.memory_space<vmem>>
      %dma_start3A_325 = tpu.memref_squeeze %dma_start3A_324 : memref<1x128xi32, #tpu.memory_space<vmem>> -> memref<128xi32, #tpu.memory_space<vmem>>
      %dma_start3A_326 = arith.constant 0 : i32
      %dma_start3A_327 = tpu.memref_slice %arg7[%dma_start3A_326] : memref<10240xf32, #tpu.memory_space<vmem_shared>> -> memref<10240xf32, #tpu.memory_space<vmem_shared>>
      tpu.enqueue_indirect_dma source(%arg15 : memref<128xf32, #tpu.memory_space<vmem>>) target(%dma_start3A_327 : memref<10240xf32, #tpu.memory_space<vmem_shared>>) offsets(%dma_start3A_325 : memref<128xi32, #tpu.memory_space<vmem>>) semaphore(%arg47 : memref<!tpu.dma_semaphore, #tpu.memory_space<semaphore_mem>>) {add = true}
      %add3A_328 = arith.constant 4 : i32
      %add3A_329 = arith.addi %add3A_271, %add3A_328 : i32
      %dma_start3A_330 = arith.constant 0 : i32
      %dma_start3A_331 = tpu.memref_slice %arg11[%add3A_329, %dma_start3A_330] : memref<160x128xi32, #tpu.memory_space<vmem>> -> memref<1x128xi32, #tpu.memory_space<vmem>>
      %dma_start3A_332 = tpu.memref_squeeze %dma_start3A_331 : memref<1x128xi32, #tpu.memory_space<vmem>> -> memref<128xi32, #tpu.memory_space<vmem>>
      %dma_start3A_333 = arith.constant 0 : i32
      %dma_start3A_334 = tpu.memref_slice %arg8[%dma_start3A_333] : memref<10240xf32, #tpu.memory_space<vmem_shared>> -> memref<10240xf32, #tpu.memory_space<vmem_shared>>
      tpu.enqueue_indirect_dma source(%arg15 : memref<128xf32, #tpu.memory_space<vmem>>) target(%dma_start3A_334 : memref<10240xf32, #tpu.memory_space<vmem_shared>>) offsets(%dma_start3A_332 : memref<128xi32, #tpu.memory_space<vmem>>) semaphore(%arg47 : memref<!tpu.dma_semaphore, #tpu.memory_space<semaphore_mem>>) {add = true}
      %add3A_335 = arith.constant 4 : i32
      %add3A_336 = arith.addi %add3A_271, %add3A_335 : i32
      %dma_start3A_337 = arith.constant 0 : i32
      %dma_start3A_338 = tpu.memref_slice %arg12[%add3A_336, %dma_start3A_337] : memref<160x128xi32, #tpu.memory_space<vmem>> -> memref<1x128xi32, #tpu.memory_space<vmem>>
      %dma_start3A_339 = tpu.memref_squeeze %dma_start3A_338 : memref<1x128xi32, #tpu.memory_space<vmem>> -> memref<128xi32, #tpu.memory_space<vmem>>
      %dma_start3A_340 = arith.constant 0 : i32
      %dma_start3A_341 = tpu.memref_slice %arg7[%dma_start3A_340] : memref<10240xf32, #tpu.memory_space<vmem_shared>> -> memref<10240xf32, #tpu.memory_space<vmem_shared>>
      tpu.enqueue_indirect_dma source(%arg15 : memref<128xf32, #tpu.memory_space<vmem>>) target(%dma_start3A_341 : memref<10240xf32, #tpu.memory_space<vmem_shared>>) offsets(%dma_start3A_339 : memref<128xi32, #tpu.memory_space<vmem>>) semaphore(%arg47 : memref<!tpu.dma_semaphore, #tpu.memory_space<semaphore_mem>>) {add = true}
      %add3A_342 = arith.constant 5 : i32
      %add3A_343 = arith.addi %add3A_271, %add3A_342 : i32
      %dma_start3A_344 = arith.constant 0 : i32
      %dma_start3A_345 = tpu.memref_slice %arg11[%add3A_343, %dma_start3A_344] : memref<160x128xi32, #tpu.memory_space<vmem>> -> memref<1x128xi32, #tpu.memory_space<vmem>>
      %dma_start3A_346 = tpu.memref_squeeze %dma_start3A_345 : memref<1x128xi32, #tpu.memory_space<vmem>> -> memref<128xi32, #tpu.memory_space<vmem>>
      %dma_start3A_347 = arith.constant 0 : i32
      %dma_start3A_348 = tpu.memref_slice %arg8[%dma_start3A_347] : memref<10240xf32, #tpu.memory_space<vmem_shared>> -> memref<10240xf32, #tpu.memory_space<vmem_shared>>
      tpu.enqueue_indirect_dma source(%arg15 : memref<128xf32, #tpu.memory_space<vmem>>) target(%dma_start3A_348 : memref<10240xf32, #tpu.memory_space<vmem_shared>>) offsets(%dma_start3A_346 : memref<128xi32, #tpu.memory_space<vmem>>) semaphore(%arg47 : memref<!tpu.dma_semaphore, #tpu.memory_space<semaphore_mem>>) {add = true}
      %add3A_349 = arith.constant 5 : i32
      %add3A_350 = arith.addi %add3A_271, %add3A_349 : i32
      %dma_start3A_351 = arith.constant 0 : i32
      %dma_start3A_352 = tpu.memref_slice %arg12[%add3A_350, %dma_start3A_351] : memref<160x128xi32, #tpu.memory_space<vmem>> -> memref<1x128xi32, #tpu.memory_space<vmem>>
      %dma_start3A_353 = tpu.memref_squeeze %dma_start3A_352 : memref<1x128xi32, #tpu.memory_space<vmem>> -> memref<128xi32, #tpu.memory_space<vmem>>
      %dma_start3A_354 = arith.constant 0 : i32
      %dma_start3A_355 = tpu.memref_slice %arg7[%dma_start3A_354] : memref<10240xf32, #tpu.memory_space<vmem_shared>> -> memref<10240xf32, #tpu.memory_space<vmem_shared>>
      tpu.enqueue_indirect_dma source(%arg15 : memref<128xf32, #tpu.memory_space<vmem>>) target(%dma_start3A_355 : memref<10240xf32, #tpu.memory_space<vmem_shared>>) offsets(%dma_start3A_353 : memref<128xi32, #tpu.memory_space<vmem>>) semaphore(%arg47 : memref<!tpu.dma_semaphore, #tpu.memory_space<semaphore_mem>>) {add = true}
      %add3A_356 = arith.constant 6 : i32
      %add3A_357 = arith.addi %add3A_271, %add3A_356 : i32
      %dma_start3A_358 = arith.constant 0 : i32
      %dma_start3A_359 = tpu.memref_slice %arg11[%add3A_357, %dma_start3A_358] : memref<160x128xi32, #tpu.memory_space<vmem>> -> memref<1x128xi32, #tpu.memory_space<vmem>>
      %dma_start3A_360 = tpu.memref_squeeze %dma_start3A_359 : memref<1x128xi32, #tpu.memory_space<vmem>> -> memref<128xi32, #tpu.memory_space<vmem>>
      %dma_start3A_361 = arith.constant 0 : i32
      %dma_start3A_362 = tpu.memref_slice %arg8[%dma_start3A_361] : memref<10240xf32, #tpu.memory_space<vmem_shared>> -> memref<10240xf32, #tpu.memory_space<vmem_shared>>
      tpu.enqueue_indirect_dma source(%arg15 : memref<128xf32, #tpu.memory_space<vmem>>) target(%dma_start3A_362 : memref<10240xf32, #tpu.memory_space<vmem_shared>>) offsets(%dma_start3A_360 : memref<128xi32, #tpu.memory_space<vmem>>) semaphore(%arg47 : memref<!tpu.dma_semaphore, #tpu.memory_space<semaphore_mem>>) {add = true}
      %add3A_363 = arith.constant 6 : i32
      %add3A_364 = arith.addi %add3A_271, %add3A_363 : i32
      %dma_start3A_365 = arith.constant 0 : i32
      %dma_start3A_366 = tpu.memref_slice %arg12[%add3A_364, %dma_start3A_365] : memref<160x128xi32, #tpu.memory_space<vmem>> -> memref<1x128xi32, #tpu.memory_space<vmem>>
      %dma_start3A_367 = tpu.memref_squeeze %dma_start3A_366 : memref<1x128xi32, #tpu.memory_space<vmem>> -> memref<128xi32, #tpu.memory_space<vmem>>
      %dma_start3A_368 = arith.constant 0 : i32
      %dma_start3A_369 = tpu.memref_slice %arg7[%dma_start3A_368] : memref<10240xf32, #tpu.memory_space<vmem_shared>> -> memref<10240xf32, #tpu.memory_space<vmem_shared>>
      tpu.enqueue_indirect_dma source(%arg15 : memref<128xf32, #tpu.memory_space<vmem>>) target(%dma_start3A_369 : memref<10240xf32, #tpu.memory_space<vmem_shared>>) offsets(%dma_start3A_367 : memref<128xi32, #tpu.memory_space<vmem>>) semaphore(%arg47 : memref<!tpu.dma_semaphore, #tpu.memory_space<semaphore_mem>>) {add = true}
      %add3A_370 = arith.constant 7 : i32
      %add3A_371 = arith.addi %add3A_271, %add3A_370 : i32
      %dma_start3A_372 = arith.constant 0 : i32
      %dma_start3A_373 = tpu.memref_slice %arg11[%add3A_371, %dma_start3A_372] : memref<160x128xi32, #tpu.memory_space<vmem>> -> memref<1x128xi32, #tpu.memory_space<vmem>>
      %dma_start3A_374 = tpu.memref_squeeze %dma_start3A_373 : memref<1x128xi32, #tpu.memory_space<vmem>> -> memref<128xi32, #tpu.memory_space<vmem>>
      %dma_start3A_375 = arith.constant 0 : i32
      %dma_start3A_376 = tpu.memref_slice %arg8[%dma_start3A_375] : memref<10240xf32, #tpu.memory_space<vmem_shared>> -> memref<10240xf32, #tpu.memory_space<vmem_shared>>
      tpu.enqueue_indirect_dma source(%arg15 : memref<128xf32, #tpu.memory_space<vmem>>) target(%dma_start3A_376 : memref<10240xf32, #tpu.memory_space<vmem_shared>>) offsets(%dma_start3A_374 : memref<128xi32, #tpu.memory_space<vmem>>) semaphore(%arg47 : memref<!tpu.dma_semaphore, #tpu.memory_space<semaphore_mem>>) {add = true}
      %add3A_377 = arith.constant 7 : i32
      %add3A_378 = arith.addi %add3A_271, %add3A_377 : i32
      %dma_start3A_379 = arith.constant 0 : i32
      %dma_start3A_380 = tpu.memref_slice %arg12[%add3A_378, %dma_start3A_379] : memref<160x128xi32, #tpu.memory_space<vmem>> -> memref<1x128xi32, #tpu.memory_space<vmem>>
      %dma_start3A_381 = tpu.memref_squeeze %dma_start3A_380 : memref<1x128xi32, #tpu.memory_space<vmem>> -> memref<128xi32, #tpu.memory_space<vmem>>
      %dma_start3A_382 = arith.constant 0 : i32
      %dma_start3A_383 = tpu.memref_slice %arg7[%dma_start3A_382] : memref<10240xf32, #tpu.memory_space<vmem_shared>> -> memref<10240xf32, #tpu.memory_space<vmem_shared>>
      tpu.enqueue_indirect_dma source(%arg15 : memref<128xf32, #tpu.memory_space<vmem>>) target(%dma_start3A_383 : memref<10240xf32, #tpu.memory_space<vmem_shared>>) offsets(%dma_start3A_381 : memref<128xi32, #tpu.memory_space<vmem>>) semaphore(%arg47 : memref<!tpu.dma_semaphore, #tpu.memory_space<semaphore_mem>>) {add = true}
      %dma_wait3A_384 = arith.constant 0 : i32
      %dma_wait3A_385 = tpu.memref_slice %arg11[%add3A_273, %dma_wait3A_384] : memref<160x128xi32, #tpu.memory_space<vmem>> -> memref<1x128xi32, #tpu.memory_space<vmem>>
      %dma_wait3A_386 = tpu.memref_squeeze %dma_wait3A_385 : memref<1x128xi32, #tpu.memory_space<vmem>> -> memref<128xi32, #tpu.memory_space<vmem>>
      %dma_wait3A_387 = arith.constant 0 : i32
      %dma_wait3A_388 = tpu.memref_slice %arg8[%dma_wait3A_387] : memref<10240xf32, #tpu.memory_space<vmem_shared>> -> memref<10240xf32, #tpu.memory_space<vmem_shared>>
      tpu.wait_indirect_dma semaphore(%arg47 : memref<!tpu.dma_semaphore, #tpu.memory_space<semaphore_mem>>) src(%arg15 : memref<128xf32, #tpu.memory_space<vmem>>) dst(%dma_wait3A_388 : memref<10240xf32, #tpu.memory_space<vmem_shared>>)
      %dma_wait3A_389 = arith.constant 0 : i32
      %dma_wait3A_390 = tpu.memref_slice %arg12[%add3A_280, %dma_wait3A_389] : memref<160x128xi32, #tpu.memory_space<vmem>> -> memref<1x128xi32, #tpu.memory_space<vmem>>
      %dma_wait3A_391 = tpu.memref_squeeze %dma_wait3A_390 : memref<1x128xi32, #tpu.memory_space<vmem>> -> memref<128xi32, #tpu.memory_space<vmem>>
      %dma_wait3A_392 = arith.constant 0 : i32
      %dma_wait3A_393 = tpu.memref_slice %arg7[%dma_wait3A_392] : memref<10240xf32, #tpu.memory_space<vmem_shared>> -> memref<10240xf32, #tpu.memory_space<vmem_shared>>
      tpu.wait_indirect_dma semaphore(%arg47 : memref<!tpu.dma_semaphore, #tpu.memory_space<semaphore_mem>>) src(%arg15 : memref<128xf32, #tpu.memory_space<vmem>>) dst(%dma_wait3A_393 : memref<10240xf32, #tpu.memory_space<vmem_shared>>)
      %dma_wait3A_394 = arith.constant 0 : i32
      %dma_wait3A_395 = tpu.memref_slice %arg11[%add3A_287, %dma_wait3A_394] : memref<160x128xi32, #tpu.memory_space<vmem>> -> memref<1x128xi32, #tpu.memory_space<vmem>>
      %dma_wait3A_396 = tpu.memref_squeeze %dma_wait3A_395 : memref<1x128xi32, #tpu.memory_space<vmem>> -> memref<128xi32, #tpu.memory_space<vmem>>
      %dma_wait3A_397 = arith.constant 0 : i32
      %dma_wait3A_398 = tpu.memref_slice %arg8[%dma_wait3A_397] : memref<10240xf32, #tpu.memory_space<vmem_shared>> -> memref<10240xf32, #tpu.memory_space<vmem_shared>>
      tpu.wait_indirect_dma semaphore(%arg47 : memref<!tpu.dma_semaphore, #tpu.memory_space<semaphore_mem>>) src(%arg15 : memref<128xf32, #tpu.memory_space<vmem>>) dst(%dma_wait3A_398 : memref<10240xf32, #tpu.memory_space<vmem_shared>>)
      %dma_wait3A_399 = arith.constant 0 : i32
      %dma_wait3A_400 = tpu.memref_slice %arg12[%add3A_294, %dma_wait3A_399] : memref<160x128xi32, #tpu.memory_space<vmem>> -> memref<1x128xi32, #tpu.memory_space<vmem>>
      %dma_wait3A_401 = tpu.memref_squeeze %dma_wait3A_400 : memref<1x128xi32, #tpu.memory_space<vmem>> -> memref<128xi32, #tpu.memory_space<vmem>>
      %dma_wait3A_402 = arith.constant 0 : i32
      %dma_wait3A_403 = tpu.memref_slice %arg7[%dma_wait3A_402] : memref<10240xf32, #tpu.memory_space<vmem_shared>> -> memref<10240xf32, #tpu.memory_space<vmem_shared>>
      tpu.wait_indirect_dma semaphore(%arg47 : memref<!tpu.dma_semaphore, #tpu.memory_space<semaphore_mem>>) src(%arg15 : memref<128xf32, #tpu.memory_space<vmem>>) dst(%dma_wait3A_403 : memref<10240xf32, #tpu.memory_space<vmem_shared>>)
      %dma_wait3A_404 = arith.constant 0 : i32
      %dma_wait3A_405 = tpu.memref_slice %arg11[%add3A_301, %dma_wait3A_404] : memref<160x128xi32, #tpu.memory_space<vmem>> -> memref<1x128xi32, #tpu.memory_space<vmem>>
      %dma_wait3A_406 = tpu.memref_squeeze %dma_wait3A_405 : memref<1x128xi32, #tpu.memory_space<vmem>> -> memref<128xi32, #tpu.memory_space<vmem>>
      %dma_wait3A_407 = arith.constant 0 : i32
      %dma_wait3A_408 = tpu.memref_slice %arg8[%dma_wait3A_407] : memref<10240xf32, #tpu.memory_space<vmem_shared>> -> memref<10240xf32, #tpu.memory_space<vmem_shared>>
      tpu.wait_indirect_dma semaphore(%arg47 : memref<!tpu.dma_semaphore, #tpu.memory_space<semaphore_mem>>) src(%arg15 : memref<128xf32, #tpu.memory_space<vmem>>) dst(%dma_wait3A_408 : memref<10240xf32, #tpu.memory_space<vmem_shared>>)
      %dma_wait3A_409 = arith.constant 0 : i32
      %dma_wait3A_410 = tpu.memref_slice %arg12[%add3A_308, %dma_wait3A_409] : memref<160x128xi32, #tpu.memory_space<vmem>> -> memref<1x128xi32, #tpu.memory_space<vmem>>
      %dma_wait3A_411 = tpu.memref_squeeze %dma_wait3A_410 : memref<1x128xi32, #tpu.memory_space<vmem>> -> memref<128xi32, #tpu.memory_space<vmem>>
      %dma_wait3A_412 = arith.constant 0 : i32
      %dma_wait3A_413 = tpu.memref_slice %arg7[%dma_wait3A_412] : memref<10240xf32, #tpu.memory_space<vmem_shared>> -> memref<10240xf32, #tpu.memory_space<vmem_shared>>
      tpu.wait_indirect_dma semaphore(%arg47 : memref<!tpu.dma_semaphore, #tpu.memory_space<semaphore_mem>>) src(%arg15 : memref<128xf32, #tpu.memory_space<vmem>>) dst(%dma_wait3A_413 : memref<10240xf32, #tpu.memory_space<vmem_shared>>)
      %dma_wait3A_414 = arith.constant 0 : i32
      %dma_wait3A_415 = tpu.memref_slice %arg11[%add3A_315, %dma_wait3A_414] : memref<160x128xi32, #tpu.memory_space<vmem>> -> memref<1x128xi32, #tpu.memory_space<vmem>>
      %dma_wait3A_416 = tpu.memref_squeeze %dma_wait3A_415 : memref<1x128xi32, #tpu.memory_space<vmem>> -> memref<128xi32, #tpu.memory_space<vmem>>
      %dma_wait3A_417 = arith.constant 0 : i32
      %dma_wait3A_418 = tpu.memref_slice %arg8[%dma_wait3A_417] : memref<10240xf32, #tpu.memory_space<vmem_shared>> -> memref<10240xf32, #tpu.memory_space<vmem_shared>>
      tpu.wait_indirect_dma semaphore(%arg47 : memref<!tpu.dma_semaphore, #tpu.memory_space<semaphore_mem>>) src(%arg15 : memref<128xf32, #tpu.memory_space<vmem>>) dst(%dma_wait3A_418 : memref<10240xf32, #tpu.memory_space<vmem_shared>>)
      %dma_wait3A_419 = arith.constant 0 : i32
      %dma_wait3A_420 = tpu.memref_slice %arg12[%add3A_322, %dma_wait3A_419] : memref<160x128xi32, #tpu.memory_space<vmem>> -> memref<1x128xi32, #tpu.memory_space<vmem>>
      %dma_wait3A_421 = tpu.memref_squeeze %dma_wait3A_420 : memref<1x128xi32, #tpu.memory_space<vmem>> -> memref<128xi32, #tpu.memory_space<vmem>>
      %dma_wait3A_422 = arith.constant 0 : i32
      %dma_wait3A_423 = tpu.memref_slice %arg7[%dma_wait3A_422] : memref<10240xf32, #tpu.memory_space<vmem_shared>> -> memref<10240xf32, #tpu.memory_space<vmem_shared>>
      tpu.wait_indirect_dma semaphore(%arg47 : memref<!tpu.dma_semaphore, #tpu.memory_space<semaphore_mem>>) src(%arg15 : memref<128xf32, #tpu.memory_space<vmem>>) dst(%dma_wait3A_423 : memref<10240xf32, #tpu.memory_space<vmem_shared>>)
      %dma_wait3A_424 = arith.constant 0 : i32
      %dma_wait3A_425 = tpu.memref_slice %arg11[%add3A_329, %dma_wait3A_424] : memref<160x128xi32, #tpu.memory_space<vmem>> -> memref<1x128xi32, #tpu.memory_space<vmem>>
      %dma_wait3A_426 = tpu.memref_squeeze %dma_wait3A_425 : memref<1x128xi32, #tpu.memory_space<vmem>> -> memref<128xi32, #tpu.memory_space<vmem>>
      %dma_wait3A_427 = arith.constant 0 : i32
      %dma_wait3A_428 = tpu.memref_slice %arg8[%dma_wait3A_427] : memref<10240xf32, #tpu.memory_space<vmem_shared>> -> memref<10240xf32, #tpu.memory_space<vmem_shared>>
      tpu.wait_indirect_dma semaphore(%arg47 : memref<!tpu.dma_semaphore, #tpu.memory_space<semaphore_mem>>) src(%arg15 : memref<128xf32, #tpu.memory_space<vmem>>) dst(%dma_wait3A_428 : memref<10240xf32, #tpu.memory_space<vmem_shared>>)
      %dma_wait3A_429 = arith.constant 0 : i32
      %dma_wait3A_430 = tpu.memref_slice %arg12[%add3A_336, %dma_wait3A_429] : memref<160x128xi32, #tpu.memory_space<vmem>> -> memref<1x128xi32, #tpu.memory_space<vmem>>
      %dma_wait3A_431 = tpu.memref_squeeze %dma_wait3A_430 : memref<1x128xi32, #tpu.memory_space<vmem>> -> memref<128xi32, #tpu.memory_space<vmem>>
      %dma_wait3A_432 = arith.constant 0 : i32
      %dma_wait3A_433 = tpu.memref_slice %arg7[%dma_wait3A_432] : memref<10240xf32, #tpu.memory_space<vmem_shared>> -> memref<10240xf32, #tpu.memory_space<vmem_shared>>
      tpu.wait_indirect_dma semaphore(%arg47 : memref<!tpu.dma_semaphore, #tpu.memory_space<semaphore_mem>>) src(%arg15 : memref<128xf32, #tpu.memory_space<vmem>>) dst(%dma_wait3A_433 : memref<10240xf32, #tpu.memory_space<vmem_shared>>)
      %dma_wait3A_434 = arith.constant 0 : i32
      %dma_wait3A_435 = tpu.memref_slice %arg11[%add3A_343, %dma_wait3A_434] : memref<160x128xi32, #tpu.memory_space<vmem>> -> memref<1x128xi32, #tpu.memory_space<vmem>>
      %dma_wait3A_436 = tpu.memref_squeeze %dma_wait3A_435 : memref<1x128xi32, #tpu.memory_space<vmem>> -> memref<128xi32, #tpu.memory_space<vmem>>
      %dma_wait3A_437 = arith.constant 0 : i32
      %dma_wait3A_438 = tpu.memref_slice %arg8[%dma_wait3A_437] : memref<10240xf32, #tpu.memory_space<vmem_shared>> -> memref<10240xf32, #tpu.memory_space<vmem_shared>>
      tpu.wait_indirect_dma semaphore(%arg47 : memref<!tpu.dma_semaphore, #tpu.memory_space<semaphore_mem>>) src(%arg15 : memref<128xf32, #tpu.memory_space<vmem>>) dst(%dma_wait3A_438 : memref<10240xf32, #tpu.memory_space<vmem_shared>>)
      %dma_wait3A_439 = arith.constant 0 : i32
      %dma_wait3A_440 = tpu.memref_slice %arg12[%add3A_350, %dma_wait3A_439] : memref<160x128xi32, #tpu.memory_space<vmem>> -> memref<1x128xi32, #tpu.memory_space<vmem>>
      %dma_wait3A_441 = tpu.memref_squeeze %dma_wait3A_440 : memref<1x128xi32, #tpu.memory_space<vmem>> -> memref<128xi32, #tpu.memory_space<vmem>>
      %dma_wait3A_442 = arith.constant 0 : i32
      %dma_wait3A_443 = tpu.memref_slice %arg7[%dma_wait3A_442] : memref<10240xf32, #tpu.memory_space<vmem_shared>> -> memref<10240xf32, #tpu.memory_space<vmem_shared>>
      tpu.wait_indirect_dma semaphore(%arg47 : memref<!tpu.dma_semaphore, #tpu.memory_space<semaphore_mem>>) src(%arg15 : memref<128xf32, #tpu.memory_space<vmem>>) dst(%dma_wait3A_443 : memref<10240xf32, #tpu.memory_space<vmem_shared>>)
      %dma_wait3A_444 = arith.constant 0 : i32
      %dma_wait3A_445 = tpu.memref_slice %arg11[%add3A_357, %dma_wait3A_444] : memref<160x128xi32, #tpu.memory_space<vmem>> -> memref<1x128xi32, #tpu.memory_space<vmem>>
      %dma_wait3A_446 = tpu.memref_squeeze %dma_wait3A_445 : memref<1x128xi32, #tpu.memory_space<vmem>> -> memref<128xi32, #tpu.memory_space<vmem>>
      %dma_wait3A_447 = arith.constant 0 : i32
      %dma_wait3A_448 = tpu.memref_slice %arg8[%dma_wait3A_447] : memref<10240xf32, #tpu.memory_space<vmem_shared>> -> memref<10240xf32, #tpu.memory_space<vmem_shared>>
      tpu.wait_indirect_dma semaphore(%arg47 : memref<!tpu.dma_semaphore, #tpu.memory_space<semaphore_mem>>) src(%arg15 : memref<128xf32, #tpu.memory_space<vmem>>) dst(%dma_wait3A_448 : memref<10240xf32, #tpu.memory_space<vmem_shared>>)
      %dma_wait3A_449 = arith.constant 0 : i32
      %dma_wait3A_450 = tpu.memref_slice %arg12[%add3A_364, %dma_wait3A_449] : memref<160x128xi32, #tpu.memory_space<vmem>> -> memref<1x128xi32, #tpu.memory_space<vmem>>
      %dma_wait3A_451 = tpu.memref_squeeze %dma_wait3A_450 : memref<1x128xi32, #tpu.memory_space<vmem>> -> memref<128xi32, #tpu.memory_space<vmem>>
      %dma_wait3A_452 = arith.constant 0 : i32
      %dma_wait3A_453 = tpu.memref_slice %arg7[%dma_wait3A_452] : memref<10240xf32, #tpu.memory_space<vmem_shared>> -> memref<10240xf32, #tpu.memory_space<vmem_shared>>
      tpu.wait_indirect_dma semaphore(%arg47 : memref<!tpu.dma_semaphore, #tpu.memory_space<semaphore_mem>>) src(%arg15 : memref<128xf32, #tpu.memory_space<vmem>>) dst(%dma_wait3A_453 : memref<10240xf32, #tpu.memory_space<vmem_shared>>)
      %dma_wait3A_454 = arith.constant 0 : i32
      %dma_wait3A_455 = tpu.memref_slice %arg11[%add3A_371, %dma_wait3A_454] : memref<160x128xi32, #tpu.memory_space<vmem>> -> memref<1x128xi32, #tpu.memory_space<vmem>>
      %dma_wait3A_456 = tpu.memref_squeeze %dma_wait3A_455 : memref<1x128xi32, #tpu.memory_space<vmem>> -> memref<128xi32, #tpu.memory_space<vmem>>
      %dma_wait3A_457 = arith.constant 0 : i32
      %dma_wait3A_458 = tpu.memref_slice %arg8[%dma_wait3A_457] : memref<10240xf32, #tpu.memory_space<vmem_shared>> -> memref<10240xf32, #tpu.memory_space<vmem_shared>>
      tpu.wait_indirect_dma semaphore(%arg47 : memref<!tpu.dma_semaphore, #tpu.memory_space<semaphore_mem>>) src(%arg15 : memref<128xf32, #tpu.memory_space<vmem>>) dst(%dma_wait3A_458 : memref<10240xf32, #tpu.memory_space<vmem_shared>>)
      %dma_wait3A_459 = arith.constant 0 : i32
      %dma_wait3A_460 = tpu.memref_slice %arg12[%add3A_378, %dma_wait3A_459] : memref<160x128xi32, #tpu.memory_space<vmem>> -> memref<1x128xi32, #tpu.memory_space<vmem>>
      %dma_wait3A_461 = tpu.memref_squeeze %dma_wait3A_460 : memref<1x128xi32, #tpu.memory_space<vmem>> -> memref<128xi32, #tpu.memory_space<vmem>>
      %dma_wait3A_462 = arith.constant 0 : i32
      %dma_wait3A_463 = tpu.memref_slice %arg7[%dma_wait3A_462] : memref<10240xf32, #tpu.memory_space<vmem_shared>> -> memref<10240xf32, #tpu.memory_space<vmem_shared>>
      tpu.wait_indirect_dma semaphore(%arg47 : memref<!tpu.dma_semaphore, #tpu.memory_space<semaphore_mem>>) src(%arg15 : memref<128xf32, #tpu.memory_space<vmem>>) dst(%dma_wait3A_463 : memref<10240xf32, #tpu.memory_space<vmem_shared>>)
    }
    %scan3A_14 = arith.constant 20 : i32
    %barrier3A_15 = arith.constant 0 : index
    tpu.barrier barrier_id(%barrier3A_15)
    %dma_start3A = arith.constant 0 : i32
    %dma_start3A_16 = arith.constant 0 : i32
    %dma_start3A_17 = tpu.memref_slice %arg13[%dma_start3A, %dma_start3A_16] : memref<80x128xi32, #tpu.memory_space<vmem>> -> memref<1x128xi32, #tpu.memory_space<vmem>>
    %dma_start3A_18 = tpu.memref_squeeze %dma_start3A_17 : memref<1x128xi32, #tpu.memory_space<vmem>> -> memref<128xi32, #tpu.memory_space<vmem>>
    %dma_start3A_19 = arith.constant 0 : i32
    %dma_start3A_20 = tpu.memref_slice %arg7[%dma_start3A_19] : memref<10240xf32, #tpu.memory_space<vmem_shared>> -> memref<10240xf32, #tpu.memory_space<vmem_shared>>
    tpu.enqueue_indirect_dma source(%dma_start3A_20 : memref<10240xf32, #tpu.memory_space<vmem_shared>>) target(%arg16 : memref<128xf32, #tpu.memory_space<vmem>>) offsets(%dma_start3A_18 : memref<128xi32, #tpu.memory_space<vmem>>) semaphore(%arg27 : memref<!tpu.dma_semaphore, #tpu.memory_space<semaphore_mem>>)
    %dma_start3A_21 = arith.constant 0 : i32
    %dma_start3A_22 = arith.constant 0 : i32
    %dma_start3A_23 = tpu.memref_slice %arg13[%dma_start3A_21, %dma_start3A_22] : memref<80x128xi32, #tpu.memory_space<vmem>> -> memref<1x128xi32, #tpu.memory_space<vmem>>
    %dma_start3A_24 = tpu.memref_squeeze %dma_start3A_23 : memref<1x128xi32, #tpu.memory_space<vmem>> -> memref<128xi32, #tpu.memory_space<vmem>>
    %dma_start3A_25 = arith.constant 0 : i32
    %dma_start3A_26 = tpu.memref_slice %arg8[%dma_start3A_25] : memref<10240xf32, #tpu.memory_space<vmem_shared>> -> memref<10240xf32, #tpu.memory_space<vmem_shared>>
    tpu.enqueue_indirect_dma source(%dma_start3A_26 : memref<10240xf32, #tpu.memory_space<vmem_shared>>) target(%arg21 : memref<128xf32, #tpu.memory_space<vmem>>) offsets(%dma_start3A_24 : memref<128xi32, #tpu.memory_space<vmem>>) semaphore(%arg37 : memref<!tpu.dma_semaphore, #tpu.memory_space<semaphore_mem>>)
    %dma_start3A_27 = arith.constant 1 : i32
    %dma_start3A_28 = arith.constant 0 : i32
    %dma_start3A_29 = tpu.memref_slice %arg13[%dma_start3A_27, %dma_start3A_28] : memref<80x128xi32, #tpu.memory_space<vmem>> -> memref<1x128xi32, #tpu.memory_space<vmem>>
    %dma_start3A_30 = tpu.memref_squeeze %dma_start3A_29 : memref<1x128xi32, #tpu.memory_space<vmem>> -> memref<128xi32, #tpu.memory_space<vmem>>
    %dma_start3A_31 = arith.constant 0 : i32
    %dma_start3A_32 = tpu.memref_slice %arg7[%dma_start3A_31] : memref<10240xf32, #tpu.memory_space<vmem_shared>> -> memref<10240xf32, #tpu.memory_space<vmem_shared>>
    tpu.enqueue_indirect_dma source(%dma_start3A_32 : memref<10240xf32, #tpu.memory_space<vmem_shared>>) target(%arg17 : memref<128xf32, #tpu.memory_space<vmem>>) offsets(%dma_start3A_30 : memref<128xi32, #tpu.memory_space<vmem>>) semaphore(%arg28 : memref<!tpu.dma_semaphore, #tpu.memory_space<semaphore_mem>>)
    %dma_start3A_33 = arith.constant 1 : i32
    %dma_start3A_34 = arith.constant 0 : i32
    %dma_start3A_35 = tpu.memref_slice %arg13[%dma_start3A_33, %dma_start3A_34] : memref<80x128xi32, #tpu.memory_space<vmem>> -> memref<1x128xi32, #tpu.memory_space<vmem>>
    %dma_start3A_36 = tpu.memref_squeeze %dma_start3A_35 : memref<1x128xi32, #tpu.memory_space<vmem>> -> memref<128xi32, #tpu.memory_space<vmem>>
    %dma_start3A_37 = arith.constant 0 : i32
    %dma_start3A_38 = tpu.memref_slice %arg8[%dma_start3A_37] : memref<10240xf32, #tpu.memory_space<vmem_shared>> -> memref<10240xf32, #tpu.memory_space<vmem_shared>>
    tpu.enqueue_indirect_dma source(%dma_start3A_38 : memref<10240xf32, #tpu.memory_space<vmem_shared>>) target(%arg22 : memref<128xf32, #tpu.memory_space<vmem>>) offsets(%dma_start3A_36 : memref<128xi32, #tpu.memory_space<vmem>>) semaphore(%arg38 : memref<!tpu.dma_semaphore, #tpu.memory_space<semaphore_mem>>)
    %dma_start3A_39 = arith.constant 2 : i32
    %dma_start3A_40 = arith.constant 0 : i32
    %dma_start3A_41 = tpu.memref_slice %arg13[%dma_start3A_39, %dma_start3A_40] : memref<80x128xi32, #tpu.memory_space<vmem>> -> memref<1x128xi32, #tpu.memory_space<vmem>>
    %dma_start3A_42 = tpu.memref_squeeze %dma_start3A_41 : memref<1x128xi32, #tpu.memory_space<vmem>> -> memref<128xi32, #tpu.memory_space<vmem>>
    %dma_start3A_43 = arith.constant 0 : i32
    %dma_start3A_44 = tpu.memref_slice %arg7[%dma_start3A_43] : memref<10240xf32, #tpu.memory_space<vmem_shared>> -> memref<10240xf32, #tpu.memory_space<vmem_shared>>
    tpu.enqueue_indirect_dma source(%dma_start3A_44 : memref<10240xf32, #tpu.memory_space<vmem_shared>>) target(%arg18 : memref<128xf32, #tpu.memory_space<vmem>>) offsets(%dma_start3A_42 : memref<128xi32, #tpu.memory_space<vmem>>) semaphore(%arg29 : memref<!tpu.dma_semaphore, #tpu.memory_space<semaphore_mem>>)
    %dma_start3A_45 = arith.constant 2 : i32
    %dma_start3A_46 = arith.constant 0 : i32
    %dma_start3A_47 = tpu.memref_slice %arg13[%dma_start3A_45, %dma_start3A_46] : memref<80x128xi32, #tpu.memory_space<vmem>> -> memref<1x128xi32, #tpu.memory_space<vmem>>
    %dma_start3A_48 = tpu.memref_squeeze %dma_start3A_47 : memref<1x128xi32, #tpu.memory_space<vmem>> -> memref<128xi32, #tpu.memory_space<vmem>>
    %dma_start3A_49 = arith.constant 0 : i32
    %dma_start3A_50 = tpu.memref_slice %arg8[%dma_start3A_49] : memref<10240xf32, #tpu.memory_space<vmem_shared>> -> memref<10240xf32, #tpu.memory_space<vmem_shared>>
    tpu.enqueue_indirect_dma source(%dma_start3A_50 : memref<10240xf32, #tpu.memory_space<vmem_shared>>) target(%arg23 : memref<128xf32, #tpu.memory_space<vmem>>) offsets(%dma_start3A_48 : memref<128xi32, #tpu.memory_space<vmem>>) semaphore(%arg39 : memref<!tpu.dma_semaphore, #tpu.memory_space<semaphore_mem>>)
    %dma_start3A_51 = arith.constant 3 : i32
    %dma_start3A_52 = arith.constant 0 : i32
    %dma_start3A_53 = tpu.memref_slice %arg13[%dma_start3A_51, %dma_start3A_52] : memref<80x128xi32, #tpu.memory_space<vmem>> -> memref<1x128xi32, #tpu.memory_space<vmem>>
    %dma_start3A_54 = tpu.memref_squeeze %dma_start3A_53 : memref<1x128xi32, #tpu.memory_space<vmem>> -> memref<128xi32, #tpu.memory_space<vmem>>
    %dma_start3A_55 = arith.constant 0 : i32
    %dma_start3A_56 = tpu.memref_slice %arg7[%dma_start3A_55] : memref<10240xf32, #tpu.memory_space<vmem_shared>> -> memref<10240xf32, #tpu.memory_space<vmem_shared>>
    tpu.enqueue_indirect_dma source(%dma_start3A_56 : memref<10240xf32, #tpu.memory_space<vmem_shared>>) target(%arg19 : memref<128xf32, #tpu.memory_space<vmem>>) offsets(%dma_start3A_54 : memref<128xi32, #tpu.memory_space<vmem>>) semaphore(%arg30 : memref<!tpu.dma_semaphore, #tpu.memory_space<semaphore_mem>>)
    %dma_start3A_57 = arith.constant 3 : i32
    %dma_start3A_58 = arith.constant 0 : i32
    %dma_start3A_59 = tpu.memref_slice %arg13[%dma_start3A_57, %dma_start3A_58] : memref<80x128xi32, #tpu.memory_space<vmem>> -> memref<1x128xi32, #tpu.memory_space<vmem>>
    %dma_start3A_60 = tpu.memref_squeeze %dma_start3A_59 : memref<1x128xi32, #tpu.memory_space<vmem>> -> memref<128xi32, #tpu.memory_space<vmem>>
    %dma_start3A_61 = arith.constant 0 : i32
    %dma_start3A_62 = tpu.memref_slice %arg8[%dma_start3A_61] : memref<10240xf32, #tpu.memory_space<vmem_shared>> -> memref<10240xf32, #tpu.memory_space<vmem_shared>>
    tpu.enqueue_indirect_dma source(%dma_start3A_62 : memref<10240xf32, #tpu.memory_space<vmem_shared>>) target(%arg24 : memref<128xf32, #tpu.memory_space<vmem>>) offsets(%dma_start3A_60 : memref<128xi32, #tpu.memory_space<vmem>>) semaphore(%arg40 : memref<!tpu.dma_semaphore, #tpu.memory_space<semaphore_mem>>)
    %dma_start3A_63 = arith.constant 4 : i32
    %dma_start3A_64 = arith.constant 0 : i32
    %dma_start3A_65 = tpu.memref_slice %arg13[%dma_start3A_63, %dma_start3A_64] : memref<80x128xi32, #tpu.memory_space<vmem>> -> memref<1x128xi32, #tpu.memory_space<vmem>>
    %dma_start3A_66 = tpu.memref_squeeze %dma_start3A_65 : memref<1x128xi32, #tpu.memory_space<vmem>> -> memref<128xi32, #tpu.memory_space<vmem>>
    %dma_start3A_67 = arith.constant 0 : i32
    %dma_start3A_68 = tpu.memref_slice %arg7[%dma_start3A_67] : memref<10240xf32, #tpu.memory_space<vmem_shared>> -> memref<10240xf32, #tpu.memory_space<vmem_shared>>
    tpu.enqueue_indirect_dma source(%dma_start3A_68 : memref<10240xf32, #tpu.memory_space<vmem_shared>>) target(%arg20 : memref<128xf32, #tpu.memory_space<vmem>>) offsets(%dma_start3A_66 : memref<128xi32, #tpu.memory_space<vmem>>) semaphore(%arg31 : memref<!tpu.dma_semaphore, #tpu.memory_space<semaphore_mem>>)
    %dma_start3A_69 = arith.constant 4 : i32
    %dma_start3A_70 = arith.constant 0 : i32
    %dma_start3A_71 = tpu.memref_slice %arg13[%dma_start3A_69, %dma_start3A_70] : memref<80x128xi32, #tpu.memory_space<vmem>> -> memref<1x128xi32, #tpu.memory_space<vmem>>
    %dma_start3A_72 = tpu.memref_squeeze %dma_start3A_71 : memref<1x128xi32, #tpu.memory_space<vmem>> -> memref<128xi32, #tpu.memory_space<vmem>>
    %dma_start3A_73 = arith.constant 0 : i32
    %dma_start3A_74 = tpu.memref_slice %arg8[%dma_start3A_73] : memref<10240xf32, #tpu.memory_space<vmem_shared>> -> memref<10240xf32, #tpu.memory_space<vmem_shared>>
    tpu.enqueue_indirect_dma source(%dma_start3A_74 : memref<10240xf32, #tpu.memory_space<vmem_shared>>) target(%arg25 : memref<128xf32, #tpu.memory_space<vmem>>) offsets(%dma_start3A_72 : memref<128xi32, #tpu.memory_space<vmem>>) semaphore(%arg41 : memref<!tpu.dma_semaphore, #tpu.memory_space<semaphore_mem>>)
    %scan3A_75 = arith.constant 0 : i32
    %scan3A_76 = arith.constant 15 : i32
    %scan3A_77 = arith.addi %scan3A_75, %scan3A_76 : i32
    %scan3A_78 = arith.constant 1 : i32
    scf.for %scan3A_267 = %scan3A_75 to %scan3A_77 step %scan3A_78  : i32 {
      %mul3A_268 = arith.constant 5 : i32
      %mul3A_269 = arith.muli %scan3A_267, %mul3A_268 : i32
      %add3A_270 = arith.constant 0 : i32
      %add3A_271 = arith.addi %add3A_270, %mul3A_269 : i32
      %add3A_272 = arith.constant 0 : i32
      %add3A_273 = arith.addi %add3A_271, %add3A_272 : i32
      %dma_wait3A_274 = arith.constant 0 : i32
      %dma_wait3A_275 = tpu.memref_slice %arg13[%add3A_273, %dma_wait3A_274] : memref<80x128xi32, #tpu.memory_space<vmem>> -> memref<1x128xi32, #tpu.memory_space<vmem>>
      %dma_wait3A_276 = tpu.memref_squeeze %dma_wait3A_275 : memref<1x128xi32, #tpu.memory_space<vmem>> -> memref<128xi32, #tpu.memory_space<vmem>>
      %dma_wait3A_277 = arith.constant 0 : i32
      %dma_wait3A_278 = tpu.memref_slice %arg7[%dma_wait3A_277] : memref<10240xf32, #tpu.memory_space<vmem_shared>> -> memref<10240xf32, #tpu.memory_space<vmem_shared>>
      tpu.wait_indirect_dma semaphore(%arg27 : memref<!tpu.dma_semaphore, #tpu.memory_space<semaphore_mem>>) src(%dma_wait3A_278 : memref<10240xf32, #tpu.memory_space<vmem_shared>>) dst(%arg16 : memref<128xf32, #tpu.memory_space<vmem>>)
      %add3A_279 = arith.constant 0 : i32
      %add3A_280 = arith.addi %add3A_271, %add3A_279 : i32
      %dma_wait3A_281 = arith.constant 0 : i32
      %dma_wait3A_282 = tpu.memref_slice %arg13[%add3A_280, %dma_wait3A_281] : memref<80x128xi32, #tpu.memory_space<vmem>> -> memref<1x128xi32, #tpu.memory_space<vmem>>
      %dma_wait3A_283 = tpu.memref_squeeze %dma_wait3A_282 : memref<1x128xi32, #tpu.memory_space<vmem>> -> memref<128xi32, #tpu.memory_space<vmem>>
      %dma_wait3A_284 = arith.constant 0 : i32
      %dma_wait3A_285 = tpu.memref_slice %arg8[%dma_wait3A_284] : memref<10240xf32, #tpu.memory_space<vmem_shared>> -> memref<10240xf32, #tpu.memory_space<vmem_shared>>
      tpu.wait_indirect_dma semaphore(%arg37 : memref<!tpu.dma_semaphore, #tpu.memory_space<semaphore_mem>>) src(%dma_wait3A_285 : memref<10240xf32, #tpu.memory_space<vmem_shared>>) dst(%arg21 : memref<128xf32, #tpu.memory_space<vmem>>)
      %add3A_286 = arith.constant 0 : i32
      %add3A_287 = arith.addi %add3A_271, %add3A_286 : i32
      %dma_start3A_288 = arith.constant 0 : i32
      %dma_start3A_289 = tpu.memref_slice %arg14[%add3A_287, %dma_start3A_288] : memref<80x128xi32, #tpu.memory_space<vmem>> -> memref<1x128xi32, #tpu.memory_space<vmem>>
      %dma_start3A_290 = tpu.memref_squeeze %dma_start3A_289 : memref<1x128xi32, #tpu.memory_space<vmem>> -> memref<128xi32, #tpu.memory_space<vmem>>
      %dma_start3A_291 = arith.constant 0 : i32
      %dma_start3A_292 = tpu.memref_slice %arg9[%dma_start3A_291] : memref<10240xf32, #tpu.memory_space<vmem_shared>> -> memref<10240xf32, #tpu.memory_space<vmem_shared>>
      tpu.enqueue_indirect_dma source(%arg16 : memref<128xf32, #tpu.memory_space<vmem>>) target(%dma_start3A_292 : memref<10240xf32, #tpu.memory_space<vmem_shared>>) offsets(%dma_start3A_290 : memref<128xi32, #tpu.memory_space<vmem>>) semaphore(%arg32 : memref<!tpu.dma_semaphore, #tpu.memory_space<semaphore_mem>>) {add = true}
      %add3A_293 = arith.constant 0 : i32
      %add3A_294 = arith.addi %add3A_271, %add3A_293 : i32
      %dma_start3A_295 = arith.constant 0 : i32
      %dma_start3A_296 = tpu.memref_slice %arg14[%add3A_294, %dma_start3A_295] : memref<80x128xi32, #tpu.memory_space<vmem>> -> memref<1x128xi32, #tpu.memory_space<vmem>>
      %dma_start3A_297 = tpu.memref_squeeze %dma_start3A_296 : memref<1x128xi32, #tpu.memory_space<vmem>> -> memref<128xi32, #tpu.memory_space<vmem>>
      %dma_start3A_298 = arith.constant 0 : i32
      %dma_start3A_299 = tpu.memref_slice %arg10[%dma_start3A_298] : memref<10240xf32, #tpu.memory_space<vmem_shared>> -> memref<10240xf32, #tpu.memory_space<vmem_shared>>
      tpu.enqueue_indirect_dma source(%arg21 : memref<128xf32, #tpu.memory_space<vmem>>) target(%dma_start3A_299 : memref<10240xf32, #tpu.memory_space<vmem_shared>>) offsets(%dma_start3A_297 : memref<128xi32, #tpu.memory_space<vmem>>) semaphore(%arg42 : memref<!tpu.dma_semaphore, #tpu.memory_space<semaphore_mem>>) {add = true}
      %add3A_300 = arith.constant 1 : i32
      %add3A_301 = arith.addi %add3A_271, %add3A_300 : i32
      %dma_wait3A_302 = arith.constant 0 : i32
      %dma_wait3A_303 = tpu.memref_slice %arg13[%add3A_301, %dma_wait3A_302] : memref<80x128xi32, #tpu.memory_space<vmem>> -> memref<1x128xi32, #tpu.memory_space<vmem>>
      %dma_wait3A_304 = tpu.memref_squeeze %dma_wait3A_303 : memref<1x128xi32, #tpu.memory_space<vmem>> -> memref<128xi32, #tpu.memory_space<vmem>>
      %dma_wait3A_305 = arith.constant 0 : i32
      %dma_wait3A_306 = tpu.memref_slice %arg7[%dma_wait3A_305] : memref<10240xf32, #tpu.memory_space<vmem_shared>> -> memref<10240xf32, #tpu.memory_space<vmem_shared>>
      tpu.wait_indirect_dma semaphore(%arg28 : memref<!tpu.dma_semaphore, #tpu.memory_space<semaphore_mem>>) src(%dma_wait3A_306 : memref<10240xf32, #tpu.memory_space<vmem_shared>>) dst(%arg17 : memref<128xf32, #tpu.memory_space<vmem>>)
      %add3A_307 = arith.constant 1 : i32
      %add3A_308 = arith.addi %add3A_271, %add3A_307 : i32
      %dma_wait3A_309 = arith.constant 0 : i32
      %dma_wait3A_310 = tpu.memref_slice %arg13[%add3A_308, %dma_wait3A_309] : memref<80x128xi32, #tpu.memory_space<vmem>> -> memref<1x128xi32, #tpu.memory_space<vmem>>
      %dma_wait3A_311 = tpu.memref_squeeze %dma_wait3A_310 : memref<1x128xi32, #tpu.memory_space<vmem>> -> memref<128xi32, #tpu.memory_space<vmem>>
      %dma_wait3A_312 = arith.constant 0 : i32
      %dma_wait3A_313 = tpu.memref_slice %arg8[%dma_wait3A_312] : memref<10240xf32, #tpu.memory_space<vmem_shared>> -> memref<10240xf32, #tpu.memory_space<vmem_shared>>
      tpu.wait_indirect_dma semaphore(%arg38 : memref<!tpu.dma_semaphore, #tpu.memory_space<semaphore_mem>>) src(%dma_wait3A_313 : memref<10240xf32, #tpu.memory_space<vmem_shared>>) dst(%arg22 : memref<128xf32, #tpu.memory_space<vmem>>)
      %add3A_314 = arith.constant 1 : i32
      %add3A_315 = arith.addi %add3A_271, %add3A_314 : i32
      %dma_start3A_316 = arith.constant 0 : i32
      %dma_start3A_317 = tpu.memref_slice %arg14[%add3A_315, %dma_start3A_316] : memref<80x128xi32, #tpu.memory_space<vmem>> -> memref<1x128xi32, #tpu.memory_space<vmem>>
      %dma_start3A_318 = tpu.memref_squeeze %dma_start3A_317 : memref<1x128xi32, #tpu.memory_space<vmem>> -> memref<128xi32, #tpu.memory_space<vmem>>
      %dma_start3A_319 = arith.constant 0 : i32
      %dma_start3A_320 = tpu.memref_slice %arg9[%dma_start3A_319] : memref<10240xf32, #tpu.memory_space<vmem_shared>> -> memref<10240xf32, #tpu.memory_space<vmem_shared>>
      tpu.enqueue_indirect_dma source(%arg17 : memref<128xf32, #tpu.memory_space<vmem>>) target(%dma_start3A_320 : memref<10240xf32, #tpu.memory_space<vmem_shared>>) offsets(%dma_start3A_318 : memref<128xi32, #tpu.memory_space<vmem>>) semaphore(%arg33 : memref<!tpu.dma_semaphore, #tpu.memory_space<semaphore_mem>>) {add = true}
      %add3A_321 = arith.constant 1 : i32
      %add3A_322 = arith.addi %add3A_271, %add3A_321 : i32
      %dma_start3A_323 = arith.constant 0 : i32
      %dma_start3A_324 = tpu.memref_slice %arg14[%add3A_322, %dma_start3A_323] : memref<80x128xi32, #tpu.memory_space<vmem>> -> memref<1x128xi32, #tpu.memory_space<vmem>>
      %dma_start3A_325 = tpu.memref_squeeze %dma_start3A_324 : memref<1x128xi32, #tpu.memory_space<vmem>> -> memref<128xi32, #tpu.memory_space<vmem>>
      %dma_start3A_326 = arith.constant 0 : i32
      %dma_start3A_327 = tpu.memref_slice %arg10[%dma_start3A_326] : memref<10240xf32, #tpu.memory_space<vmem_shared>> -> memref<10240xf32, #tpu.memory_space<vmem_shared>>
      tpu.enqueue_indirect_dma source(%arg22 : memref<128xf32, #tpu.memory_space<vmem>>) target(%dma_start3A_327 : memref<10240xf32, #tpu.memory_space<vmem_shared>>) offsets(%dma_start3A_325 : memref<128xi32, #tpu.memory_space<vmem>>) semaphore(%arg43 : memref<!tpu.dma_semaphore, #tpu.memory_space<semaphore_mem>>) {add = true}
      %add3A_328 = arith.constant 2 : i32
      %add3A_329 = arith.addi %add3A_271, %add3A_328 : i32
      %dma_wait3A_330 = arith.constant 0 : i32
      %dma_wait3A_331 = tpu.memref_slice %arg13[%add3A_329, %dma_wait3A_330] : memref<80x128xi32, #tpu.memory_space<vmem>> -> memref<1x128xi32, #tpu.memory_space<vmem>>
      %dma_wait3A_332 = tpu.memref_squeeze %dma_wait3A_331 : memref<1x128xi32, #tpu.memory_space<vmem>> -> memref<128xi32, #tpu.memory_space<vmem>>
      %dma_wait3A_333 = arith.constant 0 : i32
      %dma_wait3A_334 = tpu.memref_slice %arg7[%dma_wait3A_333] : memref<10240xf32, #tpu.memory_space<vmem_shared>> -> memref<10240xf32, #tpu.memory_space<vmem_shared>>
      tpu.wait_indirect_dma semaphore(%arg29 : memref<!tpu.dma_semaphore, #tpu.memory_space<semaphore_mem>>) src(%dma_wait3A_334 : memref<10240xf32, #tpu.memory_space<vmem_shared>>) dst(%arg18 : memref<128xf32, #tpu.memory_space<vmem>>)
      %add3A_335 = arith.constant 2 : i32
      %add3A_336 = arith.addi %add3A_271, %add3A_335 : i32
      %dma_wait3A_337 = arith.constant 0 : i32
      %dma_wait3A_338 = tpu.memref_slice %arg13[%add3A_336, %dma_wait3A_337] : memref<80x128xi32, #tpu.memory_space<vmem>> -> memref<1x128xi32, #tpu.memory_space<vmem>>
      %dma_wait3A_339 = tpu.memref_squeeze %dma_wait3A_338 : memref<1x128xi32, #tpu.memory_space<vmem>> -> memref<128xi32, #tpu.memory_space<vmem>>
      %dma_wait3A_340 = arith.constant 0 : i32
      %dma_wait3A_341 = tpu.memref_slice %arg8[%dma_wait3A_340] : memref<10240xf32, #tpu.memory_space<vmem_shared>> -> memref<10240xf32, #tpu.memory_space<vmem_shared>>
      tpu.wait_indirect_dma semaphore(%arg39 : memref<!tpu.dma_semaphore, #tpu.memory_space<semaphore_mem>>) src(%dma_wait3A_341 : memref<10240xf32, #tpu.memory_space<vmem_shared>>) dst(%arg23 : memref<128xf32, #tpu.memory_space<vmem>>)
      %add3A_342 = arith.constant 2 : i32
      %add3A_343 = arith.addi %add3A_271, %add3A_342 : i32
      %dma_start3A_344 = arith.constant 0 : i32
      %dma_start3A_345 = tpu.memref_slice %arg14[%add3A_343, %dma_start3A_344] : memref<80x128xi32, #tpu.memory_space<vmem>> -> memref<1x128xi32, #tpu.memory_space<vmem>>
      %dma_start3A_346 = tpu.memref_squeeze %dma_start3A_345 : memref<1x128xi32, #tpu.memory_space<vmem>> -> memref<128xi32, #tpu.memory_space<vmem>>
      %dma_start3A_347 = arith.constant 0 : i32
      %dma_start3A_348 = tpu.memref_slice %arg9[%dma_start3A_347] : memref<10240xf32, #tpu.memory_space<vmem_shared>> -> memref<10240xf32, #tpu.memory_space<vmem_shared>>
      tpu.enqueue_indirect_dma source(%arg18 : memref<128xf32, #tpu.memory_space<vmem>>) target(%dma_start3A_348 : memref<10240xf32, #tpu.memory_space<vmem_shared>>) offsets(%dma_start3A_346 : memref<128xi32, #tpu.memory_space<vmem>>) semaphore(%arg34 : memref<!tpu.dma_semaphore, #tpu.memory_space<semaphore_mem>>) {add = true}
      %add3A_349 = arith.constant 2 : i32
      %add3A_350 = arith.addi %add3A_271, %add3A_349 : i32
      %dma_start3A_351 = arith.constant 0 : i32
      %dma_start3A_352 = tpu.memref_slice %arg14[%add3A_350, %dma_start3A_351] : memref<80x128xi32, #tpu.memory_space<vmem>> -> memref<1x128xi32, #tpu.memory_space<vmem>>
      %dma_start3A_353 = tpu.memref_squeeze %dma_start3A_352 : memref<1x128xi32, #tpu.memory_space<vmem>> -> memref<128xi32, #tpu.memory_space<vmem>>
      %dma_start3A_354 = arith.constant 0 : i32
      %dma_start3A_355 = tpu.memref_slice %arg10[%dma_start3A_354] : memref<10240xf32, #tpu.memory_space<vmem_shared>> -> memref<10240xf32, #tpu.memory_space<vmem_shared>>
      tpu.enqueue_indirect_dma source(%arg23 : memref<128xf32, #tpu.memory_space<vmem>>) target(%dma_start3A_355 : memref<10240xf32, #tpu.memory_space<vmem_shared>>) offsets(%dma_start3A_353 : memref<128xi32, #tpu.memory_space<vmem>>) semaphore(%arg44 : memref<!tpu.dma_semaphore, #tpu.memory_space<semaphore_mem>>) {add = true}
      %add3A_356 = arith.constant 3 : i32
      %add3A_357 = arith.addi %add3A_271, %add3A_356 : i32
      %dma_wait3A_358 = arith.constant 0 : i32
      %dma_wait3A_359 = tpu.memref_slice %arg13[%add3A_357, %dma_wait3A_358] : memref<80x128xi32, #tpu.memory_space<vmem>> -> memref<1x128xi32, #tpu.memory_space<vmem>>
      %dma_wait3A_360 = tpu.memref_squeeze %dma_wait3A_359 : memref<1x128xi32, #tpu.memory_space<vmem>> -> memref<128xi32, #tpu.memory_space<vmem>>
      %dma_wait3A_361 = arith.constant 0 : i32
      %dma_wait3A_362 = tpu.memref_slice %arg7[%dma_wait3A_361] : memref<10240xf32, #tpu.memory_space<vmem_shared>> -> memref<10240xf32, #tpu.memory_space<vmem_shared>>
      tpu.wait_indirect_dma semaphore(%arg30 : memref<!tpu.dma_semaphore, #tpu.memory_space<semaphore_mem>>) src(%dma_wait3A_362 : memref<10240xf32, #tpu.memory_space<vmem_shared>>) dst(%arg19 : memref<128xf32, #tpu.memory_space<vmem>>)
      %add3A_363 = arith.constant 3 : i32
      %add3A_364 = arith.addi %add3A_271, %add3A_363 : i32
      %dma_wait3A_365 = arith.constant 0 : i32
      %dma_wait3A_366 = tpu.memref_slice %arg13[%add3A_364, %dma_wait3A_365] : memref<80x128xi32, #tpu.memory_space<vmem>> -> memref<1x128xi32, #tpu.memory_space<vmem>>
      %dma_wait3A_367 = tpu.memref_squeeze %dma_wait3A_366 : memref<1x128xi32, #tpu.memory_space<vmem>> -> memref<128xi32, #tpu.memory_space<vmem>>
      %dma_wait3A_368 = arith.constant 0 : i32
      %dma_wait3A_369 = tpu.memref_slice %arg8[%dma_wait3A_368] : memref<10240xf32, #tpu.memory_space<vmem_shared>> -> memref<10240xf32, #tpu.memory_space<vmem_shared>>
      tpu.wait_indirect_dma semaphore(%arg40 : memref<!tpu.dma_semaphore, #tpu.memory_space<semaphore_mem>>) src(%dma_wait3A_369 : memref<10240xf32, #tpu.memory_space<vmem_shared>>) dst(%arg24 : memref<128xf32, #tpu.memory_space<vmem>>)
      %add3A_370 = arith.constant 3 : i32
      %add3A_371 = arith.addi %add3A_271, %add3A_370 : i32
      %dma_start3A_372 = arith.constant 0 : i32
      %dma_start3A_373 = tpu.memref_slice %arg14[%add3A_371, %dma_start3A_372] : memref<80x128xi32, #tpu.memory_space<vmem>> -> memref<1x128xi32, #tpu.memory_space<vmem>>
      %dma_start3A_374 = tpu.memref_squeeze %dma_start3A_373 : memref<1x128xi32, #tpu.memory_space<vmem>> -> memref<128xi32, #tpu.memory_space<vmem>>
      %dma_start3A_375 = arith.constant 0 : i32
      %dma_start3A_376 = tpu.memref_slice %arg9[%dma_start3A_375] : memref<10240xf32, #tpu.memory_space<vmem_shared>> -> memref<10240xf32, #tpu.memory_space<vmem_shared>>
      tpu.enqueue_indirect_dma source(%arg19 : memref<128xf32, #tpu.memory_space<vmem>>) target(%dma_start3A_376 : memref<10240xf32, #tpu.memory_space<vmem_shared>>) offsets(%dma_start3A_374 : memref<128xi32, #tpu.memory_space<vmem>>) semaphore(%arg35 : memref<!tpu.dma_semaphore, #tpu.memory_space<semaphore_mem>>) {add = true}
      %add3A_377 = arith.constant 3 : i32
      %add3A_378 = arith.addi %add3A_271, %add3A_377 : i32
      %dma_start3A_379 = arith.constant 0 : i32
      %dma_start3A_380 = tpu.memref_slice %arg14[%add3A_378, %dma_start3A_379] : memref<80x128xi32, #tpu.memory_space<vmem>> -> memref<1x128xi32, #tpu.memory_space<vmem>>
      %dma_start3A_381 = tpu.memref_squeeze %dma_start3A_380 : memref<1x128xi32, #tpu.memory_space<vmem>> -> memref<128xi32, #tpu.memory_space<vmem>>
      %dma_start3A_382 = arith.constant 0 : i32
      %dma_start3A_383 = tpu.memref_slice %arg10[%dma_start3A_382] : memref<10240xf32, #tpu.memory_space<vmem_shared>> -> memref<10240xf32, #tpu.memory_space<vmem_shared>>
      tpu.enqueue_indirect_dma source(%arg24 : memref<128xf32, #tpu.memory_space<vmem>>) target(%dma_start3A_383 : memref<10240xf32, #tpu.memory_space<vmem_shared>>) offsets(%dma_start3A_381 : memref<128xi32, #tpu.memory_space<vmem>>) semaphore(%arg45 : memref<!tpu.dma_semaphore, #tpu.memory_space<semaphore_mem>>) {add = true}
      %add3A_384 = arith.constant 4 : i32
      %add3A_385 = arith.addi %add3A_271, %add3A_384 : i32
      %dma_wait3A_386 = arith.constant 0 : i32
      %dma_wait3A_387 = tpu.memref_slice %arg13[%add3A_385, %dma_wait3A_386] : memref<80x128xi32, #tpu.memory_space<vmem>> -> memref<1x128xi32, #tpu.memory_space<vmem>>
      %dma_wait3A_388 = tpu.memref_squeeze %dma_wait3A_387 : memref<1x128xi32, #tpu.memory_space<vmem>> -> memref<128xi32, #tpu.memory_space<vmem>>
      %dma_wait3A_389 = arith.constant 0 : i32
      %dma_wait3A_390 = tpu.memref_slice %arg7[%dma_wait3A_389] : memref<10240xf32, #tpu.memory_space<vmem_shared>> -> memref<10240xf32, #tpu.memory_space<vmem_shared>>
      tpu.wait_indirect_dma semaphore(%arg31 : memref<!tpu.dma_semaphore, #tpu.memory_space<semaphore_mem>>) src(%dma_wait3A_390 : memref<10240xf32, #tpu.memory_space<vmem_shared>>) dst(%arg20 : memref<128xf32, #tpu.memory_space<vmem>>)
      %add3A_391 = arith.constant 4 : i32
      %add3A_392 = arith.addi %add3A_271, %add3A_391 : i32
      %dma_wait3A_393 = arith.constant 0 : i32
      %dma_wait3A_394 = tpu.memref_slice %arg13[%add3A_392, %dma_wait3A_393] : memref<80x128xi32, #tpu.memory_space<vmem>> -> memref<1x128xi32, #tpu.memory_space<vmem>>
      %dma_wait3A_395 = tpu.memref_squeeze %dma_wait3A_394 : memref<1x128xi32, #tpu.memory_space<vmem>> -> memref<128xi32, #tpu.memory_space<vmem>>
      %dma_wait3A_396 = arith.constant 0 : i32
      %dma_wait3A_397 = tpu.memref_slice %arg8[%dma_wait3A_396] : memref<10240xf32, #tpu.memory_space<vmem_shared>> -> memref<10240xf32, #tpu.memory_space<vmem_shared>>
      tpu.wait_indirect_dma semaphore(%arg41 : memref<!tpu.dma_semaphore, #tpu.memory_space<semaphore_mem>>) src(%dma_wait3A_397 : memref<10240xf32, #tpu.memory_space<vmem_shared>>) dst(%arg25 : memref<128xf32, #tpu.memory_space<vmem>>)
      %add3A_398 = arith.constant 4 : i32
      %add3A_399 = arith.addi %add3A_271, %add3A_398 : i32
      %dma_start3A_400 = arith.constant 0 : i32
      %dma_start3A_401 = tpu.memref_slice %arg14[%add3A_399, %dma_start3A_400] : memref<80x128xi32, #tpu.memory_space<vmem>> -> memref<1x128xi32, #tpu.memory_space<vmem>>
      %dma_start3A_402 = tpu.memref_squeeze %dma_start3A_401 : memref<1x128xi32, #tpu.memory_space<vmem>> -> memref<128xi32, #tpu.memory_space<vmem>>
      %dma_start3A_403 = arith.constant 0 : i32
      %dma_start3A_404 = tpu.memref_slice %arg9[%dma_start3A_403] : memref<10240xf32, #tpu.memory_space<vmem_shared>> -> memref<10240xf32, #tpu.memory_space<vmem_shared>>
      tpu.enqueue_indirect_dma source(%arg20 : memref<128xf32, #tpu.memory_space<vmem>>) target(%dma_start3A_404 : memref<10240xf32, #tpu.memory_space<vmem_shared>>) offsets(%dma_start3A_402 : memref<128xi32, #tpu.memory_space<vmem>>) semaphore(%arg36 : memref<!tpu.dma_semaphore, #tpu.memory_space<semaphore_mem>>) {add = true}
      %add3A_405 = arith.constant 4 : i32
      %add3A_406 = arith.addi %add3A_271, %add3A_405 : i32
      %dma_start3A_407 = arith.constant 0 : i32
      %dma_start3A_408 = tpu.memref_slice %arg14[%add3A_406, %dma_start3A_407] : memref<80x128xi32, #tpu.memory_space<vmem>> -> memref<1x128xi32, #tpu.memory_space<vmem>>
      %dma_start3A_409 = tpu.memref_squeeze %dma_start3A_408 : memref<1x128xi32, #tpu.memory_space<vmem>> -> memref<128xi32, #tpu.memory_space<vmem>>
      %dma_start3A_410 = arith.constant 0 : i32
      %dma_start3A_411 = tpu.memref_slice %arg10[%dma_start3A_410] : memref<10240xf32, #tpu.memory_space<vmem_shared>> -> memref<10240xf32, #tpu.memory_space<vmem_shared>>
      tpu.enqueue_indirect_dma source(%arg25 : memref<128xf32, #tpu.memory_space<vmem>>) target(%dma_start3A_411 : memref<10240xf32, #tpu.memory_space<vmem_shared>>) offsets(%dma_start3A_409 : memref<128xi32, #tpu.memory_space<vmem>>) semaphore(%arg46 : memref<!tpu.dma_semaphore, #tpu.memory_space<semaphore_mem>>) {add = true}
      %dma_wait3A_412 = arith.constant 0 : i32
      %dma_wait3A_413 = tpu.memref_slice %arg14[%add3A_287, %dma_wait3A_412] : memref<80x128xi32, #tpu.memory_space<vmem>> -> memref<1x128xi32, #tpu.memory_space<vmem>>
      %dma_wait3A_414 = tpu.memref_squeeze %dma_wait3A_413 : memref<1x128xi32, #tpu.memory_space<vmem>> -> memref<128xi32, #tpu.memory_space<vmem>>
      %dma_wait3A_415 = arith.constant 0 : i32
      %dma_wait3A_416 = tpu.memref_slice %arg9[%dma_wait3A_415] : memref<10240xf32, #tpu.memory_space<vmem_shared>> -> memref<10240xf32, #tpu.memory_space<vmem_shared>>
      tpu.wait_indirect_dma semaphore(%arg32 : memref<!tpu.dma_semaphore, #tpu.memory_space<semaphore_mem>>) src(%arg16 : memref<128xf32, #tpu.memory_space<vmem>>) dst(%dma_wait3A_416 : memref<10240xf32, #tpu.memory_space<vmem_shared>>)
      %dma_wait3A_417 = arith.constant 0 : i32
      %dma_wait3A_418 = tpu.memref_slice %arg14[%add3A_294, %dma_wait3A_417] : memref<80x128xi32, #tpu.memory_space<vmem>> -> memref<1x128xi32, #tpu.memory_space<vmem>>
      %dma_wait3A_419 = tpu.memref_squeeze %dma_wait3A_418 : memref<1x128xi32, #tpu.memory_space<vmem>> -> memref<128xi32, #tpu.memory_space<vmem>>
      %dma_wait3A_420 = arith.constant 0 : i32
      %dma_wait3A_421 = tpu.memref_slice %arg10[%dma_wait3A_420] : memref<10240xf32, #tpu.memory_space<vmem_shared>> -> memref<10240xf32, #tpu.memory_space<vmem_shared>>
      tpu.wait_indirect_dma semaphore(%arg42 : memref<!tpu.dma_semaphore, #tpu.memory_space<semaphore_mem>>) src(%arg21 : memref<128xf32, #tpu.memory_space<vmem>>) dst(%dma_wait3A_421 : memref<10240xf32, #tpu.memory_space<vmem_shared>>)
      %add3A_422 = arith.constant 5 : i32
      %add3A_423 = arith.addi %add3A_271, %add3A_422 : i32
      %add3A_424 = arith.constant 0 : i32
      %add3A_425 = arith.addi %add3A_423, %add3A_424 : i32
      %dma_start3A_426 = arith.constant 0 : i32
      %dma_start3A_427 = tpu.memref_slice %arg13[%add3A_425, %dma_start3A_426] : memref<80x128xi32, #tpu.memory_space<vmem>> -> memref<1x128xi32, #tpu.memory_space<vmem>>
      %dma_start3A_428 = tpu.memref_squeeze %dma_start3A_427 : memref<1x128xi32, #tpu.memory_space<vmem>> -> memref<128xi32, #tpu.memory_space<vmem>>
      %dma_start3A_429 = arith.constant 0 : i32
      %dma_start3A_430 = tpu.memref_slice %arg7[%dma_start3A_429] : memref<10240xf32, #tpu.memory_space<vmem_shared>> -> memref<10240xf32, #tpu.memory_space<vmem_shared>>
      tpu.enqueue_indirect_dma source(%dma_start3A_430 : memref<10240xf32, #tpu.memory_space<vmem_shared>>) target(%arg16 : memref<128xf32, #tpu.memory_space<vmem>>) offsets(%dma_start3A_428 : memref<128xi32, #tpu.memory_space<vmem>>) semaphore(%arg27 : memref<!tpu.dma_semaphore, #tpu.memory_space<semaphore_mem>>)
      %add3A_431 = arith.constant 5 : i32
      %add3A_432 = arith.addi %add3A_271, %add3A_431 : i32
      %add3A_433 = arith.constant 0 : i32
      %add3A_434 = arith.addi %add3A_432, %add3A_433 : i32
      %dma_start3A_435 = arith.constant 0 : i32
      %dma_start3A_436 = tpu.memref_slice %arg13[%add3A_434, %dma_start3A_435] : memref<80x128xi32, #tpu.memory_space<vmem>> -> memref<1x128xi32, #tpu.memory_space<vmem>>
      %dma_start3A_437 = tpu.memref_squeeze %dma_start3A_436 : memref<1x128xi32, #tpu.memory_space<vmem>> -> memref<128xi32, #tpu.memory_space<vmem>>
      %dma_start3A_438 = arith.constant 0 : i32
      %dma_start3A_439 = tpu.memref_slice %arg8[%dma_start3A_438] : memref<10240xf32, #tpu.memory_space<vmem_shared>> -> memref<10240xf32, #tpu.memory_space<vmem_shared>>
      tpu.enqueue_indirect_dma source(%dma_start3A_439 : memref<10240xf32, #tpu.memory_space<vmem_shared>>) target(%arg21 : memref<128xf32, #tpu.memory_space<vmem>>) offsets(%dma_start3A_437 : memref<128xi32, #tpu.memory_space<vmem>>) semaphore(%arg37 : memref<!tpu.dma_semaphore, #tpu.memory_space<semaphore_mem>>)
      %dma_wait3A_440 = arith.constant 0 : i32
      %dma_wait3A_441 = tpu.memref_slice %arg14[%add3A_315, %dma_wait3A_440] : memref<80x128xi32, #tpu.memory_space<vmem>> -> memref<1x128xi32, #tpu.memory_space<vmem>>
      %dma_wait3A_442 = tpu.memref_squeeze %dma_wait3A_441 : memref<1x128xi32, #tpu.memory_space<vmem>> -> memref<128xi32, #tpu.memory_space<vmem>>
      %dma_wait3A_443 = arith.constant 0 : i32
      %dma_wait3A_444 = tpu.memref_slice %arg9[%dma_wait3A_443] : memref<10240xf32, #tpu.memory_space<vmem_shared>> -> memref<10240xf32, #tpu.memory_space<vmem_shared>>
      tpu.wait_indirect_dma semaphore(%arg33 : memref<!tpu.dma_semaphore, #tpu.memory_space<semaphore_mem>>) src(%arg17 : memref<128xf32, #tpu.memory_space<vmem>>) dst(%dma_wait3A_444 : memref<10240xf32, #tpu.memory_space<vmem_shared>>)
      %dma_wait3A_445 = arith.constant 0 : i32
      %dma_wait3A_446 = tpu.memref_slice %arg14[%add3A_322, %dma_wait3A_445] : memref<80x128xi32, #tpu.memory_space<vmem>> -> memref<1x128xi32, #tpu.memory_space<vmem>>
      %dma_wait3A_447 = tpu.memref_squeeze %dma_wait3A_446 : memref<1x128xi32, #tpu.memory_space<vmem>> -> memref<128xi32, #tpu.memory_space<vmem>>
      %dma_wait3A_448 = arith.constant 0 : i32
      %dma_wait3A_449 = tpu.memref_slice %arg10[%dma_wait3A_448] : memref<10240xf32, #tpu.memory_space<vmem_shared>> -> memref<10240xf32, #tpu.memory_space<vmem_shared>>
      tpu.wait_indirect_dma semaphore(%arg43 : memref<!tpu.dma_semaphore, #tpu.memory_space<semaphore_mem>>) src(%arg22 : memref<128xf32, #tpu.memory_space<vmem>>) dst(%dma_wait3A_449 : memref<10240xf32, #tpu.memory_space<vmem_shared>>)
      %add3A_450 = arith.constant 5 : i32
      %add3A_451 = arith.addi %add3A_271, %add3A_450 : i32
      %add3A_452 = arith.constant 1 : i32
      %add3A_453 = arith.addi %add3A_451, %add3A_452 : i32
      %dma_start3A_454 = arith.constant 0 : i32
      %dma_start3A_455 = tpu.memref_slice %arg13[%add3A_453, %dma_start3A_454] : memref<80x128xi32, #tpu.memory_space<vmem>> -> memref<1x128xi32, #tpu.memory_space<vmem>>
      %dma_start3A_456 = tpu.memref_squeeze %dma_start3A_455 : memref<1x128xi32, #tpu.memory_space<vmem>> -> memref<128xi32, #tpu.memory_space<vmem>>
      %dma_start3A_457 = arith.constant 0 : i32
      %dma_start3A_458 = tpu.memref_slice %arg7[%dma_start3A_457] : memref<10240xf32, #tpu.memory_space<vmem_shared>> -> memref<10240xf32, #tpu.memory_space<vmem_shared>>
      tpu.enqueue_indirect_dma source(%dma_start3A_458 : memref<10240xf32, #tpu.memory_space<vmem_shared>>) target(%arg17 : memref<128xf32, #tpu.memory_space<vmem>>) offsets(%dma_start3A_456 : memref<128xi32, #tpu.memory_space<vmem>>) semaphore(%arg28 : memref<!tpu.dma_semaphore, #tpu.memory_space<semaphore_mem>>)
      %add3A_459 = arith.constant 5 : i32
      %add3A_460 = arith.addi %add3A_271, %add3A_459 : i32
      %add3A_461 = arith.constant 1 : i32
      %add3A_462 = arith.addi %add3A_460, %add3A_461 : i32
      %dma_start3A_463 = arith.constant 0 : i32
      %dma_start3A_464 = tpu.memref_slice %arg13[%add3A_462, %dma_start3A_463] : memref<80x128xi32, #tpu.memory_space<vmem>> -> memref<1x128xi32, #tpu.memory_space<vmem>>
      %dma_start3A_465 = tpu.memref_squeeze %dma_start3A_464 : memref<1x128xi32, #tpu.memory_space<vmem>> -> memref<128xi32, #tpu.memory_space<vmem>>
      %dma_start3A_466 = arith.constant 0 : i32
      %dma_start3A_467 = tpu.memref_slice %arg8[%dma_start3A_466] : memref<10240xf32, #tpu.memory_space<vmem_shared>> -> memref<10240xf32, #tpu.memory_space<vmem_shared>>
      tpu.enqueue_indirect_dma source(%dma_start3A_467 : memref<10240xf32, #tpu.memory_space<vmem_shared>>) target(%arg22 : memref<128xf32, #tpu.memory_space<vmem>>) offsets(%dma_start3A_465 : memref<128xi32, #tpu.memory_space<vmem>>) semaphore(%arg38 : memref<!tpu.dma_semaphore, #tpu.memory_space<semaphore_mem>>)
      %dma_wait3A_468 = arith.constant 0 : i32
      %dma_wait3A_469 = tpu.memref_slice %arg14[%add3A_343, %dma_wait3A_468] : memref<80x128xi32, #tpu.memory_space<vmem>> -> memref<1x128xi32, #tpu.memory_space<vmem>>
      %dma_wait3A_470 = tpu.memref_squeeze %dma_wait3A_469 : memref<1x128xi32, #tpu.memory_space<vmem>> -> memref<128xi32, #tpu.memory_space<vmem>>
      %dma_wait3A_471 = arith.constant 0 : i32
      %dma_wait3A_472 = tpu.memref_slice %arg9[%dma_wait3A_471] : memref<10240xf32, #tpu.memory_space<vmem_shared>> -> memref<10240xf32, #tpu.memory_space<vmem_shared>>
      tpu.wait_indirect_dma semaphore(%arg34 : memref<!tpu.dma_semaphore, #tpu.memory_space<semaphore_mem>>) src(%arg18 : memref<128xf32, #tpu.memory_space<vmem>>) dst(%dma_wait3A_472 : memref<10240xf32, #tpu.memory_space<vmem_shared>>)
      %dma_wait3A_473 = arith.constant 0 : i32
      %dma_wait3A_474 = tpu.memref_slice %arg14[%add3A_350, %dma_wait3A_473] : memref<80x128xi32, #tpu.memory_space<vmem>> -> memref<1x128xi32, #tpu.memory_space<vmem>>
      %dma_wait3A_475 = tpu.memref_squeeze %dma_wait3A_474 : memref<1x128xi32, #tpu.memory_space<vmem>> -> memref<128xi32, #tpu.memory_space<vmem>>
      %dma_wait3A_476 = arith.constant 0 : i32
      %dma_wait3A_477 = tpu.memref_slice %arg10[%dma_wait3A_476] : memref<10240xf32, #tpu.memory_space<vmem_shared>> -> memref<10240xf32, #tpu.memory_space<vmem_shared>>
      tpu.wait_indirect_dma semaphore(%arg44 : memref<!tpu.dma_semaphore, #tpu.memory_space<semaphore_mem>>) src(%arg23 : memref<128xf32, #tpu.memory_space<vmem>>) dst(%dma_wait3A_477 : memref<10240xf32, #tpu.memory_space<vmem_shared>>)
      %add3A_478 = arith.constant 5 : i32
      %add3A_479 = arith.addi %add3A_271, %add3A_478 : i32
      %add3A_480 = arith.constant 2 : i32
      %add3A_481 = arith.addi %add3A_479, %add3A_480 : i32
      %dma_start3A_482 = arith.constant 0 : i32
      %dma_start3A_483 = tpu.memref_slice %arg13[%add3A_481, %dma_start3A_482] : memref<80x128xi32, #tpu.memory_space<vmem>> -> memref<1x128xi32, #tpu.memory_space<vmem>>
      %dma_start3A_484 = tpu.memref_squeeze %dma_start3A_483 : memref<1x128xi32, #tpu.memory_space<vmem>> -> memref<128xi32, #tpu.memory_space<vmem>>
      %dma_start3A_485 = arith.constant 0 : i32
      %dma_start3A_486 = tpu.memref_slice %arg7[%dma_start3A_485] : memref<10240xf32, #tpu.memory_space<vmem_shared>> -> memref<10240xf32, #tpu.memory_space<vmem_shared>>
      tpu.enqueue_indirect_dma source(%dma_start3A_486 : memref<10240xf32, #tpu.memory_space<vmem_shared>>) target(%arg18 : memref<128xf32, #tpu.memory_space<vmem>>) offsets(%dma_start3A_484 : memref<128xi32, #tpu.memory_space<vmem>>) semaphore(%arg29 : memref<!tpu.dma_semaphore, #tpu.memory_space<semaphore_mem>>)
      %add3A_487 = arith.constant 5 : i32
      %add3A_488 = arith.addi %add3A_271, %add3A_487 : i32
      %add3A_489 = arith.constant 2 : i32
      %add3A_490 = arith.addi %add3A_488, %add3A_489 : i32
      %dma_start3A_491 = arith.constant 0 : i32
      %dma_start3A_492 = tpu.memref_slice %arg13[%add3A_490, %dma_start3A_491] : memref<80x128xi32, #tpu.memory_space<vmem>> -> memref<1x128xi32, #tpu.memory_space<vmem>>
      %dma_start3A_493 = tpu.memref_squeeze %dma_start3A_492 : memref<1x128xi32, #tpu.memory_space<vmem>> -> memref<128xi32, #tpu.memory_space<vmem>>
      %dma_start3A_494 = arith.constant 0 : i32
      %dma_start3A_495 = tpu.memref_slice %arg8[%dma_start3A_494] : memref<10240xf32, #tpu.memory_space<vmem_shared>> -> memref<10240xf32, #tpu.memory_space<vmem_shared>>
      tpu.enqueue_indirect_dma source(%dma_start3A_495 : memref<10240xf32, #tpu.memory_space<vmem_shared>>) target(%arg23 : memref<128xf32, #tpu.memory_space<vmem>>) offsets(%dma_start3A_493 : memref<128xi32, #tpu.memory_space<vmem>>) semaphore(%arg39 : memref<!tpu.dma_semaphore, #tpu.memory_space<semaphore_mem>>)
      %dma_wait3A_496 = arith.constant 0 : i32
      %dma_wait3A_497 = tpu.memref_slice %arg14[%add3A_371, %dma_wait3A_496] : memref<80x128xi32, #tpu.memory_space<vmem>> -> memref<1x128xi32, #tpu.memory_space<vmem>>
      %dma_wait3A_498 = tpu.memref_squeeze %dma_wait3A_497 : memref<1x128xi32, #tpu.memory_space<vmem>> -> memref<128xi32, #tpu.memory_space<vmem>>
      %dma_wait3A_499 = arith.constant 0 : i32
      %dma_wait3A_500 = tpu.memref_slice %arg9[%dma_wait3A_499] : memref<10240xf32, #tpu.memory_space<vmem_shared>> -> memref<10240xf32, #tpu.memory_space<vmem_shared>>
      tpu.wait_indirect_dma semaphore(%arg35 : memref<!tpu.dma_semaphore, #tpu.memory_space<semaphore_mem>>) src(%arg19 : memref<128xf32, #tpu.memory_space<vmem>>) dst(%dma_wait3A_500 : memref<10240xf32, #tpu.memory_space<vmem_shared>>)
      %dma_wait3A_501 = arith.constant 0 : i32
      %dma_wait3A_502 = tpu.memref_slice %arg14[%add3A_378, %dma_wait3A_501] : memref<80x128xi32, #tpu.memory_space<vmem>> -> memref<1x128xi32, #tpu.memory_space<vmem>>
      %dma_wait3A_503 = tpu.memref_squeeze %dma_wait3A_502 : memref<1x128xi32, #tpu.memory_space<vmem>> -> memref<128xi32, #tpu.memory_space<vmem>>
      %dma_wait3A_504 = arith.constant 0 : i32
      %dma_wait3A_505 = tpu.memref_slice %arg10[%dma_wait3A_504] : memref<10240xf32, #tpu.memory_space<vmem_shared>> -> memref<10240xf32, #tpu.memory_space<vmem_shared>>
      tpu.wait_indirect_dma semaphore(%arg45 : memref<!tpu.dma_semaphore, #tpu.memory_space<semaphore_mem>>) src(%arg24 : memref<128xf32, #tpu.memory_space<vmem>>) dst(%dma_wait3A_505 : memref<10240xf32, #tpu.memory_space<vmem_shared>>)
      %add3A_506 = arith.constant 5 : i32
      %add3A_507 = arith.addi %add3A_271, %add3A_506 : i32
      %add3A_508 = arith.constant 3 : i32
      %add3A_509 = arith.addi %add3A_507, %add3A_508 : i32
      %dma_start3A_510 = arith.constant 0 : i32
      %dma_start3A_511 = tpu.memref_slice %arg13[%add3A_509, %dma_start3A_510] : memref<80x128xi32, #tpu.memory_space<vmem>> -> memref<1x128xi32, #tpu.memory_space<vmem>>
      %dma_start3A_512 = tpu.memref_squeeze %dma_start3A_511 : memref<1x128xi32, #tpu.memory_space<vmem>> -> memref<128xi32, #tpu.memory_space<vmem>>
      %dma_start3A_513 = arith.constant 0 : i32
      %dma_start3A_514 = tpu.memref_slice %arg7[%dma_start3A_513] : memref<10240xf32, #tpu.memory_space<vmem_shared>> -> memref<10240xf32, #tpu.memory_space<vmem_shared>>
      tpu.enqueue_indirect_dma source(%dma_start3A_514 : memref<10240xf32, #tpu.memory_space<vmem_shared>>) target(%arg19 : memref<128xf32, #tpu.memory_space<vmem>>) offsets(%dma_start3A_512 : memref<128xi32, #tpu.memory_space<vmem>>) semaphore(%arg30 : memref<!tpu.dma_semaphore, #tpu.memory_space<semaphore_mem>>)
      %add3A_515 = arith.constant 5 : i32
      %add3A_516 = arith.addi %add3A_271, %add3A_515 : i32
      %add3A_517 = arith.constant 3 : i32
      %add3A_518 = arith.addi %add3A_516, %add3A_517 : i32
      %dma_start3A_519 = arith.constant 0 : i32
      %dma_start3A_520 = tpu.memref_slice %arg13[%add3A_518, %dma_start3A_519] : memref<80x128xi32, #tpu.memory_space<vmem>> -> memref<1x128xi32, #tpu.memory_space<vmem>>
      %dma_start3A_521 = tpu.memref_squeeze %dma_start3A_520 : memref<1x128xi32, #tpu.memory_space<vmem>> -> memref<128xi32, #tpu.memory_space<vmem>>
      %dma_start3A_522 = arith.constant 0 : i32
      %dma_start3A_523 = tpu.memref_slice %arg8[%dma_start3A_522] : memref<10240xf32, #tpu.memory_space<vmem_shared>> -> memref<10240xf32, #tpu.memory_space<vmem_shared>>
      tpu.enqueue_indirect_dma source(%dma_start3A_523 : memref<10240xf32, #tpu.memory_space<vmem_shared>>) target(%arg24 : memref<128xf32, #tpu.memory_space<vmem>>) offsets(%dma_start3A_521 : memref<128xi32, #tpu.memory_space<vmem>>) semaphore(%arg40 : memref<!tpu.dma_semaphore, #tpu.memory_space<semaphore_mem>>)
      %dma_wait3A_524 = arith.constant 0 : i32
      %dma_wait3A_525 = tpu.memref_slice %arg14[%add3A_399, %dma_wait3A_524] : memref<80x128xi32, #tpu.memory_space<vmem>> -> memref<1x128xi32, #tpu.memory_space<vmem>>
      %dma_wait3A_526 = tpu.memref_squeeze %dma_wait3A_525 : memref<1x128xi32, #tpu.memory_space<vmem>> -> memref<128xi32, #tpu.memory_space<vmem>>
      %dma_wait3A_527 = arith.constant 0 : i32
      %dma_wait3A_528 = tpu.memref_slice %arg9[%dma_wait3A_527] : memref<10240xf32, #tpu.memory_space<vmem_shared>> -> memref<10240xf32, #tpu.memory_space<vmem_shared>>
      tpu.wait_indirect_dma semaphore(%arg36 : memref<!tpu.dma_semaphore, #tpu.memory_space<semaphore_mem>>) src(%arg20 : memref<128xf32, #tpu.memory_space<vmem>>) dst(%dma_wait3A_528 : memref<10240xf32, #tpu.memory_space<vmem_shared>>)
      %dma_wait3A_529 = arith.constant 0 : i32
      %dma_wait3A_530 = tpu.memref_slice %arg14[%add3A_406, %dma_wait3A_529] : memref<80x128xi32, #tpu.memory_space<vmem>> -> memref<1x128xi32, #tpu.memory_space<vmem>>
      %dma_wait3A_531 = tpu.memref_squeeze %dma_wait3A_530 : memref<1x128xi32, #tpu.memory_space<vmem>> -> memref<128xi32, #tpu.memory_space<vmem>>
      %dma_wait3A_532 = arith.constant 0 : i32
      %dma_wait3A_533 = tpu.memref_slice %arg10[%dma_wait3A_532] : memref<10240xf32, #tpu.memory_space<vmem_shared>> -> memref<10240xf32, #tpu.memory_space<vmem_shared>>
      tpu.wait_indirect_dma semaphore(%arg46 : memref<!tpu.dma_semaphore, #tpu.memory_space<semaphore_mem>>) src(%arg25 : memref<128xf32, #tpu.memory_space<vmem>>) dst(%dma_wait3A_533 : memref<10240xf32, #tpu.memory_space<vmem_shared>>)
      %add3A_534 = arith.constant 5 : i32
      %add3A_535 = arith.addi %add3A_271, %add3A_534 : i32
      %add3A_536 = arith.constant 4 : i32
      %add3A_537 = arith.addi %add3A_535, %add3A_536 : i32
      %dma_start3A_538 = arith.constant 0 : i32
      %dma_start3A_539 = tpu.memref_slice %arg13[%add3A_537, %dma_start3A_538] : memref<80x128xi32, #tpu.memory_space<vmem>> -> memref<1x128xi32, #tpu.memory_space<vmem>>
      %dma_start3A_540 = tpu.memref_squeeze %dma_start3A_539 : memref<1x128xi32, #tpu.memory_space<vmem>> -> memref<128xi32, #tpu.memory_space<vmem>>
      %dma_start3A_541 = arith.constant 0 : i32
      %dma_start3A_542 = tpu.memref_slice %arg7[%dma_start3A_541] : memref<10240xf32, #tpu.memory_space<vmem_shared>> -> memref<10240xf32, #tpu.memory_space<vmem_shared>>
      tpu.enqueue_indirect_dma source(%dma_start3A_542 : memref<10240xf32, #tpu.memory_space<vmem_shared>>) target(%arg20 : memref<128xf32, #tpu.memory_space<vmem>>) offsets(%dma_start3A_540 : memref<128xi32, #tpu.memory_space<vmem>>) semaphore(%arg31 : memref<!tpu.dma_semaphore, #tpu.memory_space<semaphore_mem>>)
      %add3A_543 = arith.constant 5 : i32
      %add3A_544 = arith.addi %add3A_271, %add3A_543 : i32
      %add3A_545 = arith.constant 4 : i32
      %add3A_546 = arith.addi %add3A_544, %add3A_545 : i32
      %dma_start3A_547 = arith.constant 0 : i32
      %dma_start3A_548 = tpu.memref_slice %arg13[%add3A_546, %dma_start3A_547] : memref<80x128xi32, #tpu.memory_space<vmem>> -> memref<1x128xi32, #tpu.memory_space<vmem>>
      %dma_start3A_549 = tpu.memref_squeeze %dma_start3A_548 : memref<1x128xi32, #tpu.memory_space<vmem>> -> memref<128xi32, #tpu.memory_space<vmem>>
      %dma_start3A_550 = arith.constant 0 : i32
      %dma_start3A_551 = tpu.memref_slice %arg8[%dma_start3A_550] : memref<10240xf32, #tpu.memory_space<vmem_shared>> -> memref<10240xf32, #tpu.memory_space<vmem_shared>>
      tpu.enqueue_indirect_dma source(%dma_start3A_551 : memref<10240xf32, #tpu.memory_space<vmem_shared>>) target(%arg25 : memref<128xf32, #tpu.memory_space<vmem>>) offsets(%dma_start3A_549 : memref<128xi32, #tpu.memory_space<vmem>>) semaphore(%arg41 : memref<!tpu.dma_semaphore, #tpu.memory_space<semaphore_mem>>)
    }
    %scan3A_79 = arith.constant 15 : i32
    %dma_wait3A = arith.constant 75 : i32
    %dma_wait3A_80 = arith.constant 0 : i32
    %dma_wait3A_81 = tpu.memref_slice %arg13[%dma_wait3A, %dma_wait3A_80] : memref<80x128xi32, #tpu.memory_space<vmem>> -> memref<1x128xi32, #tpu.memory_space<vmem>>
    %dma_wait3A_82 = tpu.memref_squeeze %dma_wait3A_81 : memref<1x128xi32, #tpu.memory_space<vmem>> -> memref<128xi32, #tpu.memory_space<vmem>>
    %dma_wait3A_83 = arith.constant 0 : i32
    %dma_wait3A_84 = tpu.memref_slice %arg7[%dma_wait3A_83] : memref<10240xf32, #tpu.memory_space<vmem_shared>> -> memref<10240xf32, #tpu.memory_space<vmem_shared>>
    tpu.wait_indirect_dma semaphore(%arg27 : memref<!tpu.dma_semaphore, #tpu.memory_space<semaphore_mem>>) src(%dma_wait3A_84 : memref<10240xf32, #tpu.memory_space<vmem_shared>>) dst(%arg16 : memref<128xf32, #tpu.memory_space<vmem>>)
    %dma_wait3A_85 = arith.constant 75 : i32
    %dma_wait3A_86 = arith.constant 0 : i32
    %dma_wait3A_87 = tpu.memref_slice %arg13[%dma_wait3A_85, %dma_wait3A_86] : memref<80x128xi32, #tpu.memory_space<vmem>> -> memref<1x128xi32, #tpu.memory_space<vmem>>
    %dma_wait3A_88 = tpu.memref_squeeze %dma_wait3A_87 : memref<1x128xi32, #tpu.memory_space<vmem>> -> memref<128xi32, #tpu.memory_space<vmem>>
    %dma_wait3A_89 = arith.constant 0 : i32
    %dma_wait3A_90 = tpu.memref_slice %arg8[%dma_wait3A_89] : memref<10240xf32, #tpu.memory_space<vmem_shared>> -> memref<10240xf32, #tpu.memory_space<vmem_shared>>
    tpu.wait_indirect_dma semaphore(%arg37 : memref<!tpu.dma_semaphore, #tpu.memory_space<semaphore_mem>>) src(%dma_wait3A_90 : memref<10240xf32, #tpu.memory_space<vmem_shared>>) dst(%arg21 : memref<128xf32, #tpu.memory_space<vmem>>)
    %dma_start3A_91 = arith.constant 75 : i32
    %dma_start3A_92 = arith.constant 0 : i32
    %dma_start3A_93 = tpu.memref_slice %arg14[%dma_start3A_91, %dma_start3A_92] : memref<80x128xi32, #tpu.memory_space<vmem>> -> memref<1x128xi32, #tpu.memory_space<vmem>>
    %dma_start3A_94 = tpu.memref_squeeze %dma_start3A_93 : memref<1x128xi32, #tpu.memory_space<vmem>> -> memref<128xi32, #tpu.memory_space<vmem>>
    %dma_start3A_95 = arith.constant 0 : i32
    %dma_start3A_96 = tpu.memref_slice %arg9[%dma_start3A_95] : memref<10240xf32, #tpu.memory_space<vmem_shared>> -> memref<10240xf32, #tpu.memory_space<vmem_shared>>
    tpu.enqueue_indirect_dma source(%arg16 : memref<128xf32, #tpu.memory_space<vmem>>) target(%dma_start3A_96 : memref<10240xf32, #tpu.memory_space<vmem_shared>>) offsets(%dma_start3A_94 : memref<128xi32, #tpu.memory_space<vmem>>) semaphore(%arg32 : memref<!tpu.dma_semaphore, #tpu.memory_space<semaphore_mem>>) {add = true}
    %dma_start3A_97 = arith.constant 75 : i32
    %dma_start3A_98 = arith.constant 0 : i32
    %dma_start3A_99 = tpu.memref_slice %arg14[%dma_start3A_97, %dma_start3A_98] : memref<80x128xi32, #tpu.memory_space<vmem>> -> memref<1x128xi32, #tpu.memory_space<vmem>>
    %dma_start3A_100 = tpu.memref_squeeze %dma_start3A_99 : memref<1x128xi32, #tpu.memory_space<vmem>> -> memref<128xi32, #tpu.memory_space<vmem>>
    %dma_start3A_101 = arith.constant 0 : i32
    %dma_start3A_102 = tpu.memref_slice %arg10[%dma_start3A_101] : memref<10240xf32, #tpu.memory_space<vmem_shared>> -> memref<10240xf32, #tpu.memory_space<vmem_shared>>
    tpu.enqueue_indirect_dma source(%arg21 : memref<128xf32, #tpu.memory_space<vmem>>) target(%dma_start3A_102 : memref<10240xf32, #tpu.memory_space<vmem_shared>>) offsets(%dma_start3A_100 : memref<128xi32, #tpu.memory_space<vmem>>) semaphore(%arg42 : memref<!tpu.dma_semaphore, #tpu.memory_space<semaphore_mem>>) {add = true}
    %dma_wait3A_103 = arith.constant 76 : i32
    %dma_wait3A_104 = arith.constant 0 : i32
    %dma_wait3A_105 = tpu.memref_slice %arg13[%dma_wait3A_103, %dma_wait3A_104] : memref<80x128xi32, #tpu.memory_space<vmem>> -> memref<1x128xi32, #tpu.memory_space<vmem>>
    %dma_wait3A_106 = tpu.memref_squeeze %dma_wait3A_105 : memref<1x128xi32, #tpu.memory_space<vmem>> -> memref<128xi32, #tpu.memory_space<vmem>>
    %dma_wait3A_107 = arith.constant 0 : i32
    %dma_wait3A_108 = tpu.memref_slice %arg7[%dma_wait3A_107] : memref<10240xf32, #tpu.memory_space<vmem_shared>> -> memref<10240xf32, #tpu.memory_space<vmem_shared>>
    tpu.wait_indirect_dma semaphore(%arg28 : memref<!tpu.dma_semaphore, #tpu.memory_space<semaphore_mem>>) src(%dma_wait3A_108 : memref<10240xf32, #tpu.memory_space<vmem_shared>>) dst(%arg17 : memref<128xf32, #tpu.memory_space<vmem>>)
    %dma_wait3A_109 = arith.constant 76 : i32
    %dma_wait3A_110 = arith.constant 0 : i32
    %dma_wait3A_111 = tpu.memref_slice %arg13[%dma_wait3A_109, %dma_wait3A_110] : memref<80x128xi32, #tpu.memory_space<vmem>> -> memref<1x128xi32, #tpu.memory_space<vmem>>
    %dma_wait3A_112 = tpu.memref_squeeze %dma_wait3A_111 : memref<1x128xi32, #tpu.memory_space<vmem>> -> memref<128xi32, #tpu.memory_space<vmem>>
    %dma_wait3A_113 = arith.constant 0 : i32
    %dma_wait3A_114 = tpu.memref_slice %arg8[%dma_wait3A_113] : memref<10240xf32, #tpu.memory_space<vmem_shared>> -> memref<10240xf32, #tpu.memory_space<vmem_shared>>
    tpu.wait_indirect_dma semaphore(%arg38 : memref<!tpu.dma_semaphore, #tpu.memory_space<semaphore_mem>>) src(%dma_wait3A_114 : memref<10240xf32, #tpu.memory_space<vmem_shared>>) dst(%arg22 : memref<128xf32, #tpu.memory_space<vmem>>)
    %dma_start3A_115 = arith.constant 76 : i32
    %dma_start3A_116 = arith.constant 0 : i32
    %dma_start3A_117 = tpu.memref_slice %arg14[%dma_start3A_115, %dma_start3A_116] : memref<80x128xi32, #tpu.memory_space<vmem>> -> memref<1x128xi32, #tpu.memory_space<vmem>>
    %dma_start3A_118 = tpu.memref_squeeze %dma_start3A_117 : memref<1x128xi32, #tpu.memory_space<vmem>> -> memref<128xi32, #tpu.memory_space<vmem>>
    %dma_start3A_119 = arith.constant 0 : i32
    %dma_start3A_120 = tpu.memref_slice %arg9[%dma_start3A_119] : memref<10240xf32, #tpu.memory_space<vmem_shared>> -> memref<10240xf32, #tpu.memory_space<vmem_shared>>
    tpu.enqueue_indirect_dma source(%arg17 : memref<128xf32, #tpu.memory_space<vmem>>) target(%dma_start3A_120 : memref<10240xf32, #tpu.memory_space<vmem_shared>>) offsets(%dma_start3A_118 : memref<128xi32, #tpu.memory_space<vmem>>) semaphore(%arg33 : memref<!tpu.dma_semaphore, #tpu.memory_space<semaphore_mem>>) {add = true}
    %dma_start3A_121 = arith.constant 76 : i32
    %dma_start3A_122 = arith.constant 0 : i32
    %dma_start3A_123 = tpu.memref_slice %arg14[%dma_start3A_121, %dma_start3A_122] : memref<80x128xi32, #tpu.memory_space<vmem>> -> memref<1x128xi32, #tpu.memory_space<vmem>>
    %dma_start3A_124 = tpu.memref_squeeze %dma_start3A_123 : memref<1x128xi32, #tpu.memory_space<vmem>> -> memref<128xi32, #tpu.memory_space<vmem>>
    %dma_start3A_125 = arith.constant 0 : i32
    %dma_start3A_126 = tpu.memref_slice %arg10[%dma_start3A_125] : memref<10240xf32, #tpu.memory_space<vmem_shared>> -> memref<10240xf32, #tpu.memory_space<vmem_shared>>
    tpu.enqueue_indirect_dma source(%arg22 : memref<128xf32, #tpu.memory_space<vmem>>) target(%dma_start3A_126 : memref<10240xf32, #tpu.memory_space<vmem_shared>>) offsets(%dma_start3A_124 : memref<128xi32, #tpu.memory_space<vmem>>) semaphore(%arg43 : memref<!tpu.dma_semaphore, #tpu.memory_space<semaphore_mem>>) {add = true}
    %dma_wait3A_127 = arith.constant 77 : i32
    %dma_wait3A_128 = arith.constant 0 : i32
    %dma_wait3A_129 = tpu.memref_slice %arg13[%dma_wait3A_127, %dma_wait3A_128] : memref<80x128xi32, #tpu.memory_space<vmem>> -> memref<1x128xi32, #tpu.memory_space<vmem>>
    %dma_wait3A_130 = tpu.memref_squeeze %dma_wait3A_129 : memref<1x128xi32, #tpu.memory_space<vmem>> -> memref<128xi32, #tpu.memory_space<vmem>>
    %dma_wait3A_131 = arith.constant 0 : i32
    %dma_wait3A_132 = tpu.memref_slice %arg7[%dma_wait3A_131] : memref<10240xf32, #tpu.memory_space<vmem_shared>> -> memref<10240xf32, #tpu.memory_space<vmem_shared>>
    tpu.wait_indirect_dma semaphore(%arg29 : memref<!tpu.dma_semaphore, #tpu.memory_space<semaphore_mem>>) src(%dma_wait3A_132 : memref<10240xf32, #tpu.memory_space<vmem_shared>>) dst(%arg18 : memref<128xf32, #tpu.memory_space<vmem>>)
    %dma_wait3A_133 = arith.constant 77 : i32
    %dma_wait3A_134 = arith.constant 0 : i32
    %dma_wait3A_135 = tpu.memref_slice %arg13[%dma_wait3A_133, %dma_wait3A_134] : memref<80x128xi32, #tpu.memory_space<vmem>> -> memref<1x128xi32, #tpu.memory_space<vmem>>
    %dma_wait3A_136 = tpu.memref_squeeze %dma_wait3A_135 : memref<1x128xi32, #tpu.memory_space<vmem>> -> memref<128xi32, #tpu.memory_space<vmem>>
    %dma_wait3A_137 = arith.constant 0 : i32
    %dma_wait3A_138 = tpu.memref_slice %arg8[%dma_wait3A_137] : memref<10240xf32, #tpu.memory_space<vmem_shared>> -> memref<10240xf32, #tpu.memory_space<vmem_shared>>
    tpu.wait_indirect_dma semaphore(%arg39 : memref<!tpu.dma_semaphore, #tpu.memory_space<semaphore_mem>>) src(%dma_wait3A_138 : memref<10240xf32, #tpu.memory_space<vmem_shared>>) dst(%arg23 : memref<128xf32, #tpu.memory_space<vmem>>)
    %dma_start3A_139 = arith.constant 77 : i32
    %dma_start3A_140 = arith.constant 0 : i32
    %dma_start3A_141 = tpu.memref_slice %arg14[%dma_start3A_139, %dma_start3A_140] : memref<80x128xi32, #tpu.memory_space<vmem>> -> memref<1x128xi32, #tpu.memory_space<vmem>>
    %dma_start3A_142 = tpu.memref_squeeze %dma_start3A_141 : memref<1x128xi32, #tpu.memory_space<vmem>> -> memref<128xi32, #tpu.memory_space<vmem>>
    %dma_start3A_143 = arith.constant 0 : i32
    %dma_start3A_144 = tpu.memref_slice %arg9[%dma_start3A_143] : memref<10240xf32, #tpu.memory_space<vmem_shared>> -> memref<10240xf32, #tpu.memory_space<vmem_shared>>
    tpu.enqueue_indirect_dma source(%arg18 : memref<128xf32, #tpu.memory_space<vmem>>) target(%dma_start3A_144 : memref<10240xf32, #tpu.memory_space<vmem_shared>>) offsets(%dma_start3A_142 : memref<128xi32, #tpu.memory_space<vmem>>) semaphore(%arg34 : memref<!tpu.dma_semaphore, #tpu.memory_space<semaphore_mem>>) {add = true}
    %dma_start3A_145 = arith.constant 77 : i32
    %dma_start3A_146 = arith.constant 0 : i32
    %dma_start3A_147 = tpu.memref_slice %arg14[%dma_start3A_145, %dma_start3A_146] : memref<80x128xi32, #tpu.memory_space<vmem>> -> memref<1x128xi32, #tpu.memory_space<vmem>>
    %dma_start3A_148 = tpu.memref_squeeze %dma_start3A_147 : memref<1x128xi32, #tpu.memory_space<vmem>> -> memref<128xi32, #tpu.memory_space<vmem>>
    %dma_start3A_149 = arith.constant 0 : i32
    %dma_start3A_150 = tpu.memref_slice %arg10[%dma_start3A_149] : memref<10240xf32, #tpu.memory_space<vmem_shared>> -> memref<10240xf32, #tpu.memory_space<vmem_shared>>
    tpu.enqueue_indirect_dma source(%arg23 : memref<128xf32, #tpu.memory_space<vmem>>) target(%dma_start3A_150 : memref<10240xf32, #tpu.memory_space<vmem_shared>>) offsets(%dma_start3A_148 : memref<128xi32, #tpu.memory_space<vmem>>) semaphore(%arg44 : memref<!tpu.dma_semaphore, #tpu.memory_space<semaphore_mem>>) {add = true}
    %dma_wait3A_151 = arith.constant 78 : i32
    %dma_wait3A_152 = arith.constant 0 : i32
    %dma_wait3A_153 = tpu.memref_slice %arg13[%dma_wait3A_151, %dma_wait3A_152] : memref<80x128xi32, #tpu.memory_space<vmem>> -> memref<1x128xi32, #tpu.memory_space<vmem>>
    %dma_wait3A_154 = tpu.memref_squeeze %dma_wait3A_153 : memref<1x128xi32, #tpu.memory_space<vmem>> -> memref<128xi32, #tpu.memory_space<vmem>>
    %dma_wait3A_155 = arith.constant 0 : i32
    %dma_wait3A_156 = tpu.memref_slice %arg7[%dma_wait3A_155] : memref<10240xf32, #tpu.memory_space<vmem_shared>> -> memref<10240xf32, #tpu.memory_space<vmem_shared>>
    tpu.wait_indirect_dma semaphore(%arg30 : memref<!tpu.dma_semaphore, #tpu.memory_space<semaphore_mem>>) src(%dma_wait3A_156 : memref<10240xf32, #tpu.memory_space<vmem_shared>>) dst(%arg19 : memref<128xf32, #tpu.memory_space<vmem>>)
    %dma_wait3A_157 = arith.constant 78 : i32
    %dma_wait3A_158 = arith.constant 0 : i32
    %dma_wait3A_159 = tpu.memref_slice %arg13[%dma_wait3A_157, %dma_wait3A_158] : memref<80x128xi32, #tpu.memory_space<vmem>> -> memref<1x128xi32, #tpu.memory_space<vmem>>
    %dma_wait3A_160 = tpu.memref_squeeze %dma_wait3A_159 : memref<1x128xi32, #tpu.memory_space<vmem>> -> memref<128xi32, #tpu.memory_space<vmem>>
    %dma_wait3A_161 = arith.constant 0 : i32
    %dma_wait3A_162 = tpu.memref_slice %arg8[%dma_wait3A_161] : memref<10240xf32, #tpu.memory_space<vmem_shared>> -> memref<10240xf32, #tpu.memory_space<vmem_shared>>
    tpu.wait_indirect_dma semaphore(%arg40 : memref<!tpu.dma_semaphore, #tpu.memory_space<semaphore_mem>>) src(%dma_wait3A_162 : memref<10240xf32, #tpu.memory_space<vmem_shared>>) dst(%arg24 : memref<128xf32, #tpu.memory_space<vmem>>)
    %dma_start3A_163 = arith.constant 78 : i32
    %dma_start3A_164 = arith.constant 0 : i32
    %dma_start3A_165 = tpu.memref_slice %arg14[%dma_start3A_163, %dma_start3A_164] : memref<80x128xi32, #tpu.memory_space<vmem>> -> memref<1x128xi32, #tpu.memory_space<vmem>>
    %dma_start3A_166 = tpu.memref_squeeze %dma_start3A_165 : memref<1x128xi32, #tpu.memory_space<vmem>> -> memref<128xi32, #tpu.memory_space<vmem>>
    %dma_start3A_167 = arith.constant 0 : i32
    %dma_start3A_168 = tpu.memref_slice %arg9[%dma_start3A_167] : memref<10240xf32, #tpu.memory_space<vmem_shared>> -> memref<10240xf32, #tpu.memory_space<vmem_shared>>
    tpu.enqueue_indirect_dma source(%arg19 : memref<128xf32, #tpu.memory_space<vmem>>) target(%dma_start3A_168 : memref<10240xf32, #tpu.memory_space<vmem_shared>>) offsets(%dma_start3A_166 : memref<128xi32, #tpu.memory_space<vmem>>) semaphore(%arg35 : memref<!tpu.dma_semaphore, #tpu.memory_space<semaphore_mem>>) {add = true}
    %dma_start3A_169 = arith.constant 78 : i32
    %dma_start3A_170 = arith.constant 0 : i32
    %dma_start3A_171 = tpu.memref_slice %arg14[%dma_start3A_169, %dma_start3A_170] : memref<80x128xi32, #tpu.memory_space<vmem>> -> memref<1x128xi32, #tpu.memory_space<vmem>>
    %dma_start3A_172 = tpu.memref_squeeze %dma_start3A_171 : memref<1x128xi32, #tpu.memory_space<vmem>> -> memref<128xi32, #tpu.memory_space<vmem>>
    %dma_start3A_173 = arith.constant 0 : i32
    %dma_start3A_174 = tpu.memref_slice %arg10[%dma_start3A_173] : memref<10240xf32, #tpu.memory_space<vmem_shared>> -> memref<10240xf32, #tpu.memory_space<vmem_shared>>
    tpu.enqueue_indirect_dma source(%arg24 : memref<128xf32, #tpu.memory_space<vmem>>) target(%dma_start3A_174 : memref<10240xf32, #tpu.memory_space<vmem_shared>>) offsets(%dma_start3A_172 : memref<128xi32, #tpu.memory_space<vmem>>) semaphore(%arg45 : memref<!tpu.dma_semaphore, #tpu.memory_space<semaphore_mem>>) {add = true}
    %dma_wait3A_175 = arith.constant 79 : i32
    %dma_wait3A_176 = arith.constant 0 : i32
    %dma_wait3A_177 = tpu.memref_slice %arg13[%dma_wait3A_175, %dma_wait3A_176] : memref<80x128xi32, #tpu.memory_space<vmem>> -> memref<1x128xi32, #tpu.memory_space<vmem>>
    %dma_wait3A_178 = tpu.memref_squeeze %dma_wait3A_177 : memref<1x128xi32, #tpu.memory_space<vmem>> -> memref<128xi32, #tpu.memory_space<vmem>>
    %dma_wait3A_179 = arith.constant 0 : i32
    %dma_wait3A_180 = tpu.memref_slice %arg7[%dma_wait3A_179] : memref<10240xf32, #tpu.memory_space<vmem_shared>> -> memref<10240xf32, #tpu.memory_space<vmem_shared>>
    tpu.wait_indirect_dma semaphore(%arg31 : memref<!tpu.dma_semaphore, #tpu.memory_space<semaphore_mem>>) src(%dma_wait3A_180 : memref<10240xf32, #tpu.memory_space<vmem_shared>>) dst(%arg20 : memref<128xf32, #tpu.memory_space<vmem>>)
    %dma_wait3A_181 = arith.constant 79 : i32
    %dma_wait3A_182 = arith.constant 0 : i32
    %dma_wait3A_183 = tpu.memref_slice %arg13[%dma_wait3A_181, %dma_wait3A_182] : memref<80x128xi32, #tpu.memory_space<vmem>> -> memref<1x128xi32, #tpu.memory_space<vmem>>
    %dma_wait3A_184 = tpu.memref_squeeze %dma_wait3A_183 : memref<1x128xi32, #tpu.memory_space<vmem>> -> memref<128xi32, #tpu.memory_space<vmem>>
    %dma_wait3A_185 = arith.constant 0 : i32
    %dma_wait3A_186 = tpu.memref_slice %arg8[%dma_wait3A_185] : memref<10240xf32, #tpu.memory_space<vmem_shared>> -> memref<10240xf32, #tpu.memory_space<vmem_shared>>
    tpu.wait_indirect_dma semaphore(%arg41 : memref<!tpu.dma_semaphore, #tpu.memory_space<semaphore_mem>>) src(%dma_wait3A_186 : memref<10240xf32, #tpu.memory_space<vmem_shared>>) dst(%arg25 : memref<128xf32, #tpu.memory_space<vmem>>)
    %dma_start3A_187 = arith.constant 79 : i32
    %dma_start3A_188 = arith.constant 0 : i32
    %dma_start3A_189 = tpu.memref_slice %arg14[%dma_start3A_187, %dma_start3A_188] : memref<80x128xi32, #tpu.memory_space<vmem>> -> memref<1x128xi32, #tpu.memory_space<vmem>>
    %dma_start3A_190 = tpu.memref_squeeze %dma_start3A_189 : memref<1x128xi32, #tpu.memory_space<vmem>> -> memref<128xi32, #tpu.memory_space<vmem>>
    %dma_start3A_191 = arith.constant 0 : i32
    %dma_start3A_192 = tpu.memref_slice %arg9[%dma_start3A_191] : memref<10240xf32, #tpu.memory_space<vmem_shared>> -> memref<10240xf32, #tpu.memory_space<vmem_shared>>
    tpu.enqueue_indirect_dma source(%arg20 : memref<128xf32, #tpu.memory_space<vmem>>) target(%dma_start3A_192 : memref<10240xf32, #tpu.memory_space<vmem_shared>>) offsets(%dma_start3A_190 : memref<128xi32, #tpu.memory_space<vmem>>) semaphore(%arg36 : memref<!tpu.dma_semaphore, #tpu.memory_space<semaphore_mem>>) {add = true}
    %dma_start3A_193 = arith.constant 79 : i32
    %dma_start3A_194 = arith.constant 0 : i32
    %dma_start3A_195 = tpu.memref_slice %arg14[%dma_start3A_193, %dma_start3A_194] : memref<80x128xi32, #tpu.memory_space<vmem>> -> memref<1x128xi32, #tpu.memory_space<vmem>>
    %dma_start3A_196 = tpu.memref_squeeze %dma_start3A_195 : memref<1x128xi32, #tpu.memory_space<vmem>> -> memref<128xi32, #tpu.memory_space<vmem>>
    %dma_start3A_197 = arith.constant 0 : i32
    %dma_start3A_198 = tpu.memref_slice %arg10[%dma_start3A_197] : memref<10240xf32, #tpu.memory_space<vmem_shared>> -> memref<10240xf32, #tpu.memory_space<vmem_shared>>
    tpu.enqueue_indirect_dma source(%arg25 : memref<128xf32, #tpu.memory_space<vmem>>) target(%dma_start3A_198 : memref<10240xf32, #tpu.memory_space<vmem_shared>>) offsets(%dma_start3A_196 : memref<128xi32, #tpu.memory_space<vmem>>) semaphore(%arg46 : memref<!tpu.dma_semaphore, #tpu.memory_space<semaphore_mem>>) {add = true}
    %dma_wait3A_199 = arith.constant 75 : i32
    %dma_wait3A_200 = arith.constant 0 : i32
    %dma_wait3A_201 = tpu.memref_slice %arg14[%dma_wait3A_199, %dma_wait3A_200] : memref<80x128xi32, #tpu.memory_space<vmem>> -> memref<1x128xi32, #tpu.memory_space<vmem>>
    %dma_wait3A_202 = tpu.memref_squeeze %dma_wait3A_201 : memref<1x128xi32, #tpu.memory_space<vmem>> -> memref<128xi32, #tpu.memory_space<vmem>>
    %dma_wait3A_203 = arith.constant 0 : i32
    %dma_wait3A_204 = tpu.memref_slice %arg9[%dma_wait3A_203] : memref<10240xf32, #tpu.memory_space<vmem_shared>> -> memref<10240xf32, #tpu.memory_space<vmem_shared>>
    tpu.wait_indirect_dma semaphore(%arg32 : memref<!tpu.dma_semaphore, #tpu.memory_space<semaphore_mem>>) src(%arg16 : memref<128xf32, #tpu.memory_space<vmem>>) dst(%dma_wait3A_204 : memref<10240xf32, #tpu.memory_space<vmem_shared>>)
    %dma_wait3A_205 = arith.constant 75 : i32
    %dma_wait3A_206 = arith.constant 0 : i32
    %dma_wait3A_207 = tpu.memref_slice %arg14[%dma_wait3A_205, %dma_wait3A_206] : memref<80x128xi32, #tpu.memory_space<vmem>> -> memref<1x128xi32, #tpu.memory_space<vmem>>
    %dma_wait3A_208 = tpu.memref_squeeze %dma_wait3A_207 : memref<1x128xi32, #tpu.memory_space<vmem>> -> memref<128xi32, #tpu.memory_space<vmem>>
    %dma_wait3A_209 = arith.constant 0 : i32
    %dma_wait3A_210 = tpu.memref_slice %arg10[%dma_wait3A_209] : memref<10240xf32, #tpu.memory_space<vmem_shared>> -> memref<10240xf32, #tpu.memory_space<vmem_shared>>
    tpu.wait_indirect_dma semaphore(%arg42 : memref<!tpu.dma_semaphore, #tpu.memory_space<semaphore_mem>>) src(%arg21 : memref<128xf32, #tpu.memory_space<vmem>>) dst(%dma_wait3A_210 : memref<10240xf32, #tpu.memory_space<vmem_shared>>)
    %dma_wait3A_211 = arith.constant 76 : i32
    %dma_wait3A_212 = arith.constant 0 : i32
    %dma_wait3A_213 = tpu.memref_slice %arg14[%dma_wait3A_211, %dma_wait3A_212] : memref<80x128xi32, #tpu.memory_space<vmem>> -> memref<1x128xi32, #tpu.memory_space<vmem>>
    %dma_wait3A_214 = tpu.memref_squeeze %dma_wait3A_213 : memref<1x128xi32, #tpu.memory_space<vmem>> -> memref<128xi32, #tpu.memory_space<vmem>>
    %dma_wait3A_215 = arith.constant 0 : i32
    %dma_wait3A_216 = tpu.memref_slice %arg9[%dma_wait3A_215] : memref<10240xf32, #tpu.memory_space<vmem_shared>> -> memref<10240xf32, #tpu.memory_space<vmem_shared>>
    tpu.wait_indirect_dma semaphore(%arg33 : memref<!tpu.dma_semaphore, #tpu.memory_space<semaphore_mem>>) src(%arg17 : memref<128xf32, #tpu.memory_space<vmem>>) dst(%dma_wait3A_216 : memref<10240xf32, #tpu.memory_space<vmem_shared>>)
    %dma_wait3A_217 = arith.constant 76 : i32
    %dma_wait3A_218 = arith.constant 0 : i32
    %dma_wait3A_219 = tpu.memref_slice %arg14[%dma_wait3A_217, %dma_wait3A_218] : memref<80x128xi32, #tpu.memory_space<vmem>> -> memref<1x128xi32, #tpu.memory_space<vmem>>
    %dma_wait3A_220 = tpu.memref_squeeze %dma_wait3A_219 : memref<1x128xi32, #tpu.memory_space<vmem>> -> memref<128xi32, #tpu.memory_space<vmem>>
    %dma_wait3A_221 = arith.constant 0 : i32
    %dma_wait3A_222 = tpu.memref_slice %arg10[%dma_wait3A_221] : memref<10240xf32, #tpu.memory_space<vmem_shared>> -> memref<10240xf32, #tpu.memory_space<vmem_shared>>
    tpu.wait_indirect_dma semaphore(%arg43 : memref<!tpu.dma_semaphore, #tpu.memory_space<semaphore_mem>>) src(%arg22 : memref<128xf32, #tpu.memory_space<vmem>>) dst(%dma_wait3A_222 : memref<10240xf32, #tpu.memory_space<vmem_shared>>)
    %dma_wait3A_223 = arith.constant 77 : i32
    %dma_wait3A_224 = arith.constant 0 : i32
    %dma_wait3A_225 = tpu.memref_slice %arg14[%dma_wait3A_223, %dma_wait3A_224] : memref<80x128xi32, #tpu.memory_space<vmem>> -> memref<1x128xi32, #tpu.memory_space<vmem>>
    %dma_wait3A_226 = tpu.memref_squeeze %dma_wait3A_225 : memref<1x128xi32, #tpu.memory_space<vmem>> -> memref<128xi32, #tpu.memory_space<vmem>>
    %dma_wait3A_227 = arith.constant 0 : i32
    %dma_wait3A_228 = tpu.memref_slice %arg9[%dma_wait3A_227] : memref<10240xf32, #tpu.memory_space<vmem_shared>> -> memref<10240xf32, #tpu.memory_space<vmem_shared>>
    tpu.wait_indirect_dma semaphore(%arg34 : memref<!tpu.dma_semaphore, #tpu.memory_space<semaphore_mem>>) src(%arg18 : memref<128xf32, #tpu.memory_space<vmem>>) dst(%dma_wait3A_228 : memref<10240xf32, #tpu.memory_space<vmem_shared>>)
    %dma_wait3A_229 = arith.constant 77 : i32
    %dma_wait3A_230 = arith.constant 0 : i32
    %dma_wait3A_231 = tpu.memref_slice %arg14[%dma_wait3A_229, %dma_wait3A_230] : memref<80x128xi32, #tpu.memory_space<vmem>> -> memref<1x128xi32, #tpu.memory_space<vmem>>
    %dma_wait3A_232 = tpu.memref_squeeze %dma_wait3A_231 : memref<1x128xi32, #tpu.memory_space<vmem>> -> memref<128xi32, #tpu.memory_space<vmem>>
    %dma_wait3A_233 = arith.constant 0 : i32
    %dma_wait3A_234 = tpu.memref_slice %arg10[%dma_wait3A_233] : memref<10240xf32, #tpu.memory_space<vmem_shared>> -> memref<10240xf32, #tpu.memory_space<vmem_shared>>
    tpu.wait_indirect_dma semaphore(%arg44 : memref<!tpu.dma_semaphore, #tpu.memory_space<semaphore_mem>>) src(%arg23 : memref<128xf32, #tpu.memory_space<vmem>>) dst(%dma_wait3A_234 : memref<10240xf32, #tpu.memory_space<vmem_shared>>)
    %dma_wait3A_235 = arith.constant 78 : i32
    %dma_wait3A_236 = arith.constant 0 : i32
    %dma_wait3A_237 = tpu.memref_slice %arg14[%dma_wait3A_235, %dma_wait3A_236] : memref<80x128xi32, #tpu.memory_space<vmem>> -> memref<1x128xi32, #tpu.memory_space<vmem>>
    %dma_wait3A_238 = tpu.memref_squeeze %dma_wait3A_237 : memref<1x128xi32, #tpu.memory_space<vmem>> -> memref<128xi32, #tpu.memory_space<vmem>>
    %dma_wait3A_239 = arith.constant 0 : i32
    %dma_wait3A_240 = tpu.memref_slice %arg9[%dma_wait3A_239] : memref<10240xf32, #tpu.memory_space<vmem_shared>> -> memref<10240xf32, #tpu.memory_space<vmem_shared>>
    tpu.wait_indirect_dma semaphore(%arg35 : memref<!tpu.dma_semaphore, #tpu.memory_space<semaphore_mem>>) src(%arg19 : memref<128xf32, #tpu.memory_space<vmem>>) dst(%dma_wait3A_240 : memref<10240xf32, #tpu.memory_space<vmem_shared>>)
    %dma_wait3A_241 = arith.constant 78 : i32
    %dma_wait3A_242 = arith.constant 0 : i32
    %dma_wait3A_243 = tpu.memref_slice %arg14[%dma_wait3A_241, %dma_wait3A_242] : memref<80x128xi32, #tpu.memory_space<vmem>> -> memref<1x128xi32, #tpu.memory_space<vmem>>
    %dma_wait3A_244 = tpu.memref_squeeze %dma_wait3A_243 : memref<1x128xi32, #tpu.memory_space<vmem>> -> memref<128xi32, #tpu.memory_space<vmem>>
    %dma_wait3A_245 = arith.constant 0 : i32
    %dma_wait3A_246 = tpu.memref_slice %arg10[%dma_wait3A_245] : memref<10240xf32, #tpu.memory_space<vmem_shared>> -> memref<10240xf32, #tpu.memory_space<vmem_shared>>
    tpu.wait_indirect_dma semaphore(%arg45 : memref<!tpu.dma_semaphore, #tpu.memory_space<semaphore_mem>>) src(%arg24 : memref<128xf32, #tpu.memory_space<vmem>>) dst(%dma_wait3A_246 : memref<10240xf32, #tpu.memory_space<vmem_shared>>)
    %dma_wait3A_247 = arith.constant 79 : i32
    %dma_wait3A_248 = arith.constant 0 : i32
    %dma_wait3A_249 = tpu.memref_slice %arg14[%dma_wait3A_247, %dma_wait3A_248] : memref<80x128xi32, #tpu.memory_space<vmem>> -> memref<1x128xi32, #tpu.memory_space<vmem>>
    %dma_wait3A_250 = tpu.memref_squeeze %dma_wait3A_249 : memref<1x128xi32, #tpu.memory_space<vmem>> -> memref<128xi32, #tpu.memory_space<vmem>>
    %dma_wait3A_251 = arith.constant 0 : i32
    %dma_wait3A_252 = tpu.memref_slice %arg9[%dma_wait3A_251] : memref<10240xf32, #tpu.memory_space<vmem_shared>> -> memref<10240xf32, #tpu.memory_space<vmem_shared>>
    tpu.wait_indirect_dma semaphore(%arg36 : memref<!tpu.dma_semaphore, #tpu.memory_space<semaphore_mem>>) src(%arg20 : memref<128xf32, #tpu.memory_space<vmem>>) dst(%dma_wait3A_252 : memref<10240xf32, #tpu.memory_space<vmem_shared>>)
    %dma_wait3A_253 = arith.constant 79 : i32
    %dma_wait3A_254 = arith.constant 0 : i32
    %dma_wait3A_255 = tpu.memref_slice %arg14[%dma_wait3A_253, %dma_wait3A_254] : memref<80x128xi32, #tpu.memory_space<vmem>> -> memref<1x128xi32, #tpu.memory_space<vmem>>
    %dma_wait3A_256 = tpu.memref_squeeze %dma_wait3A_255 : memref<1x128xi32, #tpu.memory_space<vmem>> -> memref<128xi32, #tpu.memory_space<vmem>>
    %dma_wait3A_257 = arith.constant 0 : i32
    %dma_wait3A_258 = tpu.memref_slice %arg10[%dma_wait3A_257] : memref<10240xf32, #tpu.memory_space<vmem_shared>> -> memref<10240xf32, #tpu.memory_space<vmem_shared>>
    tpu.wait_indirect_dma semaphore(%arg46 : memref<!tpu.dma_semaphore, #tpu.memory_space<semaphore_mem>>) src(%arg25 : memref<128xf32, #tpu.memory_space<vmem>>) dst(%dma_wait3A_258 : memref<10240xf32, #tpu.memory_space<vmem_shared>>)
    %barrier3A_259 = arith.constant 0 : index
    tpu.barrier barrier_id(%barrier3A_259)
    %eq3A = arith.constant 0 : i32
    %eq3A_260 = arith.cmpi eq, %arg0, %eq3A : i32
    %convert_element_type3A = arith.extui %eq3A_260 : i1 to i32
    %cond3A = arith.constant 0 : i32
    %cond3A_261 = arith.cmpi ne, %convert_element_type3A, %cond3A : i32
    scf.if %cond3A_261 {
      "tpu.region"() ({
        %run_scoped3A_268 = tpu.sem_alloc : memref<!tpu.dma_semaphore, #tpu.memory_space<semaphore_mem>>
        %dma_start3A_269 = tpu.memref_slice %arg9[%mul3A_10] : memref<10240xf32, #tpu.memory_space<vmem_shared>> -> memref<640xf32, #tpu.memory_space<vmem_shared>>
        %dma_start3A_270 = tpu.memref_slice %arg9[%mul3A_10] : memref<10240xf32, #tpu.memory_space<vmem_shared>> -> memref<640xf32, #tpu.memory_space<vmem_shared>>
        tpu.enqueue_dma source(%dma_start3A_270 : memref<640xf32, #tpu.memory_space<vmem_shared>>) target(%arg26 : memref<640xf32, #tpu.memory_space<vmem>>) target_semaphore(%run_scoped3A_268 : memref<!tpu.dma_semaphore, #tpu.memory_space<semaphore_mem>>)
        %dma_wait3A_271 = tpu.memref_slice %arg9[%mul3A_10] : memref<10240xf32, #tpu.memory_space<vmem_shared>> -> memref<640xf32, #tpu.memory_space<vmem_shared>>
        %dma_wait3A_272 = tpu.memref_slice %arg9[%mul3A_10] : memref<10240xf32, #tpu.memory_space<vmem_shared>> -> memref<640xf32, #tpu.memory_space<vmem_shared>>
        tpu.wait_dma2 semaphore(%run_scoped3A_268 : memref<!tpu.dma_semaphore, #tpu.memory_space<semaphore_mem>>) src(%dma_wait3A_272 : memref<640xf32, #tpu.memory_space<vmem_shared>>) dst(%arg26 : memref<640xf32, #tpu.memory_space<vmem>>)
        tpu.yield
      }) : () -> ()
      %run_scoped3A = arith.constant 0 : i32
      "tpu.region"() ({
        %run_scoped3A_268 = tpu.sem_alloc : memref<!tpu.dma_semaphore, #tpu.memory_space<semaphore_mem>>
        %dma_start3A_269 = tpu.memref_slice %arg6[%run_scoped3A, %mul3A_10] : memref<4x10240xf32, #tpu.memory_space<hbm>> -> memref<1x640xf32, #tpu.memory_space<hbm>>
        %dma_start3A_270 = tpu.memref_squeeze %dma_start3A_269 : memref<1x640xf32, #tpu.memory_space<hbm>> -> memref<640xf32, #tpu.memory_space<hbm>>
        %dma_start3A_271 = tpu.memref_slice %arg6[%run_scoped3A, %mul3A_10] : memref<4x10240xf32, #tpu.memory_space<hbm>> -> memref<1x640xf32, #tpu.memory_space<hbm>>
        %dma_start3A_272 = tpu.memref_squeeze %dma_start3A_271 : memref<1x640xf32, #tpu.memory_space<hbm>> -> memref<640xf32, #tpu.memory_space<hbm>>
        tpu.enqueue_dma source(%arg26 : memref<640xf32, #tpu.memory_space<vmem>>) target(%dma_start3A_272 : memref<640xf32, #tpu.memory_space<hbm>>) target_semaphore(%run_scoped3A_268 : memref<!tpu.dma_semaphore, #tpu.memory_space<semaphore_mem>>)
        %dma_wait3A_273 = tpu.memref_slice %arg6[%run_scoped3A, %mul3A_10] : memref<4x10240xf32, #tpu.memory_space<hbm>> -> memref<1x640xf32, #tpu.memory_space<hbm>>
        %dma_wait3A_274 = tpu.memref_squeeze %dma_wait3A_273 : memref<1x640xf32, #tpu.memory_space<hbm>> -> memref<640xf32, #tpu.memory_space<hbm>>
        %dma_wait3A_275 = tpu.memref_slice %arg6[%run_scoped3A, %mul3A_10] : memref<4x10240xf32, #tpu.memory_space<hbm>> -> memref<1x640xf32, #tpu.memory_space<hbm>>
        %dma_wait3A_276 = tpu.memref_squeeze %dma_wait3A_275 : memref<1x640xf32, #tpu.memory_space<hbm>> -> memref<640xf32, #tpu.memory_space<hbm>>
        tpu.wait_dma2 semaphore(%run_scoped3A_268 : memref<!tpu.dma_semaphore, #tpu.memory_space<semaphore_mem>>) src(%arg26 : memref<640xf32, #tpu.memory_space<vmem>>) dst(%dma_wait3A_276 : memref<640xf32, #tpu.memory_space<hbm>>)
        tpu.yield
      }) : () -> ()
      "tpu.region"() ({
        %run_scoped3A_268 = tpu.sem_alloc : memref<!tpu.dma_semaphore, #tpu.memory_space<semaphore_mem>>
        %dma_start3A_269 = tpu.memref_slice %arg10[%mul3A_10] : memref<10240xf32, #tpu.memory_space<vmem_shared>> -> memref<640xf32, #tpu.memory_space<vmem_shared>>
        %dma_start3A_270 = tpu.memref_slice %arg10[%mul3A_10] : memref<10240xf32, #tpu.memory_space<vmem_shared>> -> memref<640xf32, #tpu.memory_space<vmem_shared>>
        tpu.enqueue_dma source(%dma_start3A_270 : memref<640xf32, #tpu.memory_space<vmem_shared>>) target(%arg26 : memref<640xf32, #tpu.memory_space<vmem>>) target_semaphore(%run_scoped3A_268 : memref<!tpu.dma_semaphore, #tpu.memory_space<semaphore_mem>>)
        %dma_wait3A_271 = tpu.memref_slice %arg10[%mul3A_10] : memref<10240xf32, #tpu.memory_space<vmem_shared>> -> memref<640xf32, #tpu.memory_space<vmem_shared>>
        %dma_wait3A_272 = tpu.memref_slice %arg10[%mul3A_10] : memref<10240xf32, #tpu.memory_space<vmem_shared>> -> memref<640xf32, #tpu.memory_space<vmem_shared>>
        tpu.wait_dma2 semaphore(%run_scoped3A_268 : memref<!tpu.dma_semaphore, #tpu.memory_space<semaphore_mem>>) src(%dma_wait3A_272 : memref<640xf32, #tpu.memory_space<vmem_shared>>) dst(%arg26 : memref<640xf32, #tpu.memory_space<vmem>>)
        tpu.yield
      }) : () -> ()
      %run_scoped3A_267 = arith.constant 2 : i32
      "tpu.region"() ({
        %run_scoped3A_268 = tpu.sem_alloc : memref<!tpu.dma_semaphore, #tpu.memory_space<semaphore_mem>>
        %dma_start3A_269 = tpu.memref_slice %arg6[%run_scoped3A_267, %mul3A_10] : memref<4x10240xf32, #tpu.memory_space<hbm>> -> memref<1x640xf32, #tpu.memory_space<hbm>>
        %dma_start3A_270 = tpu.memref_squeeze %dma_start3A_269 : memref<1x640xf32, #tpu.memory_space<hbm>> -> memref<640xf32, #tpu.memory_space<hbm>>
        %dma_start3A_271 = tpu.memref_slice %arg6[%run_scoped3A_267, %mul3A_10] : memref<4x10240xf32, #tpu.memory_space<hbm>> -> memref<1x640xf32, #tpu.memory_space<hbm>>
        %dma_start3A_272 = tpu.memref_squeeze %dma_start3A_271 : memref<1x640xf32, #tpu.memory_space<hbm>> -> memref<640xf32, #tpu.memory_space<hbm>>
        tpu.enqueue_dma source(%arg26 : memref<640xf32, #tpu.memory_space<vmem>>) target(%dma_start3A_272 : memref<640xf32, #tpu.memory_space<hbm>>) target_semaphore(%run_scoped3A_268 : memref<!tpu.dma_semaphore, #tpu.memory_space<semaphore_mem>>)
        %dma_wait3A_273 = tpu.memref_slice %arg6[%run_scoped3A_267, %mul3A_10] : memref<4x10240xf32, #tpu.memory_space<hbm>> -> memref<1x640xf32, #tpu.memory_space<hbm>>
        %dma_wait3A_274 = tpu.memref_squeeze %dma_wait3A_273 : memref<1x640xf32, #tpu.memory_space<hbm>> -> memref<640xf32, #tpu.memory_space<hbm>>
        %dma_wait3A_275 = tpu.memref_slice %arg6[%run_scoped3A_267, %mul3A_10] : memref<4x10240xf32, #tpu.memory_space<hbm>> -> memref<1x640xf32, #tpu.memory_space<hbm>>
        %dma_wait3A_276 = tpu.memref_squeeze %dma_wait3A_275 : memref<1x640xf32, #tpu.memory_space<hbm>> -> memref<640xf32, #tpu.memory_space<hbm>>
        tpu.wait_dma2 semaphore(%run_scoped3A_268 : memref<!tpu.dma_semaphore, #tpu.memory_space<semaphore_mem>>) src(%arg26 : memref<640xf32, #tpu.memory_space<vmem>>) dst(%dma_wait3A_276 : memref<640xf32, #tpu.memory_space<hbm>>)
        tpu.yield
      }) : () -> ()
    } else {
    }
    %eq3A_262 = arith.constant 1 : i32
    %eq3A_263 = arith.cmpi eq, %arg0, %eq3A_262 : i32
    %convert_element_type3A_264 = arith.extui %eq3A_263 : i1 to i32
    %cond3A_265 = arith.constant 0 : i32
    %cond3A_266 = arith.cmpi ne, %convert_element_type3A_264, %cond3A_265 : i32
    scf.if %cond3A_266 {
      "tpu.region"() ({
        %run_scoped3A_268 = tpu.sem_alloc : memref<!tpu.dma_semaphore, #tpu.memory_space<semaphore_mem>>
        %dma_start3A_269 = tpu.memref_slice %arg9[%mul3A_10] : memref<10240xf32, #tpu.memory_space<vmem_shared>> -> memref<640xf32, #tpu.memory_space<vmem_shared>>
        %dma_start3A_270 = tpu.memref_slice %arg9[%mul3A_10] : memref<10240xf32, #tpu.memory_space<vmem_shared>> -> memref<640xf32, #tpu.memory_space<vmem_shared>>
        tpu.enqueue_dma source(%dma_start3A_270 : memref<640xf32, #tpu.memory_space<vmem_shared>>) target(%arg26 : memref<640xf32, #tpu.memory_space<vmem>>) target_semaphore(%run_scoped3A_268 : memref<!tpu.dma_semaphore, #tpu.memory_space<semaphore_mem>>)
        %dma_wait3A_271 = tpu.memref_slice %arg9[%mul3A_10] : memref<10240xf32, #tpu.memory_space<vmem_shared>> -> memref<640xf32, #tpu.memory_space<vmem_shared>>
        %dma_wait3A_272 = tpu.memref_slice %arg9[%mul3A_10] : memref<10240xf32, #tpu.memory_space<vmem_shared>> -> memref<640xf32, #tpu.memory_space<vmem_shared>>
        tpu.wait_dma2 semaphore(%run_scoped3A_268 : memref<!tpu.dma_semaphore, #tpu.memory_space<semaphore_mem>>) src(%dma_wait3A_272 : memref<640xf32, #tpu.memory_space<vmem_shared>>) dst(%arg26 : memref<640xf32, #tpu.memory_space<vmem>>)
        tpu.yield
      }) : () -> ()
      %run_scoped3A = arith.constant 1 : i32
      "tpu.region"() ({
        %run_scoped3A_268 = tpu.sem_alloc : memref<!tpu.dma_semaphore, #tpu.memory_space<semaphore_mem>>
        %dma_start3A_269 = tpu.memref_slice %arg6[%run_scoped3A, %mul3A_10] : memref<4x10240xf32, #tpu.memory_space<hbm>> -> memref<1x640xf32, #tpu.memory_space<hbm>>
        %dma_start3A_270 = tpu.memref_squeeze %dma_start3A_269 : memref<1x640xf32, #tpu.memory_space<hbm>> -> memref<640xf32, #tpu.memory_space<hbm>>
        %dma_start3A_271 = tpu.memref_slice %arg6[%run_scoped3A, %mul3A_10] : memref<4x10240xf32, #tpu.memory_space<hbm>> -> memref<1x640xf32, #tpu.memory_space<hbm>>
        %dma_start3A_272 = tpu.memref_squeeze %dma_start3A_271 : memref<1x640xf32, #tpu.memory_space<hbm>> -> memref<640xf32, #tpu.memory_space<hbm>>
        tpu.enqueue_dma source(%arg26 : memref<640xf32, #tpu.memory_space<vmem>>) target(%dma_start3A_272 : memref<640xf32, #tpu.memory_space<hbm>>) target_semaphore(%run_scoped3A_268 : memref<!tpu.dma_semaphore, #tpu.memory_space<semaphore_mem>>)
        %dma_wait3A_273 = tpu.memref_slice %arg6[%run_scoped3A, %mul3A_10] : memref<4x10240xf32, #tpu.memory_space<hbm>> -> memref<1x640xf32, #tpu.memory_space<hbm>>
        %dma_wait3A_274 = tpu.memref_squeeze %dma_wait3A_273 : memref<1x640xf32, #tpu.memory_space<hbm>> -> memref<640xf32, #tpu.memory_space<hbm>>
        %dma_wait3A_275 = tpu.memref_slice %arg6[%run_scoped3A, %mul3A_10] : memref<4x10240xf32, #tpu.memory_space<hbm>> -> memref<1x640xf32, #tpu.memory_space<hbm>>
        %dma_wait3A_276 = tpu.memref_squeeze %dma_wait3A_275 : memref<1x640xf32, #tpu.memory_space<hbm>> -> memref<640xf32, #tpu.memory_space<hbm>>
        tpu.wait_dma2 semaphore(%run_scoped3A_268 : memref<!tpu.dma_semaphore, #tpu.memory_space<semaphore_mem>>) src(%arg26 : memref<640xf32, #tpu.memory_space<vmem>>) dst(%dma_wait3A_276 : memref<640xf32, #tpu.memory_space<hbm>>)
        tpu.yield
      }) : () -> ()
      "tpu.region"() ({
        %run_scoped3A_268 = tpu.sem_alloc : memref<!tpu.dma_semaphore, #tpu.memory_space<semaphore_mem>>
        %dma_start3A_269 = tpu.memref_slice %arg10[%mul3A_10] : memref<10240xf32, #tpu.memory_space<vmem_shared>> -> memref<640xf32, #tpu.memory_space<vmem_shared>>
        %dma_start3A_270 = tpu.memref_slice %arg10[%mul3A_10] : memref<10240xf32, #tpu.memory_space<vmem_shared>> -> memref<640xf32, #tpu.memory_space<vmem_shared>>
        tpu.enqueue_dma source(%dma_start3A_270 : memref<640xf32, #tpu.memory_space<vmem_shared>>) target(%arg26 : memref<640xf32, #tpu.memory_space<vmem>>) target_semaphore(%run_scoped3A_268 : memref<!tpu.dma_semaphore, #tpu.memory_space<semaphore_mem>>)
        %dma_wait3A_271 = tpu.memref_slice %arg10[%mul3A_10] : memref<10240xf32, #tpu.memory_space<vmem_shared>> -> memref<640xf32, #tpu.memory_space<vmem_shared>>
        %dma_wait3A_272 = tpu.memref_slice %arg10[%mul3A_10] : memref<10240xf32, #tpu.memory_space<vmem_shared>> -> memref<640xf32, #tpu.memory_space<vmem_shared>>
        tpu.wait_dma2 semaphore(%run_scoped3A_268 : memref<!tpu.dma_semaphore, #tpu.memory_space<semaphore_mem>>) src(%dma_wait3A_272 : memref<640xf32, #tpu.memory_space<vmem_shared>>) dst(%arg26 : memref<640xf32, #tpu.memory_space<vmem>>)
        tpu.yield
      }) : () -> ()
      %run_scoped3A_267 = arith.constant 3 : i32
      "tpu.region"() ({
        %run_scoped3A_268 = tpu.sem_alloc : memref<!tpu.dma_semaphore, #tpu.memory_space<semaphore_mem>>
        %dma_start3A_269 = tpu.memref_slice %arg6[%run_scoped3A_267, %mul3A_10] : memref<4x10240xf32, #tpu.memory_space<hbm>> -> memref<1x640xf32, #tpu.memory_space<hbm>>
        %dma_start3A_270 = tpu.memref_squeeze %dma_start3A_269 : memref<1x640xf32, #tpu.memory_space<hbm>> -> memref<640xf32, #tpu.memory_space<hbm>>
        %dma_start3A_271 = tpu.memref_slice %arg6[%run_scoped3A_267, %mul3A_10] : memref<4x10240xf32, #tpu.memory_space<hbm>> -> memref<1x640xf32, #tpu.memory_space<hbm>>
        %dma_start3A_272 = tpu.memref_squeeze %dma_start3A_271 : memref<1x640xf32, #tpu.memory_space<hbm>> -> memref<640xf32, #tpu.memory_space<hbm>>
        tpu.enqueue_dma source(%arg26 : memref<640xf32, #tpu.memory_space<vmem>>) target(%dma_start3A_272 : memref<640xf32, #tpu.memory_space<hbm>>) target_semaphore(%run_scoped3A_268 : memref<!tpu.dma_semaphore, #tpu.memory_space<semaphore_mem>>)
        %dma_wait3A_273 = tpu.memref_slice %arg6[%run_scoped3A_267, %mul3A_10] : memref<4x10240xf32, #tpu.memory_space<hbm>> -> memref<1x640xf32, #tpu.memory_space<hbm>>
        %dma_wait3A_274 = tpu.memref_squeeze %dma_wait3A_273 : memref<1x640xf32, #tpu.memory_space<hbm>> -> memref<640xf32, #tpu.memory_space<hbm>>
        %dma_wait3A_275 = tpu.memref_slice %arg6[%run_scoped3A_267, %mul3A_10] : memref<4x10240xf32, #tpu.memory_space<hbm>> -> memref<1x640xf32, #tpu.memory_space<hbm>>
        %dma_wait3A_276 = tpu.memref_squeeze %dma_wait3A_275 : memref<1x640xf32, #tpu.memory_space<hbm>> -> memref<640xf32, #tpu.memory_space<hbm>>
        tpu.wait_dma2 semaphore(%run_scoped3A_268 : memref<!tpu.dma_semaphore, #tpu.memory_space<semaphore_mem>>) src(%arg26 : memref<640xf32, #tpu.memory_space<vmem>>) dst(%dma_wait3A_276 : memref<640xf32, #tpu.memory_space<hbm>>)
        tpu.yield
      }) : () -> ()
    } else {
    }
    return
  }
}

module attributes {stable_mosaic.version = 14 : i64} {
  func.func @_tc_h1_body(%arg0: memref<4x10240xf32, #tpu.memory_space<vmem>>, %arg1: memref<4x128xf32, #tpu.memory_space<vmem>>, %arg2: memref<1x128xf32, #tpu.memory_space<vmem>>, %arg3: memref<10240x64xf32, #tpu.memory_space<vmem>>, %arg4: memref<10240x64xf32, #tpu.memory_space<vmem>>) attributes {dimension_semantics = [], scalar_prefetch = 0 : i64, scratch_operands = 0 : i64, tpu.core_type = #tpu.core_type<tc>} {
    %get3A = arith.constant 0 : index
    %get3A_0 = arith.constant 0 : index
    %get3A_1 = vector.load %arg0[%get3A, %get3A_0] : memref<4x10240xf32, #tpu.memory_space<vmem>>, vector<4x10240xf32>
    %get3A_2 = arith.constant 0 : index
    %get3A_3 = arith.constant 0 : index
    %get3A_4 = vector.load %arg1[%get3A_2, %get3A_3] : memref<4x128xf32, #tpu.memory_space<vmem>>, vector<4x128xf32>
    %dot_general3A = arith.constant dense<0.000000e+00> : vector<10240x128xf32>
    %dot_general3A_5 = tpu.matmul %get3A_1, %get3A_4, %dot_general3A {dimension_numbers = #tpu.dot_dimension_numbers<[0], [0], [1], [1], [0, 1, 1, 1], [], []>, precision = #tpu.contract_precision<fp32>, transpose_lhs_hint = false} : vector<4x10240xf32>, vector<4x128xf32>, vector<10240x128xf32> -> vector<10240x128xf32>
    %get3A_6 = arith.constant 0 : index
    %get3A_7 = arith.constant 0 : index
    %get3A_8 = vector.load %arg2[%get3A_6, %get3A_7] : memref<1x128xf32, #tpu.memory_space<vmem>>, vector<1x128xf32>
    %add3A = vector.broadcast %get3A_8 : vector<1x128xf32> to vector<10240x128xf32>
    %add3A_9 = arith.addf %dot_general3A_5, %add3A : vector<10240x128xf32>
    %max3A = arith.constant 0.000000e+00 : f32
    %max3A_10 = vector.broadcast %max3A : f32 to vector<10240x128xf32>
    %max3A_11 = arith.maximumf %add3A_9, %max3A_10 : vector<10240x128xf32>
    %iota3A = tpu.iota {dimensions = array<i32: 0>} : vector<10240x1xi32>
    %lt3A = arith.constant 10000 : i32
    %lt3A_12 = vector.broadcast %lt3A : i32 to vector<10240x1xi32>
    %lt3A_13 = arith.cmpi slt, %iota3A, %lt3A_12 : vector<10240x1xi32>
    %jit3A = arith.constant 0.000000e+00 : f32
    %broadcast_in_dim3A = vector.shape_cast %lt3A_13 : vector<10240x1xi1> to vector<10240x1xi1>
    %broadcast_in_dim3A_14 = vector.broadcast %broadcast_in_dim3A : vector<10240x1xi1> to vector<10240x128xi1>
    %broadcast_in_dim3A_15 = vector.broadcast %jit3A : f32 to vector<10240x128xf32>
    %select_n3A = arith.select %broadcast_in_dim3A_14, %max3A_11, %broadcast_in_dim3A_15 : vector<10240x128xi1>, vector<10240x128xf32>
    %slice3A = vector.extract_strided_slice %select_n3A {offsets = [0, 0], sizes = [10240, 64], strides = [1, 1]} : vector<10240x128xf32> to vector<10240x64xf32>
    %swap3A = arith.constant 0 : index
    %swap3A_16 = arith.constant 0 : index
    %swap3A_17 = vector.load %arg3[%swap3A, %swap3A_16] : memref<10240x64xf32, #tpu.memory_space<vmem>>, vector<10240x64xf32>
    tpu.vector_store %arg3[%swap3A, %swap3A_16], %slice3A {strides = array<i32>} : memref<10240x64xf32, #tpu.memory_space<vmem>>, vector<10240x64xf32>,
    %slice3A_18 = vector.extract_strided_slice %select_n3A {offsets = [0, 64], sizes = [10240, 64], strides = [1, 1]} : vector<10240x128xf32> to vector<10240x64xf32>
    %swap3A_19 = arith.constant 0 : index
    %swap3A_20 = arith.constant 0 : index
    %swap3A_21 = vector.load %arg4[%swap3A_19, %swap3A_20] : memref<10240x64xf32, #tpu.memory_space<vmem>>, vector<10240x64xf32>
    tpu.vector_store %arg4[%swap3A_19, %swap3A_20], %slice3A_18 {strides = array<i32>} : memref<10240x64xf32, #tpu.memory_space<vmem>>, vector<10240x64xf32>,
    return
  }
}

module attributes {stable_mosaic.version = 14 : i64} {
  func.func @_tc_head_body(%arg0: memref<4x10240x64xf32, #tpu.memory_space<vmem>>, %arg1: memref<128x256xf32, #tpu.memory_space<vmem>>, %arg2: memref<1x256xf32, #tpu.memory_space<vmem>>, %arg3: memref<256x128xf32, #tpu.memory_space<vmem>>, %arg4: memref<1x128xf32, #tpu.memory_space<vmem>>, %arg5: memref<128x1xf32, #tpu.memory_space<vmem>>, %arg6: memref<1x1xf32, #tpu.memory_space<vmem>>, %arg7: memref<1x256xf32, #tpu.memory_space<vmem>>, %arg8: memref<1x1xf32, #tpu.memory_space<vmem>>) attributes {dimension_semantics = [], scalar_prefetch = 0 : i64, scratch_operands = 0 : i64, tpu.core_type = #tpu.core_type<tc>} {
    %get3A = arith.constant 0 : index
    %get3A_0 = arith.constant 0 : index
    %get3A_1 = arith.constant 0 : index
    %get3A_2 = vector.load %arg0[%get3A, %get3A_0, %get3A_1] : memref<4x10240x64xf32, #tpu.memory_space<vmem>>, vector<1x10240x64xf32>
    %get3A_3 = vector.shape_cast %get3A_2 : vector<1x10240x64xf32> to vector<10240x64xf32>
    %get3A_4 = arith.constant 1 : index
    %get3A_5 = arith.constant 0 : index
    %get3A_6 = arith.constant 0 : index
    %get3A_7 = vector.load %arg0[%get3A_4, %get3A_5, %get3A_6] : memref<4x10240x64xf32, #tpu.memory_space<vmem>>, vector<1x10240x64xf32>
    %get3A_8 = vector.shape_cast %get3A_7 : vector<1x10240x64xf32> to vector<10240x64xf32>
    %add3A = arith.addf %get3A_3, %get3A_8 : vector<10240x64xf32>
    %get3A_9 = arith.constant 2 : index
    %get3A_10 = arith.constant 0 : index
    %get3A_11 = arith.constant 0 : index
    %get3A_12 = vector.load %arg0[%get3A_9, %get3A_10, %get3A_11] : memref<4x10240x64xf32, #tpu.memory_space<vmem>>, vector<1x10240x64xf32>
    %get3A_13 = vector.shape_cast %get3A_12 : vector<1x10240x64xf32> to vector<10240x64xf32>
    %get3A_14 = arith.constant 3 : index
    %get3A_15 = arith.constant 0 : index
    %get3A_16 = arith.constant 0 : index
    %get3A_17 = vector.load %arg0[%get3A_14, %get3A_15, %get3A_16] : memref<4x10240x64xf32, #tpu.memory_space<vmem>>, vector<1x10240x64xf32>
    %get3A_18 = vector.shape_cast %get3A_17 : vector<1x10240x64xf32> to vector<10240x64xf32>
    %add3A_19 = arith.addf %get3A_13, %get3A_18 : vector<10240x64xf32>
    %get3A_20 = arith.constant 0 : index
    %get3A_21 = arith.constant 0 : index
    %get3A_22 = vector.load %arg1[%get3A_20, %get3A_21] : memref<128x256xf32, #tpu.memory_space<vmem>>, vector<128x256xf32>
    %slice3A = vector.extract_strided_slice %get3A_22 {offsets = [0, 0], sizes = [64, 256], strides = [1, 1]} : vector<128x256xf32> to vector<64x256xf32>
    %dot_general3A = arith.constant dense<0.000000e+00> : vector<10240x256xf32>
    %dot_general3A_23 = tpu.matmul %add3A, %slice3A, %dot_general3A {dimension_numbers = #tpu.dot_dimension_numbers<[1], [0], [0], [1], [0, 0, 1, 1], [], []>, transpose_lhs_hint = false} : vector<10240x64xf32>, vector<64x256xf32>, vector<10240x256xf32> -> vector<10240x256xf32>
    %get3A_24 = arith.constant 0 : index
    %get3A_25 = arith.constant 0 : index
    %get3A_26 = vector.load %arg1[%get3A_24, %get3A_25] : memref<128x256xf32, #tpu.memory_space<vmem>>, vector<128x256xf32>
    %slice3A_27 = vector.extract_strided_slice %get3A_26 {offsets = [64, 0], sizes = [64, 256], strides = [1, 1]} : vector<128x256xf32> to vector<64x256xf32>
    %dot_general3A_28 = arith.constant dense<0.000000e+00> : vector<10240x256xf32>
    %dot_general3A_29 = tpu.matmul %add3A_19, %slice3A_27, %dot_general3A_28 {dimension_numbers = #tpu.dot_dimension_numbers<[1], [0], [0], [1], [0, 0, 1, 1], [], []>, transpose_lhs_hint = false} : vector<10240x64xf32>, vector<64x256xf32>, vector<10240x256xf32> -> vector<10240x256xf32>
    %add3A_30 = arith.addf %dot_general3A_23, %dot_general3A_29 : vector<10240x256xf32>
    %get3A_31 = arith.constant 0 : index
    %get3A_32 = arith.constant 0 : index
    %get3A_33 = vector.load %arg2[%get3A_31, %get3A_32] : memref<1x256xf32, #tpu.memory_space<vmem>>, vector<1x256xf32>
    %add3A_34 = vector.broadcast %get3A_33 : vector<1x256xf32> to vector<10240x256xf32>
    %add3A_35 = arith.addf %add3A_30, %add3A_34 : vector<10240x256xf32>
    %iota3A = tpu.iota {dimensions = array<i32: 0>} : vector<10240x1xi32>
    %lt3A = arith.constant 10000 : i32
    %lt3A_36 = vector.broadcast %lt3A : i32 to vector<10240x1xi32>
    %lt3A_37 = arith.cmpi slt, %iota3A, %lt3A_36 : vector<10240x1xi32>
    %max3A = arith.constant 0.000000e+00 : f32
    %max3A_38 = vector.broadcast %max3A : f32 to vector<10240x256xf32>
    %max3A_39 = arith.maximumf %add3A_35, %max3A_38 : vector<10240x256xf32>
    %jit3A = arith.constant 0.000000e+00 : f32
    %broadcast_in_dim3A = vector.shape_cast %lt3A_37 : vector<10240x1xi1> to vector<10240x1xi1>
    %broadcast_in_dim3A_40 = vector.broadcast %broadcast_in_dim3A : vector<10240x1xi1> to vector<10240x256xi1>
    %broadcast_in_dim3A_41 = vector.broadcast %jit3A : f32 to vector<10240x256xf32>
    %select_n3A = arith.select %broadcast_in_dim3A_40, %max3A_39, %broadcast_in_dim3A_41 : vector<10240x256xi1>, vector<10240x256xf32>
    %reduce_sum3A = arith.constant dense<0.000000e+00> : vector<256xf32>
    %reduce_sum3A_42 = vector.multi_reduction <add>, %select_n3A, %reduce_sum3A [0] : vector<10240x256xf32> to vector<256xf32>
    %broadcast_in_dim3A_43 = vector.shape_cast %reduce_sum3A_42 : vector<256xf32> to vector<1x256xf32>
    %swap3A = arith.constant 0 : index
    %swap3A_44 = arith.constant 0 : index
    %swap3A_45 = vector.load %arg7[%swap3A, %swap3A_44] : memref<1x256xf32, #tpu.memory_space<vmem>>, vector<1x256xf32>
    tpu.vector_store %arg7[%swap3A, %swap3A_44], %broadcast_in_dim3A_43 {strides = array<i32>} : memref<1x256xf32, #tpu.memory_space<vmem>>, vector<1x256xf32>,
    %get3A_46 = arith.constant 0 : index
    %get3A_47 = arith.constant 0 : index
    %get3A_48 = vector.load %arg3[%get3A_46, %get3A_47] : memref<256x128xf32, #tpu.memory_space<vmem>>, vector<256x128xf32>
    %dot_general3A_49 = arith.constant dense<0.000000e+00> : vector<1x128xf32>
    %dot_general3A_50 = tpu.matmul %broadcast_in_dim3A_43, %get3A_48, %dot_general3A_49 {dimension_numbers = #tpu.dot_dimension_numbers<[1], [0], [0], [1], [0, 0, 1, 1], [], []>, transpose_lhs_hint = false} : vector<1x256xf32>, vector<256x128xf32>, vector<1x128xf32> -> vector<1x128xf32>
    %get3A_51 = arith.constant 0 : index
    %get3A_52 = arith.constant 0 : index
    %get3A_53 = vector.load %arg4[%get3A_51, %get3A_52] : memref<1x128xf32, #tpu.memory_space<vmem>>, vector<1x128xf32>
    %add3A_54 = arith.addf %dot_general3A_50, %get3A_53 : vector<1x128xf32>
    %max3A_55 = arith.constant 0.000000e+00 : f32
    %max3A_56 = vector.broadcast %max3A_55 : f32 to vector<1x128xf32>
    %max3A_57 = arith.maximumf %add3A_54, %max3A_56 : vector<1x128xf32>
    %get3A_58 = arith.constant 0 : index
    %get3A_59 = arith.constant 0 : index
    %get3A_60 = vector.load %arg5[%get3A_58, %get3A_59] : memref<128x1xf32, #tpu.memory_space<vmem>>, vector<128x1xf32>
    %dot_general3A_61 = arith.constant dense<0.000000e+00> : vector<1x1xf32>
    %dot_general3A_62 = tpu.matmul %max3A_57, %get3A_60, %dot_general3A_61 {dimension_numbers = #tpu.dot_dimension_numbers<[1], [0], [0], [1], [0, 0, 1, 1], [], []>, transpose_lhs_hint = false} : vector<1x128xf32>, vector<128x1xf32>, vector<1x1xf32> -> vector<1x1xf32>
    %get3A_63 = arith.constant 0 : index
    %get3A_64 = arith.constant 0 : index
    %get3A_65 = vector.load %arg6[%get3A_63, %get3A_64] : memref<1x1xf32, #tpu.memory_space<vmem>>, vector<1x1xf32>
    %add3A_66 = arith.addf %dot_general3A_62, %get3A_65 : vector<1x1xf32>
    %swap3A_67 = arith.constant 0 : index
    %swap3A_68 = arith.constant 0 : index
    %swap3A_69 = vector.load %arg8[%swap3A_67, %swap3A_68] : memref<1x1xf32, #tpu.memory_space<vmem>>, vector<1x1xf32>
    tpu.vector_store %arg8[%swap3A_67, %swap3A_68], %add3A_66 {strides = array<i32>} : memref<1x1xf32, #tpu.memory_space<vmem>>, vector<1x1xf32>,
    return
  }
}

</mosaic_0001>

<sc_bundles>
// kernel: kernel.6.cloned.1.call-start
scs
__scs_entry_jumppad:
0x0: {  	(pc) =	sbr.rel $0x88, $3  }
0x1: {  	(tag) =	ssettag $0x0;
	lr =	simm.s32 $0x1  }
0x2: {  	[smem:$0x3F98] =	sst lr;
	_ =	strace $0xD0000000  }
0x3: {  	_ = 	snop  }
0x4: {  	_ = 	snop  }
0x5: {  	_ = 	snop  }
0x6: {  	_ = 	snop  }
0x7: {  	_ = 	snop  }
__scs_overlays_trampoline_lowered:
0x8: {  	[smem:$0x3FA7] =	sst s0  }
0x9: {  	[smem:$0x3FA8] =	sst s1  }
0xa: {  	[smem:$0x3FA9] =	sst s2  }
0xb: {  	[smem:$0x3FAA] =	sst s3  }
0xc: {  	[smem:$0x3FAB] =	sst s4  }
0xd: {  	[smem:$0x3FAC] =	sst s5  }
0xe: {  	[smem:$0x3FAD] =	sst s6  }
0xf: {  	[smem:$0x3FAE] =	sst s7  }
0x10: {  	[smem:$0x3FAF] =	sst s8  }
0x11: {  	[smem:$0x3FB0] =	sst s9;
	s0 =	simm.s32 @!p0 $0x0  }
0x12: {  	s1 =	sld [smem:$0x3F96];
	s0 =	simm.s32 @p0 $0x1  }
0x13: {  	[smem:$0x3FB1] =	sst s0;
	s0 =	simm.s32 @!p1 $0x0  }
0x14: {  	s2 =	sld [smem:$0x3F95];
	s0 =	simm.s32 @p1 $0x1  }
0x15: {  	[smem:$0x3FB2] =	sst s0;
	s0 =	simm.s32 @!p2 $0x0  }
0x16: {  	s3 =	sld [smem:$0x3FDB];
	s0 =	simm.s32 @p2 $0x1  }
0x17: {  	s4 =	simm.s32 $0x1BF5;
	[smem:$0x3FB4] =	sst s0  }
0x18: {  	s0 =	sld [smem:$0x3F97];
	_ =	swait.ge [sflag:s4], $0x0  }
0x19: {  	s7 =	sld [smem:$0x3F98]  }
0x1a: {  	s8 =	sadd.s32 $0xFFFFE003, lr  }
0x1b: {  	s9 =	sadd.s32 $0xFFFFFEF7, lr;
	s5 =	simm.s32 $0xFFFFFFFF;
	p2 =	slt.u32 s8, $0xFFFFF086  }
0x1c: {  	p1 =	slt.u32 s9, $0xF7A;
	s5 =	simm.s32 @!p2 $0x0  }
0x1d: {  	s5 =	simm.s32 @p1 $0x1;
	p0 =	seq.s32 s7, s2  }
0x1e: {  	s7 =	smul.u32 @!p0 $0xF7A, s2;
	p2 =	seq.s32 @!p0 s5, $0x0  }
0x1f: {  	s9 =	smul.u32 $0xF7A, s1;
	s8 =	simm.s32 @!p0 $0x1BF5;
	p2 =	por !p2, p0  }
0x20: {  	[sflag:s8] =	ssyncset.s32 @!p0 $0xFFFFF086;
	s6 =	sadd.s32 @!p0 s3, s7;
	s7 =	simm.s32 @!p0 $0x108  }
0x21: {  	s3 =	sadd.s32 s3, s9;
	s6 =	sadd.s32 @!p0 $0x88, s6;
	s7 =	simm.s32 @p2 $0x1082  }
0x22: {  	[simem:s7], [sflag:s8] =	dma.local @!p0 [hbm:s6], $0xF7A  }
0x23: {  	s9 =	sor.u32 $0xD0000000, s2;
	s6 =	simm.s32 $0x108;
	_ =	swait.ge @!p0 [sflag:s8], $0x0  }
0x24: {  	s3 =	sadd.s32 $0x88, s3;
	s6 =	simm.s32 @!p1 $0x1082;
	[sflag:s4] =	ssyncset.s32 $0xFFFFF086  }
0x25: {  	[simem:s6], [sflag:s4] =	dma.local [hbm:s3], $0xF7A  }
0x26: {  	[smem:$0x3F98] =	sst s1;
	(tag) =	ssettag s2;
	_ =	strace s9  }
0x27: {  	s1 =	sld [smem:$0x3FA8]  }
0x28: {  	s2 =	sld [smem:$0x3FA9]  }
0x29: {  	s4 =	sld [smem:$0x3FAB]  }
0x2a: {  	p0 =	seq.s32 s5, $0x0;
	s5 =	sld [smem:$0x3FAC]  }
0x2b: {  	s6 =	sld [smem:$0x3FAD]  }
0x2c: {  	s7 =	sld [smem:$0x3FAE]  }
0x2d: {  	s3 =	simm.s32 $0x108;
	s8 =	sld [smem:$0x3FAF]  }
0x2e: {  	s3 =	simm.s32 @!p0 $0x1082;
	s9 =	sld [smem:$0x3FB0]  }
0x2f: {  	lr =	sadd.s32 s0, s3;
	s0 =	sld [smem:$0x3FA7]  }
0x30: {  	s3 =	sld [smem:$0x3FAA]  }
0x31: {  	[smem:$0x3FB3] =	sst s10  }
0x32: {  	s10 =	sld [smem:$0x3FB1];
	_ =	sdelay $0x3  }
0x33: {  	p0 =	seq.s32 s10, $0x1;
	s10 =	sld [smem:$0x3FB3];
	_ =	sdelay $0x3  }
0x34: {  	[smem:$0x3FB3] =	sst s10  }
0x35: {  	s10 =	sld [smem:$0x3FB2];
	_ =	sdelay $0x3  }
0x36: {  	p1 =	seq.s32 s10, $0x1;
	s10 =	sld [smem:$0x3FB3];
	_ =	sdelay $0x3  }
0x37: {  	[smem:$0x3FB3] =	sst s10  }
0x38: {  	s10 =	sld [smem:$0x3FB4]  }
0x39: {  	_ = 	snop;
	(pc) =	sbr.ind lr, $3  }
0x3a: {  	_ = 	snop  }
0x3b: {  	_ = 	snop  }
0x3c: {  	p2 =	seq.s32 s10, $0x1;
	s10 =	sld [smem:$0x3FB3]  }
0x3d: {  	_ =	shalt  }
0x3e: {  	_ =	shalt  }
0x3f: {  	_ =	shalt  }
0x40: {  	_ =	shalt  }
0x41: {  	_ =	shalt  }
0x42: {  	_ =	shalt  }
0x43: {  	_ =	shalt  }
0x44: {  	_ =	shalt  }
0x45: {  	_ =	shalt  }
0x46: {  	_ =	shalt  }
0x47: {  	_ =	shalt  }
0x48: {  	_ =	shalt  }
0x49: {  	_ =	shalt  }
0x4a: {  	_ =	shalt  }
0x4b: {  	_ =	shalt  }
0x4c: {  	_ =	shalt  }
0x4d: {  	_ =	shalt  }
0x4e: {  	_ =	shalt  }
0x4f: {  	_ =	shalt  }
0x50: {  	_ =	shalt  }
0x51: {  	_ =	shalt  }
0x52: {  	_ =	shalt  }
0x53: {  	_ =	shalt  }
0x54: {  	_ =	shalt  }
0x55: {  	_ =	shalt  }
0x56: {  	_ =	shalt  }
0x57: {  	_ =	shalt  }
0x58: {  	_ =	shalt  }
0x59: {  	_ =	shalt  }
0x5a: {  	_ =	shalt  }
0x5b: {  	_ =	shalt  }
0x5c: {  	_ =	shalt  }
0x5d: {  	_ =	shalt  }
0x5e: {  	_ =	shalt  }
0x5f: {  	_ =	shalt  }
0x60: {  	_ =	shalt  }
0x61: {  	_ =	shalt  }
0x62: {  	_ =	shalt  }
0x63: {  	_ =	shalt  }
0x64: {  	_ =	shalt  }
0x65: {  	_ =	shalt  }
0x66: {  	_ =	shalt  }
0x67: {  	_ =	shalt  }
0x68: {  	_ =	shalt  }
0x69: {  	_ =	shalt  }
0x6a: {  	_ =	shalt  }
0x6b: {  	_ =	shalt  }
0x6c: {  	_ =	shalt  }
0x6d: {  	_ =	shalt  }
0x6e: {  	_ =	shalt  }
0x6f: {  	_ =	shalt  }
0x70: {  	_ =	shalt  }
0x71: {  	_ =	shalt  }
0x72: {  	_ =	shalt  }
0x73: {  	_ =	shalt  }
0x74: {  	_ =	shalt  }
0x75: {  	_ =	shalt  }
0x76: {  	_ =	shalt  }
0x77: {  	_ =	shalt  }
0x78: {  	_ =	shalt  }
0x79: {  	_ =	shalt  }
0x7a: {  	_ =	shalt  }
0x7b: {  	_ =	shalt  }
0x7c: {  	_ =	shalt  }
0x7d: {  	_ =	shalt  }
0x7e: {  	_ =	shalt  }
0x7f: {  	_ =	shalt  }
0x80: {  	_ =	shalt  }
0x81: {  	_ =	shalt  }
0x82: {  	_ =	shalt  }
0x83: {  	_ =	shalt  }
0x84: {  	_ =	shalt  }
0x85: {  	_ =	shalt  }
0x86: {  	_ =	shalt  }
0x87: {  	_ =	shalt  }
.Lfunc_end0:
.L_simem_size_0:
called_computation_lowered:
.L_overlay_start_0:
0x88: {  	s2 =	sld [smem:$0x3FD9]  }
0x89: {  	s3 =	sld [smem:$0x3FFE];
	_ =	sdelay $0x1  }
0x8a: {  	s1 =	srdreg.scid  }
0x8b: {  	s0 =	sand.u32 $0x1, s1  }
0x8c: {  	s14 =	sshll.u32 s0, $0xA;
	s2 =	sadd.s32 s3, s2  }
0x8d: {  	s2 =	sadd.s32 s2, s14  }
0x8e: {  	[smem:$0x3FBF] =	sst s2  }
0x8f: {  	_ = 	snop  }
0x90: {  	s2 =	sld [smem:$0x3FD0];
	_ =	sdelay $0x2  }
0x91: {  	s15 =	simm.s32 $0xA;
	s4 =	simm.s32 $0x10  }
0x92: {  	[smem:s4], [sflag:s15] =	dma.local [hbm:s2], $0x1  }
0x93: {  	_ =	swait.eq [sflag:s15], $0x1  }
0x94: {  	[sflag:s15] =	ssyncset.done $0x0  }
0x95: {  	[sflag:s15] =	ssyncadd.s32 $0xFFFFFFFF  }
0x96: {  	s16 =	sld [smem:$0x11];
	(tm) =	ssettm $0x1  }
0x97: {  	s17 =	sld [smem:$0x3FFB];
	_ =	sdelay $0x3  }
0x98: {  	_ =	strace s17  }
0x99: {  	s3 =	sld [smem:$0x3FFC];
	_ =	sdelay $0x3  }
0x9a: {  	_ =	strace s3  }
0x9b: {  	s3 =	sld [smem:$0x3FFD];
	_ =	sdelay $0x3  }
0x9c: {  	_ =	strace s3  }
0x9d: {  	_ =	strace $0x8FFFFFFF  }
0x9e: {  	s18 =	sld [smem:$0x3FDB];
	_ =	sdelay $0x1  }
0x9f: {  	s19 =	simm.s32 $_scs_section_size  }
0xa0: {  	s5 =	simm.s32 $_size__tile_overlayer_lowered;
	s6 =	simm.s32 $_tile_overlayer_lowered  }
0xa1: {  	s22 =	simm.s32 $0x1BFF;
	s21 =	sshll.u32 s6, $0x1;
	s3 =	sadd.s32 s19, s18  }
0xa2: {  	s7 =	simm.s32 $0x0;
	s20 =	sshll.u32 s5, $0x1;
	s5 =	sadd.s32 s21, s3  }
0xa3: {  	[timem:s7], [sflag:s22] =	dma.local [hbm:s5], s20  }
0xa4: {  	_ =	swait.ge [sflag:s22], s20  }
0xa5: {  	s4 =	ssub.s32 $0x0, s20;
	[sflag:s22] =	ssyncset.done $0x0  }
0xa6: {  	[sflag:s22] =	ssyncadd.s32 s4;
	_ =	sdelay $0x1  }
0xa7: {  	s23 =	simm.s32 $0x1B8B  }
0xa8: {  	_ =	swait.ge [sflag:s23], $0x1  }
0xa9: {  	[sflag:s23] =	ssyncset.done $0x0  }
0xaa: {  	s25 =	simm.s32 $0x1B8E;
	s24 =	sld [smem:$0x3FFE];
	[sflag:s23] =	ssyncadd.s32 $0xFFFFFFFF  }
0xab: {  	s26 =	simm.s32 $execute0_lowered;
	[smem:$0x3FD2] =	sst s25  }
0xac: {  	s5 =	sshll.u32 s26, $0x1;
	_ =	strace $0x80000046;
	[dreg:$0x1] =	wrdreg $0xFFFFFFFF  }
0xad: {  	s28 =	simm.s32 $_size_execute0_lowered;
	s3 =	sadd.s32 s3, s5;
	[dreg:$0x0] =	wrdreg $0x0  }
0xae: {  	s5 =	sshll.u32 s28, $0x1;
	[dreg:$0x2] =	wrdreg s3  }
0xaf: {  	[dreg:$0x3] =	wrdreg s5  }
0xb0: {  	[dreg:$0x4] =	wrdreg $0xC0  }
0xb1: {  	_ =	task [dreg:s7], $0x5FFFF  }
0xb2: {  	[dreg:$0x1] =	wrdreg $0xFFFFFFFF  }
0xb3: {  	[dreg:$0x0] =	wrdreg $0x60  }
0xb4: {  	[dreg:$0x2] =	wrdreg s24  }
0xb5: {  	[dreg:$0x3] =	wrdreg s16  }
0xb6: {  	[dreg:$0x4] =	wrdreg $0x0  }
0xb7: {  	[dreg:$0x5] =	wrdreg $0x2800  }
0xb8: {  	[dreg:$0x6] =	wrdreg $0x5000  }
0xb9: {  	[dreg:$0x7] =	wrdreg $0x7800  }
0xba: {  	[dreg:$0x8] =	wrdreg $0x9  }
0xbb: {  	_ =	task.clear_ibuf [dreg:s7], $0x9FFFF;
	_ =	strace $0x90000046  }
0xbc: {  	s29 =	simm.s32 $0x9;
	_ =	strace $0x80000048  }
0xbd: {  	_ =	swait.ge [sflag:s29], $0x1  }
0xbe: {  	[sflag:s29] =	ssyncadd.s32 $0xFFFFFFFF  }
0xbf: {  	_ =	strace $0x90000048  }
0xc0: {  	_ =	sfence  }
0xc1: {  	s30 =	sld [smem:$0x0];
	_ =	sdelay $0x2  }
0xc2: {  	s31 =	sshll.u32 s1, $0xD;
	s1 =	sshrl.u32 s1, $0x2  }
0xc3: {  	s3 =	sand.u32 $0x4000, s31;
	s1 =	sadd.s32 s1, s30  }
0xc4: {  	s0 =	sor.u32 s3, s0;
	s1 =	sshll.u32 s1, $0x11  }
0xc5: {  	s0 =	sor.u32 s1, s0  }
0xc6: {  	s0 =	sadd.s32 $0x8F2B, s0  }
0xc7: {  	[sflag:s0] =	ssyncadd.remote.s32 $0x1  }
0xc8: {  	_ =	sfence.sel $0xFFFF  }
0xc9: {  	[dreg:$0x0] =	wrdreg $0xFFFFFFFF;
	(pc) =	sbr.abs _section_cstart, $3  }
0xca: {  	[dreg:$0x1] =	wrdreg $0xFFFFFFFF  }
0xcb: {  	_ =	task.clear_ibuf [dreg:s7], $0x2FFFF;
	_ =	strace $0x9FFFFFFF  }
0xcc: {  	(tm) =	ssettm $0x7FFFFFFF  }
0xcd: {  	_ =	shalt  }
tec
execute0_lowered:
.L_overlay_start_1:
0x0: {  	(tag) =	ssettag $0x1  }
0x1: {  	s0 =	rddreg [dreg:$0x0]  }
0x2: {  	s2 =	rddreg [dreg:$0x2]  }
0x3: {  	s3 =	rddreg [dreg:$0x3]  }
0x4: {  	s4 =	rddreg [dreg:$0x4]  }
0x5: {  	s5 =	rddreg [dreg:$0x5];
	s13 =	simm.s32 $0x0;
	s1 =	srdreg.scid  }
0x6: {  	s12 =	stileid.u32;
	s20 =	simm.s32 $0xFA00;
	s14 =	simm.s32 $0xFF80  }
0x7: {  	s28 =	simm.s32 $0x80;
	s29 =	simm.s32 $0x15;
	s19 =	simm.s32 $0x13  }
0x8: {  	s17 =	simm.s32 $0xA;
	s18 =	simm.s32 $0x14;
	s16 =	simm.s32 $0xFE80  }
0x9: {  	[smem:$0x7FF] =	sst s13;
	s6 =	sadd.s32 $0xB200, s0;
	s1 =	sand.u32 $0x1, s1  }
0xa: {  	s7 =	sshll.u32 s12, $0x1;
	s8 =	sadd.s32 $0x1200, s0;
	s9 =	smul.u32 $0xA00, s12  }
0xb: {  	s10 =	sadd.s32 $0x15200, s0;
	s0 =	sadd.s32 $0x15400, s0;
	s12 =	smul.u32 $0x280, s12  }
0xc: {  	_ =	strace $0x80000047;
	s7 =	sor.u32 s1, s7;
	[dreg:$0x7] =	wrdreg s10  }
0xd: {  	s22 =	ssub.s32 $0x2, s1;
	p0 =	seq.s32 s1, $0x1;
	s23 =	sadd.s32 s6, s9  }
0xe: {  	s1 =	simm.s32 $0x7800;
	s9 =	sadd.s32 s8, s9;
	[dreg:$0x8] =	wrdreg s23  }
0xf: {  	s7 =	smul.u32 $0x500, s7;
	s25 =	sadd.s32 s12, s2;
	[dreg:$0x9] =	wrdreg s9  }
0x10: {  	s11 =	sshrl.u32 s22, $0x1;
	s26 =	sadd.s32 s12, s3;
	[dreg:$0xc] =	wrdreg s25  }
0x11: {  	s1 =	simm.s32 @!p0 $0x5000;
	s10 =	ssub.s32 s22, s11;
	[dreg:$0xd] =	wrdreg s26  }
0x12: {  	s11 =	sadd.s32 s12, s4;
	s1 =	sadd.s32 s1, s12;
	s26 =	simm.s32 $0x10  }
0x13: {  	s25 =	simm.s32 $0x11;
	s23 =	simm.s32 $0x12;
	s22 =	simm.s32 $0xFE00  }
0x14: {  	s6 =	sadd.s32 s6, s7;
	s24 =	sadd.s32 s8, s7;
	[dreg:$0xe] =	wrdreg s11  }
0x15: {  	s7 =	smov.u32 s12;
	[dreg:$0xa] =	wrdreg s6;
	s6 =	sadd.s32 $0x2800, s12  }
0x16: {  	s30 =	smax.u32 s10, $0x1;
	[dreg:$0xb] =	wrdreg s24;
	s7 =	smov.u32 @p0 s6  }
0x17: {  	s8 =	sadd.s32 s12, s5;
	[dreg:$0x10] =	wrdreg s30;
	s31 =	sshrl.u32 s7, $0x3  }
0x18: {  	s1 =	sshrl.u32 s1, $0x3;
	[dreg:$0xf] =	wrdreg s8;
	s6 =	sadd.s32 s0, s31  }
0x19: {  	s12 =	simm.s32 $0x16;
	s0 =	sadd.s32 s0, s1;
	[dreg:$0x11] =	wrdreg s6  }
0x1a: {  	s24 =	simm.s32 $0xFD00;
	[dreg:$0x12] =	wrdreg s0;
	s0 =	simm.s32 $0x0  }
.LBB2_1:
0x1b: {  	[dreg:$0x13] =	wrdreg s0  }
0x1c: {  	s9 =	rddreg [dreg:$0x1]  }
0x1d: {  	[tilespmem:s20], [sflag:$0x16] =	stream.linear.gather [hbm4b:s9+s13], $0x80, $0x38;
	[tilespmem:$0x10200] =	vst v63  }
0x1e: {  	_ =	swait.ge [sflag:s12], $0x80  }
0x1f: {  	[sflag:s12] =	ssyncset.done $0x0  }
0x20: {  	s15 =	rddreg [dreg:$0x7];
	[sflag:s12] =	ssyncadd.s32 $0xFFFFFF80  }
0x21: {  	[tilespmem:s14], [sflag:$0x16] =	stream.linear.gather [hbm4b:s15+s13], $0x280, $0x38;
	[tilespmem:$0x10200] =	vst v63  }
0x22: {  	_ =	swait.ge [sflag:s12], $0x280  }
0x23: {  	[sflag:s12] =	ssyncset.done $0x0  }
0x24: {  	s10 =	simm.s32 $0xA00;
	s21 =	rddreg [dreg:$0x8];
	[sflag:s12] =	ssyncadd.s32 $0xFFFFFD80  }
0x25: {  	[tilespmem:s10], [sflag:$0x16] =	stream.linear.gather [hbm4b:s21+s13], $0x5000, $0x38;
	[tilespmem:$0x10200] =	vst v63  }
0x26: {  	_ =	swait.ge [sflag:s12], $0x5000  }
0x27: {  	[sflag:s12] =	ssyncset.done $0x0  }
0x28: {  	s31 =	simm.s32 $0x5A00;
	s30 =	rddreg [dreg:$0x9];
	[sflag:s12] =	ssyncadd.s32 $0xFFFFB000  }
0x29: {  	[tilespmem:s31], [sflag:$0x16] =	stream.linear.gather [hbm4b:s30+s13], $0x5000, $0x38;
	[tilespmem:$0x10200] =	vst v63  }
0x2a: {  	_ =	swait.ge [sflag:s12], $0x5000  }
0x2b: {  	s1 =	smov.u32 s4;
	[sflag:s12] =	ssyncset.done $0x0  }
0x2c: {  	s4 =	simm.s32 $0xAA00;
	s0 =	rddreg [dreg:$0xa];
	[sflag:s12] =	ssyncadd.s32 $0xFFFFB000  }
0x2d: {  	[tilespmem:s4], [sflag:$0x16] =	stream.linear.gather [hbm4b:s0+s13], $0x2800, $0x38;
	[tilespmem:$0x10200] =	vst v63  }
0x2e: {  	_ =	swait.ge [sflag:s12], $0x2800  }
0x2f: {  	[sflag:s12] =	ssyncset.done $0x0  }
0x30: {  	s7 =	simm.s32 $0xD200;
	s6 =	rddreg [dreg:$0xb];
	[sflag:s12] =	ssyncadd.s32 $0xFFFFD800  }
0x31: {  	[tilespmem:s7], [sflag:$0x16] =	stream.linear.gather [hbm4b:s6+s13], $0x2800, $0x38;
	[tilespmem:$0x10200] =	vst v63  }
0x32: {  	_ =	swait.ge [sflag:s12], $0x2800  }
0x33: {  	[sflag:s12] =	ssyncset.done $0x0  }
0x34: {  	s15 =	rddreg [dreg:$0xc];
	[sflag:s12] =	ssyncadd.s32 $0xFFFFD800  }
0x35: {  	[spmem:s15] =	stream.linear.scatter [tilespmem:s14], [sflag:$0x16], $0x280, $0x38;
	[tilespmem:$0x10200] =	vst v63  }
0x36: {  	_ =	swait.ge [sflag:s12], $0x280  }
0x37: {  	[sflag:s12] =	ssyncset.done $0x0  }
0x38: {  	s21 =	rddreg [dreg:$0xd];
	[sflag:s12] =	ssyncadd.s32 $0xFFFFFD80  }
0x39: {  	[spmem:s21] =	stream.linear.scatter [tilespmem:s14], [sflag:$0x16], $0x280, $0x38;
	[tilespmem:$0x10200] =	vst v63  }
0x3a: {  	_ =	swait.ge [sflag:s12], $0x280  }
0x3b: {  	[sflag:s12] =	ssyncset.done $0x0  }
0x3c: {  	[sflag:s12] =	ssyncadd.s32 $0xFFFFFD80  }
0x3d: {  	[spmem:s11] =	stream.linear.scatter [tilespmem:s14], [sflag:$0x16], $0x280, $0x38;
	[tilespmem:$0x10200] =	vst v63  }
0x3e: {  	_ =	swait.ge [sflag:s12], $0x280  }
0x3f: {  	[sflag:s12] =	ssyncset.done $0x0  }
0x40: {  	[sflag:s12] =	ssyncadd.s32 $0xFFFFFD80  }
0x41: {  	[spmem:s8] =	stream.linear.scatter [tilespmem:s14], [sflag:$0x16], $0x280, $0x38;
	[tilespmem:$0x10200] =	vst v63  }
0x42: {  	_ =	swait.ge [sflag:s12], $0x280  }
0x43: {  	[sflag:s12] =	ssyncset.done $0x0  }
0x44: {  	[sflag:s12] =	ssyncadd.s32 $0xFFFFFD80  }
0x45: {  	s30 =	simm.s32 $0xA00;
	[bflag:$0x0] =	sbarrier.arrive $0xFFFF  }
0x46: {  	[spmem:s3] =	stream.indirect.scatter.add.f32 [tilespmem:s20], [sflag:$0x15], $0x1, s30, s28, $0xb8;
	[tilespmem:$0x10200] =	vst v63  }
0x47: {  	s31 =	simm.s32 $0x5A00  }
0x48: {  	[spmem:s2] =	stream.indirect.scatter.add.f32 [tilespmem:s20], [sflag:$0x15], $0x1, s31, s28, $0xb8;
	[tilespmem:$0x10200] =	vst v63  }
0x49: {  	s0 =	simm.s32 $0xA80  }
0x4a: {  	[spmem:s3] =	stream.indirect.scatter.add.f32 [tilespmem:s20], [sflag:$0x15], $0x1, s0, s28, $0xb8;
	[tilespmem:$0x10200] =	vst v63  }
0x4b: {  	s4 =	simm.s32 $0x5A80  }
0x4c: {  	[spmem:s2] =	stream.indirect.scatter.add.f32 [tilespmem:s20], [sflag:$0x15], $0x1, s4, s28, $0xb8;
	[tilespmem:$0x10200] =	vst v63  }
0x4d: {  	s6 =	simm.s32 $0xB00  }
0x4e: {  	[spmem:s3] =	stream.indirect.scatter.add.f32 [tilespmem:s20], [sflag:$0x15], $0x1, s6, s28, $0xb8;
	[tilespmem:$0x10200] =	vst v63  }
0x4f: {  	s7 =	simm.s32 $0x5B00  }
0x50: {  	[spmem:s2] =	stream.indirect.scatter.add.f32 [tilespmem:s20], [sflag:$0x15], $0x1, s7, s28, $0xb8;
	[tilespmem:$0x10200] =	vst v63  }
0x51: {  	s8 =	simm.s32 $0xB80  }
0x52: {  	[spmem:s3] =	stream.indirect.scatter.add.f32 [tilespmem:s20], [sflag:$0x15], $0x1, s8, s28, $0xb8;
	[tilespmem:$0x10200] =	vst v63  }
0x53: {  	s10 =	simm.s32 $0x5B80  }
0x54: {  	[spmem:s2] =	stream.indirect.scatter.add.f32 [tilespmem:s20], [sflag:$0x15], $0x1, s10, s28, $0xb8;
	[tilespmem:$0x10200] =	vst v63  }
0x55: {  	s11 =	simm.s32 $0xC00  }
0x56: {  	[spmem:s3] =	stream.indirect.scatter.add.f32 [tilespmem:s20], [sflag:$0x15], $0x1, s11, s28, $0xb8;
	[tilespmem:$0x10200] =	vst v63  }
0x57: {  	s12 =	simm.s32 $0x5C00  }
0x58: {  	[spmem:s2] =	stream.indirect.scatter.add.f32 [tilespmem:s20], [sflag:$0x15], $0x1, s12, s28, $0xb8;
	[tilespmem:$0x10200] =	vst v63  }
0x59: {  	s13 =	simm.s32 $0xC80  }
0x5a: {  	[spmem:s3] =	stream.indirect.scatter.add.f32 [tilespmem:s20], [sflag:$0x15], $0x1, s13, s28, $0xb8;
	[tilespmem:$0x10200] =	vst v63  }
0x5b: {  	s14 =	simm.s32 $0x5C80  }
0x5c: {  	[spmem:s2] =	stream.indirect.scatter.add.f32 [tilespmem:s20], [sflag:$0x15], $0x1, s14, s28, $0xb8;
	[tilespmem:$0x10200] =	vst v63  }
0x5d: {  	s15 =	simm.s32 $0xD00  }
0x5e: {  	[spmem:s3] =	stream.indirect.scatter.add.f32 [tilespmem:s20], [sflag:$0x15], $0x1, s15, s28, $0xb8;
	[tilespmem:$0x10200] =	vst v63  }
0x5f: {  	s21 =	simm.s32 $0x5D00  }
0x60: {  	[spmem:s2] =	stream.indirect.scatter.add.f32 [tilespmem:s20], [sflag:$0x15], $0x1, s21, s28, $0xb8;
	[tilespmem:$0x10200] =	vst v63  }
0x61: {  	s30 =	simm.s32 $0xD80  }
0x62: {  	[spmem:s3] =	stream.indirect.scatter.add.f32 [tilespmem:s20], [sflag:$0x15], $0x1, s30, s28, $0xb8;
	[tilespmem:$0x10200] =	vst v63  }
0x63: {  	s31 =	simm.s32 $0x5D80  }
0x64: {  	[spmem:s2] =	stream.indirect.scatter.add.f32 [tilespmem:s20], [sflag:$0x15], $0x1, s31, s28, $0xb8;
	[tilespmem:$0x10200] =	vst v63  }
0x65: {  	_ =	swait.ge [sflag:s29], $0x80  }
0x66: {  	[sflag:s29] =	ssyncset.done $0x0  }
0x67: {  	[sflag:s29] =	ssyncadd.s32 $0xFFFFFF80  }
0x68: {  	_ =	swait.ge [sflag:s29], $0x80  }
0x69: {  	[sflag:s29] =	ssyncset.done $0x0  }
0x6a: {  	[sflag:s29] =	ssyncadd.s32 $0xFFFFFF80  }
0x6b: {  	_ =	swait.ge [sflag:s29], $0x80  }
0x6c: {  	[sflag:s29] =	ssyncset.done $0x0  }
0x6d: {  	[sflag:s29] =	ssyncadd.s32 $0xFFFFFF80  }
0x6e: {  	_ =	swait.ge [sflag:s29], $0x80  }
0x6f: {  	[sflag:s29] =	ssyncset.done $0x0  }
0x70: {  	[sflag:s29] =	ssyncadd.s32 $0xFFFFFF80  }
0x71: {  	_ =	swait.ge [sflag:s29], $0x80  }
0x72: {  	[sflag:s29] =	ssyncset.done $0x0  }
0x73: {  	[sflag:s29] =	ssyncadd.s32 $0xFFFFFF80  }
0x74: {  	_ =	swait.ge [sflag:s29], $0x80  }
0x75: {  	[sflag:s29] =	ssyncset.done $0x0  }
0x76: {  	[sflag:s29] =	ssyncadd.s32 $0xFFFFFF80  }
0x77: {  	_ =	swait.ge [sflag:s29], $0x80  }
0x78: {  	[sflag:s29] =	ssyncset.done $0x0  }
0x79: {  	[sflag:s29] =	ssyncadd.s32 $0xFFFFFF80  }
0x7a: {  	_ =	swait.ge [sflag:s29], $0x80  }
0x7b: {  	[sflag:s29] =	ssyncset.done $0x0  }
0x7c: {  	[sflag:s29] =	ssyncadd.s32 $0xFFFFFF80  }
0x7d: {  	_ =	swait.ge [sflag:s29], $0x80  }
0x7e: {  	[sflag:s29] =	ssyncset.done $0x0  }
0x7f: {  	[sflag:s29] =	ssyncadd.s32 $0xFFFFFF80  }
0x80: {  	_ =	swait.ge [sflag:s29], $0x80  }
0x81: {  	[sflag:s29] =	ssyncset.done $0x0  }
0x82: {  	[sflag:s29] =	ssyncadd.s32 $0xFFFFFF80  }
0x83: {  	_ =	swait.ge [sflag:s29], $0x80  }
0x84: {  	[sflag:s29] =	ssyncset.done $0x0  }
0x85: {  	[sflag:s29] =	ssyncadd.s32 $0xFFFFFF80  }
0x86: {  	_ =	swait.ge [sflag:s29], $0x80  }
0x87: {  	[sflag:s29] =	ssyncset.done $0x0  }
0x88: {  	[sflag:s29] =	ssyncadd.s32 $0xFFFFFF80  }
0x89: {  	_ =	swait.ge [sflag:s29], $0x80  }
0x8a: {  	[sflag:s29] =	ssyncset.done $0x0  }
0x8b: {  	[sflag:s29] =	ssyncadd.s32 $0xFFFFFF80  }
0x8c: {  	_ =	swait.ge [sflag:s29], $0x80  }
0x8d: {  	[sflag:s29] =	ssyncset.done $0x0  }
0x8e: {  	[sflag:s29] =	ssyncadd.s32 $0xFFFFFF80  }
0x8f: {  	_ =	swait.ge [sflag:s29], $0x80  }
0x90: {  	[sflag:s29] =	ssyncset.done $0x0  }
0x91: {  	[sflag:s29] =	ssyncadd.s32 $0xFFFFFF80  }
0x92: {  	_ =	swait.ge [sflag:s29], $0x80  }
0x93: {  	s9 =	simm.s32 $0x2000;
	s12 =	simm.s32 $0x400;
	[sflag:s29] =	ssyncset.done $0x0  }
.LBB2_2:
0x94: {  	s14 =	sadd.s32 $0xA00, s12  }
0x95: {  	[sflag:s29] =	ssyncadd.s32 $0xFFFFFF80;
	s10 =	smov.u32 s9;
	s13 =	sadd.s32 $0x1000, s9  }
0x96: {  	[spmem:s3] =	stream.indirect.scatter.add.f32 [tilespmem:s20], [sflag:$0x15], $0x1, s14, s28, $0xb8;
	[tilespmem:$0x10200] =	vst v63  }
0x97: {  	p0 =	sne.s32 s9, $0x13000;
	s9 =	sadd.s32 $0x5A00, s12  }
0x98: {  	[spmem:s2] =	stream.indirect.scatter.add.f32 [tilespmem:s20], [sflag:$0x15], $0x1, s9, s28, $0xb8;
	[tilespmem:$0x10200] =	vst v63  }
0x99: {  	s9 =	sadd.s32 $0xA80, s12  }
0x9a: {  	[spmem:s3] =	stream.indirect.scatter.add.f32 [tilespmem:s20], [sflag:$0x15], $0x1, s9, s28, $0xb8;
	[tilespmem:$0x10200] =	vst v63  }
0x9b: {  	s9 =	sadd.s32 $0x5A80, s12  }
0x9c: {  	[spmem:s2] =	stream.indirect.scatter.add.f32 [tilespmem:s20], [sflag:$0x15], $0x1, s9, s28, $0xb8;
	[tilespmem:$0x10200] =	vst v63  }
0x9d: {  	s9 =	sadd.s32 $0xB00, s12  }
0x9e: {  	[spmem:s3] =	stream.indirect.scatter.add.f32 [tilespmem:s20], [sflag:$0x15], $0x1, s9, s28, $0xb8;
	[tilespmem:$0x10200] =	vst v63  }
0x9f: {  	s9 =	sadd.s32 $0x5B00, s12  }
0xa0: {  	[spmem:s2] =	stream.indirect.scatter.add.f32 [tilespmem:s20], [sflag:$0x15], $0x1, s9, s28, $0xb8;
	[tilespmem:$0x10200] =	vst v63  }
0xa1: {  	s9 =	sadd.s32 $0xB80, s12  }
0xa2: {  	[spmem:s3] =	stream.indirect.scatter.add.f32 [tilespmem:s20], [sflag:$0x15], $0x1, s9, s28, $0xb8;
	[tilespmem:$0x10200] =	vst v63  }
0xa3: {  	s9 =	sadd.s32 $0x5B80, s12  }
0xa4: {  	[spmem:s2] =	stream.indirect.scatter.add.f32 [tilespmem:s20], [sflag:$0x15], $0x1, s9, s28, $0xb8;
	[tilespmem:$0x10200] =	vst v63  }
0xa5: {  	s9 =	sadd.s32 $0xC00, s12  }
0xa6: {  	[spmem:s3] =	stream.indirect.scatter.add.f32 [tilespmem:s20], [sflag:$0x15], $0x1, s9, s28, $0xb8;
	[tilespmem:$0x10200] =	vst v63  }
0xa7: {  	s9 =	sadd.s32 $0x5C00, s12  }
0xa8: {  	[spmem:s2] =	stream.indirect.scatter.add.f32 [tilespmem:s20], [sflag:$0x15], $0x1, s9, s28, $0xb8;
	[tilespmem:$0x10200] =	vst v63  }
0xa9: {  	s9 =	sadd.s32 $0xC80, s12  }
0xaa: {  	[spmem:s3] =	stream.indirect.scatter.add.f32 [tilespmem:s20], [sflag:$0x15], $0x1, s9, s28, $0xb8;
	[tilespmem:$0x10200] =	vst v63  }
0xab: {  	s9 =	sadd.s32 $0x5C80, s12  }
0xac: {  	[spmem:s2] =	stream.indirect.scatter.add.f32 [tilespmem:s20], [sflag:$0x15], $0x1, s9, s28, $0xb8;
	[tilespmem:$0x10200] =	vst v63  }
0xad: {  	s9 =	sadd.s32 $0xD00, s12  }
0xae: {  	[spmem:s3] =	stream.indirect.scatter.add.f32 [tilespmem:s20], [sflag:$0x15], $0x1, s9, s28, $0xb8;
	[tilespmem:$0x10200] =	vst v63  }
0xaf: {  	s9 =	sadd.s32 $0x5D00, s12  }
0xb0: {  	[spmem:s2] =	stream.indirect.scatter.add.f32 [tilespmem:s20], [sflag:$0x15], $0x1, s9, s28, $0xb8;
	[tilespmem:$0x10200] =	vst v63  }
0xb1: {  	s9 =	sadd.s32 $0xD80, s12  }
0xb2: {  	[spmem:s3] =	stream.indirect.scatter.add.f32 [tilespmem:s20], [sflag:$0x15], $0x1, s9, s28, $0xb8;
	[tilespmem:$0x10200] =	vst v63  }
0xb3: {  	s9 =	sadd.s32 $0x5D80, s12  }
0xb4: {  	[spmem:s2] =	stream.indirect.scatter.add.f32 [tilespmem:s20], [sflag:$0x15], $0x1, s9, s28, $0xb8;
	[tilespmem:$0x10200] =	vst v63  }
0xb5: {  	_ =	swait.ge [sflag:s29], $0x80  }
0xb6: {  	[sflag:s29] =	ssyncset.done $0x0  }
0xb7: {  	[sflag:s29] =	ssyncadd.s32 $0xFFFFFF80  }
0xb8: {  	_ =	swait.ge [sflag:s29], $0x80  }
0xb9: {  	[sflag:s29] =	ssyncset.done $0x0  }
0xba: {  	[sflag:s29] =	ssyncadd.s32 $0xFFFFFF80  }
0xbb: {  	_ =	swait.ge [sflag:s29], $0x80  }
0xbc: {  	[sflag:s29] =	ssyncset.done $0x0  }
0xbd: {  	[sflag:s29] =	ssyncadd.s32 $0xFFFFFF80  }
0xbe: {  	_ =	swait.ge [sflag:s29], $0x80  }
0xbf: {  	[sflag:s29] =	ssyncset.done $0x0  }
0xc0: {  	[sflag:s29] =	ssyncadd.s32 $0xFFFFFF80  }
0xc1: {  	_ =	swait.ge [sflag:s29], $0x80  }
0xc2: {  	[sflag:s29] =	ssyncset.done $0x0  }
0xc3: {  	[sflag:s29] =	ssyncadd.s32 $0xFFFFFF80  }
0xc4: {  	_ =	swait.ge [sflag:s29], $0x80  }
0xc5: {  	[sflag:s29] =	ssyncset.done $0x0  }
0xc6: {  	[sflag:s29] =	ssyncadd.s32 $0xFFFFFF80  }
0xc7: {  	_ =	swait.ge [sflag:s29], $0x80  }
0xc8: {  	[sflag:s29] =	ssyncset.done $0x0  }
0xc9: {  	[sflag:s29] =	ssyncadd.s32 $0xFFFFFF80  }
0xca: {  	_ =	swait.ge [sflag:s29], $0x80  }
0xcb: {  	[sflag:s29] =	ssyncset.done $0x0  }
0xcc: {  	[sflag:s29] =	ssyncadd.s32 $0xFFFFFF80  }
0xcd: {  	_ =	swait.ge [sflag:s29], $0x80  }
0xce: {  	[sflag:s29] =	ssyncset.done $0x0  }
0xcf: {  	[sflag:s29] =	ssyncadd.s32 $0xFFFFFF80  }
0xd0: {  	_ =	swait.ge [sflag:s29], $0x80  }
0xd1: {  	[sflag:s29] =	ssyncset.done $0x0  }
0xd2: {  	[sflag:s29] =	ssyncadd.s32 $0xFFFFFF80  }
0xd3: {  	_ =	swait.ge [sflag:s29], $0x80  }
0xd4: {  	[sflag:s29] =	ssyncset.done $0x0  }
0xd5: {  	[sflag:s29] =	ssyncadd.s32 $0xFFFFFF80  }
0xd6: {  	_ =	swait.ge [sflag:s29], $0x80  }
0xd7: {  	[sflag:s29] =	ssyncset.done $0x0  }
0xd8: {  	[sflag:s29] =	ssyncadd.s32 $0xFFFFFF80  }
0xd9: {  	_ =	swait.ge [sflag:s29], $0x80  }
0xda: {  	[sflag:s29] =	ssyncset.done $0x0  }
0xdb: {  	[sflag:s29] =	ssyncadd.s32 $0xFFFFFF80  }
0xdc: {  	_ =	swait.ge [sflag:s29], $0x80  }
0xdd: {  	[sflag:s29] =	ssyncset.done $0x0  }
0xde: {  	[sflag:s29] =	ssyncadd.s32 $0xFFFFFF80  }
.Ltmp0:
0xdf: {  	_ =	swait.ge [sflag:s29], $0x80;
	(pc) =	sbr.rel @p0 .LBB2_2-.Ltmp0, $4  }
0xe0: {  	[sflag:s29] =	ssyncset.done $0x0  }
0xe1: {  	[sflag:s29] =	ssyncadd.s32 $0xFFFFFF80  }
0xe2: {  	_ =	swait.ge [sflag:s29], $0x80  }
0xe3: {  	s12 =	sshra.s32 s10, $0x2;
	s9 =	smov.u32 s13;
	[sflag:s29] =	ssyncset.done $0x0  }
0xe4: {  	s9 =	sadd.s32 $0xA00, s12;
	[sflag:s29] =	ssyncadd.s32 $0xFFFFFF80  }
0xe5: {  	[spmem:s3] =	stream.indirect.scatter.add.f32 [tilespmem:s20], [sflag:$0x15], $0x1, s9, s28, $0xb8;
	[tilespmem:$0x10200] =	vst v63  }
0xe6: {  	s14 =	sadd.s32 $0x5A00, s12  }
0xe7: {  	[spmem:s2] =	stream.indirect.scatter.add.f32 [tilespmem:s20], [sflag:$0x15], $0x1, s14, s28, $0xb8;
	[tilespmem:$0x10200] =	vst v63  }
0xe8: {  	s15 =	sadd.s32 $0xA80, s12  }
0xe9: {  	[spmem:s3] =	stream.indirect.scatter.add.f32 [tilespmem:s20], [sflag:$0x15], $0x1, s15, s28, $0xb8;
	[tilespmem:$0x10200] =	vst v63  }
0xea: {  	s21 =	sadd.s32 $0x5A80, s12  }
0xeb: {  	[spmem:s2] =	stream.indirect.scatter.add.f32 [tilespmem:s20], [sflag:$0x15], $0x1, s21, s28, $0xb8;
	[tilespmem:$0x10200] =	vst v63  }
0xec: {  	s30 =	sadd.s32 $0xB00, s12  }
0xed: {  	[spmem:s3] =	stream.indirect.scatter.add.f32 [tilespmem:s20], [sflag:$0x15], $0x1, s30, s28, $0xb8;
	[tilespmem:$0x10200] =	vst v63  }
0xee: {  	s31 =	sadd.s32 $0x5B00, s12  }
0xef: {  	[spmem:s2] =	stream.indirect.scatter.add.f32 [tilespmem:s20], [sflag:$0x15], $0x1, s31, s28, $0xb8;
	[tilespmem:$0x10200] =	vst v63  }
0xf0: {  	s0 =	sadd.s32 $0xB80, s12  }
0xf1: {  	[spmem:s3] =	stream.indirect.scatter.add.f32 [tilespmem:s20], [sflag:$0x15], $0x1, s0, s28, $0xb8;
	[tilespmem:$0x10200] =	vst v63  }
0xf2: {  	s4 =	sadd.s32 $0x5B80, s12  }
0xf3: {  	[spmem:s2] =	stream.indirect.scatter.add.f32 [tilespmem:s20], [sflag:$0x15], $0x1, s4, s28, $0xb8;
	[tilespmem:$0x10200] =	vst v63  }
0xf4: {  	s6 =	sadd.s32 $0xC00, s12  }
0xf5: {  	[spmem:s3] =	stream.indirect.scatter.add.f32 [tilespmem:s20], [sflag:$0x15], $0x1, s6, s28, $0xb8;
	[tilespmem:$0x10200] =	vst v63  }
0xf6: {  	s7 =	sadd.s32 $0x5C00, s12  }
0xf7: {  	[spmem:s2] =	stream.indirect.scatter.add.f32 [tilespmem:s20], [sflag:$0x15], $0x1, s7, s28, $0xb8;
	[tilespmem:$0x10200] =	vst v63  }
0xf8: {  	s8 =	sadd.s32 $0xC80, s12  }
0xf9: {  	[spmem:s3] =	stream.indirect.scatter.add.f32 [tilespmem:s20], [sflag:$0x15], $0x1, s8, s28, $0xb8;
	[tilespmem:$0x10200] =	vst v63  }
0xfa: {  	s10 =	sadd.s32 $0x5C80, s12  }
0xfb: {  	[spmem:s2] =	stream.indirect.scatter.add.f32 [tilespmem:s20], [sflag:$0x15], $0x1, s10, s28, $0xb8;
	[tilespmem:$0x10200] =	vst v63  }
0xfc: {  	s11 =	sadd.s32 $0xD00, s12  }
0xfd: {  	[spmem:s3] =	stream.indirect.scatter.add.f32 [tilespmem:s20], [sflag:$0x15], $0x1, s11, s28, $0xb8;
	[tilespmem:$0x10200] =	vst v63  }
0xfe: {  	s13 =	sadd.s32 $0x5D00, s12  }
0xff: {  	[spmem:s2] =	stream.indirect.scatter.add.f32 [tilespmem:s20], [sflag:$0x15], $0x1, s13, s28, $0xb8;
	[tilespmem:$0x10200] =	vst v63  }
0x100: {  	s14 =	sadd.s32 $0xD80, s12  }
0x101: {  	[spmem:s3] =	stream.indirect.scatter.add.f32 [tilespmem:s20], [sflag:$0x15], $0x1, s14, s28, $0xb8;
	[tilespmem:$0x10200] =	vst v63  }
0x102: {  	s15 =	sadd.s32 $0x5D80, s12  }
0x103: {  	[spmem:s2] =	stream.indirect.scatter.add.f32 [tilespmem:s20], [sflag:$0x15], $0x1, s15, s28, $0xb8;
	[tilespmem:$0x10200] =	vst v63  }
0x104: {  	_ =	swait.ge [sflag:s29], $0x80  }
0x105: {  	[sflag:s29] =	ssyncset.done $0x0  }
0x106: {  	[sflag:s29] =	ssyncadd.s32 $0xFFFFFF80  }
0x107: {  	_ =	swait.ge [sflag:s29], $0x80  }
0x108: {  	[sflag:s29] =	ssyncset.done $0x0  }
0x109: {  	[sflag:s29] =	ssyncadd.s32 $0xFFFFFF80  }
0x10a: {  	_ =	swait.ge [sflag:s29], $0x80  }
0x10b: {  	[sflag:s29] =	ssyncset.done $0x0  }
0x10c: {  	[sflag:s29] =	ssyncadd.s32 $0xFFFFFF80  }
0x10d: {  	_ =	swait.ge [sflag:s29], $0x80  }
0x10e: {  	[sflag:s29] =	ssyncset.done $0x0  }
0x10f: {  	[sflag:s29] =	ssyncadd.s32 $0xFFFFFF80  }
0x110: {  	_ =	swait.ge [sflag:s29], $0x80  }
0x111: {  	[sflag:s29] =	ssyncset.done $0x0  }
0x112: {  	[sflag:s29] =	ssyncadd.s32 $0xFFFFFF80  }
0x113: {  	_ =	swait.ge [sflag:s29], $0x80  }
0x114: {  	[sflag:s29] =	ssyncset.done $0x0  }
0x115: {  	[sflag:s29] =	ssyncadd.s32 $0xFFFFFF80  }
0x116: {  	_ =	swait.ge [sflag:s29], $0x80  }
0x117: {  	[sflag:s29] =	ssyncset.done $0x0  }
0x118: {  	[sflag:s29] =	ssyncadd.s32 $0xFFFFFF80  }
0x119: {  	_ =	swait.ge [sflag:s29], $0x80  }
0x11a: {  	[sflag:s29] =	ssyncset.done $0x0  }
0x11b: {  	[sflag:s29] =	ssyncadd.s32 $0xFFFFFF80  }
0x11c: {  	_ =	swait.ge [sflag:s29], $0x80  }
0x11d: {  	[sflag:s29] =	ssyncset.done $0x0  }
0x11e: {  	[sflag:s29] =	ssyncadd.s32 $0xFFFFFF80  }
0x11f: {  	_ =	swait.ge [sflag:s29], $0x80  }
0x120: {  	[sflag:s29] =	ssyncset.done $0x0  }
0x121: {  	[sflag:s29] =	ssyncadd.s32 $0xFFFFFF80  }
0x122: {  	_ =	swait.ge [sflag:s29], $0x80  }
0x123: {  	[sflag:s29] =	ssyncset.done $0x0  }
0x124: {  	[sflag:s29] =	ssyncadd.s32 $0xFFFFFF80  }
0x125: {  	_ =	swait.ge [sflag:s29], $0x80  }
0x126: {  	[sflag:s29] =	ssyncset.done $0x0  }
0x127: {  	[sflag:s29] =	ssyncadd.s32 $0xFFFFFF80  }
0x128: {  	_ =	swait.ge [sflag:s29], $0x80  }
0x129: {  	[sflag:s29] =	ssyncset.done $0x0  }
0x12a: {  	[sflag:s29] =	ssyncadd.s32 $0xFFFFFF80  }
0x12b: {  	_ =	swait.ge [sflag:s29], $0x80  }
0x12c: {  	[sflag:s29] =	ssyncset.done $0x0  }
0x12d: {  	[sflag:s29] =	ssyncadd.s32 $0xFFFFFF80  }
0x12e: {  	_ =	swait.ge [sflag:s29], $0x80  }
0x12f: {  	[sflag:s29] =	ssyncset.done $0x0  }
0x130: {  	[sflag:s29] =	ssyncadd.s32 $0xFFFFFF80  }
0x131: {  	_ =	swait.ge [sflag:s29], $0x80  }
0x132: {  	[sflag:s29] =	ssyncset.done $0x0  }
0x133: {  	[sflag:s29] =	ssyncadd.s32 $0xFFFFFF80  }
0x134: {  	s21 =	simm.s32 $0xAA00;
	s4 =	simm.s32 $0xFA80;
	[bflag:$0x0] =	sbarrier.arrive $0xFFFF  }
0x135: {  	[tilespmem:s4], [sflag:$0x1] =	stream.indirect.gather [spmem:s2], $0x1, s21, s28, $0xb8;
	[tilespmem:$0x10200] =	vst v63  }
0x136: {  	s11 =	simm.s32 $0xFD00  }
0x137: {  	[tilespmem:s11], [sflag:$0xB] =	stream.indirect.gather [spmem:s3], $0x1, s21, s28, $0xb8;
	[tilespmem:$0x10200] =	vst v63  }
0x138: {  	s30 =	simm.s32 $0xAA80;
	s8 =	simm.s32 $0xFB00  }
0x139: {  	[tilespmem:s8], [sflag:$0x2] =	stream.indirect.gather [spmem:s2], $0x1, s30, s28, $0xb8;
	[tilespmem:$0x10200] =	vst v63  }
0x13a: {  	s6 =	simm.s32 $0xFD80  }
0x13b: {  	[tilespmem:s6], [sflag:$0xC] =	stream.indirect.gather [spmem:s3], $0x1, s30, s28, $0xb8;
	[tilespmem:$0x10200] =	vst v63  }
0x13c: {  	s31 =	simm.s32 $0xAB00;
	s14 =	simm.s32 $0xFB80  }
0x13d: {  	[tilespmem:s14], [sflag:$0x3] =	stream.indirect.gather [spmem:s2], $0x1, s31, s28, $0xb8;
	[tilespmem:$0x10200] =	vst v63  }
0x13e: {  	s15 =	simm.s32 $0xFE00  }
0x13f: {  	[tilespmem:s15], [sflag:$0xD] =	stream.indirect.gather [spmem:s3], $0x1, s31, s28, $0xb8;
	[tilespmem:$0x10200] =	vst v63  }
0x140: {  	s0 =	simm.s32 $0xAB80;
	s10 =	simm.s32 $0xFC00  }
0x141: {  	[tilespmem:s10], [sflag:$0x4] =	stream.indirect.gather [spmem:s2], $0x1, s0, s28, $0xb8;
	[tilespmem:$0x10200] =	vst v63  }
0x142: {  	s7 =	simm.s32 $0xFE80  }
0x143: {  	[tilespmem:s7], [sflag:$0xE] =	stream.indirect.gather [spmem:s3], $0x1, s0, s28, $0xb8;
	[tilespmem:$0x10200] =	vst v63  }
0x144: {  	s12 =	simm.s32 $0xAC00;
	s13 =	simm.s32 $0xFC80  }
0x145: {  	[tilespmem:s13], [sflag:$0x5] =	stream.indirect.gather [spmem:s2], $0x1, s12, s28, $0xb8;
	[tilespmem:$0x10200] =	vst v63  }
0x146: {  	s0 =	simm.s32 $0xFF00  }
0x147: {  	[tilespmem:s0], [sflag:$0xF] =	stream.indirect.gather [spmem:s3], $0x1, s12, s28, $0xb8;
	[tilespmem:$0x10200] =	vst v63  }
0x148: {  	s12 =	simm.s32 $0x1  }
0x149: {  	_ =	swait.ge [sflag:s12], $0x80  }
0x14a: {  	[sflag:s12] =	ssyncset.done $0x0  }
0x14b: {  	s21 =	simm.s32 $0xB;
	[sflag:s12] =	ssyncadd.s32 $0xFFFFFF80  }
0x14c: {  	_ =	swait.ge [sflag:s21], $0x80  }
0x14d: {  	[sflag:s21] =	ssyncset.done $0x0  }
0x14e: {  	s30 =	simm.s32 $0xD200;
	[sflag:s21] =	ssyncadd.s32 $0xFFFFFF80  }
0x14f: {  	[spmem:s1] =	stream.indirect.scatter.add.f32 [tilespmem:s4], [sflag:$0x6], $0x1, s30, s28, $0xb8;
	[tilespmem:$0x10200] =	vst v63  }
0x150: {  	s31 =	simm.s32 $0x2  }
0x151: {  	[spmem:s5] =	stream.indirect.scatter.add.f32 [tilespmem:s11], [sflag:$0x10], $0x1, s30, s28, $0xb8;
	[tilespmem:$0x10200] =	vst v63  }
0x152: {  	_ =	swait.ge [sflag:s31], $0x80  }
0x153: {  	[sflag:s31] =	ssyncset.done $0x0  }
0x154: {  	s21 =	simm.s32 $0xC;
	[sflag:s31] =	ssyncadd.s32 $0xFFFFFF80  }
0x155: {  	_ =	swait.ge [sflag:s21], $0x80  }
0x156: {  	[sflag:s21] =	ssyncset.done $0x0  }
0x157: {  	s30 =	simm.s32 $0xD280;
	[sflag:s21] =	ssyncadd.s32 $0xFFFFFF80  }
0x158: {  	[spmem:s1] =	stream.indirect.scatter.add.f32 [tilespmem:s8], [sflag:$0x7], $0x1, s30, s28, $0xb8;
	[tilespmem:$0x10200] =	vst v63  }
0x159: {  	s31 =	simm.s32 $0x3  }
0x15a: {  	[spmem:s5] =	stream.indirect.scatter.add.f32 [tilespmem:s6], [sflag:$0x11], $0x1, s30, s28, $0xb8;
	[tilespmem:$0x10200] =	vst v63  }
0x15b: {  	_ =	swait.ge [sflag:s31], $0x80  }
0x15c: {  	[sflag:s31] =	ssyncset.done $0x0  }
0x15d: {  	s21 =	simm.s32 $0xD;
	[sflag:s31] =	ssyncadd.s32 $0xFFFFFF80  }
0x15e: {  	_ =	swait.ge [sflag:s21], $0x80  }
0x15f: {  	[sflag:s21] =	ssyncset.done $0x0  }
0x160: {  	s30 =	simm.s32 $0xD300;
	[sflag:s21] =	ssyncadd.s32 $0xFFFFFF80  }
0x161: {  	[spmem:s1] =	stream.indirect.scatter.add.f32 [tilespmem:s14], [sflag:$0x8], $0x1, s30, s28, $0xb8;
	[tilespmem:$0x10200] =	vst v63  }
0x162: {  	s31 =	simm.s32 $0x4  }
0x163: {  	[spmem:s5] =	stream.indirect.scatter.add.f32 [tilespmem:s15], [sflag:$0x12], $0x1, s30, s28, $0xb8;
	[tilespmem:$0x10200] =	vst v63  }
0x164: {  	_ =	swait.ge [sflag:s31], $0x80  }
0x165: {  	[sflag:s31] =	ssyncset.done $0x0  }
0x166: {  	s21 =	simm.s32 $0xE;
	[sflag:s31] =	ssyncadd.s32 $0xFFFFFF80  }
0x167: {  	_ =	swait.ge [sflag:s21], $0x80  }
0x168: {  	[sflag:s21] =	ssyncset.done $0x0  }
0x169: {  	s30 =	simm.s32 $0xD380;
	[sflag:s21] =	ssyncadd.s32 $0xFFFFFF80  }
0x16a: {  	[spmem:s1] =	stream.indirect.scatter.add.f32 [tilespmem:s10], [sflag:$0x9], $0x1, s30, s28, $0xb8;
	[tilespmem:$0x10200] =	vst v63  }
0x16b: {  	s31 =	simm.s32 $0x5  }
0x16c: {  	[spmem:s5] =	stream.indirect.scatter.add.f32 [tilespmem:s7], [sflag:$0x13], $0x1, s30, s28, $0xb8;
	[tilespmem:$0x10200] =	vst v63  }
0x16d: {  	_ =	swait.ge [sflag:s31], $0x80  }
0x16e: {  	[sflag:s31] =	ssyncset.done $0x0  }
0x16f: {  	s21 =	simm.s32 $0xF;
	[sflag:s31] =	ssyncadd.s32 $0xFFFFFF80  }
0x170: {  	_ =	swait.ge [sflag:s21], $0x80  }
0x171: {  	[sflag:s21] =	ssyncset.done $0x0  }
0x172: {  	s30 =	simm.s32 $0xD400;
	[sflag:s21] =	ssyncadd.s32 $0xFFFFFF80  }
0x173: {  	[spmem:s1] =	stream.indirect.scatter.add.f32 [tilespmem:s13], [sflag:$0xA], $0x1, s30, s28, $0xb8;
	[tilespmem:$0x10200] =	vst v63  }
0x174: {  	s31 =	simm.s32 $0x6  }
0x175: {  	[spmem:s5] =	stream.indirect.scatter.add.f32 [tilespmem:s0], [sflag:$0x14], $0x1, s30, s28, $0xb8;
	[tilespmem:$0x10200] =	vst v63  }
0x176: {  	_ =	swait.ge [sflag:s31], $0x80  }
0x177: {  	[sflag:s31] =	ssyncset.done $0x0  }
0x178: {  	[sflag:s31] =	ssyncadd.s32 $0xFFFFFF80  }
0x179: {  	_ =	swait.ge [sflag:s26], $0x80  }
0x17a: {  	[sflag:s26] =	ssyncset.done $0x0  }
0x17b: {  	s0 =	simm.s32 $0xAC80;
	[sflag:s26] =	ssyncadd.s32 $0xFFFFFF80  }
0x17c: {  	[tilespmem:s4], [sflag:$0x1] =	stream.indirect.gather [spmem:s2], $0x1, s0, s28, $0xb8;
	[tilespmem:$0x10200] =	vst v63  }
0x17d: {  	s4 =	simm.s32 $0x7  }
0x17e: {  	[tilespmem:s11], [sflag:$0xB] =	stream.indirect.gather [spmem:s3], $0x1, s0, s28, $0xb8;
	[tilespmem:$0x10200] =	vst v63  }
0x17f: {  	_ =	swait.ge [sflag:s4], $0x80  }
0x180: {  	[sflag:s4] =	ssyncset.done $0x0  }
0x181: {  	[sflag:s4] =	ssyncadd.s32 $0xFFFFFF80  }
0x182: {  	_ =	swait.ge [sflag:s25], $0x80  }
0x183: {  	[sflag:s25] =	ssyncset.done $0x0  }
0x184: {  	s21 =	simm.s32 $0xAD00;
	[sflag:s25] =	ssyncadd.s32 $0xFFFFFF80  }
0x185: {  	[tilespmem:s8], [sflag:$0x2] =	stream.indirect.gather [spmem:s2], $0x1, s21, s28, $0xb8;
	[tilespmem:$0x10200] =	vst v63  }
0x186: {  	s8 =	simm.s32 $0x8  }
0x187: {  	[tilespmem:s6], [sflag:$0xC] =	stream.indirect.gather [spmem:s3], $0x1, s21, s28, $0xb8;
	[tilespmem:$0x10200] =	vst v63  }
0x188: {  	_ =	swait.ge [sflag:s8], $0x80  }
0x189: {  	[sflag:s8] =	ssyncset.done $0x0  }
0x18a: {  	[sflag:s8] =	ssyncadd.s32 $0xFFFFFF80  }
0x18b: {  	_ =	swait.ge [sflag:s23], $0x80  }
0x18c: {  	[sflag:s23] =	ssyncset.done $0x0  }
0x18d: {  	s30 =	simm.s32 $0xAD80;
	[sflag:s23] =	ssyncadd.s32 $0xFFFFFF80  }
0x18e: {  	[tilespmem:s14], [sflag:$0x3] =	stream.indirect.gather [spmem:s2], $0x1, s30, s28, $0xb8;
	[tilespmem:$0x10200] =	vst v63  }
0x18f: {  	s0 =	simm.s32 $0x9  }
0x190: {  	[tilespmem:s15], [sflag:$0xD] =	stream.indirect.gather [spmem:s3], $0x1, s30, s28, $0xb8;
	[tilespmem:$0x10200] =	vst v63  }
0x191: {  	_ =	swait.ge [sflag:s0], $0x80  }
0x192: {  	[sflag:s0] =	ssyncset.done $0x0  }
0x193: {  	[sflag:s0] =	ssyncadd.s32 $0xFFFFFF80  }
0x194: {  	_ =	swait.ge [sflag:s19], $0x80  }
0x195: {  	[sflag:s19] =	ssyncset.done $0x0  }
0x196: {  	s31 =	simm.s32 $0xAE00;
	[sflag:s19] =	ssyncadd.s32 $0xFFFFFF80  }
0x197: {  	[tilespmem:s10], [sflag:$0x4] =	stream.indirect.gather [spmem:s2], $0x1, s31, s28, $0xb8;
	[tilespmem:$0x10200] =	vst v63  }
0x198: {  	_ = 	snop  }
0x199: {  	[tilespmem:s7], [sflag:$0xE] =	stream.indirect.gather [spmem:s3], $0x1, s31, s28, $0xb8;
	[tilespmem:$0x10200] =	vst v63  }
0x19a: {  	_ =	swait.ge [sflag:s17], $0x80  }
0x19b: {  	[sflag:s17] =	ssyncset.done $0x0  }
0x19c: {  	[sflag:s17] =	ssyncadd.s32 $0xFFFFFF80  }
0x19d: {  	_ =	swait.ge [sflag:s18], $0x80  }
0x19e: {  	[sflag:s18] =	ssyncset.done $0x0  }
0x19f: {  	s9 =	simm.s32 $0xA00;
	s10 =	simm.s32 $0xAE80;
	[sflag:s18] =	ssyncadd.s32 $0xFFFFFF80  }
0x1a0: {  	[tilespmem:s13], [sflag:$0x5] =	stream.indirect.gather [spmem:s2], $0x1, s10, s28, $0xb8;
	[tilespmem:$0x10200] =	vst v63  }
.LBB2_4:
0x1a1: {  	s14 =	simm.s32 $0xFF00  }
0x1a2: {  	[tilespmem:s14], [sflag:$0xF] =	stream.indirect.gather [spmem:s3], $0x1, s10, s28, $0xb8;
	[tilespmem:$0x10200] =	vst v63  }
0x1a3: {  	s10 =	smov.u32 s9  }
0x1a4: {  	p0 =	sne.s32 s9, $0x8C00;
	s9 =	sadd.s32 $0xA00, s9;
	_ =	swait.ge [sflag:s12], $0x80  }
0x1a5: {  	[sflag:s12] =	ssyncset.done $0x0  }
0x1a6: {  	s6 =	simm.s32 $0xB;
	[sflag:s12] =	ssyncadd.s32 $0xFFFFFF80  }
0x1a7: {  	_ =	swait.ge [sflag:s6], $0x80  }
0x1a8: {  	s10 =	sshra.s32 s10, $0x2;
	[sflag:s6] =	ssyncset.done $0x0  }
0x1a9: {  	s12 =	sadd.s32 $0xD200, s10;
	[sflag:s6] =	ssyncadd.s32 $0xFFFFFF80;
	s6 =	simm.s32 $0xFA80  }
0x1aa: {  	[spmem:s1] =	stream.indirect.scatter.add.f32 [tilespmem:s6], [sflag:$0x6], $0x1, s12, s28, $0xb8;
	[tilespmem:$0x10200] =	vst v63  }
0x1ab: {  	s31 =	simm.s32 $0xFD00;
	s7 =	simm.s32 $0x2  }
0x1ac: {  	[spmem:s5] =	stream.indirect.scatter.add.f32 [tilespmem:s31], [sflag:$0x10], $0x1, s12, s28, $0xb8;
	[tilespmem:$0x10200] =	vst v63  }
0x1ad: {  	_ =	swait.ge [sflag:s7], $0x80  }
0x1ae: {  	[sflag:s7] =	ssyncset.done $0x0  }
0x1af: {  	[sflag:s7] =	ssyncadd.s32 $0xFFFFFF80;
	s7 =	simm.s32 $0xC  }
0x1b0: {  	_ =	swait.ge [sflag:s7], $0x80  }
0x1b1: {  	[sflag:s7] =	ssyncset.done $0x0  }
0x1b2: {  	s21 =	simm.s32 $0xFB00;
	s12 =	sadd.s32 $0xD280, s10;
	[sflag:s7] =	ssyncadd.s32 $0xFFFFFF80  }
0x1b3: {  	[spmem:s1] =	stream.indirect.scatter.add.f32 [tilespmem:s21], [sflag:$0x7], $0x1, s12, s28, $0xb8;
	[tilespmem:$0x10200] =	vst v63  }
0x1b4: {  	s30 =	simm.s32 $0xFD80;
	s7 =	simm.s32 $0x3  }
0x1b5: {  	[spmem:s5] =	stream.indirect.scatter.add.f32 [tilespmem:s30], [sflag:$0x11], $0x1, s12, s28, $0xb8;
	[tilespmem:$0x10200] =	vst v63  }
0x1b6: {  	_ =	swait.ge [sflag:s7], $0x80  }
0x1b7: {  	[sflag:s7] =	ssyncset.done $0x0  }
0x1b8: {  	[sflag:s7] =	ssyncadd.s32 $0xFFFFFF80;
	s7 =	simm.s32 $0xD  }
0x1b9: {  	_ =	swait.ge [sflag:s7], $0x80  }
0x1ba: {  	[sflag:s7] =	ssyncset.done $0x0  }
0x1bb: {  	s12 =	sadd.s32 $0xD300, s10;
	[sflag:s7] =	ssyncadd.s32 $0xFFFFFF80;
	s7 =	simm.s32 $0xFB80  }
0x1bc: {  	[spmem:s1] =	stream.indirect.scatter.add.f32 [tilespmem:s7], [sflag:$0x8], $0x1, s12, s28, $0xb8;
	[tilespmem:$0x10200] =	vst v63  }
0x1bd: {  	s11 =	simm.s32 $0x4  }
0x1be: {  	[spmem:s5] =	stream.indirect.scatter.add.f32 [tilespmem:s22], [sflag:$0x12], $0x1, s12, s28, $0xb8;
	[tilespmem:$0x10200] =	vst v63  }
0x1bf: {  	_ =	swait.ge [sflag:s11], $0x80  }
0x1c0: {  	[sflag:s11] =	ssyncset.done $0x0  }
0x1c1: {  	[sflag:s11] =	ssyncadd.s32 $0xFFFFFF80;
	s11 =	simm.s32 $0xE  }
0x1c2: {  	_ =	swait.ge [sflag:s11], $0x80  }
0x1c3: {  	[sflag:s11] =	ssyncset.done $0x0  }
0x1c4: {  	s15 =	simm.s32 $0xFC00;
	s12 =	sadd.s32 $0xD380, s10;
	[sflag:s11] =	ssyncadd.s32 $0xFFFFFF80  }
0x1c5: {  	[spmem:s1] =	stream.indirect.scatter.add.f32 [tilespmem:s15], [sflag:$0x9], $0x1, s12, s28, $0xb8;
	[tilespmem:$0x10200] =	vst v63  }
0x1c6: {  	s11 =	simm.s32 $0x5  }
0x1c7: {  	[spmem:s5] =	stream.indirect.scatter.add.f32 [tilespmem:s16], [sflag:$0x13], $0x1, s12, s28, $0xb8;
	[tilespmem:$0x10200] =	vst v63  }
0x1c8: {  	_ =	swait.ge [sflag:s11], $0x80  }
0x1c9: {  	[sflag:s11] =	ssyncset.done $0x0  }
0x1ca: {  	[sflag:s11] =	ssyncadd.s32 $0xFFFFFF80;
	s11 =	simm.s32 $0xF  }
0x1cb: {  	_ =	swait.ge [sflag:s11], $0x80  }
0x1cc: {  	[sflag:s11] =	ssyncset.done $0x0  }
0x1cd: {  	s13 =	simm.s32 $0xFC80;
	s12 =	sadd.s32 $0xD400, s10;
	[sflag:s11] =	ssyncadd.s32 $0xFFFFFF80  }
0x1ce: {  	[spmem:s1] =	stream.indirect.scatter.add.f32 [tilespmem:s13], [sflag:$0xA], $0x1, s12, s28, $0xb8;
	[tilespmem:$0x10200] =	vst v63  }
0x1cf: {  	s11 =	simm.s32 $0x6  }
0x1d0: {  	[spmem:s5] =	stream.indirect.scatter.add.f32 [tilespmem:s14], [sflag:$0x14], $0x1, s12, s28, $0xb8;
	[tilespmem:$0x10200] =	vst v63  }
0x1d1: {  	_ =	swait.ge [sflag:s11], $0x80  }
0x1d2: {  	[sflag:s11] =	ssyncset.done $0x0  }
0x1d3: {  	[sflag:s11] =	ssyncadd.s32 $0xFFFFFF80  }
0x1d4: {  	_ =	swait.ge [sflag:s26], $0x80  }
0x1d5: {  	[sflag:s26] =	ssyncset.done $0x0  }
0x1d6: {  	s12 =	sadd.s32 $0xAC80, s10;
	s11 =	simm.s32 $0xFA80;
	[sflag:s26] =	ssyncadd.s32 $0xFFFFFF80  }
0x1d7: {  	[tilespmem:s6], [sflag:$0x1] =	stream.indirect.gather [spmem:s2], $0x1, s12, s28, $0xb8;
	[tilespmem:$0x10200] =	vst v63  }
0x1d8: {  	_ = 	snop  }
0x1d9: {  	[tilespmem:s31], [sflag:$0xB] =	stream.indirect.gather [spmem:s3], $0x1, s12, s28, $0xb8;
	[tilespmem:$0x10200] =	vst v63  }
0x1da: {  	_ =	swait.ge [sflag:s4], $0x80  }
0x1db: {  	[sflag:s4] =	ssyncset.done $0x0  }
0x1dc: {  	[sflag:s4] =	ssyncadd.s32 $0xFFFFFF80  }
0x1dd: {  	_ =	swait.ge [sflag:s25], $0x80  }
0x1de: {  	[sflag:s25] =	ssyncset.done $0x0  }
0x1df: {  	s12 =	sadd.s32 $0xAD00, s10;
	s31 =	simm.s32 $0xFB00;
	[sflag:s25] =	ssyncadd.s32 $0xFFFFFF80  }
0x1e0: {  	[tilespmem:s21], [sflag:$0x2] =	stream.indirect.gather [spmem:s2], $0x1, s12, s28, $0xb8;
	[tilespmem:$0x10200] =	vst v63  }
0x1e1: {  	s6 =	simm.s32 $0xFD80  }
0x1e2: {  	[tilespmem:s30], [sflag:$0xC] =	stream.indirect.gather [spmem:s3], $0x1, s12, s28, $0xb8;
	[tilespmem:$0x10200] =	vst v63  }
0x1e3: {  	_ =	swait.ge [sflag:s8], $0x80  }
0x1e4: {  	[sflag:s8] =	ssyncset.done $0x0  }
0x1e5: {  	[sflag:s8] =	ssyncadd.s32 $0xFFFFFF80  }
0x1e6: {  	_ =	swait.ge [sflag:s23], $0x80  }
0x1e7: {  	[sflag:s23] =	ssyncset.done $0x0  }
0x1e8: {  	s21 =	simm.s32 $0xFB80;
	s12 =	sadd.s32 $0xAD80, s10;
	[sflag:s23] =	ssyncadd.s32 $0xFFFFFF80  }
0x1e9: {  	[tilespmem:s7], [sflag:$0x3] =	stream.indirect.gather [spmem:s2], $0x1, s12, s28, $0xb8;
	[tilespmem:$0x10200] =	vst v63  }
0x1ea: {  	s30 =	simm.s32 $0xFE00  }
0x1eb: {  	[tilespmem:s22], [sflag:$0xD] =	stream.indirect.gather [spmem:s3], $0x1, s12, s28, $0xb8;
	[tilespmem:$0x10200] =	vst v63  }
0x1ec: {  	_ =	swait.ge [sflag:s0], $0x80  }
0x1ed: {  	[sflag:s0] =	ssyncset.done $0x0  }
0x1ee: {  	[sflag:s0] =	ssyncadd.s32 $0xFFFFFF80  }
0x1ef: {  	_ =	swait.ge [sflag:s19], $0x80  }
0x1f0: {  	[sflag:s19] =	ssyncset.done $0x0  }
0x1f1: {  	s7 =	simm.s32 $0xFC00;
	s12 =	sadd.s32 $0xAE00, s10;
	[sflag:s19] =	ssyncadd.s32 $0xFFFFFF80  }
0x1f2: {  	[tilespmem:s15], [sflag:$0x4] =	stream.indirect.gather [spmem:s2], $0x1, s12, s28, $0xb8;
	[tilespmem:$0x10200] =	vst v63  }
0x1f3: {  	_ = 	snop  }
0x1f4: {  	[tilespmem:s16], [sflag:$0xE] =	stream.indirect.gather [spmem:s3], $0x1, s12, s28, $0xb8;
	[tilespmem:$0x10200] =	vst v63  }
0x1f5: {  	s15 =	simm.s32 $0xFE80;
	s12 =	simm.s32 $0x1  }
0x1f6: {  	_ =	swait.ge [sflag:s17], $0x80  }
0x1f7: {  	[sflag:s17] =	ssyncset.done $0x0  }
.Ltmp1:
0x1f8: {  	[sflag:s17] =	ssyncadd.s32 $0xFFFFFF80;
	(pc) =	sbr.rel @p0 .LBB2_4-.Ltmp1, $4  }
0x1f9: {  	_ =	swait.ge [sflag:s18], $0x80  }
0x1fa: {  	[sflag:s18] =	ssyncset.done $0x0  }
0x1fb: {  	s14 =	simm.s32 $0xFC80;
	s10 =	sadd.s32 $0xAE80, s10;
	[sflag:s18] =	ssyncadd.s32 $0xFFFFFF80  }
0x1fc: {  	[tilespmem:s13], [sflag:$0x5] =	stream.indirect.gather [spmem:s2], $0x1, s10, s28, $0xb8;
	[tilespmem:$0x10200] =	vst v63  }
0x1fd: {  	s13 =	simm.s32 $0xFF00  }
0x1fe: {  	[tilespmem:s13], [sflag:$0xF] =	stream.indirect.gather [spmem:s3], $0x1, s10, s28, $0xb8;
	[tilespmem:$0x10200] =	vst v63  }
0x1ff: {  	_ =	swait.ge [sflag:s12], $0x80  }
0x200: {  	[sflag:s12] =	ssyncset.done $0x0  }
0x201: {  	s9 =	simm.s32 $0xB;
	[sflag:s12] =	ssyncadd.s32 $0xFFFFFF80  }
0x202: {  	_ =	swait.ge [sflag:s9], $0x80  }
0x203: {  	[sflag:s9] =	ssyncset.done $0x0  }
0x204: {  	s12 =	simm.s32 $0xF780;
	[sflag:s9] =	ssyncadd.s32 $0xFFFFFF80  }
0x205: {  	[spmem:s1] =	stream.indirect.scatter.add.f32 [tilespmem:s11], [sflag:$0x6], $0x1, s12, s28, $0xb8;
	[tilespmem:$0x10200] =	vst v63  }
0x206: {  	s10 =	simm.s32 $0x2  }
0x207: {  	[spmem:s5] =	stream.indirect.scatter.add.f32 [tilespmem:s24], [sflag:$0x10], $0x1, s12, s28, $0xb8;
	[tilespmem:$0x10200] =	vst v63  }
0x208: {  	_ =	swait.ge [sflag:s10], $0x80  }
0x209: {  	[sflag:s10] =	ssyncset.done $0x0  }
0x20a: {  	s11 =	simm.s32 $0xC;
	[sflag:s10] =	ssyncadd.s32 $0xFFFFFF80  }
0x20b: {  	_ =	swait.ge [sflag:s11], $0x80  }
0x20c: {  	[sflag:s11] =	ssyncset.done $0x0  }
0x20d: {  	s12 =	simm.s32 $0xF800;
	[sflag:s11] =	ssyncadd.s32 $0xFFFFFF80  }
0x20e: {  	[spmem:s1] =	stream.indirect.scatter.add.f32 [tilespmem:s31], [sflag:$0x7], $0x1, s12, s28, $0xb8;
	[tilespmem:$0x10200] =	vst v63  }
0x20f: {  	s10 =	simm.s32 $0x3  }
0x210: {  	[spmem:s5] =	stream.indirect.scatter.add.f32 [tilespmem:s6], [sflag:$0x11], $0x1, s12, s28, $0xb8;
	[tilespmem:$0x10200] =	vst v63  }
0x211: {  	_ =	swait.ge [sflag:s10], $0x80  }
0x212: {  	[sflag:s10] =	ssyncset.done $0x0  }
0x213: {  	s11 =	simm.s32 $0xD;
	[sflag:s10] =	ssyncadd.s32 $0xFFFFFF80  }
0x214: {  	_ =	swait.ge [sflag:s11], $0x80  }
0x215: {  	[sflag:s11] =	ssyncset.done $0x0  }
0x216: {  	s12 =	simm.s32 $0xF880;
	[sflag:s11] =	ssyncadd.s32 $0xFFFFFF80  }
0x217: {  	[spmem:s1] =	stream.indirect.scatter.add.f32 [tilespmem:s21], [sflag:$0x8], $0x1, s12, s28, $0xb8;
	[tilespmem:$0x10200] =	vst v63  }
0x218: {  	_ = 	snop  }
0x219: {  	[spmem:s5] =	stream.indirect.scatter.add.f32 [tilespmem:s30], [sflag:$0x12], $0x1, s12, s28, $0xb8;
	[tilespmem:$0x10200] =	vst v63  }
0x21a: {  	s30 =	simm.s32 $0x4  }
0x21b: {  	_ =	swait.ge [sflag:s30], $0x80  }
0x21c: {  	[sflag:s30] =	ssyncset.done $0x0  }
0x21d: {  	s31 =	simm.s32 $0xE;
	[sflag:s30] =	ssyncadd.s32 $0xFFFFFF80  }
0x21e: {  	_ =	swait.ge [sflag:s31], $0x80  }
0x21f: {  	[sflag:s31] =	ssyncset.done $0x0  }
0x220: {  	s6 =	simm.s32 $0xF900;
	[sflag:s31] =	ssyncadd.s32 $0xFFFFFF80  }
0x221: {  	[spmem:s1] =	stream.indirect.scatter.add.f32 [tilespmem:s7], [sflag:$0x9], $0x1, s6, s28, $0xb8;
	[tilespmem:$0x10200] =	vst v63  }
0x222: {  	s10 =	simm.s32 $0x5  }
0x223: {  	[spmem:s5] =	stream.indirect.scatter.add.f32 [tilespmem:s15], [sflag:$0x13], $0x1, s6, s28, $0xb8;
	[tilespmem:$0x10200] =	vst v63  }
0x224: {  	_ =	swait.ge [sflag:s10], $0x80  }
0x225: {  	[sflag:s10] =	ssyncset.done $0x0  }
0x226: {  	s11 =	simm.s32 $0xF;
	[sflag:s10] =	ssyncadd.s32 $0xFFFFFF80  }
0x227: {  	_ =	swait.ge [sflag:s11], $0x80  }
0x228: {  	[sflag:s11] =	ssyncset.done $0x0  }
0x229: {  	s12 =	simm.s32 $0xF980;
	[sflag:s11] =	ssyncadd.s32 $0xFFFFFF80  }
0x22a: {  	[spmem:s1] =	stream.indirect.scatter.add.f32 [tilespmem:s14], [sflag:$0xA], $0x1, s12, s28, $0xb8;
	[tilespmem:$0x10200] =	vst v63  }
0x22b: {  	s14 =	simm.s32 $0x6  }
0x22c: {  	[spmem:s5] =	stream.indirect.scatter.add.f32 [tilespmem:s13], [sflag:$0x14], $0x1, s12, s28, $0xb8;
	[tilespmem:$0x10200] =	vst v63  }
0x22d: {  	_ =	swait.ge [sflag:s14], $0x80  }
0x22e: {  	[sflag:s14] =	ssyncset.done $0x0  }
0x22f: {  	[sflag:s14] =	ssyncadd.s32 $0xFFFFFF80  }
0x230: {  	_ =	swait.ge [sflag:s26], $0x80  }
0x231: {  	[sflag:s26] =	ssyncset.done $0x0  }
0x232: {  	[sflag:s26] =	ssyncadd.s32 $0xFFFFFF80  }
0x233: {  	_ =	swait.ge [sflag:s4], $0x80  }
0x234: {  	[sflag:s4] =	ssyncset.done $0x0  }
0x235: {  	[sflag:s4] =	ssyncadd.s32 $0xFFFFFF80  }
0x236: {  	_ =	swait.ge [sflag:s25], $0x80  }
0x237: {  	[sflag:s25] =	ssyncset.done $0x0  }
0x238: {  	[sflag:s25] =	ssyncadd.s32 $0xFFFFFF80  }
0x239: {  	_ =	swait.ge [sflag:s8], $0x80  }
0x23a: {  	[sflag:s8] =	ssyncset.done $0x0  }
0x23b: {  	[sflag:s8] =	ssyncadd.s32 $0xFFFFFF80  }
0x23c: {  	_ =	swait.ge [sflag:s23], $0x80  }
0x23d: {  	[sflag:s23] =	ssyncset.done $0x0  }
0x23e: {  	[sflag:s23] =	ssyncadd.s32 $0xFFFFFF80  }
0x23f: {  	_ =	swait.ge [sflag:s0], $0x80  }
0x240: {  	[sflag:s0] =	ssyncset.done $0x0  }
0x241: {  	[sflag:s0] =	ssyncadd.s32 $0xFFFFFF80  }
0x242: {  	_ =	swait.ge [sflag:s19], $0x80  }
0x243: {  	[sflag:s19] =	ssyncset.done $0x0  }
0x244: {  	[sflag:s19] =	ssyncadd.s32 $0xFFFFFF80  }
0x245: {  	_ =	swait.ge [sflag:s17], $0x80  }
0x246: {  	[sflag:s17] =	ssyncset.done $0x0  }
0x247: {  	[sflag:s17] =	ssyncadd.s32 $0xFFFFFF80  }
0x248: {  	_ =	swait.ge [sflag:s18], $0x80  }
0x249: {  	[sflag:s18] =	ssyncset.done $0x0  }
0x24a: {  	[sflag:s18] =	ssyncadd.s32 $0xFFFFFF80  }
0x24b: {  	[bflag:$0x0] =	sbarrier.arrive $0xFFFF  }
0x24c: {  	s12 =	simm.s32 $0x16;
	s14 =	simm.s32 $0xFF80;
	s11 =	rddreg [dreg:$0xe]  }
0x24d: {  	[tilespmem:s14], [sflag:$0x16] =	stream.linear.gather [spmem:s11], $0x280, $0x38;
	[tilespmem:$0x10200] =	vst v63  }
0x24e: {  	_ =	swait.ge [sflag:s12], $0x280  }
0x24f: {  	[sflag:s12] =	ssyncset.done $0x0  }
0x250: {  	s13 =	simm.s32 $0x0;
	s15 =	rddreg [dreg:$0x11];
	[sflag:s12] =	ssyncadd.s32 $0xFFFFFD80  }
0x251: {  	[hbm4b:s15+s13] =	stream.linear.scatter [tilespmem:s14], [sflag:$0x16], $0x280, $0x38;
	[tilespmem:$0x10200] =	vst v63  }
0x252: {  	_ =	swait.ge [sflag:s12], $0x280  }
0x253: {  	[sflag:s12] =	ssyncset.done $0x0  }
0x254: {  	s8 =	rddreg [dreg:$0xf];
	[sflag:s12] =	ssyncadd.s32 $0xFFFFFD80  }
0x255: {  	[tilespmem:s14], [sflag:$0x16] =	stream.linear.gather [spmem:s8], $0x280, $0x38;
	[tilespmem:$0x10200] =	vst v63  }
0x256: {  	_ =	swait.ge [sflag:s12], $0x280  }
0x257: {  	[sflag:s12] =	ssyncset.done $0x0  }
0x258: {  	s21 =	rddreg [dreg:$0x12];
	[sflag:s12] =	ssyncadd.s32 $0xFFFFFD80  }
0x259: {  	[hbm4b:s21+s13] =	stream.linear.scatter [tilespmem:s14], [sflag:$0x16], $0x280, $0x38;
	[tilespmem:$0x10200] =	vst v63  }
0x25a: {  	_ =	swait.ge [sflag:s12], $0x280  }
0x25b: {  	s30 =	rddreg [dreg:$0x13]  }
0x25c: {  	s31 =	rddreg [dreg:$0x10];
	s0 =	sadd.s32 $0x1, s30  }
0x25d: {  	p0 =	sne.s32 s0, s31  }
.Ltmp2:
0x25e: {  	_ = 	snop;
	(pc) =	sbr.rel @p0 .LBB2_1-.Ltmp2, $3  }
0x25f: {  	_ =	sdelay $0x1  }
0x260: {  	[sflag:s12] =	ssyncset.done $0x0  }
0x261: {  	s4 =	smov.u32 s1;
	[sflag:s12] =	ssyncadd.s32 $0xFFFFFD80  }
0x262: {  	_ =	sfence.sel $0x180000  }
0x263: {  	[bflag:$0x0] =	sbarrier.arrive $0xFFFF  }
0x264: {  	_ =	strace $0x90000047  }
0x265: {  	s0 =	stileid.u32;
	[bflag:$0x2] =	sbarrier.arrive $0xFFFF  }
0x266: {  	p0 =	sne.s32 s0, $0x0;
	s0 =	rddreg [dreg:$0x6]  }
0x267: {  	s0 =	sadd.s32 @!p0 $0x100000, s0  }
0x268: {  	[sflag:s0] =	ssyncadd.tile.s32 @!p0 $0x1;
	_ =	shalt  }
.Lfunc_end2:
_tile_overlayer_lowered:
.L_overlay_start_2:
0x269: {  	(tag) =	ssettag $0x2  }
0x26a: {  	s0 =	rddreg [dreg:$0x0];
	s2 =	stileid.u32  }
0x26b: {  	s1 =	rddreg [dreg:$0x1];
	p0 =	sne.s32 s2, $0x0  }
0x26c: {  	s3 =	rddreg [dreg:$0x2];
	[bflag:$0x3] =	sbarrier.arrive $0xFFFF;
	s2 =	simm.s32 @!p0 $0x1C16  }
0x26d: {  	[timem:s3], [sflag:s2] =	dma.local @!p0 [hbm:s0], s1  }
0x26e: {  	s0 =	simm.s32 @!p0 $0x16  }
0x26f: {  	_ =	swait.ge @!p0 [sflag:s0], s1  }
0x270: {  	s1 =	ssub.s32 @!p0 $0x0, s1;
	[sflag:s0] =	ssyncset.done @!p0 $0x0  }
0x271: {  	[sflag:s0] =	ssyncadd.s32 @!p0 s1  }
0x272: {  	[bflag:$0x3] =	sbarrier.arrive $0xFFFF  }
0x273: {  	_ =	shalt  }

// kernel: kernel.9.cloned.1.call-start
scs
__scs_entry_jumppad:
0x0: {  	(pc) =	sbr.rel $0x88, $3  }
0x1: {  	(tag) =	ssettag $0x0;
	lr =	simm.s32 $0x1  }
0x2: {  	[smem:$0x3F98] =	sst lr;
	_ =	strace $0xD0000000  }
0x3: {  	_ = 	snop  }
0x4: {  	_ = 	snop  }
0x5: {  	_ = 	snop  }
0x6: {  	_ = 	snop  }
0x7: {  	_ = 	snop  }
__scs_overlays_trampoline_lowered:
0x8: {  	[smem:$0x3FA7] =	sst s0  }
0x9: {  	[smem:$0x3FA8] =	sst s1  }
0xa: {  	[smem:$0x3FA9] =	sst s2  }
0xb: {  	[smem:$0x3FAA] =	sst s3  }
0xc: {  	[smem:$0x3FAB] =	sst s4  }
0xd: {  	[smem:$0x3FAC] =	sst s5  }
0xe: {  	[smem:$0x3FAD] =	sst s6  }
0xf: {  	[smem:$0x3FAE] =	sst s7  }
0x10: {  	[smem:$0x3FAF] =	sst s8  }
0x11: {  	[smem:$0x3FB0] =	sst s9;
	s0 =	simm.s32 @!p0 $0x0  }
0x12: {  	s1 =	sld [smem:$0x3F96];
	s0 =	simm.s32 @p0 $0x1  }
0x13: {  	[smem:$0x3FB1] =	sst s0;
	s0 =	simm.s32 @!p1 $0x0  }
0x14: {  	s2 =	sld [smem:$0x3F95];
	s0 =	simm.s32 @p1 $0x1  }
0x15: {  	[smem:$0x3FB2] =	sst s0;
	s0 =	simm.s32 @!p2 $0x0  }
0x16: {  	s3 =	sld [smem:$0x3FDB];
	s0 =	simm.s32 @p2 $0x1  }
0x17: {  	s4 =	simm.s32 $0x1BF5;
	[smem:$0x3FB4] =	sst s0  }
0x18: {  	s0 =	sld [smem:$0x3F97];
	_ =	swait.ge [sflag:s4], $0x0  }
0x19: {  	s7 =	sld [smem:$0x3F98]  }
0x1a: {  	s8 =	sadd.s32 $0xFFFFE003, lr  }
0x1b: {  	s9 =	sadd.s32 $0xFFFFFEF7, lr;
	s5 =	simm.s32 $0xFFFFFFFF;
	p2 =	slt.u32 s8, $0xFFFFF086  }
0x1c: {  	p1 =	slt.u32 s9, $0xF7A;
	s5 =	simm.s32 @!p2 $0x0  }
0x1d: {  	s5 =	simm.s32 @p1 $0x1;
	p0 =	seq.s32 s7, s2  }
0x1e: {  	s7 =	smul.u32 @!p0 $0xF7A, s2;
	p2 =	seq.s32 @!p0 s5, $0x0  }
0x1f: {  	s9 =	smul.u32 $0xF7A, s1;
	s8 =	simm.s32 @!p0 $0x1BF5;
	p2 =	por !p2, p0  }
0x20: {  	[sflag:s8] =	ssyncset.s32 @!p0 $0xFFFFF086;
	s6 =	sadd.s32 @!p0 s3, s7;
	s7 =	simm.s32 @!p0 $0x108  }
0x21: {  	s3 =	sadd.s32 s3, s9;
	s6 =	sadd.s32 @!p0 $0x88, s6;
	s7 =	simm.s32 @p2 $0x1082  }
0x22: {  	[simem:s7], [sflag:s8] =	dma.local @!p0 [hbm:s6], $0xF7A  }
0x23: {  	s9 =	sor.u32 $0xD0000000, s2;
	s6 =	simm.s32 $0x108;
	_ =	swait.ge @!p0 [sflag:s8], $0x0  }
0x24: {  	s3 =	sadd.s32 $0x88, s3;
	s6 =	simm.s32 @!p1 $0x1082;
	[sflag:s4] =	ssyncset.s32 $0xFFFFF086  }
0x25: {  	[simem:s6], [sflag:s4] =	dma.local [hbm:s3], $0xF7A  }
0x26: {  	[smem:$0x3F98] =	sst s1;
	(tag) =	ssettag s2;
	_ =	strace s9  }
0x27: {  	s1 =	sld [smem:$0x3FA8]  }
0x28: {  	s2 =	sld [smem:$0x3FA9]  }
0x29: {  	s4 =	sld [smem:$0x3FAB]  }
0x2a: {  	p0 =	seq.s32 s5, $0x0;
	s5 =	sld [smem:$0x3FAC]  }
0x2b: {  	s6 =	sld [smem:$0x3FAD]  }
0x2c: {  	s7 =	sld [smem:$0x3FAE]  }
0x2d: {  	s3 =	simm.s32 $0x108;
	s8 =	sld [smem:$0x3FAF]  }
0x2e: {  	s3 =	simm.s32 @!p0 $0x1082;
	s9 =	sld [smem:$0x3FB0]  }
0x2f: {  	lr =	sadd.s32 s0, s3;
	s0 =	sld [smem:$0x3FA7]  }
0x30: {  	s3 =	sld [smem:$0x3FAA]  }
0x31: {  	[smem:$0x3FB3] =	sst s10  }
0x32: {  	s10 =	sld [smem:$0x3FB1];
	_ =	sdelay $0x3  }
0x33: {  	p0 =	seq.s32 s10, $0x1;
	s10 =	sld [smem:$0x3FB3];
	_ =	sdelay $0x3  }
0x34: {  	[smem:$0x3FB3] =	sst s10  }
0x35: {  	s10 =	sld [smem:$0x3FB2];
	_ =	sdelay $0x3  }
0x36: {  	p1 =	seq.s32 s10, $0x1;
	s10 =	sld [smem:$0x3FB3];
	_ =	sdelay $0x3  }
0x37: {  	[smem:$0x3FB3] =	sst s10  }
0x38: {  	s10 =	sld [smem:$0x3FB4]  }
0x39: {  	_ = 	snop;
	(pc) =	sbr.ind lr, $3  }
0x3a: {  	_ = 	snop  }
0x3b: {  	_ = 	snop  }
0x3c: {  	p2 =	seq.s32 s10, $0x1;
	s10 =	sld [smem:$0x3FB3]  }
0x3d: {  	_ =	shalt  }
0x3e: {  	_ =	shalt  }
0x3f: {  	_ =	shalt  }
0x40: {  	_ =	shalt  }
0x41: {  	_ =	shalt  }
0x42: {  	_ =	shalt  }
0x43: {  	_ =	shalt  }
0x44: {  	_ =	shalt  }
0x45: {  	_ =	shalt  }
0x46: {  	_ =	shalt  }
0x47: {  	_ =	shalt  }
0x48: {  	_ =	shalt  }
0x49: {  	_ =	shalt  }
0x4a: {  	_ =	shalt  }
0x4b: {  	_ =	shalt  }
0x4c: {  	_ =	shalt  }
0x4d: {  	_ =	shalt  }
0x4e: {  	_ =	shalt  }
0x4f: {  	_ =	shalt  }
0x50: {  	_ =	shalt  }
0x51: {  	_ =	shalt  }
0x52: {  	_ =	shalt  }
0x53: {  	_ =	shalt  }
0x54: {  	_ =	shalt  }
0x55: {  	_ =	shalt  }
0x56: {  	_ =	shalt  }
0x57: {  	_ =	shalt  }
0x58: {  	_ =	shalt  }
0x59: {  	_ =	shalt  }
0x5a: {  	_ =	shalt  }
0x5b: {  	_ =	shalt  }
0x5c: {  	_ =	shalt  }
0x5d: {  	_ =	shalt  }
0x5e: {  	_ =	shalt  }
0x5f: {  	_ =	shalt  }
0x60: {  	_ =	shalt  }
0x61: {  	_ =	shalt  }
0x62: {  	_ =	shalt  }
0x63: {  	_ =	shalt  }
0x64: {  	_ =	shalt  }
0x65: {  	_ =	shalt  }
0x66: {  	_ =	shalt  }
0x67: {  	_ =	shalt  }
0x68: {  	_ =	shalt  }
0x69: {  	_ =	shalt  }
0x6a: {  	_ =	shalt  }
0x6b: {  	_ =	shalt  }
0x6c: {  	_ =	shalt  }
0x6d: {  	_ =	shalt  }
0x6e: {  	_ =	shalt  }
0x6f: {  	_ =	shalt  }
0x70: {  	_ =	shalt  }
0x71: {  	_ =	shalt  }
0x72: {  	_ =	shalt  }
0x73: {  	_ =	shalt  }
0x74: {  	_ =	shalt  }
0x75: {  	_ =	shalt  }
0x76: {  	_ =	shalt  }
0x77: {  	_ =	shalt  }
0x78: {  	_ =	shalt  }
0x79: {  	_ =	shalt  }
0x7a: {  	_ =	shalt  }
0x7b: {  	_ =	shalt  }
0x7c: {  	_ =	shalt  }
0x7d: {  	_ =	shalt  }
0x7e: {  	_ =	shalt  }
0x7f: {  	_ =	shalt  }
0x80: {  	_ =	shalt  }
0x81: {  	_ =	shalt  }
0x82: {  	_ =	shalt  }
0x83: {  	_ =	shalt  }
0x84: {  	_ =	shalt  }
0x85: {  	_ =	shalt  }
0x86: {  	_ =	shalt  }
0x87: {  	_ =	shalt  }
.Lfunc_end0:
.L_simem_size_0:
called_computation.1_lowered:
.L_overlay_start_0:
0x88: {  	s2 =	sld [smem:$0x3FD9]  }
0x89: {  	s3 =	sld [smem:$0x3FFE];
	_ =	sdelay $0x1  }
0x8a: {  	s1 =	srdreg.scid  }
0x8b: {  	s0 =	sand.u32 $0x1, s1  }
0x8c: {  	s16 =	sshll.u32 s0, $0xA;
	s2 =	sadd.s32 s3, s2  }
0x8d: {  	s2 =	sadd.s32 s2, s16  }
0x8e: {  	[smem:$0x3FBF] =	sst s2  }
0x8f: {  	_ = 	snop  }
0x90: {  	(tm) =	ssettm $0x1  }
0x91: {  	s17 =	sld [smem:$0x3FFB];
	_ =	sdelay $0x3  }
0x92: {  	_ =	strace s17  }
0x93: {  	s2 =	sld [smem:$0x3FFC];
	_ =	sdelay $0x3  }
0x94: {  	_ =	strace s2  }
0x95: {  	s2 =	sld [smem:$0x3FFD];
	_ =	sdelay $0x3  }
0x96: {  	_ =	strace s2  }
0x97: {  	_ =	strace $0x8FFFFFFF  }
0x98: {  	s18 =	sld [smem:$0x3FDB];
	_ =	sdelay $0x1  }
0x99: {  	s19 =	simm.s32 $_scs_section_size  }
0x9a: {  	s4 =	simm.s32 $_size__tile_overlayer_lowered;
	s5 =	simm.s32 $_tile_overlayer_lowered  }
0x9b: {  	s22 =	simm.s32 $0x1BFF;
	s21 =	sshll.u32 s5, $0x1;
	s2 =	sadd.s32 s19, s18  }
0x9c: {  	s6 =	simm.s32 $0x0;
	s20 =	sshll.u32 s4, $0x1;
	s4 =	sadd.s32 s21, s2  }
0x9d: {  	[timem:s6], [sflag:s22] =	dma.local [hbm:s4], s20  }
0x9e: {  	_ =	swait.ge [sflag:s22], s20  }
0x9f: {  	s3 =	ssub.s32 $0x0, s20;
	[sflag:s22] =	ssyncset.done $0x0  }
0xa0: {  	[sflag:s22] =	ssyncadd.s32 s3;
	_ =	sdelay $0x1  }
0xa1: {  	s23 =	simm.s32 $0x1B8B  }
0xa2: {  	_ =	swait.ge [sflag:s23], $0x1  }
0xa3: {  	[sflag:s23] =	ssyncset.done $0x0  }
0xa4: {  	s25 =	simm.s32 $0x1B8E;
	s24 =	sld [smem:$0x3FFE];
	[sflag:s23] =	ssyncadd.s32 $0xFFFFFFFF  }
0xa5: {  	s26 =	simm.s32 $execute0_lowered;
	[smem:$0x3FD2] =	sst s25  }
0xa6: {  	s4 =	sshll.u32 s26, $0x1;
	_ =	strace $0x80000049;
	[dreg:$0x1] =	wrdreg $0xFFFFFFFF  }
0xa7: {  	s28 =	simm.s32 $_size_execute0_lowered;
	s2 =	sadd.s32 s2, s4;
	[dreg:$0x0] =	wrdreg $0x0  }
0xa8: {  	s4 =	sshll.u32 s28, $0x1;
	[dreg:$0x2] =	wrdreg s2  }
0xa9: {  	[dreg:$0x3] =	wrdreg s4  }
0xaa: {  	[dreg:$0x4] =	wrdreg $0xC0  }
0xab: {  	_ =	task [dreg:s6], $0x5FFFF  }
0xac: {  	[dreg:$0x1] =	wrdreg $0xFFFFFFFF  }
0xad: {  	[dreg:$0x0] =	wrdreg $0x60  }
0xae: {  	[dreg:$0x2] =	wrdreg s24  }
0xaf: {  	[dreg:$0x3] =	wrdreg $0x0  }
0xb0: {  	[dreg:$0x4] =	wrdreg $0x9  }
0xb1: {  	_ =	task.clear_ibuf [dreg:s6], $0x5FFFF;
	_ =	strace $0x90000049  }
0xb2: {  	s29 =	simm.s32 $0x9;
	_ =	strace $0x8000004B  }
0xb3: {  	_ =	swait.ge [sflag:s29], $0x1  }
0xb4: {  	[sflag:s29] =	ssyncadd.s32 $0xFFFFFFFF  }
0xb5: {  	_ =	strace $0x9000004B  }
0xb6: {  	_ =	sfence  }
0xb7: {  	s30 =	sld [smem:$0x0];
	_ =	sdelay $0x2  }
0xb8: {  	s31 =	sshll.u32 s1, $0xD;
	s1 =	sshrl.u32 s1, $0x2  }
0xb9: {  	s3 =	sand.u32 $0x4000, s31;
	s1 =	sadd.s32 s1, s30  }
0xba: {  	s0 =	sor.u32 s3, s0;
	s1 =	sshll.u32 s1, $0x11  }
0xbb: {  	s0 =	sor.u32 s1, s0  }
0xbc: {  	s0 =	sadd.s32 $0x8F2B, s0  }
0xbd: {  	[sflag:s0] =	ssyncadd.remote.s32 $0x1  }
0xbe: {  	_ =	sfence.sel $0xFFFF  }
0xbf: {  	[dreg:$0x0] =	wrdreg $0xFFFFFFFF;
	(pc) =	sbr.abs _section_cstart, $3  }
0xc0: {  	[dreg:$0x1] =	wrdreg $0xFFFFFFFF  }
0xc1: {  	_ =	task.clear_ibuf [dreg:s6], $0x2FFFF;
	_ =	strace $0x9FFFFFFF  }
0xc2: {  	(tm) =	ssettm $0x7FFFFFFF  }
0xc3: {  	_ =	shalt  }
tec
execute0_lowered:
.L_overlay_start_1:
0x0: {  	(tag) =	ssettag $0x1  }
0x1: {  	s0 =	rddreg [dreg:$0x0]  }
0x2: {  	s2 =	rddreg [dreg:$0x1]  }
0x3: {  	s1 =	srdreg.scid;
	s10 =	stileid.u32;
	s3 =	simm.s32 $0x0  }
0x4: {  	s20 =	simm.s32 $0x146000;
	s21 =	simm.s32 $0x148000;
	s29 =	simm.s32 $0xF000  }
0x5: {  	s30 =	simm.s32 $0x6;
	s31 =	simm.s32 $0x80;
	s1 =	sand.u32 $0x1, s1  }
0x6: {  	s4 =	sshll.u32 s10, $0x1;
	[smem:$0x7FF] =	sst s3;
	s5 =	sadd.s32 $0x15200, s0  }
0x7: {  	s12 =	smul.u32 $0xA000, s10;
	s25 =	sadd.s32 $0x3D200, s0;
	s4 =	sor.u32 s1, s4  }
0x8: {  	_ =	strace $0x8000004A;
	s7 =	ssub.s32 $0x2, s1;
	[dreg:$0x10] =	wrdreg s25  }
0x9: {  	p0 =	seq.s32 s1, $0x0;
	s6 =	smul.u32 $0x500, s4;
	s4 =	sadd.s32 $0x29200, s0  }
0xa: {  	s9 =	sshrl.u32 s7, $0x1;
	s13 =	sadd.s32 $0x4000, s12;
	s14 =	sadd.s32 $0x6000, s12  }
0xb: {  	s15 =	sadd.s32 $0x8000, s12;
	s1 =	sadd.s32 $0xA0000, s12;
	s16 =	sadd.s32 $0xA2000, s12  }
0xc: {  	s17 =	sadd.s32 $0xA4000, s12;
	s18 =	sadd.s32 $0xA6000, s12;
	s20 =	simm.s32 @!p0 $0x1E6000  }
0xd: {  	s21 =	simm.s32 @!p0 $0x1E8000;
	s23 =	sadd.s32 $0xA8000, s12;
	s7 =	ssub.s32 s7, s9  }
0xe: {  	s9 =	sadd.s32 s12, s2;
	s11 =	sadd.s32 s13, s2;
	s1 =	smov.u32 @p0 s12  }
0xf: {  	s17 =	smov.u32 @p0 s13;
	s13 =	simm.s32 $0x142000;
	s20 =	sadd.s32 s20, s12  }
0x10: {  	s21 =	sadd.s32 s21, s12;
	s18 =	smov.u32 @p0 s14;
	s23 =	smov.u32 @p0 s15  }
0x11: {  	s8 =	sadd.s32 s6, s0;
	s0 =	sadd.s32 $0x3D600, s0;
	s13 =	simm.s32 @!p0 $0x1E2000  }
0x12: {  	s7 =	smax.u32 s7, $0x1;
	s1 =	sshrl.u32 s1, $0x3;
	s6 =	sshrl.u32 s17, $0x3  }
0x13: {  	s25 =	sshrl.u32 s20, $0x3;
	s20 =	simm.s32 $0x4;
	s26 =	sadd.s32 $0xB200, s8  }
0x14: {  	s8 =	sadd.s32 $0x1200, s8;
	s19 =	sadd.s32 s13, s12;
	[dreg:$0x5] =	wrdreg s7  }
0x15: {  	s13 =	simm.s32 $0x144000;
	s1 =	sadd.s32 s0, s1;
	[dreg:$0x3] =	wrdreg s26  }
0x16: {  	s7 =	simm.s32 $0x13000;
	[dreg:$0x4] =	wrdreg s8;
	s8 =	sadd.s32 $0x2000, s12  }
0x17: {  	s13 =	simm.s32 @!p0 $0x1E4000;
	[dreg:$0x6] =	wrdreg s1;
	s26 =	sadd.s32 s0, s25  }
0x18: {  	s10 =	sadd.s32 s8, s2;
	s16 =	smov.u32 @p0 s8;
	s8 =	simm.s32 $0x140000  }
0x19: {  	s22 =	sadd.s32 s13, s12;
	s13 =	sadd.s32 s15, s2;
	s15 =	sshrl.u32 s18, $0x3  }
0x1a: {  	[dreg:$0xe] =	wrdreg s26;
	s26 =	simm.s32 $0xB;
	s8 =	simm.s32 @!p0 $0x1E0000  }
0x1b: {  	s28 =	sshrl.u32 s16, $0x3;
	s16 =	sshrl.u32 s23, $0x3;
	s23 =	sshrl.u32 s19, $0x3  }
0x1c: {  	s24 =	sshrl.u32 s22, $0x3;
	s19 =	simm.s32 $0x3;
	s22 =	simm.s32 $0x7  }
0x1d: {  	s8 =	sadd.s32 s8, s12;
	s12 =	sadd.s32 s14, s2;
	s1 =	sadd.s32 s0, s28  }
0x1e: {  	s14 =	sadd.s32 s0, s6;
	s28 =	sshrl.u32 s21, $0x3;
	[dreg:$0x7] =	wrdreg s1  }
0x1f: {  	s21 =	simm.s32 $0x5;
	[dreg:$0x8] =	wrdreg s14;
	s1 =	sadd.s32 s0, s15  }
0x20: {  	s17 =	sshrl.u32 s8, $0x3;
	s14 =	simm.s32 $0x15000;
	s15 =	simm.s32 $0x0  }
0x21: {  	[dreg:$0x9] =	wrdreg s1;
	s1 =	sadd.s32 s0, s16;
	s18 =	sadd.s32 s0, s17  }
0x22: {  	s16 =	simm.s32 $0x17000;
	s17 =	simm.s32 $0x1;
	[dreg:$0xa] =	wrdreg s1  }
0x23: {  	[dreg:$0xb] =	wrdreg s18;
	s1 =	sadd.s32 s0, s23;
	s18 =	simm.s32 $0x2  }
0x24: {  	s23 =	simm.s32 $0x8;
	[dreg:$0xc] =	wrdreg s1;
	s1 =	sadd.s32 s0, s24  }
0x25: {  	s0 =	sadd.s32 s0, s28;
	s24 =	simm.s32 $0xA;
	[dreg:$0xd] =	wrdreg s1  }
0x26: {  	[dreg:$0xf] =	wrdreg s0;
	s1 =	simm.s32 $0x11000;
	s0 =	simm.s32 $0x9  }
.LBB2_1:
0x27: {  	s8 =	rddreg [dreg:$0x3];
	s25 =	simm.s32 $0xA000  }
0x28: {  	[tilespmem:s25], [sflag:$0xB] =	stream.linear.gather [hbm4b:s8+s3], $0x2800, $0x38;
	[tilespmem:$0x19000] =	vst v63  }
0x29: {  	_ =	swait.ge [sflag:s26], $0x2800  }
0x2a: {  	[sflag:s26] =	ssyncset.done $0x0  }
0x2b: {  	s6 =	simm.s32 $0xC800;
	s8 =	rddreg [dreg:$0x4];
	[sflag:s26] =	ssyncadd.s32 $0xFFFFD800  }
0x2c: {  	[tilespmem:s6], [sflag:$0xB] =	stream.linear.gather [hbm4b:s8+s3], $0x2800, $0x38;
	[tilespmem:$0x19000] =	vst v63  }
0x2d: {  	_ =	swait.ge [sflag:s26], $0x2800  }
0x2e: {  	[sflag:s26] =	ssyncset.done $0x0  }
0x2f: {  	s8 =	rddreg [dreg:$0x10];
	[sflag:s26] =	ssyncadd.s32 $0xFFFFD800  }
0x30: {  	[tilespmem:s29], [sflag:$0xB] =	stream.linear.gather [hbm4b:s8+s3], $0x2000, $0x38;
	[tilespmem:$0x19000] =	vst v63  }
0x31: {  	_ =	swait.ge [sflag:s26], $0x2000  }
0x32: {  	[sflag:s26] =	ssyncset.done $0x0  }
0x33: {  	[sflag:s26] =	ssyncadd.s32 $0xFFFFE000  }
0x34: {  	[spmem:s9] =	stream.linear.scatter [tilespmem:s29], [sflag:$0x6], $0x2000, $0x38;
	[tilespmem:$0x19000] =	vst v63  }
0x35: {  	_ = 	snop  }
0x36: {  	[spmem:s10] =	stream.linear.scatter [tilespmem:s29], [sflag:$0x6], $0x2000, $0x38;
	[tilespmem:$0x19000] =	vst v63  }
0x37: {  	_ = 	snop  }
0x38: {  	[spmem:s11] =	stream.linear.scatter [tilespmem:s29], [sflag:$0x6], $0x2000, $0x38;
	[tilespmem:$0x19000] =	vst v63  }
0x39: {  	_ = 	snop  }
0x3a: {  	[spmem:s12] =	stream.linear.scatter [tilespmem:s29], [sflag:$0x6], $0x2000, $0x38;
	[tilespmem:$0x19000] =	vst v63  }
0x3b: {  	_ = 	snop  }
0x3c: {  	[spmem:s13] =	stream.linear.scatter [tilespmem:s29], [sflag:$0x6], $0x2000, $0x38;
	[tilespmem:$0x19000] =	vst v63  }
0x3d: {  	_ =	swait.ge [sflag:s30], $0x2000  }
0x3e: {  	[sflag:s30] =	ssyncset.done $0x0  }
0x3f: {  	[sflag:s30] =	ssyncadd.s32 $0xFFFFE000  }
0x40: {  	_ =	swait.ge [sflag:s30], $0x2000  }
0x41: {  	[sflag:s30] =	ssyncset.done $0x0  }
0x42: {  	[sflag:s30] =	ssyncadd.s32 $0xFFFFE000  }
0x43: {  	_ =	swait.ge [sflag:s30], $0x2000  }
0x44: {  	[sflag:s30] =	ssyncset.done $0x0  }
0x45: {  	[sflag:s30] =	ssyncadd.s32 $0xFFFFE000  }
0x46: {  	_ =	swait.ge [sflag:s30], $0x2000  }
0x47: {  	[sflag:s30] =	ssyncset.done $0x0  }
0x48: {  	[sflag:s30] =	ssyncadd.s32 $0xFFFFE000  }
0x49: {  	_ =	swait.ge [sflag:s30], $0x2000  }
0x4a: {  	[sflag:s30] =	ssyncset.done $0x0  }
0x4b: {  	[sflag:s30] =	ssyncadd.s32 $0xFFFFE000  }
0x4c: {  	[bflag:$0x0] =	sbarrier.arrive $0xFFFF  }
0x4d: {  	[tilespmem:s29], [sflag:$0x1] =	stream.indirect.gather [hbm4b:s4+s31], $0x40, s25, s31, $0xb8;
	[tilespmem:$0x19000] =	vst v63  }
0x4e: {  	s25 =	simm.s32 $0xA080  }
0x4f: {  	[tilespmem:s1], [sflag:$0x2] =	stream.indirect.gather [hbm4b:s4+s31], $0x40, s25, s31, $0xb8;
	[tilespmem:$0x19000] =	vst v63  }
0x50: {  	s25 =	simm.s32 $0xA100  }
0x51: {  	[tilespmem:s7], [sflag:$0x3] =	stream.indirect.gather [hbm4b:s4+s31], $0x40, s25, s31, $0xb8;
	[tilespmem:$0x19000] =	vst v63  }
0x52: {  	s25 =	simm.s32 $0xA180  }
0x53: {  	[tilespmem:s14], [sflag:$0x4] =	stream.indirect.gather [hbm4b:s4+s31], $0x40, s25, s31, $0xb8;
	[tilespmem:$0x19000] =	vst v63  }
0x54: {  	s25 =	simm.s32 $0xA200  }
0x55: {  	[tilespmem:s16], [sflag:$0x5] =	stream.indirect.gather [hbm4b:s4+s31], $0x40, s25, s31, $0xb8;
	[tilespmem:$0x19000] =	vst v63  }
0x56: {  	_ =	swait.ge [sflag:s17], $0x2000  }
0x57: {  	[sflag:s17] =	ssyncset.done $0x0  }
0x58: {  	s25 =	simm.s32 $0xC800;
	[sflag:s17] =	ssyncadd.s32 $0xFFFFE000  }
0x59: {  	[spmem:s2] =	stream.indirect.scatter.add.f32 [tilespmem:s29], [sflag:$0x6], $0x40, s25, s31, $0xb8;
	[tilespmem:$0x19000] =	vst v63  }
0x5a: {  	_ =	swait.ge [sflag:s18], $0x2000  }
0x5b: {  	[sflag:s18] =	ssyncset.done $0x0  }
0x5c: {  	s25 =	simm.s32 $0xC880;
	[sflag:s18] =	ssyncadd.s32 $0xFFFFE000  }
0x5d: {  	[spmem:s2] =	stream.indirect.scatter.add.f32 [tilespmem:s1], [sflag:$0x7], $0x40, s25, s31, $0xb8;
	[tilespmem:$0x19000] =	vst v63  }
0x5e: {  	_ =	swait.ge [sflag:s19], $0x2000  }
0x5f: {  	[sflag:s19] =	ssyncset.done $0x0  }
0x60: {  	s25 =	simm.s32 $0xC900;
	[sflag:s19] =	ssyncadd.s32 $0xFFFFE000  }
0x61: {  	[spmem:s2] =	stream.indirect.scatter.add.f32 [tilespmem:s7], [sflag:$0x8], $0x40, s25, s31, $0xb8;
	[tilespmem:$0x19000] =	vst v63  }
0x62: {  	_ =	swait.ge [sflag:s20], $0x2000  }
0x63: {  	[sflag:s20] =	ssyncset.done $0x0  }
0x64: {  	s25 =	simm.s32 $0xC980;
	[sflag:s20] =	ssyncadd.s32 $0xFFFFE000  }
0x65: {  	[spmem:s2] =	stream.indirect.scatter.add.f32 [tilespmem:s14], [sflag:$0x9], $0x40, s25, s31, $0xb8;
	[tilespmem:$0x19000] =	vst v63  }
0x66: {  	_ =	swait.ge [sflag:s21], $0x2000  }
0x67: {  	[sflag:s21] =	ssyncset.done $0x0  }
0x68: {  	s25 =	simm.s32 $0xCA00;
	[sflag:s21] =	ssyncadd.s32 $0xFFFFE000  }
0x69: {  	[spmem:s2] =	stream.indirect.scatter.add.f32 [tilespmem:s16], [sflag:$0xA], $0x40, s25, s31, $0xb8;
	[tilespmem:$0x19000] =	vst v63  }
0x6a: {  	_ =	swait.ge [sflag:s30], $0x2000  }
0x6b: {  	[sflag:s30] =	ssyncset.done $0x0  }
0x6c: {  	s25 =	simm.s32 $0xA280;
	[sflag:s30] =	ssyncadd.s32 $0xFFFFE000  }
0x6d: {  	[tilespmem:s29], [sflag:$0x1] =	stream.indirect.gather [hbm4b:s4+s31], $0x40, s25, s31, $0xb8;
	[tilespmem:$0x19000] =	vst v63  }
0x6e: {  	_ =	swait.ge [sflag:s22], $0x2000  }
0x6f: {  	[sflag:s22] =	ssyncset.done $0x0  }
0x70: {  	s25 =	simm.s32 $0xA300;
	[sflag:s22] =	ssyncadd.s32 $0xFFFFE000  }
0x71: {  	[tilespmem:s1], [sflag:$0x2] =	stream.indirect.gather [hbm4b:s4+s31], $0x40, s25, s31, $0xb8;
	[tilespmem:$0x19000] =	vst v63  }
0x72: {  	_ =	swait.ge [sflag:s23], $0x2000  }
0x73: {  	[sflag:s23] =	ssyncset.done $0x0  }
0x74: {  	s25 =	simm.s32 $0xA380;
	[sflag:s23] =	ssyncadd.s32 $0xFFFFE000  }
0x75: {  	[tilespmem:s7], [sflag:$0x3] =	stream.indirect.gather [hbm4b:s4+s31], $0x40, s25, s31, $0xb8;
	[tilespmem:$0x19000] =	vst v63  }
0x76: {  	_ =	swait.ge [sflag:s0], $0x2000  }
0x77: {  	[sflag:s0] =	ssyncset.done $0x0  }
0x78: {  	s25 =	simm.s32 $0xA400;
	[sflag:s0] =	ssyncadd.s32 $0xFFFFE000  }
0x79: {  	[tilespmem:s14], [sflag:$0x4] =	stream.indirect.gather [hbm4b:s4+s31], $0x40, s25, s31, $0xb8;
	[tilespmem:$0x19000] =	vst v63  }
0x7a: {  	_ =	swait.ge [sflag:s24], $0x2000  }
0x7b: {  	s28 =	simm.s32 $0xA00;
	[sflag:s24] =	ssyncset.done $0x0  }
0x7c: {  	s6 =	simm.s32 $0xA000;
	s8 =	simm.s32 $0xA480;
	[sflag:s24] =	ssyncadd.s32 $0xFFFFE000  }
.LBB2_2:
0x7d: {  	[tilespmem:s16], [sflag:$0x5] =	stream.indirect.gather [hbm4b:s4+s31], $0x40, s8, s31, $0xb8;
	[tilespmem:$0x19000] =	vst v63  }
0x7e: {  	s8 =	smov.u32 s28  }
0x7f: {  	p0 =	sne.s32 s28, $0x8C00;
	s28 =	sadd.s32 $0xA00, s28;
	_ =	swait.ge [sflag:s17], $0x2000  }
0x80: {  	s8 =	sshra.s32 s8, $0x2;
	[sflag:s17] =	ssyncset.done $0x0  }
0x81: {  	s25 =	sadd.s32 $0xC800, s8;
	[sflag:s17] =	ssyncadd.s32 $0xFFFFE000  }
0x82: {  	[spmem:s2] =	stream.indirect.scatter.add.f32 [tilespmem:s29], [sflag:$0x6], $0x40, s25, s31, $0xb8;
	[tilespmem:$0x19000] =	vst v63  }
0x83: {  	_ =	swait.ge [sflag:s18], $0x2000  }
0x84: {  	[sflag:s18] =	ssyncset.done $0x0  }
0x85: {  	s25 =	sadd.s32 $0xC880, s8;
	[sflag:s18] =	ssyncadd.s32 $0xFFFFE000  }
0x86: {  	[spmem:s2] =	stream.indirect.scatter.add.f32 [tilespmem:s1], [sflag:$0x7], $0x40, s25, s31, $0xb8;
	[tilespmem:$0x19000] =	vst v63  }
0x87: {  	_ =	swait.ge [sflag:s19], $0x2000  }
0x88: {  	[sflag:s19] =	ssyncset.done $0x0  }
0x89: {  	s25 =	sadd.s32 $0xC900, s8;
	[sflag:s19] =	ssyncadd.s32 $0xFFFFE000  }
0x8a: {  	[spmem:s2] =	stream.indirect.scatter.add.f32 [tilespmem:s7], [sflag:$0x8], $0x40, s25, s31, $0xb8;
	[tilespmem:$0x19000] =	vst v63  }
0x8b: {  	_ =	swait.ge [sflag:s20], $0x2000  }
0x8c: {  	[sflag:s20] =	ssyncset.done $0x0  }
0x8d: {  	s25 =	sadd.s32 $0xC980, s8;
	[sflag:s20] =	ssyncadd.s32 $0xFFFFE000  }
0x8e: {  	[spmem:s2] =	stream.indirect.scatter.add.f32 [tilespmem:s14], [sflag:$0x9], $0x40, s25, s31, $0xb8;
	[tilespmem:$0x19000] =	vst v63  }
0x8f: {  	_ =	swait.ge [sflag:s21], $0x2000  }
0x90: {  	[sflag:s21] =	ssyncset.done $0x0  }
0x91: {  	s25 =	sadd.s32 $0xCA00, s8;
	[sflag:s21] =	ssyncadd.s32 $0xFFFFE000  }
0x92: {  	[spmem:s2] =	stream.indirect.scatter.add.f32 [tilespmem:s16], [sflag:$0xA], $0x40, s25, s31, $0xb8;
	[tilespmem:$0x19000] =	vst v63  }
0x93: {  	_ =	swait.ge [sflag:s30], $0x2000  }
0x94: {  	[sflag:s30] =	ssyncset.done $0x0  }
0x95: {  	s25 =	sadd.s32 $0xA280, s8;
	[sflag:s30] =	ssyncadd.s32 $0xFFFFE000  }
0x96: {  	[tilespmem:s29], [sflag:$0x1] =	stream.indirect.gather [hbm4b:s4+s31], $0x40, s25, s31, $0xb8;
	[tilespmem:$0x19000] =	vst v63  }
0x97: {  	_ =	swait.ge [sflag:s22], $0x2000  }
0x98: {  	[sflag:s22] =	ssyncset.done $0x0  }
0x99: {  	s25 =	sadd.s32 $0xA300, s8;
	[sflag:s22] =	ssyncadd.s32 $0xFFFFE000  }
0x9a: {  	[tilespmem:s1], [sflag:$0x2] =	stream.indirect.gather [hbm4b:s4+s31], $0x40, s25, s31, $0xb8;
	[tilespmem:$0x19000] =	vst v63  }
0x9b: {  	_ =	swait.ge [sflag:s23], $0x2000  }
0x9c: {  	[sflag:s23] =	ssyncset.done $0x0  }
0x9d: {  	s25 =	sadd.s32 $0xA380, s8;
	[sflag:s23] =	ssyncadd.s32 $0xFFFFE000  }
0x9e: {  	[tilespmem:s7], [sflag:$0x3] =	stream.indirect.gather [hbm4b:s4+s31], $0x40, s25, s31, $0xb8;
	[tilespmem:$0x19000] =	vst v63  }
0x9f: {  	_ =	swait.ge [sflag:s0], $0x2000  }
0xa0: {  	[sflag:s0] =	ssyncset.done $0x0  }
.Ltmp0:
0xa1: {  	s25 =	sadd.s32 $0xA400, s8;
	[sflag:s0] =	ssyncadd.s32 $0xFFFFE000;
	(pc) =	sbr.rel @p0 .LBB2_2-.Ltmp0, $4  }
0xa2: {  	[tilespmem:s14], [sflag:$0x4] =	stream.indirect.gather [hbm4b:s4+s31], $0x40, s25, s31, $0xb8;
	[tilespmem:$0x19000] =	vst v63  }
0xa3: {  	_ =	swait.ge [sflag:s24], $0x2000  }
0xa4: {  	[sflag:s24] =	ssyncset.done $0x0  }
0xa5: {  	s8 =	sadd.s32 $0xA480, s8;
	[sflag:s24] =	ssyncadd.s32 $0xFFFFE000  }
0xa6: {  	[tilespmem:s16], [sflag:$0x5] =	stream.indirect.gather [hbm4b:s4+s31], $0x40, s8, s31, $0xb8;
	[tilespmem:$0x19000] =	vst v63  }
0xa7: {  	_ =	swait.ge [sflag:s17], $0x2000  }
0xa8: {  	[sflag:s17] =	ssyncset.done $0x0  }
0xa9: {  	s25 =	simm.s32 $0xED80;
	[sflag:s17] =	ssyncadd.s32 $0xFFFFE000  }
0xaa: {  	[spmem:s2] =	stream.indirect.scatter.add.f32 [tilespmem:s29], [sflag:$0x6], $0x40, s25, s31, $0xb8;
	[tilespmem:$0x19000] =	vst v63  }
0xab: {  	_ =	swait.ge [sflag:s18], $0x2000  }
0xac: {  	[sflag:s18] =	ssyncset.done $0x0  }
0xad: {  	s25 =	simm.s32 $0xEE00;
	[sflag:s18] =	ssyncadd.s32 $0xFFFFE000  }
0xae: {  	[spmem:s2] =	stream.indirect.scatter.add.f32 [tilespmem:s1], [sflag:$0x7], $0x40, s25, s31, $0xb8;
	[tilespmem:$0x19000] =	vst v63  }
0xaf: {  	_ =	swait.ge [sflag:s19], $0x2000  }
0xb0: {  	[sflag:s19] =	ssyncset.done $0x0  }
0xb1: {  	s25 =	simm.s32 $0xEE80;
	[sflag:s19] =	ssyncadd.s32 $0xFFFFE000  }
0xb2: {  	[spmem:s2] =	stream.indirect.scatter.add.f32 [tilespmem:s7], [sflag:$0x8], $0x40, s25, s31, $0xb8;
	[tilespmem:$0x19000] =	vst v63  }
0xb3: {  	_ =	swait.ge [sflag:s20], $0x2000  }
0xb4: {  	[sflag:s20] =	ssyncset.done $0x0  }
0xb5: {  	s25 =	simm.s32 $0xEF00;
	[sflag:s20] =	ssyncadd.s32 $0xFFFFE000  }
0xb6: {  	[spmem:s2] =	stream.indirect.scatter.add.f32 [tilespmem:s14], [sflag:$0x9], $0x40, s25, s31, $0xb8;
	[tilespmem:$0x19000] =	vst v63  }
0xb7: {  	_ =	swait.ge [sflag:s21], $0x2000  }
0xb8: {  	[sflag:s21] =	ssyncset.done $0x0  }
0xb9: {  	s25 =	simm.s32 $0xEF80;
	[sflag:s21] =	ssyncadd.s32 $0xFFFFE000  }
0xba: {  	[spmem:s2] =	stream.indirect.scatter.add.f32 [tilespmem:s16], [sflag:$0xA], $0x40, s25, s31, $0xb8;
	[tilespmem:$0x19000] =	vst v63  }
0xbb: {  	_ =	swait.ge [sflag:s30], $0x2000  }
0xbc: {  	[sflag:s30] =	ssyncset.done $0x0  }
0xbd: {  	[sflag:s30] =	ssyncadd.s32 $0xFFFFE000  }
0xbe: {  	_ =	swait.ge [sflag:s22], $0x2000  }
0xbf: {  	[sflag:s22] =	ssyncset.done $0x0  }
0xc0: {  	[sflag:s22] =	ssyncadd.s32 $0xFFFFE000  }
0xc1: {  	_ =	swait.ge [sflag:s23], $0x2000  }
0xc2: {  	[sflag:s23] =	ssyncset.done $0x0  }
0xc3: {  	[sflag:s23] =	ssyncadd.s32 $0xFFFFE000  }
0xc4: {  	_ =	swait.ge [sflag:s0], $0x2000  }
0xc5: {  	[sflag:s0] =	ssyncset.done $0x0  }
0xc6: {  	[sflag:s0] =	ssyncadd.s32 $0xFFFFE000  }
0xc7: {  	_ =	swait.ge [sflag:s24], $0x2000  }
0xc8: {  	[sflag:s24] =	ssyncset.done $0x0  }
0xc9: {  	[sflag:s24] =	ssyncadd.s32 $0xFFFFE000  }
0xca: {  	[bflag:$0x0] =	sbarrier.arrive $0xFFFF  }
0xcb: {  	[tilespmem:s29], [sflag:$0x1] =	stream.linear.gather [spmem:s9], $0x2000, $0x38;
	[tilespmem:$0x19000] =	vst v63  }
0xcc: {  	_ = 	snop  }
0xcd: {  	[tilespmem:s1], [sflag:$0x2] =	stream.linear.gather [spmem:s10], $0x2000, $0x38;
	[tilespmem:$0x19000] =	vst v63  }
0xce: {  	_ = 	snop  }
0xcf: {  	[tilespmem:s7], [sflag:$0x3] =	stream.linear.gather [spmem:s11], $0x2000, $0x38;
	[tilespmem:$0x19000] =	vst v63  }
0xd0: {  	_ = 	snop  }
0xd1: {  	[tilespmem:s14], [sflag:$0x4] =	stream.linear.gather [spmem:s12], $0x2000, $0x38;
	[tilespmem:$0x19000] =	vst v63  }
0xd2: {  	_ = 	snop  }
0xd3: {  	[tilespmem:s16], [sflag:$0x5] =	stream.linear.gather [spmem:s13], $0x2000, $0x38;
	[tilespmem:$0x19000] =	vst v63  }
0xd4: {  	_ =	swait.ge [sflag:s17], $0x2000  }
0xd5: {  	[sflag:s17] =	ssyncset.done $0x0  }
0xd6: {  	s8 =	simm.s32 $0x0;
	s25 =	rddreg [dreg:$0x6];
	[sflag:s17] =	ssyncadd.s32 $0xFFFFE000  }
0xd7: {  	[hbm4b:s25+s8] =	stream.linear.scatter [tilespmem:s29], [sflag:$0xB], $0x2000, $0x38;
	[tilespmem:$0x19000] =	vst v63  }
0xd8: {  	_ =	swait.ge [sflag:s26], $0x2000  }
0xd9: {  	[sflag:s26] =	ssyncset.done $0x0  }
0xda: {  	[sflag:s26] =	ssyncadd.s32 $0xFFFFE000  }
0xdb: {  	_ =	swait.ge [sflag:s18], $0x2000  }
0xdc: {  	[sflag:s18] =	ssyncset.done $0x0  }
0xdd: {  	s25 =	rddreg [dreg:$0x7];
	[sflag:s18] =	ssyncadd.s32 $0xFFFFE000  }
0xde: {  	[hbm4b:s25+s8] =	stream.linear.scatter [tilespmem:s1], [sflag:$0xB], $0x2000, $0x38;
	[tilespmem:$0x19000] =	vst v63  }
0xdf: {  	_ =	swait.ge [sflag:s26], $0x2000  }
0xe0: {  	[sflag:s26] =	ssyncset.done $0x0  }
0xe1: {  	[sflag:s26] =	ssyncadd.s32 $0xFFFFE000  }
0xe2: {  	_ =	swait.ge [sflag:s19], $0x2000  }
0xe3: {  	[sflag:s19] =	ssyncset.done $0x0  }
0xe4: {  	s25 =	rddreg [dreg:$0x8];
	[sflag:s19] =	ssyncadd.s32 $0xFFFFE000  }
0xe5: {  	[hbm4b:s25+s8] =	stream.linear.scatter [tilespmem:s7], [sflag:$0xB], $0x2000, $0x38;
	[tilespmem:$0x19000] =	vst v63  }
0xe6: {  	_ =	swait.ge [sflag:s26], $0x2000  }
0xe7: {  	[sflag:s26] =	ssyncset.done $0x0  }
0xe8: {  	[sflag:s26] =	ssyncadd.s32 $0xFFFFE000  }
0xe9: {  	_ =	swait.ge [sflag:s20], $0x2000  }
0xea: {  	[sflag:s20] =	ssyncset.done $0x0  }
0xeb: {  	s25 =	rddreg [dreg:$0x9];
	[sflag:s20] =	ssyncadd.s32 $0xFFFFE000  }
0xec: {  	[hbm4b:s25+s8] =	stream.linear.scatter [tilespmem:s14], [sflag:$0xB], $0x2000, $0x38;
	[tilespmem:$0x19000] =	vst v63  }
0xed: {  	_ =	swait.ge [sflag:s26], $0x2000  }
0xee: {  	[sflag:s26] =	ssyncset.done $0x0  }
0xef: {  	[sflag:s26] =	ssyncadd.s32 $0xFFFFE000  }
0xf0: {  	_ =	swait.ge [sflag:s21], $0x2000  }
0xf1: {  	[sflag:s21] =	ssyncset.done $0x0  }
0xf2: {  	s25 =	rddreg [dreg:$0xa];
	[sflag:s21] =	ssyncadd.s32 $0xFFFFE000  }
0xf3: {  	[hbm4b:s25+s8] =	stream.linear.scatter [tilespmem:s16], [sflag:$0xB], $0x2000, $0x38;
	[tilespmem:$0x19000] =	vst v63  }
0xf4: {  	_ =	swait.ge [sflag:s26], $0x2000  }
0xf5: {  	[sflag:s26] =	ssyncset.done $0x0  }
0xf6: {  	[sflag:s26] =	ssyncadd.s32 $0xFFFFE000  }
0xf7: {  	[bflag:$0x0] =	sbarrier.arrive $0xFFFF  }
0xf8: {  	s25 =	rddreg [dreg:$0x10]  }
0xf9: {  	[tilespmem:s29], [sflag:$0xB] =	stream.linear.gather [hbm4b:s25+s8], $0x2000, $0x38;
	[tilespmem:$0x19000] =	vst v63  }
0xfa: {  	_ =	swait.ge [sflag:s26], $0x2000  }
0xfb: {  	[sflag:s26] =	ssyncset.done $0x0  }
0xfc: {  	[sflag:s26] =	ssyncadd.s32 $0xFFFFE000  }
0xfd: {  	[spmem:s9] =	stream.linear.scatter [tilespmem:s29], [sflag:$0x6], $0x2000, $0x38;
	[tilespmem:$0x19000] =	vst v63  }
0xfe: {  	_ = 	snop  }
0xff: {  	[spmem:s10] =	stream.linear.scatter [tilespmem:s29], [sflag:$0x6], $0x2000, $0x38;
	[tilespmem:$0x19000] =	vst v63  }
0x100: {  	_ = 	snop  }
0x101: {  	[spmem:s11] =	stream.linear.scatter [tilespmem:s29], [sflag:$0x6], $0x2000, $0x38;
	[tilespmem:$0x19000] =	vst v63  }
0x102: {  	_ = 	snop  }
0x103: {  	[spmem:s12] =	stream.linear.scatter [tilespmem:s29], [sflag:$0x6], $0x2000, $0x38;
	[tilespmem:$0x19000] =	vst v63  }
0x104: {  	_ = 	snop  }
0x105: {  	[spmem:s13] =	stream.linear.scatter [tilespmem:s29], [sflag:$0x6], $0x2000, $0x38;
	[tilespmem:$0x19000] =	vst v63  }
0x106: {  	_ =	swait.ge [sflag:s30], $0x2000  }
0x107: {  	[sflag:s30] =	ssyncset.done $0x0  }
0x108: {  	[sflag:s30] =	ssyncadd.s32 $0xFFFFE000  }
0x109: {  	_ =	swait.ge [sflag:s30], $0x2000  }
0x10a: {  	[sflag:s30] =	ssyncset.done $0x0  }
0x10b: {  	[sflag:s30] =	ssyncadd.s32 $0xFFFFE000  }
0x10c: {  	_ =	swait.ge [sflag:s30], $0x2000  }
0x10d: {  	[sflag:s30] =	ssyncset.done $0x0  }
0x10e: {  	[sflag:s30] =	ssyncadd.s32 $0xFFFFE000  }
0x10f: {  	_ =	swait.ge [sflag:s30], $0x2000  }
0x110: {  	[sflag:s30] =	ssyncset.done $0x0  }
0x111: {  	[sflag:s30] =	ssyncadd.s32 $0xFFFFE000  }
0x112: {  	_ =	swait.ge [sflag:s30], $0x2000  }
0x113: {  	[sflag:s30] =	ssyncset.done $0x0  }
0x114: {  	[sflag:s30] =	ssyncadd.s32 $0xFFFFE000  }
0x115: {  	[bflag:$0x0] =	sbarrier.arrive $0xFFFF  }
0x116: {  	[tilespmem:s29], [sflag:$0x1] =	stream.indirect.gather [hbm4b:s5+s31], $0x40, s6, s31, $0xb8;
	[tilespmem:$0x19000] =	vst v63  }
0x117: {  	s25 =	simm.s32 $0xA080  }
0x118: {  	[tilespmem:s1], [sflag:$0x2] =	stream.indirect.gather [hbm4b:s5+s31], $0x40, s25, s31, $0xb8;
	[tilespmem:$0x19000] =	vst v63  }
0x119: {  	s8 =	simm.s32 $0xA100  }
0x11a: {  	[tilespmem:s7], [sflag:$0x3] =	stream.indirect.gather [hbm4b:s5+s31], $0x40, s8, s31, $0xb8;
	[tilespmem:$0x19000] =	vst v63  }
0x11b: {  	s25 =	simm.s32 $0xA180  }
0x11c: {  	[tilespmem:s14], [sflag:$0x4] =	stream.indirect.gather [hbm4b:s5+s31], $0x40, s25, s31, $0xb8;
	[tilespmem:$0x19000] =	vst v63  }
0x11d: {  	s8 =	simm.s32 $0xA200  }
0x11e: {  	[tilespmem:s16], [sflag:$0x5] =	stream.indirect.gather [hbm4b:s5+s31], $0x40, s8, s31, $0xb8;
	[tilespmem:$0x19000] =	vst v63  }
0x11f: {  	_ =	swait.ge [sflag:s17], $0x2000  }
0x120: {  	[sflag:s17] =	ssyncset.done $0x0  }
0x121: {  	s25 =	simm.s32 $0xC800;
	[sflag:s17] =	ssyncadd.s32 $0xFFFFE000  }
0x122: {  	[spmem:s2] =	stream.indirect.scatter.add.f32 [tilespmem:s29], [sflag:$0x6], $0x40, s25, s31, $0xb8;
	[tilespmem:$0x19000] =	vst v63  }
0x123: {  	_ =	swait.ge [sflag:s18], $0x2000  }
0x124: {  	[sflag:s18] =	ssyncset.done $0x0  }
0x125: {  	s6 =	simm.s32 $0xC880;
	[sflag:s18] =	ssyncadd.s32 $0xFFFFE000  }
0x126: {  	[spmem:s2] =	stream.indirect.scatter.add.f32 [tilespmem:s1], [sflag:$0x7], $0x40, s6, s31, $0xb8;
	[tilespmem:$0x19000] =	vst v63  }
0x127: {  	_ =	swait.ge [sflag:s19], $0x2000  }
0x128: {  	[sflag:s19] =	ssyncset.done $0x0  }
0x129: {  	s25 =	simm.s32 $0xC900;
	[sflag:s19] =	ssyncadd.s32 $0xFFFFE000  }
0x12a: {  	[spmem:s2] =	stream.indirect.scatter.add.f32 [tilespmem:s7], [sflag:$0x8], $0x40, s25, s31, $0xb8;
	[tilespmem:$0x19000] =	vst v63  }
0x12b: {  	_ =	swait.ge [sflag:s20], $0x2000  }
0x12c: {  	[sflag:s20] =	ssyncset.done $0x0  }
0x12d: {  	s6 =	simm.s32 $0xC980;
	[sflag:s20] =	ssyncadd.s32 $0xFFFFE000  }
0x12e: {  	[spmem:s2] =	stream.indirect.scatter.add.f32 [tilespmem:s14], [sflag:$0x9], $0x40, s6, s31, $0xb8;
	[tilespmem:$0x19000] =	vst v63  }
0x12f: {  	_ =	swait.ge [sflag:s21], $0x2000  }
0x130: {  	[sflag:s21] =	ssyncset.done $0x0  }
0x131: {  	s25 =	simm.s32 $0xCA00;
	[sflag:s21] =	ssyncadd.s32 $0xFFFFE000  }
0x132: {  	[spmem:s2] =	stream.indirect.scatter.add.f32 [tilespmem:s16], [sflag:$0xA], $0x40, s25, s31, $0xb8;
	[tilespmem:$0x19000] =	vst v63  }
0x133: {  	_ =	swait.ge [sflag:s30], $0x2000  }
0x134: {  	[sflag:s30] =	ssyncset.done $0x0  }
0x135: {  	s6 =	simm.s32 $0xA280;
	[sflag:s30] =	ssyncadd.s32 $0xFFFFE000  }
0x136: {  	[tilespmem:s29], [sflag:$0x1] =	stream.indirect.gather [hbm4b:s5+s31], $0x40, s6, s31, $0xb8;
	[tilespmem:$0x19000] =	vst v63  }
0x137: {  	_ =	swait.ge [sflag:s22], $0x2000  }
0x138: {  	[sflag:s22] =	ssyncset.done $0x0  }
0x139: {  	s25 =	simm.s32 $0xA300;
	[sflag:s22] =	ssyncadd.s32 $0xFFFFE000  }
0x13a: {  	[tilespmem:s1], [sflag:$0x2] =	stream.indirect.gather [hbm4b:s5+s31], $0x40, s25, s31, $0xb8;
	[tilespmem:$0x19000] =	vst v63  }
0x13b: {  	_ =	swait.ge [sflag:s23], $0x2000  }
0x13c: {  	[sflag:s23] =	ssyncset.done $0x0  }
0x13d: {  	s6 =	simm.s32 $0xA380;
	[sflag:s23] =	ssyncadd.s32 $0xFFFFE000  }
0x13e: {  	[tilespmem:s7], [sflag:$0x3] =	stream.indirect.gather [hbm4b:s5+s31], $0x40, s6, s31, $0xb8;
	[tilespmem:$0x19000] =	vst v63  }
0x13f: {  	_ =	swait.ge [sflag:s0], $0x2000  }
0x140: {  	[sflag:s0] =	ssyncset.done $0x0  }
0x141: {  	s25 =	simm.s32 $0xA400;
	[sflag:s0] =	ssyncadd.s32 $0xFFFFE000  }
0x142: {  	[tilespmem:s14], [sflag:$0x4] =	stream.indirect.gather [hbm4b:s5+s31], $0x40, s25, s31, $0xb8;
	[tilespmem:$0x19000] =	vst v63  }
0x143: {  	_ =	swait.ge [sflag:s24], $0x2000  }
0x144: {  	[sflag:s24] =	ssyncset.done $0x0  }
0x145: {  	s28 =	simm.s32 $0xA00;
	s8 =	simm.s32 $0xA480;
	[sflag:s24] =	ssyncadd.s32 $0xFFFFE000  }
.LBB2_4:
0x146: {  	[tilespmem:s16], [sflag:$0x5] =	stream.indirect.gather [hbm4b:s5+s31], $0x40, s8, s31, $0xb8;
	[tilespmem:$0x19000] =	vst v63  }
0x147: {  	s8 =	smov.u32 s28  }
0x148: {  	p0 =	sne.s32 s28, $0x8C00;
	s28 =	sadd.s32 $0xA00, s28;
	_ =	swait.ge [sflag:s17], $0x2000  }
0x149: {  	s8 =	sshra.s32 s8, $0x2;
	[sflag:s17] =	ssyncset.done $0x0  }
0x14a: {  	s25 =	sadd.s32 $0xC800, s8;
	[sflag:s17] =	ssyncadd.s32 $0xFFFFE000  }
0x14b: {  	[spmem:s2] =	stream.indirect.scatter.add.f32 [tilespmem:s29], [sflag:$0x6], $0x40, s25, s31, $0xb8;
	[tilespmem:$0x19000] =	vst v63  }
0x14c: {  	_ =	swait.ge [sflag:s18], $0x2000  }
0x14d: {  	[sflag:s18] =	ssyncset.done $0x0  }
0x14e: {  	s25 =	sadd.s32 $0xC880, s8;
	[sflag:s18] =	ssyncadd.s32 $0xFFFFE000  }
0x14f: {  	[spmem:s2] =	stream.indirect.scatter.add.f32 [tilespmem:s1], [sflag:$0x7], $0x40, s25, s31, $0xb8;
	[tilespmem:$0x19000] =	vst v63  }
0x150: {  	_ =	swait.ge [sflag:s19], $0x2000  }
0x151: {  	[sflag:s19] =	ssyncset.done $0x0  }
0x152: {  	s25 =	sadd.s32 $0xC900, s8;
	[sflag:s19] =	ssyncadd.s32 $0xFFFFE000  }
0x153: {  	[spmem:s2] =	stream.indirect.scatter.add.f32 [tilespmem:s7], [sflag:$0x8], $0x40, s25, s31, $0xb8;
	[tilespmem:$0x19000] =	vst v63  }
0x154: {  	_ =	swait.ge [sflag:s20], $0x2000  }
0x155: {  	[sflag:s20] =	ssyncset.done $0x0  }
0x156: {  	s25 =	sadd.s32 $0xC980, s8;
	[sflag:s20] =	ssyncadd.s32 $0xFFFFE000  }
0x157: {  	[spmem:s2] =	stream.indirect.scatter.add.f32 [tilespmem:s14], [sflag:$0x9], $0x40, s25, s31, $0xb8;
	[tilespmem:$0x19000] =	vst v63  }
0x158: {  	_ =	swait.ge [sflag:s21], $0x2000  }
0x159: {  	[sflag:s21] =	ssyncset.done $0x0  }
0x15a: {  	s25 =	sadd.s32 $0xCA00, s8;
	[sflag:s21] =	ssyncadd.s32 $0xFFFFE000  }
0x15b: {  	[spmem:s2] =	stream.indirect.scatter.add.f32 [tilespmem:s16], [sflag:$0xA], $0x40, s25, s31, $0xb8;
	[tilespmem:$0x19000] =	vst v63  }
0x15c: {  	_ =	swait.ge [sflag:s30], $0x2000  }
0x15d: {  	[sflag:s30] =	ssyncset.done $0x0  }
0x15e: {  	s25 =	sadd.s32 $0xA280, s8;
	[sflag:s30] =	ssyncadd.s32 $0xFFFFE000  }
0x15f: {  	[tilespmem:s29], [sflag:$0x1] =	stream.indirect.gather [hbm4b:s5+s31], $0x40, s25, s31, $0xb8;
	[tilespmem:$0x19000] =	vst v63  }
0x160: {  	_ =	swait.ge [sflag:s22], $0x2000  }
0x161: {  	[sflag:s22] =	ssyncset.done $0x0  }
0x162: {  	s25 =	sadd.s32 $0xA300, s8;
	[sflag:s22] =	ssyncadd.s32 $0xFFFFE000  }
0x163: {  	[tilespmem:s1], [sflag:$0x2] =	stream.indirect.gather [hbm4b:s5+s31], $0x40, s25, s31, $0xb8;
	[tilespmem:$0x19000] =	vst v63  }
0x164: {  	_ =	swait.ge [sflag:s23], $0x2000  }
0x165: {  	[sflag:s23] =	ssyncset.done $0x0  }
0x166: {  	s25 =	sadd.s32 $0xA380, s8;
	[sflag:s23] =	ssyncadd.s32 $0xFFFFE000  }
0x167: {  	[tilespmem:s7], [sflag:$0x3] =	stream.indirect.gather [hbm4b:s5+s31], $0x40, s25, s31, $0xb8;
	[tilespmem:$0x19000] =	vst v63  }
0x168: {  	_ =	swait.ge [sflag:s0], $0x2000  }
0x169: {  	[sflag:s0] =	ssyncset.done $0x0  }
.Ltmp1:
0x16a: {  	s25 =	sadd.s32 $0xA400, s8;
	[sflag:s0] =	ssyncadd.s32 $0xFFFFE000;
	(pc) =	sbr.rel @p0 .LBB2_4-.Ltmp1, $4  }
0x16b: {  	[tilespmem:s14], [sflag:$0x4] =	stream.indirect.gather [hbm4b:s5+s31], $0x40, s25, s31, $0xb8;
	[tilespmem:$0x19000] =	vst v63  }
0x16c: {  	_ =	swait.ge [sflag:s24], $0x2000  }
0x16d: {  	[sflag:s24] =	ssyncset.done $0x0  }
0x16e: {  	s8 =	sadd.s32 $0xA480, s8;
	[sflag:s24] =	ssyncadd.s32 $0xFFFFE000  }
0x16f: {  	[tilespmem:s16], [sflag:$0x5] =	stream.indirect.gather [hbm4b:s5+s31], $0x40, s8, s31, $0xb8;
	[tilespmem:$0x19000] =	vst v63  }
0x170: {  	_ =	swait.ge [sflag:s17], $0x2000  }
0x171: {  	[sflag:s17] =	ssyncset.done $0x0  }
0x172: {  	s6 =	simm.s32 $0xED80;
	[sflag:s17] =	ssyncadd.s32 $0xFFFFE000  }
0x173: {  	[spmem:s2] =	stream.indirect.scatter.add.f32 [tilespmem:s29], [sflag:$0x6], $0x40, s6, s31, $0xb8;
	[tilespmem:$0x19000] =	vst v63  }
0x174: {  	_ =	swait.ge [sflag:s18], $0x2000  }
0x175: {  	[sflag:s18] =	ssyncset.done $0x0  }
0x176: {  	s28 =	simm.s32 $0xEE00;
	[sflag:s18] =	ssyncadd.s32 $0xFFFFE000  }
0x177: {  	[spmem:s2] =	stream.indirect.scatter.add.f32 [tilespmem:s1], [sflag:$0x7], $0x40, s28, s31, $0xb8;
	[tilespmem:$0x19000] =	vst v63  }
0x178: {  	_ =	swait.ge [sflag:s19], $0x2000  }
0x179: {  	[sflag:s19] =	ssyncset.done $0x0  }
0x17a: {  	s8 =	simm.s32 $0xEE80;
	[sflag:s19] =	ssyncadd.s32 $0xFFFFE000  }
0x17b: {  	[spmem:s2] =	stream.indirect.scatter.add.f32 [tilespmem:s7], [sflag:$0x8], $0x40, s8, s31, $0xb8;
	[tilespmem:$0x19000] =	vst v63  }
0x17c: {  	_ =	swait.ge [sflag:s20], $0x2000  }
0x17d: {  	[sflag:s20] =	ssyncset.done $0x0  }
0x17e: {  	s25 =	simm.s32 $0xEF00;
	[sflag:s20] =	ssyncadd.s32 $0xFFFFE000  }
0x17f: {  	[spmem:s2] =	stream.indirect.scatter.add.f32 [tilespmem:s14], [sflag:$0x9], $0x40, s25, s31, $0xb8;
	[tilespmem:$0x19000] =	vst v63  }
0x180: {  	_ =	swait.ge [sflag:s21], $0x2000  }
0x181: {  	[sflag:s21] =	ssyncset.done $0x0  }
0x182: {  	s28 =	simm.s32 $0xEF80;
	[sflag:s21] =	ssyncadd.s32 $0xFFFFE000  }
0x183: {  	[spmem:s2] =	stream.indirect.scatter.add.f32 [tilespmem:s16], [sflag:$0xA], $0x40, s28, s31, $0xb8;
	[tilespmem:$0x19000] =	vst v63  }
0x184: {  	_ =	swait.ge [sflag:s30], $0x2000  }
0x185: {  	[sflag:s30] =	ssyncset.done $0x0  }
0x186: {  	[sflag:s30] =	ssyncadd.s32 $0xFFFFE000  }
0x187: {  	_ =	swait.ge [sflag:s22], $0x2000  }
0x188: {  	[sflag:s22] =	ssyncset.done $0x0  }
0x189: {  	[sflag:s22] =	ssyncadd.s32 $0xFFFFE000  }
0x18a: {  	_ =	swait.ge [sflag:s23], $0x2000  }
0x18b: {  	[sflag:s23] =	ssyncset.done $0x0  }
0x18c: {  	[sflag:s23] =	ssyncadd.s32 $0xFFFFE000  }
0x18d: {  	_ =	swait.ge [sflag:s0], $0x2000  }
0x18e: {  	[sflag:s0] =	ssyncset.done $0x0  }
0x18f: {  	[sflag:s0] =	ssyncadd.s32 $0xFFFFE000  }
0x190: {  	_ =	swait.ge [sflag:s24], $0x2000  }
0x191: {  	[sflag:s24] =	ssyncset.done $0x0  }
0x192: {  	[sflag:s24] =	ssyncadd.s32 $0xFFFFE000  }
0x193: {  	[bflag:$0x0] =	sbarrier.arrive $0xFFFF  }
0x194: {  	[tilespmem:s29], [sflag:$0x1] =	stream.linear.gather [spmem:s9], $0x2000, $0x38;
	[tilespmem:$0x19000] =	vst v63  }
0x195: {  	_ = 	snop  }
0x196: {  	[tilespmem:s1], [sflag:$0x2] =	stream.linear.gather [spmem:s10], $0x2000, $0x38;
	[tilespmem:$0x19000] =	vst v63  }
0x197: {  	_ = 	snop  }
0x198: {  	[tilespmem:s7], [sflag:$0x3] =	stream.linear.gather [spmem:s11], $0x2000, $0x38;
	[tilespmem:$0x19000] =	vst v63  }
0x199: {  	_ = 	snop  }
0x19a: {  	[tilespmem:s14], [sflag:$0x4] =	stream.linear.gather [spmem:s12], $0x2000, $0x38;
	[tilespmem:$0x19000] =	vst v63  }
0x19b: {  	_ = 	snop  }
0x19c: {  	[tilespmem:s16], [sflag:$0x5] =	stream.linear.gather [spmem:s13], $0x2000, $0x38;
	[tilespmem:$0x19000] =	vst v63  }
0x19d: {  	_ =	swait.ge [sflag:s17], $0x2000  }
0x19e: {  	[sflag:s17] =	ssyncset.done $0x0  }
0x19f: {  	s6 =	rddreg [dreg:$0xb];
	[sflag:s17] =	ssyncadd.s32 $0xFFFFE000  }
0x1a0: {  	[hbm4b:s6+s3] =	stream.linear.scatter [tilespmem:s29], [sflag:$0xB], $0x2000, $0x38;
	[tilespmem:$0x19000] =	vst v63  }
0x1a1: {  	_ =	swait.ge [sflag:s26], $0x2000  }
0x1a2: {  	[sflag:s26] =	ssyncset.done $0x0  }
0x1a3: {  	[sflag:s26] =	ssyncadd.s32 $0xFFFFE000  }
0x1a4: {  	_ =	swait.ge [sflag:s18], $0x2000  }
0x1a5: {  	[sflag:s18] =	ssyncset.done $0x0  }
0x1a6: {  	s25 =	rddreg [dreg:$0xc];
	[sflag:s18] =	ssyncadd.s32 $0xFFFFE000  }
0x1a7: {  	[hbm4b:s25+s3] =	stream.linear.scatter [tilespmem:s1], [sflag:$0xB], $0x2000, $0x38;
	[tilespmem:$0x19000] =	vst v63  }
0x1a8: {  	_ =	swait.ge [sflag:s26], $0x2000  }
0x1a9: {  	[sflag:s26] =	ssyncset.done $0x0  }
0x1aa: {  	[sflag:s26] =	ssyncadd.s32 $0xFFFFE000  }
0x1ab: {  	_ =	swait.ge [sflag:s19], $0x2000  }
0x1ac: {  	[sflag:s19] =	ssyncset.done $0x0  }
0x1ad: {  	s28 =	rddreg [dreg:$0xd];
	[sflag:s19] =	ssyncadd.s32 $0xFFFFE000  }
0x1ae: {  	[hbm4b:s28+s3] =	stream.linear.scatter [tilespmem:s7], [sflag:$0xB], $0x2000, $0x38;
	[tilespmem:$0x19000] =	vst v63  }
0x1af: {  	_ =	swait.ge [sflag:s26], $0x2000  }
0x1b0: {  	[sflag:s26] =	ssyncset.done $0x0  }
0x1b1: {  	[sflag:s26] =	ssyncadd.s32 $0xFFFFE000  }
0x1b2: {  	_ =	swait.ge [sflag:s20], $0x2000  }
0x1b3: {  	[sflag:s20] =	ssyncset.done $0x0  }
0x1b4: {  	s6 =	rddreg [dreg:$0xe];
	[sflag:s20] =	ssyncadd.s32 $0xFFFFE000  }
0x1b5: {  	[hbm4b:s6+s3] =	stream.linear.scatter [tilespmem:s14], [sflag:$0xB], $0x2000, $0x38;
	[tilespmem:$0x19000] =	vst v63  }
0x1b6: {  	_ =	swait.ge [sflag:s26], $0x2000  }
0x1b7: {  	[sflag:s26] =	ssyncset.done $0x0  }
0x1b8: {  	[sflag:s26] =	ssyncadd.s32 $0xFFFFE000  }
0x1b9: {  	_ =	swait.ge [sflag:s21], $0x2000  }
0x1ba: {  	[sflag:s21] =	ssyncset.done $0x0  }
0x1bb: {  	s25 =	rddreg [dreg:$0xf];
	[sflag:s21] =	ssyncadd.s32 $0xFFFFE000  }
0x1bc: {  	[hbm4b:s25+s3] =	stream.linear.scatter [tilespmem:s16], [sflag:$0xB], $0x2000, $0x38;
	[tilespmem:$0x19000] =	vst v63  }
0x1bd: {  	_ =	swait.ge [sflag:s26], $0x2000  }
0x1be: {  	s15 =	sadd.s32 $0x1, s15;
	s28 =	rddreg [dreg:$0x5]  }
0x1bf: {  	p0 =	sne.s32 s15, s28  }
.Ltmp2:
0x1c0: {  	_ = 	snop;
	(pc) =	sbr.rel @p0 .LBB2_1-.Ltmp2, $3  }
0x1c1: {  	[sflag:s26] =	ssyncset.done $0x0  }
0x1c2: {  	[sflag:s26] =	ssyncadd.s32 $0xFFFFE000  }
0x1c3: {  	[bflag:$0x0] =	sbarrier.arrive $0xFFFF;
	_ =	sdelay $0x1  }
0x1c4: {  	_ =	sfence.sel $0x180000  }
0x1c5: {  	[bflag:$0x0] =	sbarrier.arrive $0xFFFF  }
0x1c6: {  	_ =	strace $0x9000004A  }
0x1c7: {  	s0 =	stileid.u32;
	[bflag:$0x2] =	sbarrier.arrive $0xFFFF  }
0x1c8: {  	p0 =	sne.s32 s0, $0x0;
	s0 =	rddreg [dreg:$0x2]  }
0x1c9: {  	s0 =	sadd.s32 @!p0 $0x100000, s0  }
0x1ca: {  	[sflag:s0] =	ssyncadd.tile.s32 @!p0 $0x1;
	_ =	shalt  }
.Lfunc_end2:
_tile_overlayer_lowered:
.L_overlay_start_2:
0x1cb: {  	(tag) =	ssettag $0x2  }
0x1cc: {  	s0 =	rddreg [dreg:$0x0];
	s2 =	stileid.u32  }
0x1cd: {  	s1 =	rddreg [dreg:$0x1];
	p0 =	sne.s32 s2, $0x0  }
0x1ce: {  	s3 =	rddreg [dreg:$0x2];
	[bflag:$0x3] =	sbarrier.arrive $0xFFFF;
	s2 =	simm.s32 @!p0 $0x1C0B  }
0x1cf: {  	[timem:s3], [sflag:s2] =	dma.local @!p0 [hbm:s0], s1  }
0x1d0: {  	s0 =	simm.s32 @!p0 $0xB  }
0x1d1: {  	_ =	swait.ge @!p0 [sflag:s0], s1  }
0x1d2: {  	s1 =	ssub.s32 @!p0 $0x0, s1;
	[sflag:s0] =	ssyncset.done @!p0 $0x0  }
0x1d3: {  	[sflag:s0] =	ssyncadd.s32 @!p0 s1  }
0x1d4: {  	[bflag:$0x3] =	sbarrier.arrive $0xFFFF  }
0x1d5: {  	_ =	shalt  }

</sc_bundles>
